<compile_context>
chip_gen: v7x
topology: tpu7x:2x2x1
jax: 0.10.2.dev20260603
libtpu: 0.0.44.dev20260713+nightly
codegen_flags: <defaults>
</compile_context>

<pallas_src>
import functools
import jax
import jax.numpy as jnp
import numpy as np
from jax import lax
from jax.experimental import pallas as pl
from jax.experimental.pallas import tpu as pltpu
from jax.experimental.pallas import tpu_sc as plsc

B, S, T = 16, 512, 20
VOCAB, E, H = 262, 64, 64
VP = 264
VP2 = 2 * VP
NW = 1024
NR = NW // 2
N = B * S


def _lstm_kernel(maxlen_ref, cp_ref, emb2_ref, wf_ref, wr_ref, bias_ref,
                 ones_ref, hc0_ref, out_ref, x_ref, outf_ref):
    f32 = jnp.float32
    bf16 = jnp.bfloat16
    maxlen = maxlen_ref[pl.program_id(0)]
    lane2 = jax.lax.broadcasted_iota(jnp.int32, (NR, VP2), 1)

    def sg(z):
        return 0.5 * jnp.tanh(z) + 0.5

    for t in range(T):
        @pl.when(maxlen > t)
        def _():
            ia = cp_ref[:, t:t + 1]
            ib = cp_ref[:, T + t:T + t + 1]
            tgt = jnp.where(lane2 < VP, ia, ib + VP)
            onehot = (tgt == lane2).astype(bf16)
            x_ref[t] = jnp.dot(onehot, emb2_ref[...],
                               preferred_element_type=f32).astype(bf16)

    la = cp_ref[:, 2 * T:2 * T + 1]
    lb = cp_ref[:, 2 * T + 1:2 * T + 2]
    lane128 = jax.lax.broadcasted_iota(jnp.int32, (NR, 2 * H), 1)
    len_mat = jnp.where(lane128 < H, la, lb)
    bias_f = bias_ref[0, :][None, :]
    bias_r = bias_ref[1, :][None, :]

    def step(h, c, x, bias, w_ref, m, mask_state):
        inp = jnp.concatenate([x, h.astype(bf16)], axis=1)
        gates = jnp.dot(inp, w_ref[...], preferred_element_type=f32) + bias
        i = sg(gates[:, 0:2*H])
        f = sg(gates[:, 2*H:4*H])
        g = jnp.tanh(gates[:, 4*H:6*H])
        o = sg(gates[:, 6*H:8*H])
        c_new = f * c + i * g
        h_new = o * jnp.tanh(c_new)
        if mask_state:
            h = jnp.where(m, h_new, h)
            c = jnp.where(m, c_new, c)
        else:
            h, c = h_new, c_new
        return h, c, jnp.where(m, h_new, 0.0)

    h = jnp.broadcast_to(hc0_ref[0, :][None, :], (NR, 2 * H))
    c = jnp.broadcast_to(hc0_ref[1, :][None, :], (NR, 2 * H))
    for t in range(T):
        def _taken(h=h, c=c, t=t):
            h2, c2, out = step(h, c, x_ref[t], bias_f, wf_ref,
                               len_mat > t, False)
            outf_ref[t] = out
            return h2, c2

        h, c = lax.cond(maxlen > t, _taken, lambda h=h, c=c: (h, c))

    h = jnp.broadcast_to(hc0_ref[2, :][None, :], (NR, 2 * H))
    c = jnp.broadcast_to(hc0_ref[3, :][None, :], (NR, 2 * H))
    acc_f = jnp.zeros((NR, 2 * H), f32)
    acc_r = jnp.zeros((NR, 2 * H), f32)
    for t in range(T - 1, -1, -1):
        def _taken(h=h, c=c, acc_f=acc_f, acc_r=acc_r, t=t):
            h2, c2, out_r = step(h, c, x_ref[t], bias_r, wr_ref,
                                 len_mat > t, True)
            out_f = outf_ref[t]
            obf = jnp.concatenate([out_f, out_r], axis=1).astype(bf16)
            logit = jnp.dot(obf, ones_ref[...], preferred_element_type=f32)
            att = sg(logit)
            return h2, c2, acc_f + att * out_f, acc_r + att * out_r

        h, c, acc_f, acc_r = lax.cond(
            maxlen > t, _taken,
            lambda h=h, c=c, a=acc_f, b=acc_r: (h, c, a, b))

    out_ref[0:NR, 0:H] = acc_f[:, 0:H]
    out_ref[0:NR, H:2*H] = acc_r[:, 0:H]
    out_ref[NR:NW, 0:H] = acc_f[:, H:2*H]
    out_ref[NR:NW, H:2*H] = acc_r[:, H:2*H]


_SC_ROWS = N // 32
_SC_K = _SC_ROWS // 128


@functools.cache
def _make_sc_scatter():
    @functools.partial(
        pl.kernel,
        mesh=plsc.VectorSubcoreMesh(core_axis_name="c",
                                    subcore_axis_name="s"),
        out_type=jax.ShapeDtypeStruct((N, 2 * H), jnp.float32),
        scratch_types=[
            pltpu.VMEM((_SC_K, 128), jnp.int32),
            pltpu.VMEM((_SC_ROWS, 2 * H), jnp.float32),
            pltpu.SemaphoreType.DMA,
        ],
    )
    def _sc_scatter(src_hbm, perm_hbm, out_hbm, idx_v, rows_v, sem):
        wid = lax.axis_index("s") * 2 + lax.axis_index("c")
        base = wid * _SC_ROWS
        pltpu.sync_copy(src_hbm.at[pl.ds(base, _SC_ROWS)], rows_v)
        pltpu.sync_copy(perm_hbm.at[pl.ds(wid * _SC_K, _SC_K)], idx_v)
        copies = [
            pltpu.async_copy(rows_v.at[pl.ds(j * 128, 128)],
                             out_hbm.at[idx_v.at[j]], sem)
            for j in range(_SC_K)
        ]
        for cp in copies:
            cp.wait()

    return _sc_scatter


@jax.jit
def _run(colpack, maxlens, perm2d, emb2, wf, wr, bias, ones_bd, hc0):
    G = N // NW
    grid_spec = pltpu.PrefetchScalarGridSpec(
        num_scalar_prefetch=1,
        grid=(G,),
        in_specs=[
            pl.BlockSpec((NR, 64), lambda i, s: (i, 0)),
            pl.BlockSpec((VP2, 2 * H), lambda i, s: (0, 0)),
            pl.BlockSpec((4 * H, 8 * H), lambda i, s: (0, 0)),
            pl.BlockSpec((4 * H, 8 * H), lambda i, s: (0, 0)),
            pl.BlockSpec((2, 8 * H), lambda i, s: (0, 0)),
            pl.BlockSpec((4 * H, 2 * H), lambda i, s: (0, 0)),
            pl.BlockSpec((4, 2 * H), lambda i, s: (0, 0)),
        ],
        out_specs=pl.BlockSpec((NW, 2 * H), lambda i, s: (i, 0)),
        scratch_shapes=[
            pltpu.VMEM((T, NR, 2 * H), jnp.bfloat16),
            pltpu.VMEM((T, NR, 2 * H), jnp.float32),
        ],
    )
    out_sorted = pl.pallas_call(
        _lstm_kernel,
        grid_spec=grid_spec,
        out_shape=jax.ShapeDtypeStruct((N, 2 * H), jnp.float32),
    )(maxlens, colpack, emb2, wf, wr, bias, ones_bd, hc0)
    out = _make_sc_scatter()(out_sorted, perm2d)
    return out.reshape(B, S, 2 * H)


def _pair_cols(w):
    out = jnp.zeros((2 * w.shape[0], 8 * H), w.dtype)
    for q in range(4):
        blk = w[:, q * H:(q + 1) * H]
        out = out.at[0:E, 2 * q * H:(2 * q + 1) * H].set(blk[0:E])
        out = out.at[2 * E:2 * E + H, 2 * q * H:(2 * q + 1) * H].set(blk[E:])
        out = out.at[E:2 * E, (2 * q + 1) * H:(2 * q + 2) * H].set(blk[0:E])
        out = out.at[2 * E + H:, (2 * q + 1) * H:(2 * q + 2) * H].set(blk[E:])
    return out


def _pair_gates_vec(b):
    return jnp.concatenate([jnp.concatenate([b[q * H:(q + 1) * H]] * 2)
                            for q in range(4)])


def kernel(char_indices, token_lengths, emb_table, Wih_f, Whh_f, bih_f, bhh_f,
           Wih_r, Whh_r, bih_r, bhh_r, h0, c0, attn_w):
    idx = char_indices.reshape(N, T).astype(jnp.int32)
    lengths = token_lengths.reshape(N).astype(jnp.int32)

    perm = jnp.argsort(lengths)
    idx_s = jnp.take(idx, perm, axis=0)
    len_s = jnp.take(lengths, perm)
    G = N // NW
    maxlens = jnp.max(len_s.reshape(G, NW), axis=1).astype(jnp.int32)
    perm2d = perm.astype(jnp.int32).reshape(N // 128, 128)

    idx_g = idx_s.reshape(G, 2, NR, T)
    len_g = len_s.reshape(G, 2, NR, 1)
    colpack = jnp.concatenate(
        [idx_g[:, 0], idx_g[:, 1], len_g[:, 0], len_g[:, 1],
         jnp.zeros((G, NR, 64 - 2 * T - 2), jnp.int32)], axis=-1)
    colpack = colpack.reshape(G * NR, 64)

    emb_pad = jnp.zeros((VP, E), jnp.float32).at[:VOCAB].set(emb_table)
    emb2 = jnp.zeros((VP2, 2 * H), jnp.float32)
    emb2 = emb2.at[0:VP, 0:E].set(emb_pad).at[VP:, E:].set(emb_pad)
    emb2 = emb2.astype(jnp.bfloat16)

    gate_scale = jnp.concatenate(
        [jnp.full((H,), 0.5), jnp.full((H,), 0.5),
         jnp.ones((H,)), jnp.full((H,), 0.5)]).astype(jnp.float32)
    wcat_f = jnp.concatenate([Wih_f.T, Whh_f.T], axis=0) * gate_scale[None, :]
    wcat_r = jnp.concatenate([Wih_r.T, Whh_r.T], axis=0) * gate_scale[None, :]
    wf = _pair_cols(wcat_f).astype(jnp.bfloat16)
    wr = _pair_cols(wcat_r).astype(jnp.bfloat16)
    bias = jnp.stack([_pair_gates_vec((bih_f + bhh_f) * gate_scale),
                      _pair_gates_vec((bih_r + bhh_r) * gate_scale)])
    attn = 0.5 * jnp.stack([jnp.concatenate([attn_w[0, 0:H]] * 2),
                            jnp.concatenate([attn_w[0, H:]] * 2)])
    lane = np.arange(2 * H)
    bd = jnp.asarray((lane[:, None] // H) == (lane[None, :] // H),
                     jnp.float32)
    ones_bd = jnp.concatenate([attn[0][:, None] * bd,
                               attn[1][:, None] * bd]).astype(jnp.bfloat16)
    hc0 = jnp.stack([jnp.concatenate([h0[0, 0]] * 2),
                     jnp.concatenate([c0[0, 0]] * 2),
                     jnp.concatenate([h0[1, 0]] * 2),
                     jnp.concatenate([c0[1, 0]] * 2)])
    return _run(colpack, maxlens, perm2d, emb2, wf, wr, bias, ones_bd, hc0)

# --- scband reference (transcript-rebuilt; emitter-appended) ---
"""Pipeline reference for scband-char-lstm-67439576482019 (READ-ONLY COPY).

The authoritative reference and input builder live on the scoring server;
editing this copy changes nothing except your own understanding.
"""

import jax, jax.numpy as jnp
import numpy as np

B, S, T = 16, 512, 20
VOCAB, E, H = 262, 64, 64

def setup_inputs(seed: int = 0):
    key = jax.random.key(seed)
    ks = jax.random.split(key, 14)
    scale = 1.0 / np.sqrt(H)
    char_indices = jax.random.randint(ks[0], (B, S, T), 0, VOCAB)
    token_lengths = jax.random.randint(ks[1], (B, S), 0, T + 1)
    emb_table = jax.random.normal(ks[2], (VOCAB, E), dtype=jnp.float32) * 0.1
    emb_table = emb_table.at[0].set(0.0)  # padding_idx=0
    def u(k, shape):
        return jax.random.uniform(k, shape, dtype=jnp.float32, minval=-scale, maxval=scale)
    Wih_f = u(ks[3], (4 * H, E)); Whh_f = u(ks[4], (4 * H, H))
    bih_f = u(ks[5], (4 * H,)); bhh_f = u(ks[6], (4 * H,))
    Wih_r = u(ks[7], (4 * H, E)); Whh_r = u(ks[8], (4 * H, H))
    bih_r = u(ks[9], (4 * H,)); bhh_r = u(ks[10], (4 * H,))
    h0 = jnp.zeros((2, 1, H), dtype=jnp.float32)  # self.initial_h (zeros-init param)
    c0 = jnp.zeros((2, 1, H), dtype=jnp.float32)  # self.initial_c
    attn_w = jnp.zeros((1, 2 * H), dtype=jnp.float32)  # nn.init.zeros_ on attention layer
    return {"char_indices": char_indices, "token_lengths": token_lengths,
            "emb_table": emb_table,
            "Wih_f": Wih_f, "Whh_f": Whh_f, "bih_f": bih_f, "bhh_f": bhh_f,
            "Wih_r": Wih_r, "Whh_r": Whh_r, "bih_r": bih_r, "bhh_r": bhh_r,
            "h0": h0, "c0": c0, "attn_w": attn_w}

def _forward(emb_table, Wih_f, Whh_f, bih_f, bhh_f, Wih_r, Whh_r, bih_r, bhh_r,
             h0, c0, attn_w, char_indices, token_lengths):
    Bv, Sv, Tv = char_indices.shape
    N = Bv * Sv
    idx = char_indices.reshape(N, Tv)
    lengths = token_lengths.reshape(N)
    emb = emb_table[idx]                              # gather: (N, T, E)
    emb_t = jnp.transpose(emb, (1, 0, 2))             # (T, N, E)
    mask_t = (jnp.arange(Tv)[:, None] < lengths[None, :])[:, :, None]  # (T, N, 1)

    def make_step(Wih, Whh, b):
        def step(carry, xs):
            h, c = carry
            x, m = xs
            gates = x @ Wih.T + h @ Whh.T + b
            i, f, g, o = jnp.split(gates, 4, axis=-1)
            i = jax.nn.sigmoid(i); f = jax.nn.sigmoid(f)
            g = jnp.tanh(g); o = jax.nn.sigmoid(o)
            c_new = f * c + i * g
            h_new = o * jnp.tanh(c_new)
            h = jnp.where(m, h_new, h)   # packed-sequence semantics: state frozen outside valid region
            c = jnp.where(m, c_new, c)
            out = jnp.where(m, h_new, 0.0)  # pad_packed_sequence zero-pads
            return (h, c), out
        return step

    Hh = Whh_f.shape[1]
    h0f = jnp.broadcast_to(h0[0, 0], (N, Hh)); c0f = jnp.broadcast_to(c0[0, 0], (N, Hh))
    h0r = jnp.broadcast_to(h0[1, 0], (N, Hh)); c0r = jnp.broadcast_to(c0[1, 0], (N, Hh))

    _, out_f = jax.lax.scan(make_step(Wih_f, Whh_f, bih_f + bhh_f), (h0f, c0f), (emb_t, mask_t))
    _, out_r = jax.lax.scan(make_step(Wih_r, Whh_r, bih_r + bhh_r), (h0r, c0r),
                            (jnp.flip(emb_t, 0), jnp.flip(mask_t, 0)))
    out_r = jnp.flip(out_r, 0)
    outputs = jnp.concatenate([out_f, out_r], axis=-1)  # (T, N, 2H) == packed outputs, zero-padded
    att = jax.nn.sigmoid(outputs @ attn_w.T)            # (T, N, 1)
    gated = att * outputs                               # padded positions stay exactly 0
    last = gated.sum(axis=0)                            # sum over time == padded.sum(1)
    # zero-length words: no valid steps -> sum is 0, matching the scatter-into-zeros in torch
    return last.reshape(Bv, Sv, 2 * Hh)

def reference(char_indices, token_lengths, emb_table, Wih_f, Whh_f, bih_f, bhh_f,
              Wih_r, Whh_r, bih_r, bhh_r, h0, c0, attn_w):
    return _forward(emb_table, Wih_f, Whh_f, bih_f, bhh_f, Wih_r, Whh_r, bih_r, bhh_r,
                    h0, c0, attn_w, char_indices, token_lengths)

if __name__ == "__main__":
    import jax
    _d = setup_inputs()
    print(jax.jit(kernel)(*tuple(_d.values())))

</pallas_src>

<mosaic_0001>
#map = affine_map<(d0, d1) -> (0, 0)>
module attributes {stable_mosaic.version = 14 : i64} {
  func.func @_sc_scatter(%arg0: i32, %arg1: i32, %arg2: memref<8192x128xf32, #tpu.memory_space<hbm>>, %arg3: memref<64x128xi32, #tpu.memory_space<hbm>>, %arg4: memref<8192x128xf32, #tpu.memory_space<hbm>>, %arg5: memref<2x128xi32, #tpu.memory_space<vmem>>, %arg6: memref<256x128xf32, #tpu.memory_space<vmem>>, %arg7: memref<!tpu.dma_semaphore, #tpu.memory_space<semaphore_mem>>) attributes {dimension_semantics = [#tpu.dimension_semantics<core_parallel>, #tpu.dimension_semantics<subcore_parallel>], iteration_bounds = array<i64: 2, 16>, scalar_prefetch = 0 : i64, scratch_operands = 3 : i64, tpu.core_type = #tpu.core_type<sc_vector_subcore>, window_params = [{transform_indices = #map}, {transform_indices = #map}, {transform_indices = #map}]} {
    %mul3A = arith.constant 2 : i32
    %mul3A_0 = arith.muli %arg1, %mul3A : i32
    %add3A = arith.addi %mul3A_0, %arg0 : i32
    %mul3A_1 = arith.constant 256 : i32
    %mul3A_2 = arith.muli %add3A, %mul3A_1 : i32
    "tpu.region"() ({
      %run_scoped3A = tpu.sem_alloc : memref<!tpu.dma_semaphore, #tpu.memory_space<semaphore_mem>>
      %dma_start3A_43 = arith.constant 0 : i32
      %dma_start3A_44 = tpu.memref_slice %arg2[%mul3A_2, %dma_start3A_43] : memref<8192x128xf32, #tpu.memory_space<hbm>> -> memref<256x128xf32, #tpu.memory_space<hbm>>
      %dma_start3A_45 = arith.constant 0 : i32
      %dma_start3A_46 = tpu.memref_slice %arg2[%mul3A_2, %dma_start3A_45] : memref<8192x128xf32, #tpu.memory_space<hbm>> -> memref<256x128xf32, #tpu.memory_space<hbm>>
      tpu.enqueue_dma source(%dma_start3A_46 : memref<256x128xf32, #tpu.memory_space<hbm>>) target(%arg6 : memref<256x128xf32, #tpu.memory_space<vmem>>) target_semaphore(%run_scoped3A : memref<!tpu.dma_semaphore, #tpu.memory_space<semaphore_mem>>)
      %dma_wait3A_47 = arith.constant 0 : i32
      %dma_wait3A_48 = tpu.memref_slice %arg2[%mul3A_2, %dma_wait3A_47] : memref<8192x128xf32, #tpu.memory_space<hbm>> -> memref<256x128xf32, #tpu.memory_space<hbm>>
      %dma_wait3A_49 = arith.constant 0 : i32
      %dma_wait3A_50 = tpu.memref_slice %arg2[%mul3A_2, %dma_wait3A_49] : memref<8192x128xf32, #tpu.memory_space<hbm>> -> memref<256x128xf32, #tpu.memory_space<hbm>>
      tpu.wait_dma2 semaphore(%run_scoped3A : memref<!tpu.dma_semaphore, #tpu.memory_space<semaphore_mem>>) src(%dma_wait3A_50 : memref<256x128xf32, #tpu.memory_space<hbm>>) dst(%arg6 : memref<256x128xf32, #tpu.memory_space<vmem>>)
      tpu.yield
    }) : () -> ()
    %mul3A_3 = arith.constant 2 : i32
    %mul3A_4 = arith.muli %add3A, %mul3A_3 : i32
    "tpu.region"() ({
      %run_scoped3A = tpu.sem_alloc : memref<!tpu.dma_semaphore, #tpu.memory_space<semaphore_mem>>
      %dma_start3A_43 = arith.constant 0 : i32
      %dma_start3A_44 = tpu.memref_slice %arg3[%mul3A_4, %dma_start3A_43] : memref<64x128xi32, #tpu.memory_space<hbm>> -> memref<2x128xi32, #tpu.memory_space<hbm>>
      %dma_start3A_45 = arith.constant 0 : i32
      %dma_start3A_46 = tpu.memref_slice %arg3[%mul3A_4, %dma_start3A_45] : memref<64x128xi32, #tpu.memory_space<hbm>> -> memref<2x128xi32, #tpu.memory_space<hbm>>
      tpu.enqueue_dma source(%dma_start3A_46 : memref<2x128xi32, #tpu.memory_space<hbm>>) target(%arg5 : memref<2x128xi32, #tpu.memory_space<vmem>>) target_semaphore(%run_scoped3A : memref<!tpu.dma_semaphore, #tpu.memory_space<semaphore_mem>>)
      %dma_wait3A_47 = arith.constant 0 : i32
      %dma_wait3A_48 = tpu.memref_slice %arg3[%mul3A_4, %dma_wait3A_47] : memref<64x128xi32, #tpu.memory_space<hbm>> -> memref<2x128xi32, #tpu.memory_space<hbm>>
      %dma_wait3A_49 = arith.constant 0 : i32
      %dma_wait3A_50 = tpu.memref_slice %arg3[%mul3A_4, %dma_wait3A_49] : memref<64x128xi32, #tpu.memory_space<hbm>> -> memref<2x128xi32, #tpu.memory_space<hbm>>
      tpu.wait_dma2 semaphore(%run_scoped3A : memref<!tpu.dma_semaphore, #tpu.memory_space<semaphore_mem>>) src(%dma_wait3A_50 : memref<2x128xi32, #tpu.memory_space<hbm>>) dst(%arg5 : memref<2x128xi32, #tpu.memory_space<vmem>>)
      tpu.yield
    }) : () -> ()
    %dma_start3A = arith.constant 0 : i32
    %dma_start3A_5 = arith.constant 0 : i32
    %dma_start3A_6 = arith.constant 0 : i32
    %dma_start3A_7 = tpu.memref_slice %arg6[%dma_start3A_5, %dma_start3A_6] : memref<256x128xf32, #tpu.memory_space<vmem>> -> memref<128x128xf32, #tpu.memory_space<vmem>>
    %dma_start3A_8 = arith.constant 0 : i32
    %dma_start3A_9 = tpu.memref_slice %arg5[%dma_start3A, %dma_start3A_8] : memref<2x128xi32, #tpu.memory_space<vmem>> -> memref<1x128xi32, #tpu.memory_space<vmem>>
    %dma_start3A_10 = tpu.memref_squeeze %dma_start3A_9 : memref<1x128xi32, #tpu.memory_space<vmem>> -> memref<128xi32, #tpu.memory_space<vmem>>
    %dma_start3A_11 = arith.constant 0 : i32
    %dma_start3A_12 = arith.constant 0 : i32
    %dma_start3A_13 = tpu.memref_slice %arg4[%dma_start3A_11, %dma_start3A_12] : memref<8192x128xf32, #tpu.memory_space<hbm>> -> memref<8192x128xf32, #tpu.memory_space<hbm>>
    tpu.enqueue_indirect_dma source(%dma_start3A_7 : memref<128x128xf32, #tpu.memory_space<vmem>>) target(%dma_start3A_13 : memref<8192x128xf32, #tpu.memory_space<hbm>>) offsets(%dma_start3A_10 : memref<128xi32, #tpu.memory_space<vmem>>) semaphore(%arg7 : memref<!tpu.dma_semaphore, #tpu.memory_space<semaphore_mem>>)
    %dma_start3A_14 = arith.constant 1 : i32
    %dma_start3A_15 = arith.constant 128 : i32
    %dma_start3A_16 = arith.constant 0 : i32
    %dma_start3A_17 = tpu.memref_slice %arg6[%dma_start3A_15, %dma_start3A_16] : memref<256x128xf32, #tpu.memory_space<vmem>> -> memref<128x128xf32, #tpu.memory_space<vmem>>
    %dma_start3A_18 = arith.constant 0 : i32
    %dma_start3A_19 = tpu.memref_slice %arg5[%dma_start3A_14, %dma_start3A_18] : memref<2x128xi32, #tpu.memory_space<vmem>> -> memref<1x128xi32, #tpu.memory_space<vmem>>
    %dma_start3A_20 = tpu.memref_squeeze %dma_start3A_19 : memref<1x128xi32, #tpu.memory_space<vmem>> -> memref<128xi32, #tpu.memory_space<vmem>>
    %dma_start3A_21 = arith.constant 0 : i32
    %dma_start3A_22 = arith.constant 0 : i32
    %dma_start3A_23 = tpu.memref_slice %arg4[%dma_start3A_21, %dma_start3A_22] : memref<8192x128xf32, #tpu.memory_space<hbm>> -> memref<8192x128xf32, #tpu.memory_space<hbm>>
    tpu.enqueue_indirect_dma source(%dma_start3A_17 : memref<128x128xf32, #tpu.memory_space<vmem>>) target(%dma_start3A_23 : memref<8192x128xf32, #tpu.memory_space<hbm>>) offsets(%dma_start3A_20 : memref<128xi32, #tpu.memory_space<vmem>>) semaphore(%arg7 : memref<!tpu.dma_semaphore, #tpu.memory_space<semaphore_mem>>)
    %dma_wait3A = arith.constant 0 : i32
    %dma_wait3A_24 = arith.constant 0 : i32
    %dma_wait3A_25 = arith.constant 0 : i32
    %dma_wait3A_26 = tpu.memref_slice %arg6[%dma_wait3A_24, %dma_wait3A_25] : memref<256x128xf32, #tpu.memory_space<vmem>> -> memref<128x128xf32, #tpu.memory_space<vmem>>
    %dma_wait3A_27 = arith.constant 0 : i32
    %dma_wait3A_28 = tpu.memref_slice %arg5[%dma_wait3A, %dma_wait3A_27] : memref<2x128xi32, #tpu.memory_space<vmem>> -> memref<1x128xi32, #tpu.memory_space<vmem>>
    %dma_wait3A_29 = tpu.memref_squeeze %dma_wait3A_28 : memref<1x128xi32, #tpu.memory_space<vmem>> -> memref<128xi32, #tpu.memory_space<vmem>>
    %dma_wait3A_30 = arith.constant 0 : i32
    %dma_wait3A_31 = arith.constant 0 : i32
    %dma_wait3A_32 = tpu.memref_slice %arg4[%dma_wait3A_30, %dma_wait3A_31] : memref<8192x128xf32, #tpu.memory_space<hbm>> -> memref<8192x128xf32, #tpu.memory_space<hbm>>
    tpu.wait_indirect_dma semaphore(%arg7 : memref<!tpu.dma_semaphore, #tpu.memory_space<semaphore_mem>>) src(%dma_wait3A_26 : memref<128x128xf32, #tpu.memory_space<vmem>>) dst(%dma_wait3A_32 : memref<8192x128xf32, #tpu.memory_space<hbm>>)
    %dma_wait3A_33 = arith.constant 1 : i32
    %dma_wait3A_34 = arith.constant 128 : i32
    %dma_wait3A_35 = arith.constant 0 : i32
    %dma_wait3A_36 = tpu.memref_slice %arg6[%dma_wait3A_34, %dma_wait3A_35] : memref<256x128xf32, #tpu.memory_space<vmem>> -> memref<128x128xf32, #tpu.memory_space<vmem>>
    %dma_wait3A_37 = arith.constant 0 : i32
    %dma_wait3A_38 = tpu.memref_slice %arg5[%dma_wait3A_33, %dma_wait3A_37] : memref<2x128xi32, #tpu.memory_space<vmem>> -> memref<1x128xi32, #tpu.memory_space<vmem>>
    %dma_wait3A_39 = tpu.memref_squeeze %dma_wait3A_38 : memref<1x128xi32, #tpu.memory_space<vmem>> -> memref<128xi32, #tpu.memory_space<vmem>>
    %dma_wait3A_40 = arith.constant 0 : i32
    %dma_wait3A_41 = arith.constant 0 : i32
    %dma_wait3A_42 = tpu.memref_slice %arg4[%dma_wait3A_40, %dma_wait3A_41] : memref<8192x128xf32, #tpu.memory_space<hbm>> -> memref<8192x128xf32, #tpu.memory_space<hbm>>
    tpu.wait_indirect_dma semaphore(%arg7 : memref<!tpu.dma_semaphore, #tpu.memory_space<semaphore_mem>>) src(%dma_wait3A_36 : memref<128x128xf32, #tpu.memory_space<vmem>>) dst(%dma_wait3A_42 : memref<8192x128xf32, #tpu.memory_space<hbm>>)
    return
  }
}

module attributes {stable_mosaic.version = 14 : i64} {
  func.func @_lstm_kernel(%arg0: i32, %arg1: memref<8xi32, #tpu.memory_space<smem>>, %arg2: memref<512x64xi32, #tpu.memory_space<vmem>>, %arg3: memref<528x128xbf16, #tpu.memory_space<vmem>>, %arg4: memref<256x512xbf16, #tpu.memory_space<vmem>>, %arg5: memref<256x512xbf16, #tpu.memory_space<vmem>>, %arg6: memref<2x512xf32, #tpu.memory_space<vmem>>, %arg7: memref<256x128xbf16, #tpu.memory_space<vmem>>, %arg8: memref<4x128xf32, #tpu.memory_space<vmem>>, %arg9: memref<1024x128xf32, #tpu.memory_space<vmem>>, %arg10: memref<20x512x128xbf16, #tpu.memory_space<vmem>>, %arg11: memref<20x512x128xf32, #tpu.memory_space<vmem>>) attributes {dimension_semantics = [#tpu.dimension_semantics<arbitrary>], iteration_bounds = array<i64: 8>, scalar_prefetch = 1 : i64, scratch_operands = 2 : i64, tpu.core_type = #tpu.core_type<tc>, window_params = [{transform_indices = @transform_0, window_bounds = array<i64: 512, 64>}, {pipeline_mode = #tpu.pipeline_mode<synchronous>, transform_indices = @transform_1, window_bounds = array<i64: 528, 128>}, {pipeline_mode = #tpu.pipeline_mode<synchronous>, transform_indices = @transform_2, window_bounds = array<i64: 256, 512>}, {pipeline_mode = #tpu.pipeline_mode<synchronous>, transform_indices = @transform_3, window_bounds = array<i64: 256, 512>}, {pipeline_mode = #tpu.pipeline_mode<synchronous>, transform_indices = @transform_4, window_bounds = array<i64: 2, 512>}, {pipeline_mode = #tpu.pipeline_mode<synchronous>, transform_indices = @transform_5, window_bounds = array<i64: 256, 128>}, {pipeline_mode = #tpu.pipeline_mode<synchronous>, transform_indices = @transform_6, window_bounds = array<i64: 4, 128>}, {transform_indices = @transform_7, window_bounds = array<i64: 1024, 128>}]} {
    %get3A = arith.index_cast %arg0 : i32 to index
    %get3A_0 = memref.load %arg1[%get3A] : memref<8xi32, #tpu.memory_space<smem>>
    %iota3A = tpu.iota {dimensions = array<i32: 1>} : vector<512x528xi32>
    %gt3A = arith.constant 0 : i32
    %gt3A_1 = arith.cmpi sgt, %get3A_0, %gt3A : i32
    %convert_element_type3A = arith.extui %gt3A_1 : i1 to i32
    %cond3A = arith.constant 0 : i32
    %cond3A_2 = arith.cmpi ne, %convert_element_type3A, %cond3A : i32
    scf.if %cond3A_2 {
      %get3A_405 = arith.constant 0 : index
      %get3A_406 = arith.constant 0 : index
      %get3A_407 = vector.load %arg2[%get3A_405, %get3A_406] : memref<512x64xi32, #tpu.memory_space<vmem>>, vector<512x1xi32>
      %get3A_408 = arith.constant 0 : index
      %get3A_409 = arith.constant 20 : index
      %get3A_410 = vector.load %arg2[%get3A_408, %get3A_409] : memref<512x64xi32, #tpu.memory_space<vmem>>, vector<512x1xi32>
      %lt3A_411 = arith.constant 264 : i32
      %lt3A_412 = vector.broadcast %lt3A_411 : i32 to vector<512x528xi32>
      %lt3A_413 = arith.cmpi slt, %iota3A, %lt3A_412 : vector<512x528xi32>
      %add3A = arith.constant 264 : i32
      %add3A_414 = vector.broadcast %add3A : i32 to vector<512x1xi32>
      %add3A_415 = arith.addi %get3A_410, %add3A_414 : vector<512x1xi32>
      %broadcast_in_dim3A_416 = vector.shape_cast %get3A_407 : vector<512x1xi32> to vector<512x1xi32>
      %broadcast_in_dim3A_417 = vector.broadcast %broadcast_in_dim3A_416 : vector<512x1xi32> to vector<512x528xi32>
      %broadcast_in_dim3A_418 = vector.shape_cast %add3A_415 : vector<512x1xi32> to vector<512x1xi32>
      %broadcast_in_dim3A_419 = vector.broadcast %broadcast_in_dim3A_418 : vector<512x1xi32> to vector<512x528xi32>
      %select_n3A_420 = arith.select %lt3A_413, %broadcast_in_dim3A_417, %broadcast_in_dim3A_419 : vector<512x528xi1>, vector<512x528xi32>
      %eq3A = arith.cmpi eq, %select_n3A_420, %iota3A : vector<512x528xi32>
      %convert_element_type3A_421 = arith.extui %eq3A : vector<512x528xi1> to vector<512x528xi32>
      %convert_element_type3A_422 = arith.sitofp %convert_element_type3A_421 : vector<512x528xi32> to vector<512x528xf32>
      %convert_element_type3A_423 = arith.truncf %convert_element_type3A_422 : vector<512x528xf32> to vector<512x528xbf16>
      %get3A_424 = arith.constant 0 : index
      %get3A_425 = arith.constant 0 : index
      %get3A_426 = vector.load %arg3[%get3A_424, %get3A_425] : memref<528x128xbf16, #tpu.memory_space<vmem>>, vector<528x128xbf16>
      %dot_general3A = arith.constant dense<0.000000e+00> : vector<512x128xf32>
      %dot_general3A_427 = tpu.matmul %convert_element_type3A_423, %get3A_426, %dot_general3A {dimension_numbers = #tpu.dot_dimension_numbers<[1], [0], [0], [1], [0, 0, 1, 1], [], []>, transpose_lhs_hint = false} : vector<512x528xbf16>, vector<528x128xbf16>, vector<512x128xf32> -> vector<512x128xf32>
      %convert_element_type3A_428 = arith.truncf %dot_general3A_427 : vector<512x128xf32> to vector<512x128xbf16>
      %swap3A_429 = arith.constant 0 : index
      %swap3A_430 = arith.constant 0 : index
      %swap3A_431 = arith.constant 0 : index
      %swap3A_432 = vector.load %arg10[%swap3A_429, %swap3A_430, %swap3A_431] : memref<20x512x128xbf16, #tpu.memory_space<vmem>>, vector<1x512x128xbf16>
      %swap3A_433 = vector.shape_cast %swap3A_432 : vector<1x512x128xbf16> to vector<512x128xbf16>
      %swap3A_434 = vector.shape_cast %convert_element_type3A_428 : vector<512x128xbf16> to vector<1x512x128xbf16>
      tpu.vector_store %arg10[%swap3A_429, %swap3A_430, %swap3A_431], %swap3A_434 {strides = array<i32>} : memref<20x512x128xbf16, #tpu.memory_space<vmem>>, vector<1x512x128xbf16>,
    } else {
    }
    %gt3A_3 = arith.constant 1 : i32
    %gt3A_4 = arith.cmpi sgt, %get3A_0, %gt3A_3 : i32
    %convert_element_type3A_5 = arith.extui %gt3A_4 : i1 to i32
    %cond3A_6 = arith.constant 0 : i32
    %cond3A_7 = arith.cmpi ne, %convert_element_type3A_5, %cond3A_6 : i32
    scf.if %cond3A_7 {
      %get3A_405 = arith.constant 0 : index
      %get3A_406 = arith.constant 1 : index
      %get3A_407 = vector.load %arg2[%get3A_405, %get3A_406] : memref<512x64xi32, #tpu.memory_space<vmem>>, vector<512x1xi32>
      %get3A_408 = arith.constant 0 : index
      %get3A_409 = arith.constant 21 : index
      %get3A_410 = vector.load %arg2[%get3A_408, %get3A_409] : memref<512x64xi32, #tpu.memory_space<vmem>>, vector<512x1xi32>
      %lt3A_411 = arith.constant 264 : i32
      %lt3A_412 = vector.broadcast %lt3A_411 : i32 to vector<512x528xi32>
      %lt3A_413 = arith.cmpi slt, %iota3A, %lt3A_412 : vector<512x528xi32>
      %add3A = arith.constant 264 : i32
      %add3A_414 = vector.broadcast %add3A : i32 to vector<512x1xi32>
      %add3A_415 = arith.addi %get3A_410, %add3A_414 : vector<512x1xi32>
      %broadcast_in_dim3A_416 = vector.shape_cast %get3A_407 : vector<512x1xi32> to vector<512x1xi32>
      %broadcast_in_dim3A_417 = vector.broadcast %broadcast_in_dim3A_416 : vector<512x1xi32> to vector<512x528xi32>
      %broadcast_in_dim3A_418 = vector.shape_cast %add3A_415 : vector<512x1xi32> to vector<512x1xi32>
      %broadcast_in_dim3A_419 = vector.broadcast %broadcast_in_dim3A_418 : vector<512x1xi32> to vector<512x528xi32>
      %select_n3A_420 = arith.select %lt3A_413, %broadcast_in_dim3A_417, %broadcast_in_dim3A_419 : vector<512x528xi1>, vector<512x528xi32>
      %eq3A = arith.cmpi eq, %select_n3A_420, %iota3A : vector<512x528xi32>
      %convert_element_type3A_421 = arith.extui %eq3A : vector<512x528xi1> to vector<512x528xi32>
      %convert_element_type3A_422 = arith.sitofp %convert_element_type3A_421 : vector<512x528xi32> to vector<512x528xf32>
      %convert_element_type3A_423 = arith.truncf %convert_element_type3A_422 : vector<512x528xf32> to vector<512x528xbf16>
      %get3A_424 = arith.constant 0 : index
      %get3A_425 = arith.constant 0 : index
      %get3A_426 = vector.load %arg3[%get3A_424, %get3A_425] : memref<528x128xbf16, #tpu.memory_space<vmem>>, vector<528x128xbf16>
      %dot_general3A = arith.constant dense<0.000000e+00> : vector<512x128xf32>
      %dot_general3A_427 = tpu.matmul %convert_element_type3A_423, %get3A_426, %dot_general3A {dimension_numbers = #tpu.dot_dimension_numbers<[1], [0], [0], [1], [0, 0, 1, 1], [], []>, transpose_lhs_hint = false} : vector<512x528xbf16>, vector<528x128xbf16>, vector<512x128xf32> -> vector<512x128xf32>
      %convert_element_type3A_428 = arith.truncf %dot_general3A_427 : vector<512x128xf32> to vector<512x128xbf16>
      %swap3A_429 = arith.constant 1 : index
      %swap3A_430 = arith.constant 0 : index
      %swap3A_431 = arith.constant 0 : index
      %swap3A_432 = vector.load %arg10[%swap3A_429, %swap3A_430, %swap3A_431] : memref<20x512x128xbf16, #tpu.memory_space<vmem>>, vector<1x512x128xbf16>
      %swap3A_433 = vector.shape_cast %swap3A_432 : vector<1x512x128xbf16> to vector<512x128xbf16>
      %swap3A_434 = vector.shape_cast %convert_element_type3A_428 : vector<512x128xbf16> to vector<1x512x128xbf16>
      tpu.vector_store %arg10[%swap3A_429, %swap3A_430, %swap3A_431], %swap3A_434 {strides = array<i32>} : memref<20x512x128xbf16, #tpu.memory_space<vmem>>, vector<1x512x128xbf16>,
    } else {
    }
    %gt3A_8 = arith.constant 2 : i32
    %gt3A_9 = arith.cmpi sgt, %get3A_0, %gt3A_8 : i32
    %convert_element_type3A_10 = arith.extui %gt3A_9 : i1 to i32
    %cond3A_11 = arith.constant 0 : i32
    %cond3A_12 = arith.cmpi ne, %convert_element_type3A_10, %cond3A_11 : i32
    scf.if %cond3A_12 {
      %get3A_405 = arith.constant 0 : index
      %get3A_406 = arith.constant 2 : index
      %get3A_407 = vector.load %arg2[%get3A_405, %get3A_406] : memref<512x64xi32, #tpu.memory_space<vmem>>, vector<512x1xi32>
      %get3A_408 = arith.constant 0 : index
      %get3A_409 = arith.constant 22 : index
      %get3A_410 = vector.load %arg2[%get3A_408, %get3A_409] : memref<512x64xi32, #tpu.memory_space<vmem>>, vector<512x1xi32>
      %lt3A_411 = arith.constant 264 : i32
      %lt3A_412 = vector.broadcast %lt3A_411 : i32 to vector<512x528xi32>
      %lt3A_413 = arith.cmpi slt, %iota3A, %lt3A_412 : vector<512x528xi32>
      %add3A = arith.constant 264 : i32
      %add3A_414 = vector.broadcast %add3A : i32 to vector<512x1xi32>
      %add3A_415 = arith.addi %get3A_410, %add3A_414 : vector<512x1xi32>
      %broadcast_in_dim3A_416 = vector.shape_cast %get3A_407 : vector<512x1xi32> to vector<512x1xi32>
      %broadcast_in_dim3A_417 = vector.broadcast %broadcast_in_dim3A_416 : vector<512x1xi32> to vector<512x528xi32>
      %broadcast_in_dim3A_418 = vector.shape_cast %add3A_415 : vector<512x1xi32> to vector<512x1xi32>
      %broadcast_in_dim3A_419 = vector.broadcast %broadcast_in_dim3A_418 : vector<512x1xi32> to vector<512x528xi32>
      %select_n3A_420 = arith.select %lt3A_413, %broadcast_in_dim3A_417, %broadcast_in_dim3A_419 : vector<512x528xi1>, vector<512x528xi32>
      %eq3A = arith.cmpi eq, %select_n3A_420, %iota3A : vector<512x528xi32>
      %convert_element_type3A_421 = arith.extui %eq3A : vector<512x528xi1> to vector<512x528xi32>
      %convert_element_type3A_422 = arith.sitofp %convert_element_type3A_421 : vector<512x528xi32> to vector<512x528xf32>
      %convert_element_type3A_423 = arith.truncf %convert_element_type3A_422 : vector<512x528xf32> to vector<512x528xbf16>
      %get3A_424 = arith.constant 0 : index
      %get3A_425 = arith.constant 0 : index
      %get3A_426 = vector.load %arg3[%get3A_424, %get3A_425] : memref<528x128xbf16, #tpu.memory_space<vmem>>, vector<528x128xbf16>
      %dot_general3A = arith.constant dense<0.000000e+00> : vector<512x128xf32>
      %dot_general3A_427 = tpu.matmul %convert_element_type3A_423, %get3A_426, %dot_general3A {dimension_numbers = #tpu.dot_dimension_numbers<[1], [0], [0], [1], [0, 0, 1, 1], [], []>, transpose_lhs_hint = false} : vector<512x528xbf16>, vector<528x128xbf16>, vector<512x128xf32> -> vector<512x128xf32>
      %convert_element_type3A_428 = arith.truncf %dot_general3A_427 : vector<512x128xf32> to vector<512x128xbf16>
      %swap3A_429 = arith.constant 2 : index
      %swap3A_430 = arith.constant 0 : index
      %swap3A_431 = arith.constant 0 : index
      %swap3A_432 = vector.load %arg10[%swap3A_429, %swap3A_430, %swap3A_431] : memref<20x512x128xbf16, #tpu.memory_space<vmem>>, vector<1x512x128xbf16>
      %swap3A_433 = vector.shape_cast %swap3A_432 : vector<1x512x128xbf16> to vector<512x128xbf16>
      %swap3A_434 = vector.shape_cast %convert_element_type3A_428 : vector<512x128xbf16> to vector<1x512x128xbf16>
      tpu.vector_store %arg10[%swap3A_429, %swap3A_430, %swap3A_431], %swap3A_434 {strides = array<i32>} : memref<20x512x128xbf16, #tpu.memory_space<vmem>>, vector<1x512x128xbf16>,
    } else {
    }
    %gt3A_13 = arith.constant 3 : i32
    %gt3A_14 = arith.cmpi sgt, %get3A_0, %gt3A_13 : i32
    %convert_element_type3A_15 = arith.extui %gt3A_14 : i1 to i32
    %cond3A_16 = arith.constant 0 : i32
    %cond3A_17 = arith.cmpi ne, %convert_element_type3A_15, %cond3A_16 : i32
    scf.if %cond3A_17 {
      %get3A_405 = arith.constant 0 : index
      %get3A_406 = arith.constant 3 : index
      %get3A_407 = vector.load %arg2[%get3A_405, %get3A_406] : memref<512x64xi32, #tpu.memory_space<vmem>>, vector<512x1xi32>
      %get3A_408 = arith.constant 0 : index
      %get3A_409 = arith.constant 23 : index
      %get3A_410 = vector.load %arg2[%get3A_408, %get3A_409] : memref<512x64xi32, #tpu.memory_space<vmem>>, vector<512x1xi32>
      %lt3A_411 = arith.constant 264 : i32
      %lt3A_412 = vector.broadcast %lt3A_411 : i32 to vector<512x528xi32>
      %lt3A_413 = arith.cmpi slt, %iota3A, %lt3A_412 : vector<512x528xi32>
      %add3A = arith.constant 264 : i32
      %add3A_414 = vector.broadcast %add3A : i32 to vector<512x1xi32>
      %add3A_415 = arith.addi %get3A_410, %add3A_414 : vector<512x1xi32>
      %broadcast_in_dim3A_416 = vector.shape_cast %get3A_407 : vector<512x1xi32> to vector<512x1xi32>
      %broadcast_in_dim3A_417 = vector.broadcast %broadcast_in_dim3A_416 : vector<512x1xi32> to vector<512x528xi32>
      %broadcast_in_dim3A_418 = vector.shape_cast %add3A_415 : vector<512x1xi32> to vector<512x1xi32>
      %broadcast_in_dim3A_419 = vector.broadcast %broadcast_in_dim3A_418 : vector<512x1xi32> to vector<512x528xi32>
      %select_n3A_420 = arith.select %lt3A_413, %broadcast_in_dim3A_417, %broadcast_in_dim3A_419 : vector<512x528xi1>, vector<512x528xi32>
      %eq3A = arith.cmpi eq, %select_n3A_420, %iota3A : vector<512x528xi32>
      %convert_element_type3A_421 = arith.extui %eq3A : vector<512x528xi1> to vector<512x528xi32>
      %convert_element_type3A_422 = arith.sitofp %convert_element_type3A_421 : vector<512x528xi32> to vector<512x528xf32>
      %convert_element_type3A_423 = arith.truncf %convert_element_type3A_422 : vector<512x528xf32> to vector<512x528xbf16>
      %get3A_424 = arith.constant 0 : index
      %get3A_425 = arith.constant 0 : index
      %get3A_426 = vector.load %arg3[%get3A_424, %get3A_425] : memref<528x128xbf16, #tpu.memory_space<vmem>>, vector<528x128xbf16>
      %dot_general3A = arith.constant dense<0.000000e+00> : vector<512x128xf32>
      %dot_general3A_427 = tpu.matmul %convert_element_type3A_423, %get3A_426, %dot_general3A {dimension_numbers = #tpu.dot_dimension_numbers<[1], [0], [0], [1], [0, 0, 1, 1], [], []>, transpose_lhs_hint = false} : vector<512x528xbf16>, vector<528x128xbf16>, vector<512x128xf32> -> vector<512x128xf32>
      %convert_element_type3A_428 = arith.truncf %dot_general3A_427 : vector<512x128xf32> to vector<512x128xbf16>
      %swap3A_429 = arith.constant 3 : index
      %swap3A_430 = arith.constant 0 : index
      %swap3A_431 = arith.constant 0 : index
      %swap3A_432 = vector.load %arg10[%swap3A_429, %swap3A_430, %swap3A_431] : memref<20x512x128xbf16, #tpu.memory_space<vmem>>, vector<1x512x128xbf16>
      %swap3A_433 = vector.shape_cast %swap3A_432 : vector<1x512x128xbf16> to vector<512x128xbf16>
      %swap3A_434 = vector.shape_cast %convert_element_type3A_428 : vector<512x128xbf16> to vector<1x512x128xbf16>
      tpu.vector_store %arg10[%swap3A_429, %swap3A_430, %swap3A_431], %swap3A_434 {strides = array<i32>} : memref<20x512x128xbf16, #tpu.memory_space<vmem>>, vector<1x512x128xbf16>,
    } else {
    }
    %gt3A_18 = arith.constant 4 : i32
    %gt3A_19 = arith.cmpi sgt, %get3A_0, %gt3A_18 : i32
    %convert_element_type3A_20 = arith.extui %gt3A_19 : i1 to i32
    %cond3A_21 = arith.constant 0 : i32
    %cond3A_22 = arith.cmpi ne, %convert_element_type3A_20, %cond3A_21 : i32
    scf.if %cond3A_22 {
      %get3A_405 = arith.constant 0 : index
      %get3A_406 = arith.constant 4 : index
      %get3A_407 = vector.load %arg2[%get3A_405, %get3A_406] : memref<512x64xi32, #tpu.memory_space<vmem>>, vector<512x1xi32>
      %get3A_408 = arith.constant 0 : index
      %get3A_409 = arith.constant 24 : index
      %get3A_410 = vector.load %arg2[%get3A_408, %get3A_409] : memref<512x64xi32, #tpu.memory_space<vmem>>, vector<512x1xi32>
      %lt3A_411 = arith.constant 264 : i32
      %lt3A_412 = vector.broadcast %lt3A_411 : i32 to vector<512x528xi32>
      %lt3A_413 = arith.cmpi slt, %iota3A, %lt3A_412 : vector<512x528xi32>
      %add3A = arith.constant 264 : i32
      %add3A_414 = vector.broadcast %add3A : i32 to vector<512x1xi32>
      %add3A_415 = arith.addi %get3A_410, %add3A_414 : vector<512x1xi32>
      %broadcast_in_dim3A_416 = vector.shape_cast %get3A_407 : vector<512x1xi32> to vector<512x1xi32>
      %broadcast_in_dim3A_417 = vector.broadcast %broadcast_in_dim3A_416 : vector<512x1xi32> to vector<512x528xi32>
      %broadcast_in_dim3A_418 = vector.shape_cast %add3A_415 : vector<512x1xi32> to vector<512x1xi32>
      %broadcast_in_dim3A_419 = vector.broadcast %broadcast_in_dim3A_418 : vector<512x1xi32> to vector<512x528xi32>
      %select_n3A_420 = arith.select %lt3A_413, %broadcast_in_dim3A_417, %broadcast_in_dim3A_419 : vector<512x528xi1>, vector<512x528xi32>
      %eq3A = arith.cmpi eq, %select_n3A_420, %iota3A : vector<512x528xi32>
      %convert_element_type3A_421 = arith.extui %eq3A : vector<512x528xi1> to vector<512x528xi32>
      %convert_element_type3A_422 = arith.sitofp %convert_element_type3A_421 : vector<512x528xi32> to vector<512x528xf32>
      %convert_element_type3A_423 = arith.truncf %convert_element_type3A_422 : vector<512x528xf32> to vector<512x528xbf16>
      %get3A_424 = arith.constant 0 : index
      %get3A_425 = arith.constant 0 : index
      %get3A_426 = vector.load %arg3[%get3A_424, %get3A_425] : memref<528x128xbf16, #tpu.memory_space<vmem>>, vector<528x128xbf16>
      %dot_general3A = arith.constant dense<0.000000e+00> : vector<512x128xf32>
      %dot_general3A_427 = tpu.matmul %convert_element_type3A_423, %get3A_426, %dot_general3A {dimension_numbers = #tpu.dot_dimension_numbers<[1], [0], [0], [1], [0, 0, 1, 1], [], []>, transpose_lhs_hint = false} : vector<512x528xbf16>, vector<528x128xbf16>, vector<512x128xf32> -> vector<512x128xf32>
      %convert_element_type3A_428 = arith.truncf %dot_general3A_427 : vector<512x128xf32> to vector<512x128xbf16>
      %swap3A_429 = arith.constant 4 : index
      %swap3A_430 = arith.constant 0 : index
      %swap3A_431 = arith.constant 0 : index
      %swap3A_432 = vector.load %arg10[%swap3A_429, %swap3A_430, %swap3A_431] : memref<20x512x128xbf16, #tpu.memory_space<vmem>>, vector<1x512x128xbf16>
      %swap3A_433 = vector.shape_cast %swap3A_432 : vector<1x512x128xbf16> to vector<512x128xbf16>
      %swap3A_434 = vector.shape_cast %convert_element_type3A_428 : vector<512x128xbf16> to vector<1x512x128xbf16>
      tpu.vector_store %arg10[%swap3A_429, %swap3A_430, %swap3A_431], %swap3A_434 {strides = array<i32>} : memref<20x512x128xbf16, #tpu.memory_space<vmem>>, vector<1x512x128xbf16>,
    } else {
    }
    %gt3A_23 = arith.constant 5 : i32
    %gt3A_24 = arith.cmpi sgt, %get3A_0, %gt3A_23 : i32
    %convert_element_type3A_25 = arith.extui %gt3A_24 : i1 to i32
    %cond3A_26 = arith.constant 0 : i32
    %cond3A_27 = arith.cmpi ne, %convert_element_type3A_25, %cond3A_26 : i32
    scf.if %cond3A_27 {
      %get3A_405 = arith.constant 0 : index
      %get3A_406 = arith.constant 5 : index
      %get3A_407 = vector.load %arg2[%get3A_405, %get3A_406] : memref<512x64xi32, #tpu.memory_space<vmem>>, vector<512x1xi32>
      %get3A_408 = arith.constant 0 : index
      %get3A_409 = arith.constant 25 : index
      %get3A_410 = vector.load %arg2[%get3A_408, %get3A_409] : memref<512x64xi32, #tpu.memory_space<vmem>>, vector<512x1xi32>
      %lt3A_411 = arith.constant 264 : i32
      %lt3A_412 = vector.broadcast %lt3A_411 : i32 to vector<512x528xi32>
      %lt3A_413 = arith.cmpi slt, %iota3A, %lt3A_412 : vector<512x528xi32>
      %add3A = arith.constant 264 : i32
      %add3A_414 = vector.broadcast %add3A : i32 to vector<512x1xi32>
      %add3A_415 = arith.addi %get3A_410, %add3A_414 : vector<512x1xi32>
      %broadcast_in_dim3A_416 = vector.shape_cast %get3A_407 : vector<512x1xi32> to vector<512x1xi32>
      %broadcast_in_dim3A_417 = vector.broadcast %broadcast_in_dim3A_416 : vector<512x1xi32> to vector<512x528xi32>
      %broadcast_in_dim3A_418 = vector.shape_cast %add3A_415 : vector<512x1xi32> to vector<512x1xi32>
      %broadcast_in_dim3A_419 = vector.broadcast %broadcast_in_dim3A_418 : vector<512x1xi32> to vector<512x528xi32>
      %select_n3A_420 = arith.select %lt3A_413, %broadcast_in_dim3A_417, %broadcast_in_dim3A_419 : vector<512x528xi1>, vector<512x528xi32>
      %eq3A = arith.cmpi eq, %select_n3A_420, %iota3A : vector<512x528xi32>
      %convert_element_type3A_421 = arith.extui %eq3A : vector<512x528xi1> to vector<512x528xi32>
      %convert_element_type3A_422 = arith.sitofp %convert_element_type3A_421 : vector<512x528xi32> to vector<512x528xf32>
      %convert_element_type3A_423 = arith.truncf %convert_element_type3A_422 : vector<512x528xf32> to vector<512x528xbf16>
      %get3A_424 = arith.constant 0 : index
      %get3A_425 = arith.constant 0 : index
      %get3A_426 = vector.load %arg3[%get3A_424, %get3A_425] : memref<528x128xbf16, #tpu.memory_space<vmem>>, vector<528x128xbf16>
      %dot_general3A = arith.constant dense<0.000000e+00> : vector<512x128xf32>
      %dot_general3A_427 = tpu.matmul %convert_element_type3A_423, %get3A_426, %dot_general3A {dimension_numbers = #tpu.dot_dimension_numbers<[1], [0], [0], [1], [0, 0, 1, 1], [], []>, transpose_lhs_hint = false} : vector<512x528xbf16>, vector<528x128xbf16>, vector<512x128xf32> -> vector<512x128xf32>
      %convert_element_type3A_428 = arith.truncf %dot_general3A_427 : vector<512x128xf32> to vector<512x128xbf16>
      %swap3A_429 = arith.constant 5 : index
      %swap3A_430 = arith.constant 0 : index
      %swap3A_431 = arith.constant 0 : index
      %swap3A_432 = vector.load %arg10[%swap3A_429, %swap3A_430, %swap3A_431] : memref<20x512x128xbf16, #tpu.memory_space<vmem>>, vector<1x512x128xbf16>
      %swap3A_433 = vector.shape_cast %swap3A_432 : vector<1x512x128xbf16> to vector<512x128xbf16>
      %swap3A_434 = vector.shape_cast %convert_element_type3A_428 : vector<512x128xbf16> to vector<1x512x128xbf16>
      tpu.vector_store %arg10[%swap3A_429, %swap3A_430, %swap3A_431], %swap3A_434 {strides = array<i32>} : memref<20x512x128xbf16, #tpu.memory_space<vmem>>, vector<1x512x128xbf16>,
    } else {
    }
    %gt3A_28 = arith.constant 6 : i32
    %gt3A_29 = arith.cmpi sgt, %get3A_0, %gt3A_28 : i32
    %convert_element_type3A_30 = arith.extui %gt3A_29 : i1 to i32
    %cond3A_31 = arith.constant 0 : i32
    %cond3A_32 = arith.cmpi ne, %convert_element_type3A_30, %cond3A_31 : i32
    scf.if %cond3A_32 {
      %get3A_405 = arith.constant 0 : index
      %get3A_406 = arith.constant 6 : index
      %get3A_407 = vector.load %arg2[%get3A_405, %get3A_406] : memref<512x64xi32, #tpu.memory_space<vmem>>, vector<512x1xi32>
      %get3A_408 = arith.constant 0 : index
      %get3A_409 = arith.constant 26 : index
      %get3A_410 = vector.load %arg2[%get3A_408, %get3A_409] : memref<512x64xi32, #tpu.memory_space<vmem>>, vector<512x1xi32>
      %lt3A_411 = arith.constant 264 : i32
      %lt3A_412 = vector.broadcast %lt3A_411 : i32 to vector<512x528xi32>
      %lt3A_413 = arith.cmpi slt, %iota3A, %lt3A_412 : vector<512x528xi32>
      %add3A = arith.constant 264 : i32
      %add3A_414 = vector.broadcast %add3A : i32 to vector<512x1xi32>
      %add3A_415 = arith.addi %get3A_410, %add3A_414 : vector<512x1xi32>
      %broadcast_in_dim3A_416 = vector.shape_cast %get3A_407 : vector<512x1xi32> to vector<512x1xi32>
      %broadcast_in_dim3A_417 = vector.broadcast %broadcast_in_dim3A_416 : vector<512x1xi32> to vector<512x528xi32>
      %broadcast_in_dim3A_418 = vector.shape_cast %add3A_415 : vector<512x1xi32> to vector<512x1xi32>
      %broadcast_in_dim3A_419 = vector.broadcast %broadcast_in_dim3A_418 : vector<512x1xi32> to vector<512x528xi32>
      %select_n3A_420 = arith.select %lt3A_413, %broadcast_in_dim3A_417, %broadcast_in_dim3A_419 : vector<512x528xi1>, vector<512x528xi32>
      %eq3A = arith.cmpi eq, %select_n3A_420, %iota3A : vector<512x528xi32>
      %convert_element_type3A_421 = arith.extui %eq3A : vector<512x528xi1> to vector<512x528xi32>
      %convert_element_type3A_422 = arith.sitofp %convert_element_type3A_421 : vector<512x528xi32> to vector<512x528xf32>
      %convert_element_type3A_423 = arith.truncf %convert_element_type3A_422 : vector<512x528xf32> to vector<512x528xbf16>
      %get3A_424 = arith.constant 0 : index
      %get3A_425 = arith.constant 0 : index
      %get3A_426 = vector.load %arg3[%get3A_424, %get3A_425] : memref<528x128xbf16, #tpu.memory_space<vmem>>, vector<528x128xbf16>
      %dot_general3A = arith.constant dense<0.000000e+00> : vector<512x128xf32>
      %dot_general3A_427 = tpu.matmul %convert_element_type3A_423, %get3A_426, %dot_general3A {dimension_numbers = #tpu.dot_dimension_numbers<[1], [0], [0], [1], [0, 0, 1, 1], [], []>, transpose_lhs_hint = false} : vector<512x528xbf16>, vector<528x128xbf16>, vector<512x128xf32> -> vector<512x128xf32>
      %convert_element_type3A_428 = arith.truncf %dot_general3A_427 : vector<512x128xf32> to vector<512x128xbf16>
      %swap3A_429 = arith.constant 6 : index
      %swap3A_430 = arith.constant 0 : index
      %swap3A_431 = arith.constant 0 : index
      %swap3A_432 = vector.load %arg10[%swap3A_429, %swap3A_430, %swap3A_431] : memref<20x512x128xbf16, #tpu.memory_space<vmem>>, vector<1x512x128xbf16>
      %swap3A_433 = vector.shape_cast %swap3A_432 : vector<1x512x128xbf16> to vector<512x128xbf16>
      %swap3A_434 = vector.shape_cast %convert_element_type3A_428 : vector<512x128xbf16> to vector<1x512x128xbf16>
      tpu.vector_store %arg10[%swap3A_429, %swap3A_430, %swap3A_431], %swap3A_434 {strides = array<i32>} : memref<20x512x128xbf16, #tpu.memory_space<vmem>>, vector<1x512x128xbf16>,
    } else {
    }
    %gt3A_33 = arith.constant 7 : i32
    %gt3A_34 = arith.cmpi sgt, %get3A_0, %gt3A_33 : i32
    %convert_element_type3A_35 = arith.extui %gt3A_34 : i1 to i32
    %cond3A_36 = arith.constant 0 : i32
    %cond3A_37 = arith.cmpi ne, %convert_element_type3A_35, %cond3A_36 : i32
    scf.if %cond3A_37 {
      %get3A_405 = arith.constant 0 : index
      %get3A_406 = arith.constant 7 : index
      %get3A_407 = vector.load %arg2[%get3A_405, %get3A_406] : memref<512x64xi32, #tpu.memory_space<vmem>>, vector<512x1xi32>
      %get3A_408 = arith.constant 0 : index
      %get3A_409 = arith.constant 27 : index
      %get3A_410 = vector.load %arg2[%get3A_408, %get3A_409] : memref<512x64xi32, #tpu.memory_space<vmem>>, vector<512x1xi32>
      %lt3A_411 = arith.constant 264 : i32
      %lt3A_412 = vector.broadcast %lt3A_411 : i32 to vector<512x528xi32>
      %lt3A_413 = arith.cmpi slt, %iota3A, %lt3A_412 : vector<512x528xi32>
      %add3A = arith.constant 264 : i32
      %add3A_414 = vector.broadcast %add3A : i32 to vector<512x1xi32>
      %add3A_415 = arith.addi %get3A_410, %add3A_414 : vector<512x1xi32>
      %broadcast_in_dim3A_416 = vector.shape_cast %get3A_407 : vector<512x1xi32> to vector<512x1xi32>
      %broadcast_in_dim3A_417 = vector.broadcast %broadcast_in_dim3A_416 : vector<512x1xi32> to vector<512x528xi32>
      %broadcast_in_dim3A_418 = vector.shape_cast %add3A_415 : vector<512x1xi32> to vector<512x1xi32>
      %broadcast_in_dim3A_419 = vector.broadcast %broadcast_in_dim3A_418 : vector<512x1xi32> to vector<512x528xi32>
      %select_n3A_420 = arith.select %lt3A_413, %broadcast_in_dim3A_417, %broadcast_in_dim3A_419 : vector<512x528xi1>, vector<512x528xi32>
      %eq3A = arith.cmpi eq, %select_n3A_420, %iota3A : vector<512x528xi32>
      %convert_element_type3A_421 = arith.extui %eq3A : vector<512x528xi1> to vector<512x528xi32>
      %convert_element_type3A_422 = arith.sitofp %convert_element_type3A_421 : vector<512x528xi32> to vector<512x528xf32>
      %convert_element_type3A_423 = arith.truncf %convert_element_type3A_422 : vector<512x528xf32> to vector<512x528xbf16>
      %get3A_424 = arith.constant 0 : index
      %get3A_425 = arith.constant 0 : index
      %get3A_426 = vector.load %arg3[%get3A_424, %get3A_425] : memref<528x128xbf16, #tpu.memory_space<vmem>>, vector<528x128xbf16>
      %dot_general3A = arith.constant dense<0.000000e+00> : vector<512x128xf32>
      %dot_general3A_427 = tpu.matmul %convert_element_type3A_423, %get3A_426, %dot_general3A {dimension_numbers = #tpu.dot_dimension_numbers<[1], [0], [0], [1], [0, 0, 1, 1], [], []>, transpose_lhs_hint = false} : vector<512x528xbf16>, vector<528x128xbf16>, vector<512x128xf32> -> vector<512x128xf32>
      %convert_element_type3A_428 = arith.truncf %dot_general3A_427 : vector<512x128xf32> to vector<512x128xbf16>
      %swap3A_429 = arith.constant 7 : index
      %swap3A_430 = arith.constant 0 : index
      %swap3A_431 = arith.constant 0 : index
      %swap3A_432 = vector.load %arg10[%swap3A_429, %swap3A_430, %swap3A_431] : memref<20x512x128xbf16, #tpu.memory_space<vmem>>, vector<1x512x128xbf16>
      %swap3A_433 = vector.shape_cast %swap3A_432 : vector<1x512x128xbf16> to vector<512x128xbf16>
      %swap3A_434 = vector.shape_cast %convert_element_type3A_428 : vector<512x128xbf16> to vector<1x512x128xbf16>
      tpu.vector_store %arg10[%swap3A_429, %swap3A_430, %swap3A_431], %swap3A_434 {strides = array<i32>} : memref<20x512x128xbf16, #tpu.memory_space<vmem>>, vector<1x512x128xbf16>,
    } else {
    }
    %gt3A_38 = arith.constant 8 : i32
    %gt3A_39 = arith.cmpi sgt, %get3A_0, %gt3A_38 : i32
    %convert_element_type3A_40 = arith.extui %gt3A_39 : i1 to i32
    %cond3A_41 = arith.constant 0 : i32
    %cond3A_42 = arith.cmpi ne, %convert_element_type3A_40, %cond3A_41 : i32
    scf.if %cond3A_42 {
      %get3A_405 = arith.constant 0 : index
      %get3A_406 = arith.constant 8 : index
      %get3A_407 = vector.load %arg2[%get3A_405, %get3A_406] : memref<512x64xi32, #tpu.memory_space<vmem>>, vector<512x1xi32>
      %get3A_408 = arith.constant 0 : index
      %get3A_409 = arith.constant 28 : index
      %get3A_410 = vector.load %arg2[%get3A_408, %get3A_409] : memref<512x64xi32, #tpu.memory_space<vmem>>, vector<512x1xi32>
      %lt3A_411 = arith.constant 264 : i32
      %lt3A_412 = vector.broadcast %lt3A_411 : i32 to vector<512x528xi32>
      %lt3A_413 = arith.cmpi slt, %iota3A, %lt3A_412 : vector<512x528xi32>
      %add3A = arith.constant 264 : i32
      %add3A_414 = vector.broadcast %add3A : i32 to vector<512x1xi32>
      %add3A_415 = arith.addi %get3A_410, %add3A_414 : vector<512x1xi32>
      %broadcast_in_dim3A_416 = vector.shape_cast %get3A_407 : vector<512x1xi32> to vector<512x1xi32>
      %broadcast_in_dim3A_417 = vector.broadcast %broadcast_in_dim3A_416 : vector<512x1xi32> to vector<512x528xi32>
      %broadcast_in_dim3A_418 = vector.shape_cast %add3A_415 : vector<512x1xi32> to vector<512x1xi32>
      %broadcast_in_dim3A_419 = vector.broadcast %broadcast_in_dim3A_418 : vector<512x1xi32> to vector<512x528xi32>
      %select_n3A_420 = arith.select %lt3A_413, %broadcast_in_dim3A_417, %broadcast_in_dim3A_419 : vector<512x528xi1>, vector<512x528xi32>
      %eq3A = arith.cmpi eq, %select_n3A_420, %iota3A : vector<512x528xi32>
      %convert_element_type3A_421 = arith.extui %eq3A : vector<512x528xi1> to vector<512x528xi32>
      %convert_element_type3A_422 = arith.sitofp %convert_element_type3A_421 : vector<512x528xi32> to vector<512x528xf32>
      %convert_element_type3A_423 = arith.truncf %convert_element_type3A_422 : vector<512x528xf32> to vector<512x528xbf16>
      %get3A_424 = arith.constant 0 : index
      %get3A_425 = arith.constant 0 : index
      %get3A_426 = vector.load %arg3[%get3A_424, %get3A_425] : memref<528x128xbf16, #tpu.memory_space<vmem>>, vector<528x128xbf16>
      %dot_general3A = arith.constant dense<0.000000e+00> : vector<512x128xf32>
      %dot_general3A_427 = tpu.matmul %convert_element_type3A_423, %get3A_426, %dot_general3A {dimension_numbers = #tpu.dot_dimension_numbers<[1], [0], [0], [1], [0, 0, 1, 1], [], []>, transpose_lhs_hint = false} : vector<512x528xbf16>, vector<528x128xbf16>, vector<512x128xf32> -> vector<512x128xf32>
      %convert_element_type3A_428 = arith.truncf %dot_general3A_427 : vector<512x128xf32> to vector<512x128xbf16>
      %swap3A_429 = arith.constant 8 : index
      %swap3A_430 = arith.constant 0 : index
      %swap3A_431 = arith.constant 0 : index
      %swap3A_432 = vector.load %arg10[%swap3A_429, %swap3A_430, %swap3A_431] : memref<20x512x128xbf16, #tpu.memory_space<vmem>>, vector<1x512x128xbf16>
      %swap3A_433 = vector.shape_cast %swap3A_432 : vector<1x512x128xbf16> to vector<512x128xbf16>
      %swap3A_434 = vector.shape_cast %convert_element_type3A_428 : vector<512x128xbf16> to vector<1x512x128xbf16>
      tpu.vector_store %arg10[%swap3A_429, %swap3A_430, %swap3A_431], %swap3A_434 {strides = array<i32>} : memref<20x512x128xbf16, #tpu.memory_space<vmem>>, vector<1x512x128xbf16>,
    } else {
    }
    %gt3A_43 = arith.constant 9 : i32
    %gt3A_44 = arith.cmpi sgt, %get3A_0, %gt3A_43 : i32
    %convert_element_type3A_45 = arith.extui %gt3A_44 : i1 to i32
    %cond3A_46 = arith.constant 0 : i32
    %cond3A_47 = arith.cmpi ne, %convert_element_type3A_45, %cond3A_46 : i32
    scf.if %cond3A_47 {
      %get3A_405 = arith.constant 0 : index
      %get3A_406 = arith.constant 9 : index
      %get3A_407 = vector.load %arg2[%get3A_405, %get3A_406] : memref<512x64xi32, #tpu.memory_space<vmem>>, vector<512x1xi32>
      %get3A_408 = arith.constant 0 : index
      %get3A_409 = arith.constant 29 : index
      %get3A_410 = vector.load %arg2[%get3A_408, %get3A_409] : memref<512x64xi32, #tpu.memory_space<vmem>>, vector<512x1xi32>
      %lt3A_411 = arith.constant 264 : i32
      %lt3A_412 = vector.broadcast %lt3A_411 : i32 to vector<512x528xi32>
      %lt3A_413 = arith.cmpi slt, %iota3A, %lt3A_412 : vector<512x528xi32>
      %add3A = arith.constant 264 : i32
      %add3A_414 = vector.broadcast %add3A : i32 to vector<512x1xi32>
      %add3A_415 = arith.addi %get3A_410, %add3A_414 : vector<512x1xi32>
      %broadcast_in_dim3A_416 = vector.shape_cast %get3A_407 : vector<512x1xi32> to vector<512x1xi32>
      %broadcast_in_dim3A_417 = vector.broadcast %broadcast_in_dim3A_416 : vector<512x1xi32> to vector<512x528xi32>
      %broadcast_in_dim3A_418 = vector.shape_cast %add3A_415 : vector<512x1xi32> to vector<512x1xi32>
      %broadcast_in_dim3A_419 = vector.broadcast %broadcast_in_dim3A_418 : vector<512x1xi32> to vector<512x528xi32>
      %select_n3A_420 = arith.select %lt3A_413, %broadcast_in_dim3A_417, %broadcast_in_dim3A_419 : vector<512x528xi1>, vector<512x528xi32>
      %eq3A = arith.cmpi eq, %select_n3A_420, %iota3A : vector<512x528xi32>
      %convert_element_type3A_421 = arith.extui %eq3A : vector<512x528xi1> to vector<512x528xi32>
      %convert_element_type3A_422 = arith.sitofp %convert_element_type3A_421 : vector<512x528xi32> to vector<512x528xf32>
      %convert_element_type3A_423 = arith.truncf %convert_element_type3A_422 : vector<512x528xf32> to vector<512x528xbf16>
      %get3A_424 = arith.constant 0 : index
      %get3A_425 = arith.constant 0 : index
      %get3A_426 = vector.load %arg3[%get3A_424, %get3A_425] : memref<528x128xbf16, #tpu.memory_space<vmem>>, vector<528x128xbf16>
      %dot_general3A = arith.constant dense<0.000000e+00> : vector<512x128xf32>
      %dot_general3A_427 = tpu.matmul %convert_element_type3A_423, %get3A_426, %dot_general3A {dimension_numbers = #tpu.dot_dimension_numbers<[1], [0], [0], [1], [0, 0, 1, 1], [], []>, transpose_lhs_hint = false} : vector<512x528xbf16>, vector<528x128xbf16>, vector<512x128xf32> -> vector<512x128xf32>
      %convert_element_type3A_428 = arith.truncf %dot_general3A_427 : vector<512x128xf32> to vector<512x128xbf16>
      %swap3A_429 = arith.constant 9 : index
      %swap3A_430 = arith.constant 0 : index
      %swap3A_431 = arith.constant 0 : index
      %swap3A_432 = vector.load %arg10[%swap3A_429, %swap3A_430, %swap3A_431] : memref<20x512x128xbf16, #tpu.memory_space<vmem>>, vector<1x512x128xbf16>
      %swap3A_433 = vector.shape_cast %swap3A_432 : vector<1x512x128xbf16> to vector<512x128xbf16>
      %swap3A_434 = vector.shape_cast %convert_element_type3A_428 : vector<512x128xbf16> to vector<1x512x128xbf16>
      tpu.vector_store %arg10[%swap3A_429, %swap3A_430, %swap3A_431], %swap3A_434 {strides = array<i32>} : memref<20x512x128xbf16, #tpu.memory_space<vmem>>, vector<1x512x128xbf16>,
    } else {
    }
    %gt3A_48 = arith.constant 10 : i32
    %gt3A_49 = arith.cmpi sgt, %get3A_0, %gt3A_48 : i32
    %convert_element_type3A_50 = arith.extui %gt3A_49 : i1 to i32
    %cond3A_51 = arith.constant 0 : i32
    %cond3A_52 = arith.cmpi ne, %convert_element_type3A_50, %cond3A_51 : i32
    scf.if %cond3A_52 {
      %get3A_405 = arith.constant 0 : index
      %get3A_406 = arith.constant 10 : index
      %get3A_407 = vector.load %arg2[%get3A_405, %get3A_406] : memref<512x64xi32, #tpu.memory_space<vmem>>, vector<512x1xi32>
      %get3A_408 = arith.constant 0 : index
      %get3A_409 = arith.constant 30 : index
      %get3A_410 = vector.load %arg2[%get3A_408, %get3A_409] : memref<512x64xi32, #tpu.memory_space<vmem>>, vector<512x1xi32>
      %lt3A_411 = arith.constant 264 : i32
      %lt3A_412 = vector.broadcast %lt3A_411 : i32 to vector<512x528xi32>
      %lt3A_413 = arith.cmpi slt, %iota3A, %lt3A_412 : vector<512x528xi32>
      %add3A = arith.constant 264 : i32
      %add3A_414 = vector.broadcast %add3A : i32 to vector<512x1xi32>
      %add3A_415 = arith.addi %get3A_410, %add3A_414 : vector<512x1xi32>
      %broadcast_in_dim3A_416 = vector.shape_cast %get3A_407 : vector<512x1xi32> to vector<512x1xi32>
      %broadcast_in_dim3A_417 = vector.broadcast %broadcast_in_dim3A_416 : vector<512x1xi32> to vector<512x528xi32>
      %broadcast_in_dim3A_418 = vector.shape_cast %add3A_415 : vector<512x1xi32> to vector<512x1xi32>
      %broadcast_in_dim3A_419 = vector.broadcast %broadcast_in_dim3A_418 : vector<512x1xi32> to vector<512x528xi32>
      %select_n3A_420 = arith.select %lt3A_413, %broadcast_in_dim3A_417, %broadcast_in_dim3A_419 : vector<512x528xi1>, vector<512x528xi32>
      %eq3A = arith.cmpi eq, %select_n3A_420, %iota3A : vector<512x528xi32>
      %convert_element_type3A_421 = arith.extui %eq3A : vector<512x528xi1> to vector<512x528xi32>
      %convert_element_type3A_422 = arith.sitofp %convert_element_type3A_421 : vector<512x528xi32> to vector<512x528xf32>
      %convert_element_type3A_423 = arith.truncf %convert_element_type3A_422 : vector<512x528xf32> to vector<512x528xbf16>
      %get3A_424 = arith.constant 0 : index
      %get3A_425 = arith.constant 0 : index
      %get3A_426 = vector.load %arg3[%get3A_424, %get3A_425] : memref<528x128xbf16, #tpu.memory_space<vmem>>, vector<528x128xbf16>
      %dot_general3A = arith.constant dense<0.000000e+00> : vector<512x128xf32>
      %dot_general3A_427 = tpu.matmul %convert_element_type3A_423, %get3A_426, %dot_general3A {dimension_numbers = #tpu.dot_dimension_numbers<[1], [0], [0], [1], [0, 0, 1, 1], [], []>, transpose_lhs_hint = false} : vector<512x528xbf16>, vector<528x128xbf16>, vector<512x128xf32> -> vector<512x128xf32>
      %convert_element_type3A_428 = arith.truncf %dot_general3A_427 : vector<512x128xf32> to vector<512x128xbf16>
      %swap3A_429 = arith.constant 10 : index
      %swap3A_430 = arith.constant 0 : index
      %swap3A_431 = arith.constant 0 : index
      %swap3A_432 = vector.load %arg10[%swap3A_429, %swap3A_430, %swap3A_431] : memref<20x512x128xbf16, #tpu.memory_space<vmem>>, vector<1x512x128xbf16>
      %swap3A_433 = vector.shape_cast %swap3A_432 : vector<1x512x128xbf16> to vector<512x128xbf16>
      %swap3A_434 = vector.shape_cast %convert_element_type3A_428 : vector<512x128xbf16> to vector<1x512x128xbf16>
      tpu.vector_store %arg10[%swap3A_429, %swap3A_430, %swap3A_431], %swap3A_434 {strides = array<i32>} : memref<20x512x128xbf16, #tpu.memory_space<vmem>>, vector<1x512x128xbf16>,
    } else {
    }
    %gt3A_53 = arith.constant 11 : i32
    %gt3A_54 = arith.cmpi sgt, %get3A_0, %gt3A_53 : i32
    %convert_element_type3A_55 = arith.extui %gt3A_54 : i1 to i32
    %cond3A_56 = arith.constant 0 : i32
    %cond3A_57 = arith.cmpi ne, %convert_element_type3A_55, %cond3A_56 : i32
    scf.if %cond3A_57 {
      %get3A_405 = arith.constant 0 : index
      %get3A_406 = arith.constant 11 : index
      %get3A_407 = vector.load %arg2[%get3A_405, %get3A_406] : memref<512x64xi32, #tpu.memory_space<vmem>>, vector<512x1xi32>
      %get3A_408 = arith.constant 0 : index
      %get3A_409 = arith.constant 31 : index
      %get3A_410 = vector.load %arg2[%get3A_408, %get3A_409] : memref<512x64xi32, #tpu.memory_space<vmem>>, vector<512x1xi32>
      %lt3A_411 = arith.constant 264 : i32
      %lt3A_412 = vector.broadcast %lt3A_411 : i32 to vector<512x528xi32>
      %lt3A_413 = arith.cmpi slt, %iota3A, %lt3A_412 : vector<512x528xi32>
      %add3A = arith.constant 264 : i32
      %add3A_414 = vector.broadcast %add3A : i32 to vector<512x1xi32>
      %add3A_415 = arith.addi %get3A_410, %add3A_414 : vector<512x1xi32>
      %broadcast_in_dim3A_416 = vector.shape_cast %get3A_407 : vector<512x1xi32> to vector<512x1xi32>
      %broadcast_in_dim3A_417 = vector.broadcast %broadcast_in_dim3A_416 : vector<512x1xi32> to vector<512x528xi32>
      %broadcast_in_dim3A_418 = vector.shape_cast %add3A_415 : vector<512x1xi32> to vector<512x1xi32>
      %broadcast_in_dim3A_419 = vector.broadcast %broadcast_in_dim3A_418 : vector<512x1xi32> to vector<512x528xi32>
      %select_n3A_420 = arith.select %lt3A_413, %broadcast_in_dim3A_417, %broadcast_in_dim3A_419 : vector<512x528xi1>, vector<512x528xi32>
      %eq3A = arith.cmpi eq, %select_n3A_420, %iota3A : vector<512x528xi32>
      %convert_element_type3A_421 = arith.extui %eq3A : vector<512x528xi1> to vector<512x528xi32>
      %convert_element_type3A_422 = arith.sitofp %convert_element_type3A_421 : vector<512x528xi32> to vector<512x528xf32>
      %convert_element_type3A_423 = arith.truncf %convert_element_type3A_422 : vector<512x528xf32> to vector<512x528xbf16>
      %get3A_424 = arith.constant 0 : index
      %get3A_425 = arith.constant 0 : index
      %get3A_426 = vector.load %arg3[%get3A_424, %get3A_425] : memref<528x128xbf16, #tpu.memory_space<vmem>>, vector<528x128xbf16>
      %dot_general3A = arith.constant dense<0.000000e+00> : vector<512x128xf32>
      %dot_general3A_427 = tpu.matmul %convert_element_type3A_423, %get3A_426, %dot_general3A {dimension_numbers = #tpu.dot_dimension_numbers<[1], [0], [0], [1], [0, 0, 1, 1], [], []>, transpose_lhs_hint = false} : vector<512x528xbf16>, vector<528x128xbf16>, vector<512x128xf32> -> vector<512x128xf32>
      %convert_element_type3A_428 = arith.truncf %dot_general3A_427 : vector<512x128xf32> to vector<512x128xbf16>
      %swap3A_429 = arith.constant 11 : index
      %swap3A_430 = arith.constant 0 : index
      %swap3A_431 = arith.constant 0 : index
      %swap3A_432 = vector.load %arg10[%swap3A_429, %swap3A_430, %swap3A_431] : memref<20x512x128xbf16, #tpu.memory_space<vmem>>, vector<1x512x128xbf16>
      %swap3A_433 = vector.shape_cast %swap3A_432 : vector<1x512x128xbf16> to vector<512x128xbf16>
      %swap3A_434 = vector.shape_cast %convert_element_type3A_428 : vector<512x128xbf16> to vector<1x512x128xbf16>
      tpu.vector_store %arg10[%swap3A_429, %swap3A_430, %swap3A_431], %swap3A_434 {strides = array<i32>} : memref<20x512x128xbf16, #tpu.memory_space<vmem>>, vector<1x512x128xbf16>,
    } else {
    }
    %gt3A_58 = arith.constant 12 : i32
    %gt3A_59 = arith.cmpi sgt, %get3A_0, %gt3A_58 : i32
    %convert_element_type3A_60 = arith.extui %gt3A_59 : i1 to i32
    %cond3A_61 = arith.constant 0 : i32
    %cond3A_62 = arith.cmpi ne, %convert_element_type3A_60, %cond3A_61 : i32
    scf.if %cond3A_62 {
      %get3A_405 = arith.constant 0 : index
      %get3A_406 = arith.constant 12 : index
      %get3A_407 = vector.load %arg2[%get3A_405, %get3A_406] : memref<512x64xi32, #tpu.memory_space<vmem>>, vector<512x1xi32>
      %get3A_408 = arith.constant 0 : index
      %get3A_409 = arith.constant 32 : index
      %get3A_410 = vector.load %arg2[%get3A_408, %get3A_409] : memref<512x64xi32, #tpu.memory_space<vmem>>, vector<512x1xi32>
      %lt3A_411 = arith.constant 264 : i32
      %lt3A_412 = vector.broadcast %lt3A_411 : i32 to vector<512x528xi32>
      %lt3A_413 = arith.cmpi slt, %iota3A, %lt3A_412 : vector<512x528xi32>
      %add3A = arith.constant 264 : i32
      %add3A_414 = vector.broadcast %add3A : i32 to vector<512x1xi32>
      %add3A_415 = arith.addi %get3A_410, %add3A_414 : vector<512x1xi32>
      %broadcast_in_dim3A_416 = vector.shape_cast %get3A_407 : vector<512x1xi32> to vector<512x1xi32>
      %broadcast_in_dim3A_417 = vector.broadcast %broadcast_in_dim3A_416 : vector<512x1xi32> to vector<512x528xi32>
      %broadcast_in_dim3A_418 = vector.shape_cast %add3A_415 : vector<512x1xi32> to vector<512x1xi32>
      %broadcast_in_dim3A_419 = vector.broadcast %broadcast_in_dim3A_418 : vector<512x1xi32> to vector<512x528xi32>
      %select_n3A_420 = arith.select %lt3A_413, %broadcast_in_dim3A_417, %broadcast_in_dim3A_419 : vector<512x528xi1>, vector<512x528xi32>
      %eq3A = arith.cmpi eq, %select_n3A_420, %iota3A : vector<512x528xi32>
      %convert_element_type3A_421 = arith.extui %eq3A : vector<512x528xi1> to vector<512x528xi32>
      %convert_element_type3A_422 = arith.sitofp %convert_element_type3A_421 : vector<512x528xi32> to vector<512x528xf32>
      %convert_element_type3A_423 = arith.truncf %convert_element_type3A_422 : vector<512x528xf32> to vector<512x528xbf16>
      %get3A_424 = arith.constant 0 : index
      %get3A_425 = arith.constant 0 : index
      %get3A_426 = vector.load %arg3[%get3A_424, %get3A_425] : memref<528x128xbf16, #tpu.memory_space<vmem>>, vector<528x128xbf16>
      %dot_general3A = arith.constant dense<0.000000e+00> : vector<512x128xf32>
      %dot_general3A_427 = tpu.matmul %convert_element_type3A_423, %get3A_426, %dot_general3A {dimension_numbers = #tpu.dot_dimension_numbers<[1], [0], [0], [1], [0, 0, 1, 1], [], []>, transpose_lhs_hint = false} : vector<512x528xbf16>, vector<528x128xbf16>, vector<512x128xf32> -> vector<512x128xf32>
      %convert_element_type3A_428 = arith.truncf %dot_general3A_427 : vector<512x128xf32> to vector<512x128xbf16>
      %swap3A_429 = arith.constant 12 : index
      %swap3A_430 = arith.constant 0 : index
      %swap3A_431 = arith.constant 0 : index
      %swap3A_432 = vector.load %arg10[%swap3A_429, %swap3A_430, %swap3A_431] : memref<20x512x128xbf16, #tpu.memory_space<vmem>>, vector<1x512x128xbf16>
      %swap3A_433 = vector.shape_cast %swap3A_432 : vector<1x512x128xbf16> to vector<512x128xbf16>
      %swap3A_434 = vector.shape_cast %convert_element_type3A_428 : vector<512x128xbf16> to vector<1x512x128xbf16>
      tpu.vector_store %arg10[%swap3A_429, %swap3A_430, %swap3A_431], %swap3A_434 {strides = array<i32>} : memref<20x512x128xbf16, #tpu.memory_space<vmem>>, vector<1x512x128xbf16>,
    } else {
    }
    %gt3A_63 = arith.constant 13 : i32
    %gt3A_64 = arith.cmpi sgt, %get3A_0, %gt3A_63 : i32
    %convert_element_type3A_65 = arith.extui %gt3A_64 : i1 to i32
    %cond3A_66 = arith.constant 0 : i32
    %cond3A_67 = arith.cmpi ne, %convert_element_type3A_65, %cond3A_66 : i32
    scf.if %cond3A_67 {
      %get3A_405 = arith.constant 0 : index
      %get3A_406 = arith.constant 13 : index
      %get3A_407 = vector.load %arg2[%get3A_405, %get3A_406] : memref<512x64xi32, #tpu.memory_space<vmem>>, vector<512x1xi32>
      %get3A_408 = arith.constant 0 : index
      %get3A_409 = arith.constant 33 : index
      %get3A_410 = vector.load %arg2[%get3A_408, %get3A_409] : memref<512x64xi32, #tpu.memory_space<vmem>>, vector<512x1xi32>
      %lt3A_411 = arith.constant 264 : i32
      %lt3A_412 = vector.broadcast %lt3A_411 : i32 to vector<512x528xi32>
      %lt3A_413 = arith.cmpi slt, %iota3A, %lt3A_412 : vector<512x528xi32>
      %add3A = arith.constant 264 : i32
      %add3A_414 = vector.broadcast %add3A : i32 to vector<512x1xi32>
      %add3A_415 = arith.addi %get3A_410, %add3A_414 : vector<512x1xi32>
      %broadcast_in_dim3A_416 = vector.shape_cast %get3A_407 : vector<512x1xi32> to vector<512x1xi32>
      %broadcast_in_dim3A_417 = vector.broadcast %broadcast_in_dim3A_416 : vector<512x1xi32> to vector<512x528xi32>
      %broadcast_in_dim3A_418 = vector.shape_cast %add3A_415 : vector<512x1xi32> to vector<512x1xi32>
      %broadcast_in_dim3A_419 = vector.broadcast %broadcast_in_dim3A_418 : vector<512x1xi32> to vector<512x528xi32>
      %select_n3A_420 = arith.select %lt3A_413, %broadcast_in_dim3A_417, %broadcast_in_dim3A_419 : vector<512x528xi1>, vector<512x528xi32>
      %eq3A = arith.cmpi eq, %select_n3A_420, %iota3A : vector<512x528xi32>
      %convert_element_type3A_421 = arith.extui %eq3A : vector<512x528xi1> to vector<512x528xi32>
      %convert_element_type3A_422 = arith.sitofp %convert_element_type3A_421 : vector<512x528xi32> to vector<512x528xf32>
      %convert_element_type3A_423 = arith.truncf %convert_element_type3A_422 : vector<512x528xf32> to vector<512x528xbf16>
      %get3A_424 = arith.constant 0 : index
      %get3A_425 = arith.constant 0 : index
      %get3A_426 = vector.load %arg3[%get3A_424, %get3A_425] : memref<528x128xbf16, #tpu.memory_space<vmem>>, vector<528x128xbf16>
      %dot_general3A = arith.constant dense<0.000000e+00> : vector<512x128xf32>
      %dot_general3A_427 = tpu.matmul %convert_element_type3A_423, %get3A_426, %dot_general3A {dimension_numbers = #tpu.dot_dimension_numbers<[1], [0], [0], [1], [0, 0, 1, 1], [], []>, transpose_lhs_hint = false} : vector<512x528xbf16>, vector<528x128xbf16>, vector<512x128xf32> -> vector<512x128xf32>
      %convert_element_type3A_428 = arith.truncf %dot_general3A_427 : vector<512x128xf32> to vector<512x128xbf16>
      %swap3A_429 = arith.constant 13 : index
      %swap3A_430 = arith.constant 0 : index
      %swap3A_431 = arith.constant 0 : index
      %swap3A_432 = vector.load %arg10[%swap3A_429, %swap3A_430, %swap3A_431] : memref<20x512x128xbf16, #tpu.memory_space<vmem>>, vector<1x512x128xbf16>
      %swap3A_433 = vector.shape_cast %swap3A_432 : vector<1x512x128xbf16> to vector<512x128xbf16>
      %swap3A_434 = vector.shape_cast %convert_element_type3A_428 : vector<512x128xbf16> to vector<1x512x128xbf16>
      tpu.vector_store %arg10[%swap3A_429, %swap3A_430, %swap3A_431], %swap3A_434 {strides = array<i32>} : memref<20x512x128xbf16, #tpu.memory_space<vmem>>, vector<1x512x128xbf16>,
    } else {
    }
    %gt3A_68 = arith.constant 14 : i32
    %gt3A_69 = arith.cmpi sgt, %get3A_0, %gt3A_68 : i32
    %convert_element_type3A_70 = arith.extui %gt3A_69 : i1 to i32
    %cond3A_71 = arith.constant 0 : i32
    %cond3A_72 = arith.cmpi ne, %convert_element_type3A_70, %cond3A_71 : i32
    scf.if %cond3A_72 {
      %get3A_405 = arith.constant 0 : index
      %get3A_406 = arith.constant 14 : index
      %get3A_407 = vector.load %arg2[%get3A_405, %get3A_406] : memref<512x64xi32, #tpu.memory_space<vmem>>, vector<512x1xi32>
      %get3A_408 = arith.constant 0 : index
      %get3A_409 = arith.constant 34 : index
      %get3A_410 = vector.load %arg2[%get3A_408, %get3A_409] : memref<512x64xi32, #tpu.memory_space<vmem>>, vector<512x1xi32>
      %lt3A_411 = arith.constant 264 : i32
      %lt3A_412 = vector.broadcast %lt3A_411 : i32 to vector<512x528xi32>
      %lt3A_413 = arith.cmpi slt, %iota3A, %lt3A_412 : vector<512x528xi32>
      %add3A = arith.constant 264 : i32
      %add3A_414 = vector.broadcast %add3A : i32 to vector<512x1xi32>
      %add3A_415 = arith.addi %get3A_410, %add3A_414 : vector<512x1xi32>
      %broadcast_in_dim3A_416 = vector.shape_cast %get3A_407 : vector<512x1xi32> to vector<512x1xi32>
      %broadcast_in_dim3A_417 = vector.broadcast %broadcast_in_dim3A_416 : vector<512x1xi32> to vector<512x528xi32>
      %broadcast_in_dim3A_418 = vector.shape_cast %add3A_415 : vector<512x1xi32> to vector<512x1xi32>
      %broadcast_in_dim3A_419 = vector.broadcast %broadcast_in_dim3A_418 : vector<512x1xi32> to vector<512x528xi32>
      %select_n3A_420 = arith.select %lt3A_413, %broadcast_in_dim3A_417, %broadcast_in_dim3A_419 : vector<512x528xi1>, vector<512x528xi32>
      %eq3A = arith.cmpi eq, %select_n3A_420, %iota3A : vector<512x528xi32>
      %convert_element_type3A_421 = arith.extui %eq3A : vector<512x528xi1> to vector<512x528xi32>
      %convert_element_type3A_422 = arith.sitofp %convert_element_type3A_421 : vector<512x528xi32> to vector<512x528xf32>
      %convert_element_type3A_423 = arith.truncf %convert_element_type3A_422 : vector<512x528xf32> to vector<512x528xbf16>
      %get3A_424 = arith.constant 0 : index
      %get3A_425 = arith.constant 0 : index
      %get3A_426 = vector.load %arg3[%get3A_424, %get3A_425] : memref<528x128xbf16, #tpu.memory_space<vmem>>, vector<528x128xbf16>
      %dot_general3A = arith.constant dense<0.000000e+00> : vector<512x128xf32>
      %dot_general3A_427 = tpu.matmul %convert_element_type3A_423, %get3A_426, %dot_general3A {dimension_numbers = #tpu.dot_dimension_numbers<[1], [0], [0], [1], [0, 0, 1, 1], [], []>, transpose_lhs_hint = false} : vector<512x528xbf16>, vector<528x128xbf16>, vector<512x128xf32> -> vector<512x128xf32>
      %convert_element_type3A_428 = arith.truncf %dot_general3A_427 : vector<512x128xf32> to vector<512x128xbf16>
      %swap3A_429 = arith.constant 14 : index
      %swap3A_430 = arith.constant 0 : index
      %swap3A_431 = arith.constant 0 : index
      %swap3A_432 = vector.load %arg10[%swap3A_429, %swap3A_430, %swap3A_431] : memref<20x512x128xbf16, #tpu.memory_space<vmem>>, vector<1x512x128xbf16>
      %swap3A_433 = vector.shape_cast %swap3A_432 : vector<1x512x128xbf16> to vector<512x128xbf16>
      %swap3A_434 = vector.shape_cast %convert_element_type3A_428 : vector<512x128xbf16> to vector<1x512x128xbf16>
      tpu.vector_store %arg10[%swap3A_429, %swap3A_430, %swap3A_431], %swap3A_434 {strides = array<i32>} : memref<20x512x128xbf16, #tpu.memory_space<vmem>>, vector<1x512x128xbf16>,
    } else {
    }
    %gt3A_73 = arith.constant 15 : i32
    %gt3A_74 = arith.cmpi sgt, %get3A_0, %gt3A_73 : i32
    %convert_element_type3A_75 = arith.extui %gt3A_74 : i1 to i32
    %cond3A_76 = arith.constant 0 : i32
    %cond3A_77 = arith.cmpi ne, %convert_element_type3A_75, %cond3A_76 : i32
    scf.if %cond3A_77 {
      %get3A_405 = arith.constant 0 : index
      %get3A_406 = arith.constant 15 : index
      %get3A_407 = vector.load %arg2[%get3A_405, %get3A_406] : memref<512x64xi32, #tpu.memory_space<vmem>>, vector<512x1xi32>
      %get3A_408 = arith.constant 0 : index
      %get3A_409 = arith.constant 35 : index
      %get3A_410 = vector.load %arg2[%get3A_408, %get3A_409] : memref<512x64xi32, #tpu.memory_space<vmem>>, vector<512x1xi32>
      %lt3A_411 = arith.constant 264 : i32
      %lt3A_412 = vector.broadcast %lt3A_411 : i32 to vector<512x528xi32>
      %lt3A_413 = arith.cmpi slt, %iota3A, %lt3A_412 : vector<512x528xi32>
      %add3A = arith.constant 264 : i32
      %add3A_414 = vector.broadcast %add3A : i32 to vector<512x1xi32>
      %add3A_415 = arith.addi %get3A_410, %add3A_414 : vector<512x1xi32>
      %broadcast_in_dim3A_416 = vector.shape_cast %get3A_407 : vector<512x1xi32> to vector<512x1xi32>
      %broadcast_in_dim3A_417 = vector.broadcast %broadcast_in_dim3A_416 : vector<512x1xi32> to vector<512x528xi32>
      %broadcast_in_dim3A_418 = vector.shape_cast %add3A_415 : vector<512x1xi32> to vector<512x1xi32>
      %broadcast_in_dim3A_419 = vector.broadcast %broadcast_in_dim3A_418 : vector<512x1xi32> to vector<512x528xi32>
      %select_n3A_420 = arith.select %lt3A_413, %broadcast_in_dim3A_417, %broadcast_in_dim3A_419 : vector<512x528xi1>, vector<512x528xi32>
      %eq3A = arith.cmpi eq, %select_n3A_420, %iota3A : vector<512x528xi32>
      %convert_element_type3A_421 = arith.extui %eq3A : vector<512x528xi1> to vector<512x528xi32>
      %convert_element_type3A_422 = arith.sitofp %convert_element_type3A_421 : vector<512x528xi32> to vector<512x528xf32>
      %convert_element_type3A_423 = arith.truncf %convert_element_type3A_422 : vector<512x528xf32> to vector<512x528xbf16>
      %get3A_424 = arith.constant 0 : index
      %get3A_425 = arith.constant 0 : index
      %get3A_426 = vector.load %arg3[%get3A_424, %get3A_425] : memref<528x128xbf16, #tpu.memory_space<vmem>>, vector<528x128xbf16>
      %dot_general3A = arith.constant dense<0.000000e+00> : vector<512x128xf32>
      %dot_general3A_427 = tpu.matmul %convert_element_type3A_423, %get3A_426, %dot_general3A {dimension_numbers = #tpu.dot_dimension_numbers<[1], [0], [0], [1], [0, 0, 1, 1], [], []>, transpose_lhs_hint = false} : vector<512x528xbf16>, vector<528x128xbf16>, vector<512x128xf32> -> vector<512x128xf32>
      %convert_element_type3A_428 = arith.truncf %dot_general3A_427 : vector<512x128xf32> to vector<512x128xbf16>
      %swap3A_429 = arith.constant 15 : index
      %swap3A_430 = arith.constant 0 : index
      %swap3A_431 = arith.constant 0 : index
      %swap3A_432 = vector.load %arg10[%swap3A_429, %swap3A_430, %swap3A_431] : memref<20x512x128xbf16, #tpu.memory_space<vmem>>, vector<1x512x128xbf16>
      %swap3A_433 = vector.shape_cast %swap3A_432 : vector<1x512x128xbf16> to vector<512x128xbf16>
      %swap3A_434 = vector.shape_cast %convert_element_type3A_428 : vector<512x128xbf16> to vector<1x512x128xbf16>
      tpu.vector_store %arg10[%swap3A_429, %swap3A_430, %swap3A_431], %swap3A_434 {strides = array<i32>} : memref<20x512x128xbf16, #tpu.memory_space<vmem>>, vector<1x512x128xbf16>,
    } else {
    }
    %gt3A_78 = arith.constant 16 : i32
    %gt3A_79 = arith.cmpi sgt, %get3A_0, %gt3A_78 : i32
    %convert_element_type3A_80 = arith.extui %gt3A_79 : i1 to i32
    %cond3A_81 = arith.constant 0 : i32
    %cond3A_82 = arith.cmpi ne, %convert_element_type3A_80, %cond3A_81 : i32
    scf.if %cond3A_82 {
      %get3A_405 = arith.constant 0 : index
      %get3A_406 = arith.constant 16 : index
      %get3A_407 = vector.load %arg2[%get3A_405, %get3A_406] : memref<512x64xi32, #tpu.memory_space<vmem>>, vector<512x1xi32>
      %get3A_408 = arith.constant 0 : index
      %get3A_409 = arith.constant 36 : index
      %get3A_410 = vector.load %arg2[%get3A_408, %get3A_409] : memref<512x64xi32, #tpu.memory_space<vmem>>, vector<512x1xi32>
      %lt3A_411 = arith.constant 264 : i32
      %lt3A_412 = vector.broadcast %lt3A_411 : i32 to vector<512x528xi32>
      %lt3A_413 = arith.cmpi slt, %iota3A, %lt3A_412 : vector<512x528xi32>
      %add3A = arith.constant 264 : i32
      %add3A_414 = vector.broadcast %add3A : i32 to vector<512x1xi32>
      %add3A_415 = arith.addi %get3A_410, %add3A_414 : vector<512x1xi32>
      %broadcast_in_dim3A_416 = vector.shape_cast %get3A_407 : vector<512x1xi32> to vector<512x1xi32>
      %broadcast_in_dim3A_417 = vector.broadcast %broadcast_in_dim3A_416 : vector<512x1xi32> to vector<512x528xi32>
      %broadcast_in_dim3A_418 = vector.shape_cast %add3A_415 : vector<512x1xi32> to vector<512x1xi32>
      %broadcast_in_dim3A_419 = vector.broadcast %broadcast_in_dim3A_418 : vector<512x1xi32> to vector<512x528xi32>
      %select_n3A_420 = arith.select %lt3A_413, %broadcast_in_dim3A_417, %broadcast_in_dim3A_419 : vector<512x528xi1>, vector<512x528xi32>
      %eq3A = arith.cmpi eq, %select_n3A_420, %iota3A : vector<512x528xi32>
      %convert_element_type3A_421 = arith.extui %eq3A : vector<512x528xi1> to vector<512x528xi32>
      %convert_element_type3A_422 = arith.sitofp %convert_element_type3A_421 : vector<512x528xi32> to vector<512x528xf32>
      %convert_element_type3A_423 = arith.truncf %convert_element_type3A_422 : vector<512x528xf32> to vector<512x528xbf16>
      %get3A_424 = arith.constant 0 : index
      %get3A_425 = arith.constant 0 : index
      %get3A_426 = vector.load %arg3[%get3A_424, %get3A_425] : memref<528x128xbf16, #tpu.memory_space<vmem>>, vector<528x128xbf16>
      %dot_general3A = arith.constant dense<0.000000e+00> : vector<512x128xf32>
      %dot_general3A_427 = tpu.matmul %convert_element_type3A_423, %get3A_426, %dot_general3A {dimension_numbers = #tpu.dot_dimension_numbers<[1], [0], [0], [1], [0, 0, 1, 1], [], []>, transpose_lhs_hint = false} : vector<512x528xbf16>, vector<528x128xbf16>, vector<512x128xf32> -> vector<512x128xf32>
      %convert_element_type3A_428 = arith.truncf %dot_general3A_427 : vector<512x128xf32> to vector<512x128xbf16>
      %swap3A_429 = arith.constant 16 : index
      %swap3A_430 = arith.constant 0 : index
      %swap3A_431 = arith.constant 0 : index
      %swap3A_432 = vector.load %arg10[%swap3A_429, %swap3A_430, %swap3A_431] : memref<20x512x128xbf16, #tpu.memory_space<vmem>>, vector<1x512x128xbf16>
      %swap3A_433 = vector.shape_cast %swap3A_432 : vector<1x512x128xbf16> to vector<512x128xbf16>
      %swap3A_434 = vector.shape_cast %convert_element_type3A_428 : vector<512x128xbf16> to vector<1x512x128xbf16>
      tpu.vector_store %arg10[%swap3A_429, %swap3A_430, %swap3A_431], %swap3A_434 {strides = array<i32>} : memref<20x512x128xbf16, #tpu.memory_space<vmem>>, vector<1x512x128xbf16>,
    } else {
    }
    %gt3A_83 = arith.constant 17 : i32
    %gt3A_84 = arith.cmpi sgt, %get3A_0, %gt3A_83 : i32
    %convert_element_type3A_85 = arith.extui %gt3A_84 : i1 to i32
    %cond3A_86 = arith.constant 0 : i32
    %cond3A_87 = arith.cmpi ne, %convert_element_type3A_85, %cond3A_86 : i32
    scf.if %cond3A_87 {
      %get3A_405 = arith.constant 0 : index
      %get3A_406 = arith.constant 17 : index
      %get3A_407 = vector.load %arg2[%get3A_405, %get3A_406] : memref<512x64xi32, #tpu.memory_space<vmem>>, vector<512x1xi32>
      %get3A_408 = arith.constant 0 : index
      %get3A_409 = arith.constant 37 : index
      %get3A_410 = vector.load %arg2[%get3A_408, %get3A_409] : memref<512x64xi32, #tpu.memory_space<vmem>>, vector<512x1xi32>
      %lt3A_411 = arith.constant 264 : i32
      %lt3A_412 = vector.broadcast %lt3A_411 : i32 to vector<512x528xi32>
      %lt3A_413 = arith.cmpi slt, %iota3A, %lt3A_412 : vector<512x528xi32>
      %add3A = arith.constant 264 : i32
      %add3A_414 = vector.broadcast %add3A : i32 to vector<512x1xi32>
      %add3A_415 = arith.addi %get3A_410, %add3A_414 : vector<512x1xi32>
      %broadcast_in_dim3A_416 = vector.shape_cast %get3A_407 : vector<512x1xi32> to vector<512x1xi32>
      %broadcast_in_dim3A_417 = vector.broadcast %broadcast_in_dim3A_416 : vector<512x1xi32> to vector<512x528xi32>
      %broadcast_in_dim3A_418 = vector.shape_cast %add3A_415 : vector<512x1xi32> to vector<512x1xi32>
      %broadcast_in_dim3A_419 = vector.broadcast %broadcast_in_dim3A_418 : vector<512x1xi32> to vector<512x528xi32>
      %select_n3A_420 = arith.select %lt3A_413, %broadcast_in_dim3A_417, %broadcast_in_dim3A_419 : vector<512x528xi1>, vector<512x528xi32>
      %eq3A = arith.cmpi eq, %select_n3A_420, %iota3A : vector<512x528xi32>
      %convert_element_type3A_421 = arith.extui %eq3A : vector<512x528xi1> to vector<512x528xi32>
      %convert_element_type3A_422 = arith.sitofp %convert_element_type3A_421 : vector<512x528xi32> to vector<512x528xf32>
      %convert_element_type3A_423 = arith.truncf %convert_element_type3A_422 : vector<512x528xf32> to vector<512x528xbf16>
      %get3A_424 = arith.constant 0 : index
      %get3A_425 = arith.constant 0 : index
      %get3A_426 = vector.load %arg3[%get3A_424, %get3A_425] : memref<528x128xbf16, #tpu.memory_space<vmem>>, vector<528x128xbf16>
      %dot_general3A = arith.constant dense<0.000000e+00> : vector<512x128xf32>
      %dot_general3A_427 = tpu.matmul %convert_element_type3A_423, %get3A_426, %dot_general3A {dimension_numbers = #tpu.dot_dimension_numbers<[1], [0], [0], [1], [0, 0, 1, 1], [], []>, transpose_lhs_hint = false} : vector<512x528xbf16>, vector<528x128xbf16>, vector<512x128xf32> -> vector<512x128xf32>
      %convert_element_type3A_428 = arith.truncf %dot_general3A_427 : vector<512x128xf32> to vector<512x128xbf16>
      %swap3A_429 = arith.constant 17 : index
      %swap3A_430 = arith.constant 0 : index
      %swap3A_431 = arith.constant 0 : index
      %swap3A_432 = vector.load %arg10[%swap3A_429, %swap3A_430, %swap3A_431] : memref<20x512x128xbf16, #tpu.memory_space<vmem>>, vector<1x512x128xbf16>
      %swap3A_433 = vector.shape_cast %swap3A_432 : vector<1x512x128xbf16> to vector<512x128xbf16>
      %swap3A_434 = vector.shape_cast %convert_element_type3A_428 : vector<512x128xbf16> to vector<1x512x128xbf16>
      tpu.vector_store %arg10[%swap3A_429, %swap3A_430, %swap3A_431], %swap3A_434 {strides = array<i32>} : memref<20x512x128xbf16, #tpu.memory_space<vmem>>, vector<1x512x128xbf16>,
    } else {
    }
    %gt3A_88 = arith.constant 18 : i32
    %gt3A_89 = arith.cmpi sgt, %get3A_0, %gt3A_88 : i32
    %convert_element_type3A_90 = arith.extui %gt3A_89 : i1 to i32
    %cond3A_91 = arith.constant 0 : i32
    %cond3A_92 = arith.cmpi ne, %convert_element_type3A_90, %cond3A_91 : i32
    scf.if %cond3A_92 {
      %get3A_405 = arith.constant 0 : index
      %get3A_406 = arith.constant 18 : index
      %get3A_407 = vector.load %arg2[%get3A_405, %get3A_406] : memref<512x64xi32, #tpu.memory_space<vmem>>, vector<512x1xi32>
      %get3A_408 = arith.constant 0 : index
      %get3A_409 = arith.constant 38 : index
      %get3A_410 = vector.load %arg2[%get3A_408, %get3A_409] : memref<512x64xi32, #tpu.memory_space<vmem>>, vector<512x1xi32>
      %lt3A_411 = arith.constant 264 : i32
      %lt3A_412 = vector.broadcast %lt3A_411 : i32 to vector<512x528xi32>
      %lt3A_413 = arith.cmpi slt, %iota3A, %lt3A_412 : vector<512x528xi32>
      %add3A = arith.constant 264 : i32
      %add3A_414 = vector.broadcast %add3A : i32 to vector<512x1xi32>
      %add3A_415 = arith.addi %get3A_410, %add3A_414 : vector<512x1xi32>
      %broadcast_in_dim3A_416 = vector.shape_cast %get3A_407 : vector<512x1xi32> to vector<512x1xi32>
      %broadcast_in_dim3A_417 = vector.broadcast %broadcast_in_dim3A_416 : vector<512x1xi32> to vector<512x528xi32>
      %broadcast_in_dim3A_418 = vector.shape_cast %add3A_415 : vector<512x1xi32> to vector<512x1xi32>
      %broadcast_in_dim3A_419 = vector.broadcast %broadcast_in_dim3A_418 : vector<512x1xi32> to vector<512x528xi32>
      %select_n3A_420 = arith.select %lt3A_413, %broadcast_in_dim3A_417, %broadcast_in_dim3A_419 : vector<512x528xi1>, vector<512x528xi32>
      %eq3A = arith.cmpi eq, %select_n3A_420, %iota3A : vector<512x528xi32>
      %convert_element_type3A_421 = arith.extui %eq3A : vector<512x528xi1> to vector<512x528xi32>
      %convert_element_type3A_422 = arith.sitofp %convert_element_type3A_421 : vector<512x528xi32> to vector<512x528xf32>
      %convert_element_type3A_423 = arith.truncf %convert_element_type3A_422 : vector<512x528xf32> to vector<512x528xbf16>
      %get3A_424 = arith.constant 0 : index
      %get3A_425 = arith.constant 0 : index
      %get3A_426 = vector.load %arg3[%get3A_424, %get3A_425] : memref<528x128xbf16, #tpu.memory_space<vmem>>, vector<528x128xbf16>
      %dot_general3A = arith.constant dense<0.000000e+00> : vector<512x128xf32>
      %dot_general3A_427 = tpu.matmul %convert_element_type3A_423, %get3A_426, %dot_general3A {dimension_numbers = #tpu.dot_dimension_numbers<[1], [0], [0], [1], [0, 0, 1, 1], [], []>, transpose_lhs_hint = false} : vector<512x528xbf16>, vector<528x128xbf16>, vector<512x128xf32> -> vector<512x128xf32>
      %convert_element_type3A_428 = arith.truncf %dot_general3A_427 : vector<512x128xf32> to vector<512x128xbf16>
      %swap3A_429 = arith.constant 18 : index
      %swap3A_430 = arith.constant 0 : index
      %swap3A_431 = arith.constant 0 : index
      %swap3A_432 = vector.load %arg10[%swap3A_429, %swap3A_430, %swap3A_431] : memref<20x512x128xbf16, #tpu.memory_space<vmem>>, vector<1x512x128xbf16>
      %swap3A_433 = vector.shape_cast %swap3A_432 : vector<1x512x128xbf16> to vector<512x128xbf16>
      %swap3A_434 = vector.shape_cast %convert_element_type3A_428 : vector<512x128xbf16> to vector<1x512x128xbf16>
      tpu.vector_store %arg10[%swap3A_429, %swap3A_430, %swap3A_431], %swap3A_434 {strides = array<i32>} : memref<20x512x128xbf16, #tpu.memory_space<vmem>>, vector<1x512x128xbf16>,
    } else {
    }
    %gt3A_93 = arith.constant 19 : i32
    %gt3A_94 = arith.cmpi sgt, %get3A_0, %gt3A_93 : i32
    %convert_element_type3A_95 = arith.extui %gt3A_94 : i1 to i32
    %cond3A_96 = arith.constant 0 : i32
    %cond3A_97 = arith.cmpi ne, %convert_element_type3A_95, %cond3A_96 : i32
    scf.if %cond3A_97 {
      %get3A_405 = arith.constant 0 : index
      %get3A_406 = arith.constant 19 : index
      %get3A_407 = vector.load %arg2[%get3A_405, %get3A_406] : memref<512x64xi32, #tpu.memory_space<vmem>>, vector<512x1xi32>
      %get3A_408 = arith.constant 0 : index
      %get3A_409 = arith.constant 39 : index
      %get3A_410 = vector.load %arg2[%get3A_408, %get3A_409] : memref<512x64xi32, #tpu.memory_space<vmem>>, vector<512x1xi32>
      %lt3A_411 = arith.constant 264 : i32
      %lt3A_412 = vector.broadcast %lt3A_411 : i32 to vector<512x528xi32>
      %lt3A_413 = arith.cmpi slt, %iota3A, %lt3A_412 : vector<512x528xi32>
      %add3A = arith.constant 264 : i32
      %add3A_414 = vector.broadcast %add3A : i32 to vector<512x1xi32>
      %add3A_415 = arith.addi %get3A_410, %add3A_414 : vector<512x1xi32>
      %broadcast_in_dim3A_416 = vector.shape_cast %get3A_407 : vector<512x1xi32> to vector<512x1xi32>
      %broadcast_in_dim3A_417 = vector.broadcast %broadcast_in_dim3A_416 : vector<512x1xi32> to vector<512x528xi32>
      %broadcast_in_dim3A_418 = vector.shape_cast %add3A_415 : vector<512x1xi32> to vector<512x1xi32>
      %broadcast_in_dim3A_419 = vector.broadcast %broadcast_in_dim3A_418 : vector<512x1xi32> to vector<512x528xi32>
      %select_n3A_420 = arith.select %lt3A_413, %broadcast_in_dim3A_417, %broadcast_in_dim3A_419 : vector<512x528xi1>, vector<512x528xi32>
      %eq3A = arith.cmpi eq, %select_n3A_420, %iota3A : vector<512x528xi32>
      %convert_element_type3A_421 = arith.extui %eq3A : vector<512x528xi1> to vector<512x528xi32>
      %convert_element_type3A_422 = arith.sitofp %convert_element_type3A_421 : vector<512x528xi32> to vector<512x528xf32>
      %convert_element_type3A_423 = arith.truncf %convert_element_type3A_422 : vector<512x528xf32> to vector<512x528xbf16>
      %get3A_424 = arith.constant 0 : index
      %get3A_425 = arith.constant 0 : index
      %get3A_426 = vector.load %arg3[%get3A_424, %get3A_425] : memref<528x128xbf16, #tpu.memory_space<vmem>>, vector<528x128xbf16>
      %dot_general3A = arith.constant dense<0.000000e+00> : vector<512x128xf32>
      %dot_general3A_427 = tpu.matmul %convert_element_type3A_423, %get3A_426, %dot_general3A {dimension_numbers = #tpu.dot_dimension_numbers<[1], [0], [0], [1], [0, 0, 1, 1], [], []>, transpose_lhs_hint = false} : vector<512x528xbf16>, vector<528x128xbf16>, vector<512x128xf32> -> vector<512x128xf32>
      %convert_element_type3A_428 = arith.truncf %dot_general3A_427 : vector<512x128xf32> to vector<512x128xbf16>
      %swap3A_429 = arith.constant 19 : index
      %swap3A_430 = arith.constant 0 : index
      %swap3A_431 = arith.constant 0 : index
      %swap3A_432 = vector.load %arg10[%swap3A_429, %swap3A_430, %swap3A_431] : memref<20x512x128xbf16, #tpu.memory_space<vmem>>, vector<1x512x128xbf16>
      %swap3A_433 = vector.shape_cast %swap3A_432 : vector<1x512x128xbf16> to vector<512x128xbf16>
      %swap3A_434 = vector.shape_cast %convert_element_type3A_428 : vector<512x128xbf16> to vector<1x512x128xbf16>
      tpu.vector_store %arg10[%swap3A_429, %swap3A_430, %swap3A_431], %swap3A_434 {strides = array<i32>} : memref<20x512x128xbf16, #tpu.memory_space<vmem>>, vector<1x512x128xbf16>,
    } else {
    }
    %get3A_98 = arith.constant 0 : index
    %get3A_99 = arith.constant 40 : index
    %get3A_100 = vector.load %arg2[%get3A_98, %get3A_99] : memref<512x64xi32, #tpu.memory_space<vmem>>, vector<512x1xi32>
    %get3A_101 = arith.constant 0 : index
    %get3A_102 = arith.constant 41 : index
    %get3A_103 = vector.load %arg2[%get3A_101, %get3A_102] : memref<512x64xi32, #tpu.memory_space<vmem>>, vector<512x1xi32>
    %iota3A_104 = tpu.iota {dimensions = array<i32: 1>} : vector<512x128xi32>
    %lt3A = arith.constant 64 : i32
    %lt3A_105 = vector.broadcast %lt3A : i32 to vector<512x128xi32>
    %lt3A_106 = arith.cmpi slt, %iota3A_104, %lt3A_105 : vector<512x128xi32>
    %broadcast_in_dim3A = vector.shape_cast %get3A_100 : vector<512x1xi32> to vector<512x1xi32>
    %broadcast_in_dim3A_107 = vector.broadcast %broadcast_in_dim3A : vector<512x1xi32> to vector<512x128xi32>
    %broadcast_in_dim3A_108 = vector.shape_cast %get3A_103 : vector<512x1xi32> to vector<512x1xi32>
    %broadcast_in_dim3A_109 = vector.broadcast %broadcast_in_dim3A_108 : vector<512x1xi32> to vector<512x128xi32>
    %select_n3A = arith.select %lt3A_106, %broadcast_in_dim3A_107, %broadcast_in_dim3A_109 : vector<512x128xi1>, vector<512x128xi32>
    %get3A_110 = arith.constant 0 : index
    %get3A_111 = arith.constant 0 : index
    %get3A_112 = vector.load %arg6[%get3A_110, %get3A_111] : memref<2x512xf32, #tpu.memory_space<vmem>>, vector<1x512xf32>
    %get3A_113 = vector.shape_cast %get3A_112 : vector<1x512xf32> to vector<512xf32>
    %broadcast_in_dim3A_114 = vector.shape_cast %get3A_113 : vector<512xf32> to vector<1x512xf32>
    %get3A_115 = arith.constant 1 : index
    %get3A_116 = arith.constant 0 : index
    %get3A_117 = vector.load %arg6[%get3A_115, %get3A_116] : memref<2x512xf32, #tpu.memory_space<vmem>>, vector<1x512xf32>
    %get3A_118 = vector.shape_cast %get3A_117 : vector<1x512xf32> to vector<512xf32>
    %broadcast_in_dim3A_119 = vector.shape_cast %get3A_118 : vector<512xf32> to vector<1x512xf32>
    %get3A_120 = arith.constant 0 : index
    %get3A_121 = arith.constant 0 : index
    %get3A_122 = vector.load %arg8[%get3A_120, %get3A_121] : memref<4x128xf32, #tpu.memory_space<vmem>>, vector<1x128xf32>
    %get3A_123 = vector.shape_cast %get3A_122 : vector<1x128xf32> to vector<128xf32>
    %broadcast_in_dim3A_124 = vector.shape_cast %get3A_123 : vector<128xf32> to vector<1x128xf32>
    %broadcast_in_dim3A_125 = vector.shape_cast %broadcast_in_dim3A_124 : vector<1x128xf32> to vector<1x128xf32>
    %broadcast_in_dim3A_126 = vector.broadcast %broadcast_in_dim3A_125 : vector<1x128xf32> to vector<512x128xf32>
    %get3A_127 = arith.constant 1 : index
    %get3A_128 = arith.constant 0 : index
    %get3A_129 = vector.load %arg8[%get3A_127, %get3A_128] : memref<4x128xf32, #tpu.memory_space<vmem>>, vector<1x128xf32>
    %get3A_130 = vector.shape_cast %get3A_129 : vector<1x128xf32> to vector<128xf32>
    %broadcast_in_dim3A_131 = vector.shape_cast %get3A_130 : vector<128xf32> to vector<1x128xf32>
    %broadcast_in_dim3A_132 = vector.shape_cast %broadcast_in_dim3A_131 : vector<1x128xf32> to vector<1x128xf32>
    %broadcast_in_dim3A_133 = vector.broadcast %broadcast_in_dim3A_132 : vector<1x128xf32> to vector<512x128xf32>
    %gt3A_134 = arith.constant 0 : i32
    %gt3A_135 = arith.cmpi sgt, %get3A_0, %gt3A_134 : i32
    %convert_element_type3A_136 = arith.extui %gt3A_135 : i1 to i32
    %cond3A_137 = arith.constant 0 : i32
    %cond3A_138 = arith.cmpi ne, %convert_element_type3A_136, %cond3A_137 : i32
    %cond3A_139:2 = scf.if %cond3A_138 -> (vector<512x128xf32>, vector<512x128xf32>) {
      %get3A_405 = arith.constant 0 : index
      %get3A_406 = arith.constant 0 : index
      %get3A_407 = arith.constant 0 : index
      %get3A_408 = vector.load %arg10[%get3A_405, %get3A_406, %get3A_407] : memref<20x512x128xbf16, #tpu.memory_space<vmem>>, vector<1x512x128xbf16>
      %get3A_409 = vector.shape_cast %get3A_408 : vector<1x512x128xbf16> to vector<512x128xbf16>
      %gt3A_410 = arith.constant 0 : i32
      %gt3A_411 = vector.broadcast %gt3A_410 : i32 to vector<512x128xi32>
      %gt3A_412 = arith.cmpi sgt, %select_n3A, %gt3A_411 : vector<512x128xi32>
      %convert_element_type3A_413 = arith.truncf %broadcast_in_dim3A_126 : vector<512x128xf32> to vector<512x128xbf16>
      %concatenate3A = tpu.concatenate %get3A_409, %convert_element_type3A_413 in 1 : vector<512x128xbf16>, vector<512x128xbf16> -> vector<512x256xbf16>
      %get3A_414 = arith.constant 0 : index
      %get3A_415 = arith.constant 0 : index
      %get3A_416 = vector.load %arg4[%get3A_414, %get3A_415] : memref<256x512xbf16, #tpu.memory_space<vmem>>, vector<256x512xbf16>
      %dot_general3A = arith.constant dense<0.000000e+00> : vector<512x512xf32>
      %dot_general3A_417 = tpu.matmul %concatenate3A, %get3A_416, %dot_general3A {dimension_numbers = #tpu.dot_dimension_numbers<[1], [0], [0], [1], [0, 0, 1, 1], [], []>, transpose_lhs_hint = false} : vector<512x256xbf16>, vector<256x512xbf16>, vector<512x512xf32> -> vector<512x512xf32>
      %add3A = vector.broadcast %broadcast_in_dim3A_114 : vector<1x512xf32> to vector<512x512xf32>
      %add3A_418 = arith.addf %dot_general3A_417, %add3A : vector<512x512xf32>
      %slice3A_419 = vector.extract_strided_slice %add3A_418 {offsets = [0, 0], sizes = [512, 128], strides = [1, 1]} : vector<512x512xf32> to vector<512x128xf32>
      %tanh3A = math.tanh %slice3A_419 : vector<512x128xf32>
      %mul3A = arith.constant 5.000000e-01 : f32
      %mul3A_420 = vector.broadcast %mul3A : f32 to vector<512x128xf32>
      %mul3A_421 = arith.mulf %mul3A_420, %tanh3A : vector<512x128xf32>
      %add3A_422 = arith.constant 5.000000e-01 : f32
      %add3A_423 = vector.broadcast %add3A_422 : f32 to vector<512x128xf32>
      %add3A_424 = arith.addf %mul3A_421, %add3A_423 : vector<512x128xf32>
      %slice3A_425 = vector.extract_strided_slice %add3A_418 {offsets = [0, 128], sizes = [512, 128], strides = [1, 1]} : vector<512x512xf32> to vector<512x128xf32>
      %tanh3A_426 = math.tanh %slice3A_425 : vector<512x128xf32>
      %mul3A_427 = arith.constant 5.000000e-01 : f32
      %mul3A_428 = vector.broadcast %mul3A_427 : f32 to vector<512x128xf32>
      %mul3A_429 = arith.mulf %mul3A_428, %tanh3A_426 : vector<512x128xf32>
      %add3A_430 = arith.constant 5.000000e-01 : f32
      %add3A_431 = vector.broadcast %add3A_430 : f32 to vector<512x128xf32>
      %add3A_432 = arith.addf %mul3A_429, %add3A_431 : vector<512x128xf32>
      %slice3A_433 = vector.extract_strided_slice %add3A_418 {offsets = [0, 256], sizes = [512, 128], strides = [1, 1]} : vector<512x512xf32> to vector<512x128xf32>
      %tanh3A_434 = math.tanh %slice3A_433 : vector<512x128xf32>
      %slice3A_435 = vector.extract_strided_slice %add3A_418 {offsets = [0, 384], sizes = [512, 128], strides = [1, 1]} : vector<512x512xf32> to vector<512x128xf32>
      %tanh3A_436 = math.tanh %slice3A_435 : vector<512x128xf32>
      %mul3A_437 = arith.constant 5.000000e-01 : f32
      %mul3A_438 = vector.broadcast %mul3A_437 : f32 to vector<512x128xf32>
      %mul3A_439 = arith.mulf %mul3A_438, %tanh3A_436 : vector<512x128xf32>
      %add3A_440 = arith.constant 5.000000e-01 : f32
      %add3A_441 = vector.broadcast %add3A_440 : f32 to vector<512x128xf32>
      %add3A_442 = arith.addf %mul3A_439, %add3A_441 : vector<512x128xf32>
      %mul3A_443 = arith.mulf %add3A_432, %broadcast_in_dim3A_133 : vector<512x128xf32>
      %mul3A_444 = arith.mulf %add3A_424, %tanh3A_434 : vector<512x128xf32>
      %add3A_445 = arith.addf %mul3A_443, %mul3A_444 : vector<512x128xf32>
      %tanh3A_446 = math.tanh %add3A_445 : vector<512x128xf32>
      %mul3A_447 = arith.mulf %add3A_442, %tanh3A_446 : vector<512x128xf32>
      %jit3A = arith.constant 0.000000e+00 : f32
      %broadcast_in_dim3A_448 = vector.broadcast %jit3A : f32 to vector<512x128xf32>
      %select_n3A_449 = arith.select %gt3A_412, %mul3A_447, %broadcast_in_dim3A_448 : vector<512x128xi1>, vector<512x128xf32>
      %swap3A_450 = arith.constant 0 : index
      %swap3A_451 = arith.constant 0 : index
      %swap3A_452 = arith.constant 0 : index
      %swap3A_453 = vector.load %arg11[%swap3A_450, %swap3A_451, %swap3A_452] : memref<20x512x128xf32, #tpu.memory_space<vmem>>, vector<1x512x128xf32>
      %swap3A_454 = vector.shape_cast %swap3A_453 : vector<1x512x128xf32> to vector<512x128xf32>
      %swap3A_455 = vector.shape_cast %select_n3A_449 : vector<512x128xf32> to vector<1x512x128xf32>
      tpu.vector_store %arg11[%swap3A_450, %swap3A_451, %swap3A_452], %swap3A_455 {strides = array<i32>} : memref<20x512x128xf32, #tpu.memory_space<vmem>>, vector<1x512x128xf32>,
      scf.yield %mul3A_447, %add3A_445 : vector<512x128xf32>, vector<512x128xf32>
    } else {
      scf.yield %broadcast_in_dim3A_126, %broadcast_in_dim3A_133 : vector<512x128xf32>, vector<512x128xf32>
    }
    %gt3A_140 = arith.constant 1 : i32
    %gt3A_141 = arith.cmpi sgt, %get3A_0, %gt3A_140 : i32
    %convert_element_type3A_142 = arith.extui %gt3A_141 : i1 to i32
    %cond3A_143 = arith.constant 0 : i32
    %cond3A_144 = arith.cmpi ne, %convert_element_type3A_142, %cond3A_143 : i32
    %cond3A_145:2 = scf.if %cond3A_144 -> (vector<512x128xf32>, vector<512x128xf32>) {
      %get3A_405 = arith.constant 1 : index
      %get3A_406 = arith.constant 0 : index
      %get3A_407 = arith.constant 0 : index
      %get3A_408 = vector.load %arg10[%get3A_405, %get3A_406, %get3A_407] : memref<20x512x128xbf16, #tpu.memory_space<vmem>>, vector<1x512x128xbf16>
      %get3A_409 = vector.shape_cast %get3A_408 : vector<1x512x128xbf16> to vector<512x128xbf16>
      %gt3A_410 = arith.constant 1 : i32
      %gt3A_411 = vector.broadcast %gt3A_410 : i32 to vector<512x128xi32>
      %gt3A_412 = arith.cmpi sgt, %select_n3A, %gt3A_411 : vector<512x128xi32>
      %convert_element_type3A_413 = arith.truncf %cond3A_139#0 : vector<512x128xf32> to vector<512x128xbf16>
      %concatenate3A = tpu.concatenate %get3A_409, %convert_element_type3A_413 in 1 : vector<512x128xbf16>, vector<512x128xbf16> -> vector<512x256xbf16>
      %get3A_414 = arith.constant 0 : index
      %get3A_415 = arith.constant 0 : index
      %get3A_416 = vector.load %arg4[%get3A_414, %get3A_415] : memref<256x512xbf16, #tpu.memory_space<vmem>>, vector<256x512xbf16>
      %dot_general3A = arith.constant dense<0.000000e+00> : vector<512x512xf32>
      %dot_general3A_417 = tpu.matmul %concatenate3A, %get3A_416, %dot_general3A {dimension_numbers = #tpu.dot_dimension_numbers<[1], [0], [0], [1], [0, 0, 1, 1], [], []>, transpose_lhs_hint = false} : vector<512x256xbf16>, vector<256x512xbf16>, vector<512x512xf32> -> vector<512x512xf32>
      %add3A = vector.broadcast %broadcast_in_dim3A_114 : vector<1x512xf32> to vector<512x512xf32>
      %add3A_418 = arith.addf %dot_general3A_417, %add3A : vector<512x512xf32>
      %slice3A_419 = vector.extract_strided_slice %add3A_418 {offsets = [0, 0], sizes = [512, 128], strides = [1, 1]} : vector<512x512xf32> to vector<512x128xf32>
      %tanh3A = math.tanh %slice3A_419 : vector<512x128xf32>
      %mul3A = arith.constant 5.000000e-01 : f32
      %mul3A_420 = vector.broadcast %mul3A : f32 to vector<512x128xf32>
      %mul3A_421 = arith.mulf %mul3A_420, %tanh3A : vector<512x128xf32>
      %add3A_422 = arith.constant 5.000000e-01 : f32
      %add3A_423 = vector.broadcast %add3A_422 : f32 to vector<512x128xf32>
      %add3A_424 = arith.addf %mul3A_421, %add3A_423 : vector<512x128xf32>
      %slice3A_425 = vector.extract_strided_slice %add3A_418 {offsets = [0, 128], sizes = [512, 128], strides = [1, 1]} : vector<512x512xf32> to vector<512x128xf32>
      %tanh3A_426 = math.tanh %slice3A_425 : vector<512x128xf32>
      %mul3A_427 = arith.constant 5.000000e-01 : f32
      %mul3A_428 = vector.broadcast %mul3A_427 : f32 to vector<512x128xf32>
      %mul3A_429 = arith.mulf %mul3A_428, %tanh3A_426 : vector<512x128xf32>
      %add3A_430 = arith.constant 5.000000e-01 : f32
      %add3A_431 = vector.broadcast %add3A_430 : f32 to vector<512x128xf32>
      %add3A_432 = arith.addf %mul3A_429, %add3A_431 : vector<512x128xf32>
      %slice3A_433 = vector.extract_strided_slice %add3A_418 {offsets = [0, 256], sizes = [512, 128], strides = [1, 1]} : vector<512x512xf32> to vector<512x128xf32>
      %tanh3A_434 = math.tanh %slice3A_433 : vector<512x128xf32>
      %slice3A_435 = vector.extract_strided_slice %add3A_418 {offsets = [0, 384], sizes = [512, 128], strides = [1, 1]} : vector<512x512xf32> to vector<512x128xf32>
      %tanh3A_436 = math.tanh %slice3A_435 : vector<512x128xf32>
      %mul3A_437 = arith.constant 5.000000e-01 : f32
      %mul3A_438 = vector.broadcast %mul3A_437 : f32 to vector<512x128xf32>
      %mul3A_439 = arith.mulf %mul3A_438, %tanh3A_436 : vector<512x128xf32>
      %add3A_440 = arith.constant 5.000000e-01 : f32
      %add3A_441 = vector.broadcast %add3A_440 : f32 to vector<512x128xf32>
      %add3A_442 = arith.addf %mul3A_439, %add3A_441 : vector<512x128xf32>
      %mul3A_443 = arith.mulf %add3A_432, %cond3A_139#1 : vector<512x128xf32>
      %mul3A_444 = arith.mulf %add3A_424, %tanh3A_434 : vector<512x128xf32>
      %add3A_445 = arith.addf %mul3A_443, %mul3A_444 : vector<512x128xf32>
      %tanh3A_446 = math.tanh %add3A_445 : vector<512x128xf32>
      %mul3A_447 = arith.mulf %add3A_442, %tanh3A_446 : vector<512x128xf32>
      %jit3A = arith.constant 0.000000e+00 : f32
      %broadcast_in_dim3A_448 = vector.broadcast %jit3A : f32 to vector<512x128xf32>
      %select_n3A_449 = arith.select %gt3A_412, %mul3A_447, %broadcast_in_dim3A_448 : vector<512x128xi1>, vector<512x128xf32>
      %swap3A_450 = arith.constant 1 : index
      %swap3A_451 = arith.constant 0 : index
      %swap3A_452 = arith.constant 0 : index
      %swap3A_453 = vector.load %arg11[%swap3A_450, %swap3A_451, %swap3A_452] : memref<20x512x128xf32, #tpu.memory_space<vmem>>, vector<1x512x128xf32>
      %swap3A_454 = vector.shape_cast %swap3A_453 : vector<1x512x128xf32> to vector<512x128xf32>
      %swap3A_455 = vector.shape_cast %select_n3A_449 : vector<512x128xf32> to vector<1x512x128xf32>
      tpu.vector_store %arg11[%swap3A_450, %swap3A_451, %swap3A_452], %swap3A_455 {strides = array<i32>} : memref<20x512x128xf32, #tpu.memory_space<vmem>>, vector<1x512x128xf32>,
      scf.yield %mul3A_447, %add3A_445 : vector<512x128xf32>, vector<512x128xf32>
    } else {
      scf.yield %cond3A_139#0, %cond3A_139#1 : vector<512x128xf32>, vector<512x128xf32>
    }
    %gt3A_146 = arith.constant 2 : i32
    %gt3A_147 = arith.cmpi sgt, %get3A_0, %gt3A_146 : i32
    %convert_element_type3A_148 = arith.extui %gt3A_147 : i1 to i32
    %cond3A_149 = arith.constant 0 : i32
    %cond3A_150 = arith.cmpi ne, %convert_element_type3A_148, %cond3A_149 : i32
    %cond3A_151:2 = scf.if %cond3A_150 -> (vector<512x128xf32>, vector<512x128xf32>) {
      %get3A_405 = arith.constant 2 : index
      %get3A_406 = arith.constant 0 : index
      %get3A_407 = arith.constant 0 : index
      %get3A_408 = vector.load %arg10[%get3A_405, %get3A_406, %get3A_407] : memref<20x512x128xbf16, #tpu.memory_space<vmem>>, vector<1x512x128xbf16>
      %get3A_409 = vector.shape_cast %get3A_408 : vector<1x512x128xbf16> to vector<512x128xbf16>
      %gt3A_410 = arith.constant 2 : i32
      %gt3A_411 = vector.broadcast %gt3A_410 : i32 to vector<512x128xi32>
      %gt3A_412 = arith.cmpi sgt, %select_n3A, %gt3A_411 : vector<512x128xi32>
      %convert_element_type3A_413 = arith.truncf %cond3A_145#0 : vector<512x128xf32> to vector<512x128xbf16>
      %concatenate3A = tpu.concatenate %get3A_409, %convert_element_type3A_413 in 1 : vector<512x128xbf16>, vector<512x128xbf16> -> vector<512x256xbf16>
      %get3A_414 = arith.constant 0 : index
      %get3A_415 = arith.constant 0 : index
      %get3A_416 = vector.load %arg4[%get3A_414, %get3A_415] : memref<256x512xbf16, #tpu.memory_space<vmem>>, vector<256x512xbf16>
      %dot_general3A = arith.constant dense<0.000000e+00> : vector<512x512xf32>
      %dot_general3A_417 = tpu.matmul %concatenate3A, %get3A_416, %dot_general3A {dimension_numbers = #tpu.dot_dimension_numbers<[1], [0], [0], [1], [0, 0, 1, 1], [], []>, transpose_lhs_hint = false} : vector<512x256xbf16>, vector<256x512xbf16>, vector<512x512xf32> -> vector<512x512xf32>
      %add3A = vector.broadcast %broadcast_in_dim3A_114 : vector<1x512xf32> to vector<512x512xf32>
      %add3A_418 = arith.addf %dot_general3A_417, %add3A : vector<512x512xf32>
      %slice3A_419 = vector.extract_strided_slice %add3A_418 {offsets = [0, 0], sizes = [512, 128], strides = [1, 1]} : vector<512x512xf32> to vector<512x128xf32>
      %tanh3A = math.tanh %slice3A_419 : vector<512x128xf32>
      %mul3A = arith.constant 5.000000e-01 : f32
      %mul3A_420 = vector.broadcast %mul3A : f32 to vector<512x128xf32>
      %mul3A_421 = arith.mulf %mul3A_420, %tanh3A : vector<512x128xf32>
      %add3A_422 = arith.constant 5.000000e-01 : f32
      %add3A_423 = vector.broadcast %add3A_422 : f32 to vector<512x128xf32>
      %add3A_424 = arith.addf %mul3A_421, %add3A_423 : vector<512x128xf32>
      %slice3A_425 = vector.extract_strided_slice %add3A_418 {offsets = [0, 128], sizes = [512, 128], strides = [1, 1]} : vector<512x512xf32> to vector<512x128xf32>
      %tanh3A_426 = math.tanh %slice3A_425 : vector<512x128xf32>
      %mul3A_427 = arith.constant 5.000000e-01 : f32
      %mul3A_428 = vector.broadcast %mul3A_427 : f32 to vector<512x128xf32>
      %mul3A_429 = arith.mulf %mul3A_428, %tanh3A_426 : vector<512x128xf32>
      %add3A_430 = arith.constant 5.000000e-01 : f32
      %add3A_431 = vector.broadcast %add3A_430 : f32 to vector<512x128xf32>
      %add3A_432 = arith.addf %mul3A_429, %add3A_431 : vector<512x128xf32>
      %slice3A_433 = vector.extract_strided_slice %add3A_418 {offsets = [0, 256], sizes = [512, 128], strides = [1, 1]} : vector<512x512xf32> to vector<512x128xf32>
      %tanh3A_434 = math.tanh %slice3A_433 : vector<512x128xf32>
      %slice3A_435 = vector.extract_strided_slice %add3A_418 {offsets = [0, 384], sizes = [512, 128], strides = [1, 1]} : vector<512x512xf32> to vector<512x128xf32>
      %tanh3A_436 = math.tanh %slice3A_435 : vector<512x128xf32>
      %mul3A_437 = arith.constant 5.000000e-01 : f32
      %mul3A_438 = vector.broadcast %mul3A_437 : f32 to vector<512x128xf32>
      %mul3A_439 = arith.mulf %mul3A_438, %tanh3A_436 : vector<512x128xf32>
      %add3A_440 = arith.constant 5.000000e-01 : f32
      %add3A_441 = vector.broadcast %add3A_440 : f32 to vector<512x128xf32>
      %add3A_442 = arith.addf %mul3A_439, %add3A_441 : vector<512x128xf32>
      %mul3A_443 = arith.mulf %add3A_432, %cond3A_145#1 : vector<512x128xf32>
      %mul3A_444 = arith.mulf %add3A_424, %tanh3A_434 : vector<512x128xf32>
      %add3A_445 = arith.addf %mul3A_443, %mul3A_444 : vector<512x128xf32>
      %tanh3A_446 = math.tanh %add3A_445 : vector<512x128xf32>
      %mul3A_447 = arith.mulf %add3A_442, %tanh3A_446 : vector<512x128xf32>
      %jit3A = arith.constant 0.000000e+00 : f32
      %broadcast_in_dim3A_448 = vector.broadcast %jit3A : f32 to vector<512x128xf32>
      %select_n3A_449 = arith.select %gt3A_412, %mul3A_447, %broadcast_in_dim3A_448 : vector<512x128xi1>, vector<512x128xf32>
      %swap3A_450 = arith.constant 2 : index
      %swap3A_451 = arith.constant 0 : index
      %swap3A_452 = arith.constant 0 : index
      %swap3A_453 = vector.load %arg11[%swap3A_450, %swap3A_451, %swap3A_452] : memref<20x512x128xf32, #tpu.memory_space<vmem>>, vector<1x512x128xf32>
      %swap3A_454 = vector.shape_cast %swap3A_453 : vector<1x512x128xf32> to vector<512x128xf32>
      %swap3A_455 = vector.shape_cast %select_n3A_449 : vector<512x128xf32> to vector<1x512x128xf32>
      tpu.vector_store %arg11[%swap3A_450, %swap3A_451, %swap3A_452], %swap3A_455 {strides = array<i32>} : memref<20x512x128xf32, #tpu.memory_space<vmem>>, vector<1x512x128xf32>,
      scf.yield %mul3A_447, %add3A_445 : vector<512x128xf32>, vector<512x128xf32>
    } else {
      scf.yield %cond3A_145#0, %cond3A_145#1 : vector<512x128xf32>, vector<512x128xf32>
    }
    %gt3A_152 = arith.constant 3 : i32
    %gt3A_153 = arith.cmpi sgt, %get3A_0, %gt3A_152 : i32
    %convert_element_type3A_154 = arith.extui %gt3A_153 : i1 to i32
    %cond3A_155 = arith.constant 0 : i32
    %cond3A_156 = arith.cmpi ne, %convert_element_type3A_154, %cond3A_155 : i32
    %cond3A_157:2 = scf.if %cond3A_156 -> (vector<512x128xf32>, vector<512x128xf32>) {
      %get3A_405 = arith.constant 3 : index
      %get3A_406 = arith.constant 0 : index
      %get3A_407 = arith.constant 0 : index
      %get3A_408 = vector.load %arg10[%get3A_405, %get3A_406, %get3A_407] : memref<20x512x128xbf16, #tpu.memory_space<vmem>>, vector<1x512x128xbf16>
      %get3A_409 = vector.shape_cast %get3A_408 : vector<1x512x128xbf16> to vector<512x128xbf16>
      %gt3A_410 = arith.constant 3 : i32
      %gt3A_411 = vector.broadcast %gt3A_410 : i32 to vector<512x128xi32>
      %gt3A_412 = arith.cmpi sgt, %select_n3A, %gt3A_411 : vector<512x128xi32>
      %convert_element_type3A_413 = arith.truncf %cond3A_151#0 : vector<512x128xf32> to vector<512x128xbf16>
      %concatenate3A = tpu.concatenate %get3A_409, %convert_element_type3A_413 in 1 : vector<512x128xbf16>, vector<512x128xbf16> -> vector<512x256xbf16>
      %get3A_414 = arith.constant 0 : index
      %get3A_415 = arith.constant 0 : index
      %get3A_416 = vector.load %arg4[%get3A_414, %get3A_415] : memref<256x512xbf16, #tpu.memory_space<vmem>>, vector<256x512xbf16>
      %dot_general3A = arith.constant dense<0.000000e+00> : vector<512x512xf32>
      %dot_general3A_417 = tpu.matmul %concatenate3A, %get3A_416, %dot_general3A {dimension_numbers = #tpu.dot_dimension_numbers<[1], [0], [0], [1], [0, 0, 1, 1], [], []>, transpose_lhs_hint = false} : vector<512x256xbf16>, vector<256x512xbf16>, vector<512x512xf32> -> vector<512x512xf32>
      %add3A = vector.broadcast %broadcast_in_dim3A_114 : vector<1x512xf32> to vector<512x512xf32>
      %add3A_418 = arith.addf %dot_general3A_417, %add3A : vector<512x512xf32>
      %slice3A_419 = vector.extract_strided_slice %add3A_418 {offsets = [0, 0], sizes = [512, 128], strides = [1, 1]} : vector<512x512xf32> to vector<512x128xf32>
      %tanh3A = math.tanh %slice3A_419 : vector<512x128xf32>
      %mul3A = arith.constant 5.000000e-01 : f32
      %mul3A_420 = vector.broadcast %mul3A : f32 to vector<512x128xf32>
      %mul3A_421 = arith.mulf %mul3A_420, %tanh3A : vector<512x128xf32>
      %add3A_422 = arith.constant 5.000000e-01 : f32
      %add3A_423 = vector.broadcast %add3A_422 : f32 to vector<512x128xf32>
      %add3A_424 = arith.addf %mul3A_421, %add3A_423 : vector<512x128xf32>
      %slice3A_425 = vector.extract_strided_slice %add3A_418 {offsets = [0, 128], sizes = [512, 128], strides = [1, 1]} : vector<512x512xf32> to vector<512x128xf32>
      %tanh3A_426 = math.tanh %slice3A_425 : vector<512x128xf32>
      %mul3A_427 = arith.constant 5.000000e-01 : f32
      %mul3A_428 = vector.broadcast %mul3A_427 : f32 to vector<512x128xf32>
      %mul3A_429 = arith.mulf %mul3A_428, %tanh3A_426 : vector<512x128xf32>
      %add3A_430 = arith.constant 5.000000e-01 : f32
      %add3A_431 = vector.broadcast %add3A_430 : f32 to vector<512x128xf32>
      %add3A_432 = arith.addf %mul3A_429, %add3A_431 : vector<512x128xf32>
      %slice3A_433 = vector.extract_strided_slice %add3A_418 {offsets = [0, 256], sizes = [512, 128], strides = [1, 1]} : vector<512x512xf32> to vector<512x128xf32>
      %tanh3A_434 = math.tanh %slice3A_433 : vector<512x128xf32>
      %slice3A_435 = vector.extract_strided_slice %add3A_418 {offsets = [0, 384], sizes = [512, 128], strides = [1, 1]} : vector<512x512xf32> to vector<512x128xf32>
      %tanh3A_436 = math.tanh %slice3A_435 : vector<512x128xf32>
      %mul3A_437 = arith.constant 5.000000e-01 : f32
      %mul3A_438 = vector.broadcast %mul3A_437 : f32 to vector<512x128xf32>
      %mul3A_439 = arith.mulf %mul3A_438, %tanh3A_436 : vector<512x128xf32>
      %add3A_440 = arith.constant 5.000000e-01 : f32
      %add3A_441 = vector.broadcast %add3A_440 : f32 to vector<512x128xf32>
      %add3A_442 = arith.addf %mul3A_439, %add3A_441 : vector<512x128xf32>
      %mul3A_443 = arith.mulf %add3A_432, %cond3A_151#1 : vector<512x128xf32>
      %mul3A_444 = arith.mulf %add3A_424, %tanh3A_434 : vector<512x128xf32>
      %add3A_445 = arith.addf %mul3A_443, %mul3A_444 : vector<512x128xf32>
      %tanh3A_446 = math.tanh %add3A_445 : vector<512x128xf32>
      %mul3A_447 = arith.mulf %add3A_442, %tanh3A_446 : vector<512x128xf32>
      %jit3A = arith.constant 0.000000e+00 : f32
      %broadcast_in_dim3A_448 = vector.broadcast %jit3A : f32 to vector<512x128xf32>
      %select_n3A_449 = arith.select %gt3A_412, %mul3A_447, %broadcast_in_dim3A_448 : vector<512x128xi1>, vector<512x128xf32>
      %swap3A_450 = arith.constant 3 : index
      %swap3A_451 = arith.constant 0 : index
      %swap3A_452 = arith.constant 0 : index
      %swap3A_453 = vector.load %arg11[%swap3A_450, %swap3A_451, %swap3A_452] : memref<20x512x128xf32, #tpu.memory_space<vmem>>, vector<1x512x128xf32>
      %swap3A_454 = vector.shape_cast %swap3A_453 : vector<1x512x128xf32> to vector<512x128xf32>
      %swap3A_455 = vector.shape_cast %select_n3A_449 : vector<512x128xf32> to vector<1x512x128xf32>
      tpu.vector_store %arg11[%swap3A_450, %swap3A_451, %swap3A_452], %swap3A_455 {strides = array<i32>} : memref<20x512x128xf32, #tpu.memory_space<vmem>>, vector<1x512x128xf32>,
      scf.yield %mul3A_447, %add3A_445 : vector<512x128xf32>, vector<512x128xf32>
    } else {
      scf.yield %cond3A_151#0, %cond3A_151#1 : vector<512x128xf32>, vector<512x128xf32>
    }
    %gt3A_158 = arith.constant 4 : i32
    %gt3A_159 = arith.cmpi sgt, %get3A_0, %gt3A_158 : i32
    %convert_element_type3A_160 = arith.extui %gt3A_159 : i1 to i32
    %cond3A_161 = arith.constant 0 : i32
    %cond3A_162 = arith.cmpi ne, %convert_element_type3A_160, %cond3A_161 : i32
    %cond3A_163:2 = scf.if %cond3A_162 -> (vector<512x128xf32>, vector<512x128xf32>) {
      %get3A_405 = arith.constant 4 : index
      %get3A_406 = arith.constant 0 : index
      %get3A_407 = arith.constant 0 : index
      %get3A_408 = vector.load %arg10[%get3A_405, %get3A_406, %get3A_407] : memref<20x512x128xbf16, #tpu.memory_space<vmem>>, vector<1x512x128xbf16>
      %get3A_409 = vector.shape_cast %get3A_408 : vector<1x512x128xbf16> to vector<512x128xbf16>
      %gt3A_410 = arith.constant 4 : i32
      %gt3A_411 = vector.broadcast %gt3A_410 : i32 to vector<512x128xi32>
      %gt3A_412 = arith.cmpi sgt, %select_n3A, %gt3A_411 : vector<512x128xi32>
      %convert_element_type3A_413 = arith.truncf %cond3A_157#0 : vector<512x128xf32> to vector<512x128xbf16>
      %concatenate3A = tpu.concatenate %get3A_409, %convert_element_type3A_413 in 1 : vector<512x128xbf16>, vector<512x128xbf16> -> vector<512x256xbf16>
      %get3A_414 = arith.constant 0 : index
      %get3A_415 = arith.constant 0 : index
      %get3A_416 = vector.load %arg4[%get3A_414, %get3A_415] : memref<256x512xbf16, #tpu.memory_space<vmem>>, vector<256x512xbf16>
      %dot_general3A = arith.constant dense<0.000000e+00> : vector<512x512xf32>
      %dot_general3A_417 = tpu.matmul %concatenate3A, %get3A_416, %dot_general3A {dimension_numbers = #tpu.dot_dimension_numbers<[1], [0], [0], [1], [0, 0, 1, 1], [], []>, transpose_lhs_hint = false} : vector<512x256xbf16>, vector<256x512xbf16>, vector<512x512xf32> -> vector<512x512xf32>
      %add3A = vector.broadcast %broadcast_in_dim3A_114 : vector<1x512xf32> to vector<512x512xf32>
      %add3A_418 = arith.addf %dot_general3A_417, %add3A : vector<512x512xf32>
      %slice3A_419 = vector.extract_strided_slice %add3A_418 {offsets = [0, 0], sizes = [512, 128], strides = [1, 1]} : vector<512x512xf32> to vector<512x128xf32>
      %tanh3A = math.tanh %slice3A_419 : vector<512x128xf32>
      %mul3A = arith.constant 5.000000e-01 : f32
      %mul3A_420 = vector.broadcast %mul3A : f32 to vector<512x128xf32>
      %mul3A_421 = arith.mulf %mul3A_420, %tanh3A : vector<512x128xf32>
      %add3A_422 = arith.constant 5.000000e-01 : f32
      %add3A_423 = vector.broadcast %add3A_422 : f32 to vector<512x128xf32>
      %add3A_424 = arith.addf %mul3A_421, %add3A_423 : vector<512x128xf32>
      %slice3A_425 = vector.extract_strided_slice %add3A_418 {offsets = [0, 128], sizes = [512, 128], strides = [1, 1]} : vector<512x512xf32> to vector<512x128xf32>
      %tanh3A_426 = math.tanh %slice3A_425 : vector<512x128xf32>
      %mul3A_427 = arith.constant 5.000000e-01 : f32
      %mul3A_428 = vector.broadcast %mul3A_427 : f32 to vector<512x128xf32>
      %mul3A_429 = arith.mulf %mul3A_428, %tanh3A_426 : vector<512x128xf32>
      %add3A_430 = arith.constant 5.000000e-01 : f32
      %add3A_431 = vector.broadcast %add3A_430 : f32 to vector<512x128xf32>
      %add3A_432 = arith.addf %mul3A_429, %add3A_431 : vector<512x128xf32>
      %slice3A_433 = vector.extract_strided_slice %add3A_418 {offsets = [0, 256], sizes = [512, 128], strides = [1, 1]} : vector<512x512xf32> to vector<512x128xf32>
      %tanh3A_434 = math.tanh %slice3A_433 : vector<512x128xf32>
      %slice3A_435 = vector.extract_strided_slice %add3A_418 {offsets = [0, 384], sizes = [512, 128], strides = [1, 1]} : vector<512x512xf32> to vector<512x128xf32>
      %tanh3A_436 = math.tanh %slice3A_435 : vector<512x128xf32>
      %mul3A_437 = arith.constant 5.000000e-01 : f32
      %mul3A_438 = vector.broadcast %mul3A_437 : f32 to vector<512x128xf32>
      %mul3A_439 = arith.mulf %mul3A_438, %tanh3A_436 : vector<512x128xf32>
      %add3A_440 = arith.constant 5.000000e-01 : f32
      %add3A_441 = vector.broadcast %add3A_440 : f32 to vector<512x128xf32>
      %add3A_442 = arith.addf %mul3A_439, %add3A_441 : vector<512x128xf32>
      %mul3A_443 = arith.mulf %add3A_432, %cond3A_157#1 : vector<512x128xf32>
      %mul3A_444 = arith.mulf %add3A_424, %tanh3A_434 : vector<512x128xf32>
      %add3A_445 = arith.addf %mul3A_443, %mul3A_444 : vector<512x128xf32>
      %tanh3A_446 = math.tanh %add3A_445 : vector<512x128xf32>
      %mul3A_447 = arith.mulf %add3A_442, %tanh3A_446 : vector<512x128xf32>
      %jit3A = arith.constant 0.000000e+00 : f32
      %broadcast_in_dim3A_448 = vector.broadcast %jit3A : f32 to vector<512x128xf32>
      %select_n3A_449 = arith.select %gt3A_412, %mul3A_447, %broadcast_in_dim3A_448 : vector<512x128xi1>, vector<512x128xf32>
      %swap3A_450 = arith.constant 4 : index
      %swap3A_451 = arith.constant 0 : index
      %swap3A_452 = arith.constant 0 : index
      %swap3A_453 = vector.load %arg11[%swap3A_450, %swap3A_451, %swap3A_452] : memref<20x512x128xf32, #tpu.memory_space<vmem>>, vector<1x512x128xf32>
      %swap3A_454 = vector.shape_cast %swap3A_453 : vector<1x512x128xf32> to vector<512x128xf32>
      %swap3A_455 = vector.shape_cast %select_n3A_449 : vector<512x128xf32> to vector<1x512x128xf32>
      tpu.vector_store %arg11[%swap3A_450, %swap3A_451, %swap3A_452], %swap3A_455 {strides = array<i32>} : memref<20x512x128xf32, #tpu.memory_space<vmem>>, vector<1x512x128xf32>,
      scf.yield %mul3A_447, %add3A_445 : vector<512x128xf32>, vector<512x128xf32>
    } else {
      scf.yield %cond3A_157#0, %cond3A_157#1 : vector<512x128xf32>, vector<512x128xf32>
    }
    %gt3A_164 = arith.constant 5 : i32
    %gt3A_165 = arith.cmpi sgt, %get3A_0, %gt3A_164 : i32
    %convert_element_type3A_166 = arith.extui %gt3A_165 : i1 to i32
    %cond3A_167 = arith.constant 0 : i32
    %cond3A_168 = arith.cmpi ne, %convert_element_type3A_166, %cond3A_167 : i32
    %cond3A_169:2 = scf.if %cond3A_168 -> (vector<512x128xf32>, vector<512x128xf32>) {
      %get3A_405 = arith.constant 5 : index
      %get3A_406 = arith.constant 0 : index
      %get3A_407 = arith.constant 0 : index
      %get3A_408 = vector.load %arg10[%get3A_405, %get3A_406, %get3A_407] : memref<20x512x128xbf16, #tpu.memory_space<vmem>>, vector<1x512x128xbf16>
      %get3A_409 = vector.shape_cast %get3A_408 : vector<1x512x128xbf16> to vector<512x128xbf16>
      %gt3A_410 = arith.constant 5 : i32
      %gt3A_411 = vector.broadcast %gt3A_410 : i32 to vector<512x128xi32>
      %gt3A_412 = arith.cmpi sgt, %select_n3A, %gt3A_411 : vector<512x128xi32>
      %convert_element_type3A_413 = arith.truncf %cond3A_163#0 : vector<512x128xf32> to vector<512x128xbf16>
      %concatenate3A = tpu.concatenate %get3A_409, %convert_element_type3A_413 in 1 : vector<512x128xbf16>, vector<512x128xbf16> -> vector<512x256xbf16>
      %get3A_414 = arith.constant 0 : index
      %get3A_415 = arith.constant 0 : index
      %get3A_416 = vector.load %arg4[%get3A_414, %get3A_415] : memref<256x512xbf16, #tpu.memory_space<vmem>>, vector<256x512xbf16>
      %dot_general3A = arith.constant dense<0.000000e+00> : vector<512x512xf32>
      %dot_general3A_417 = tpu.matmul %concatenate3A, %get3A_416, %dot_general3A {dimension_numbers = #tpu.dot_dimension_numbers<[1], [0], [0], [1], [0, 0, 1, 1], [], []>, transpose_lhs_hint = false} : vector<512x256xbf16>, vector<256x512xbf16>, vector<512x512xf32> -> vector<512x512xf32>
      %add3A = vector.broadcast %broadcast_in_dim3A_114 : vector<1x512xf32> to vector<512x512xf32>
      %add3A_418 = arith.addf %dot_general3A_417, %add3A : vector<512x512xf32>
      %slice3A_419 = vector.extract_strided_slice %add3A_418 {offsets = [0, 0], sizes = [512, 128], strides = [1, 1]} : vector<512x512xf32> to vector<512x128xf32>
      %tanh3A = math.tanh %slice3A_419 : vector<512x128xf32>
      %mul3A = arith.constant 5.000000e-01 : f32
      %mul3A_420 = vector.broadcast %mul3A : f32 to vector<512x128xf32>
      %mul3A_421 = arith.mulf %mul3A_420, %tanh3A : vector<512x128xf32>
      %add3A_422 = arith.constant 5.000000e-01 : f32
      %add3A_423 = vector.broadcast %add3A_422 : f32 to vector<512x128xf32>
      %add3A_424 = arith.addf %mul3A_421, %add3A_423 : vector<512x128xf32>
      %slice3A_425 = vector.extract_strided_slice %add3A_418 {offsets = [0, 128], sizes = [512, 128], strides = [1, 1]} : vector<512x512xf32> to vector<512x128xf32>
      %tanh3A_426 = math.tanh %slice3A_425 : vector<512x128xf32>
      %mul3A_427 = arith.constant 5.000000e-01 : f32
      %mul3A_428 = vector.broadcast %mul3A_427 : f32 to vector<512x128xf32>
      %mul3A_429 = arith.mulf %mul3A_428, %tanh3A_426 : vector<512x128xf32>
      %add3A_430 = arith.constant 5.000000e-01 : f32
      %add3A_431 = vector.broadcast %add3A_430 : f32 to vector<512x128xf32>
      %add3A_432 = arith.addf %mul3A_429, %add3A_431 : vector<512x128xf32>
      %slice3A_433 = vector.extract_strided_slice %add3A_418 {offsets = [0, 256], sizes = [512, 128], strides = [1, 1]} : vector<512x512xf32> to vector<512x128xf32>
      %tanh3A_434 = math.tanh %slice3A_433 : vector<512x128xf32>
      %slice3A_435 = vector.extract_strided_slice %add3A_418 {offsets = [0, 384], sizes = [512, 128], strides = [1, 1]} : vector<512x512xf32> to vector<512x128xf32>
      %tanh3A_436 = math.tanh %slice3A_435 : vector<512x128xf32>
      %mul3A_437 = arith.constant 5.000000e-01 : f32
      %mul3A_438 = vector.broadcast %mul3A_437 : f32 to vector<512x128xf32>
      %mul3A_439 = arith.mulf %mul3A_438, %tanh3A_436 : vector<512x128xf32>
      %add3A_440 = arith.constant 5.000000e-01 : f32
      %add3A_441 = vector.broadcast %add3A_440 : f32 to vector<512x128xf32>
      %add3A_442 = arith.addf %mul3A_439, %add3A_441 : vector<512x128xf32>
      %mul3A_443 = arith.mulf %add3A_432, %cond3A_163#1 : vector<512x128xf32>
      %mul3A_444 = arith.mulf %add3A_424, %tanh3A_434 : vector<512x128xf32>
      %add3A_445 = arith.addf %mul3A_443, %mul3A_444 : vector<512x128xf32>
      %tanh3A_446 = math.tanh %add3A_445 : vector<512x128xf32>
      %mul3A_447 = arith.mulf %add3A_442, %tanh3A_446 : vector<512x128xf32>
      %jit3A = arith.constant 0.000000e+00 : f32
      %broadcast_in_dim3A_448 = vector.broadcast %jit3A : f32 to vector<512x128xf32>
      %select_n3A_449 = arith.select %gt3A_412, %mul3A_447, %broadcast_in_dim3A_448 : vector<512x128xi1>, vector<512x128xf32>
      %swap3A_450 = arith.constant 5 : index
      %swap3A_451 = arith.constant 0 : index
      %swap3A_452 = arith.constant 0 : index
      %swap3A_453 = vector.load %arg11[%swap3A_450, %swap3A_451, %swap3A_452] : memref<20x512x128xf32, #tpu.memory_space<vmem>>, vector<1x512x128xf32>
      %swap3A_454 = vector.shape_cast %swap3A_453 : vector<1x512x128xf32> to vector<512x128xf32>
      %swap3A_455 = vector.shape_cast %select_n3A_449 : vector<512x128xf32> to vector<1x512x128xf32>
      tpu.vector_store %arg11[%swap3A_450, %swap3A_451, %swap3A_452], %swap3A_455 {strides = array<i32>} : memref<20x512x128xf32, #tpu.memory_space<vmem>>, vector<1x512x128xf32>,
      scf.yield %mul3A_447, %add3A_445 : vector<512x128xf32>, vector<512x128xf32>
    } else {
      scf.yield %cond3A_163#0, %cond3A_163#1 : vector<512x128xf32>, vector<512x128xf32>
    }
    %gt3A_170 = arith.constant 6 : i32
    %gt3A_171 = arith.cmpi sgt, %get3A_0, %gt3A_170 : i32
    %convert_element_type3A_172 = arith.extui %gt3A_171 : i1 to i32
    %cond3A_173 = arith.constant 0 : i32
    %cond3A_174 = arith.cmpi ne, %convert_element_type3A_172, %cond3A_173 : i32
    %cond3A_175:2 = scf.if %cond3A_174 -> (vector<512x128xf32>, vector<512x128xf32>) {
      %get3A_405 = arith.constant 6 : index
      %get3A_406 = arith.constant 0 : index
      %get3A_407 = arith.constant 0 : index
      %get3A_408 = vector.load %arg10[%get3A_405, %get3A_406, %get3A_407] : memref<20x512x128xbf16, #tpu.memory_space<vmem>>, vector<1x512x128xbf16>
      %get3A_409 = vector.shape_cast %get3A_408 : vector<1x512x128xbf16> to vector<512x128xbf16>
      %gt3A_410 = arith.constant 6 : i32
      %gt3A_411 = vector.broadcast %gt3A_410 : i32 to vector<512x128xi32>
      %gt3A_412 = arith.cmpi sgt, %select_n3A, %gt3A_411 : vector<512x128xi32>
      %convert_element_type3A_413 = arith.truncf %cond3A_169#0 : vector<512x128xf32> to vector<512x128xbf16>
      %concatenate3A = tpu.concatenate %get3A_409, %convert_element_type3A_413 in 1 : vector<512x128xbf16>, vector<512x128xbf16> -> vector<512x256xbf16>
      %get3A_414 = arith.constant 0 : index
      %get3A_415 = arith.constant 0 : index
      %get3A_416 = vector.load %arg4[%get3A_414, %get3A_415] : memref<256x512xbf16, #tpu.memory_space<vmem>>, vector<256x512xbf16>
      %dot_general3A = arith.constant dense<0.000000e+00> : vector<512x512xf32>
      %dot_general3A_417 = tpu.matmul %concatenate3A, %get3A_416, %dot_general3A {dimension_numbers = #tpu.dot_dimension_numbers<[1], [0], [0], [1], [0, 0, 1, 1], [], []>, transpose_lhs_hint = false} : vector<512x256xbf16>, vector<256x512xbf16>, vector<512x512xf32> -> vector<512x512xf32>
      %add3A = vector.broadcast %broadcast_in_dim3A_114 : vector<1x512xf32> to vector<512x512xf32>
      %add3A_418 = arith.addf %dot_general3A_417, %add3A : vector<512x512xf32>
      %slice3A_419 = vector.extract_strided_slice %add3A_418 {offsets = [0, 0], sizes = [512, 128], strides = [1, 1]} : vector<512x512xf32> to vector<512x128xf32>
      %tanh3A = math.tanh %slice3A_419 : vector<512x128xf32>
      %mul3A = arith.constant 5.000000e-01 : f32
      %mul3A_420 = vector.broadcast %mul3A : f32 to vector<512x128xf32>
      %mul3A_421 = arith.mulf %mul3A_420, %tanh3A : vector<512x128xf32>
      %add3A_422 = arith.constant 5.000000e-01 : f32
      %add3A_423 = vector.broadcast %add3A_422 : f32 to vector<512x128xf32>
      %add3A_424 = arith.addf %mul3A_421, %add3A_423 : vector<512x128xf32>
      %slice3A_425 = vector.extract_strided_slice %add3A_418 {offsets = [0, 128], sizes = [512, 128], strides = [1, 1]} : vector<512x512xf32> to vector<512x128xf32>
      %tanh3A_426 = math.tanh %slice3A_425 : vector<512x128xf32>
      %mul3A_427 = arith.constant 5.000000e-01 : f32
      %mul3A_428 = vector.broadcast %mul3A_427 : f32 to vector<512x128xf32>
      %mul3A_429 = arith.mulf %mul3A_428, %tanh3A_426 : vector<512x128xf32>
      %add3A_430 = arith.constant 5.000000e-01 : f32
      %add3A_431 = vector.broadcast %add3A_430 : f32 to vector<512x128xf32>
      %add3A_432 = arith.addf %mul3A_429, %add3A_431 : vector<512x128xf32>
      %slice3A_433 = vector.extract_strided_slice %add3A_418 {offsets = [0, 256], sizes = [512, 128], strides = [1, 1]} : vector<512x512xf32> to vector<512x128xf32>
      %tanh3A_434 = math.tanh %slice3A_433 : vector<512x128xf32>
      %slice3A_435 = vector.extract_strided_slice %add3A_418 {offsets = [0, 384], sizes = [512, 128], strides = [1, 1]} : vector<512x512xf32> to vector<512x128xf32>
      %tanh3A_436 = math.tanh %slice3A_435 : vector<512x128xf32>
      %mul3A_437 = arith.constant 5.000000e-01 : f32
      %mul3A_438 = vector.broadcast %mul3A_437 : f32 to vector<512x128xf32>
      %mul3A_439 = arith.mulf %mul3A_438, %tanh3A_436 : vector<512x128xf32>
      %add3A_440 = arith.constant 5.000000e-01 : f32
      %add3A_441 = vector.broadcast %add3A_440 : f32 to vector<512x128xf32>
      %add3A_442 = arith.addf %mul3A_439, %add3A_441 : vector<512x128xf32>
      %mul3A_443 = arith.mulf %add3A_432, %cond3A_169#1 : vector<512x128xf32>
      %mul3A_444 = arith.mulf %add3A_424, %tanh3A_434 : vector<512x128xf32>
      %add3A_445 = arith.addf %mul3A_443, %mul3A_444 : vector<512x128xf32>
      %tanh3A_446 = math.tanh %add3A_445 : vector<512x128xf32>
      %mul3A_447 = arith.mulf %add3A_442, %tanh3A_446 : vector<512x128xf32>
      %jit3A = arith.constant 0.000000e+00 : f32
      %broadcast_in_dim3A_448 = vector.broadcast %jit3A : f32 to vector<512x128xf32>
      %select_n3A_449 = arith.select %gt3A_412, %mul3A_447, %broadcast_in_dim3A_448 : vector<512x128xi1>, vector<512x128xf32>
      %swap3A_450 = arith.constant 6 : index
      %swap3A_451 = arith.constant 0 : index
      %swap3A_452 = arith.constant 0 : index
      %swap3A_453 = vector.load %arg11[%swap3A_450, %swap3A_451, %swap3A_452] : memref<20x512x128xf32, #tpu.memory_space<vmem>>, vector<1x512x128xf32>
      %swap3A_454 = vector.shape_cast %swap3A_453 : vector<1x512x128xf32> to vector<512x128xf32>
      %swap3A_455 = vector.shape_cast %select_n3A_449 : vector<512x128xf32> to vector<1x512x128xf32>
      tpu.vector_store %arg11[%swap3A_450, %swap3A_451, %swap3A_452], %swap3A_455 {strides = array<i32>} : memref<20x512x128xf32, #tpu.memory_space<vmem>>, vector<1x512x128xf32>,
      scf.yield %mul3A_447, %add3A_445 : vector<512x128xf32>, vector<512x128xf32>
    } else {
      scf.yield %cond3A_169#0, %cond3A_169#1 : vector<512x128xf32>, vector<512x128xf32>
    }
    %gt3A_176 = arith.constant 7 : i32
    %gt3A_177 = arith.cmpi sgt, %get3A_0, %gt3A_176 : i32
    %convert_element_type3A_178 = arith.extui %gt3A_177 : i1 to i32
    %cond3A_179 = arith.constant 0 : i32
    %cond3A_180 = arith.cmpi ne, %convert_element_type3A_178, %cond3A_179 : i32
    %cond3A_181:2 = scf.if %cond3A_180 -> (vector<512x128xf32>, vector<512x128xf32>) {
      %get3A_405 = arith.constant 7 : index
      %get3A_406 = arith.constant 0 : index
      %get3A_407 = arith.constant 0 : index
      %get3A_408 = vector.load %arg10[%get3A_405, %get3A_406, %get3A_407] : memref<20x512x128xbf16, #tpu.memory_space<vmem>>, vector<1x512x128xbf16>
      %get3A_409 = vector.shape_cast %get3A_408 : vector<1x512x128xbf16> to vector<512x128xbf16>
      %gt3A_410 = arith.constant 7 : i32
      %gt3A_411 = vector.broadcast %gt3A_410 : i32 to vector<512x128xi32>
      %gt3A_412 = arith.cmpi sgt, %select_n3A, %gt3A_411 : vector<512x128xi32>
      %convert_element_type3A_413 = arith.truncf %cond3A_175#0 : vector<512x128xf32> to vector<512x128xbf16>
      %concatenate3A = tpu.concatenate %get3A_409, %convert_element_type3A_413 in 1 : vector<512x128xbf16>, vector<512x128xbf16> -> vector<512x256xbf16>
      %get3A_414 = arith.constant 0 : index
      %get3A_415 = arith.constant 0 : index
      %get3A_416 = vector.load %arg4[%get3A_414, %get3A_415] : memref<256x512xbf16, #tpu.memory_space<vmem>>, vector<256x512xbf16>
      %dot_general3A = arith.constant dense<0.000000e+00> : vector<512x512xf32>
      %dot_general3A_417 = tpu.matmul %concatenate3A, %get3A_416, %dot_general3A {dimension_numbers = #tpu.dot_dimension_numbers<[1], [0], [0], [1], [0, 0, 1, 1], [], []>, transpose_lhs_hint = false} : vector<512x256xbf16>, vector<256x512xbf16>, vector<512x512xf32> -> vector<512x512xf32>
      %add3A = vector.broadcast %broadcast_in_dim3A_114 : vector<1x512xf32> to vector<512x512xf32>
      %add3A_418 = arith.addf %dot_general3A_417, %add3A : vector<512x512xf32>
      %slice3A_419 = vector.extract_strided_slice %add3A_418 {offsets = [0, 0], sizes = [512, 128], strides = [1, 1]} : vector<512x512xf32> to vector<512x128xf32>
      %tanh3A = math.tanh %slice3A_419 : vector<512x128xf32>
      %mul3A = arith.constant 5.000000e-01 : f32
      %mul3A_420 = vector.broadcast %mul3A : f32 to vector<512x128xf32>
      %mul3A_421 = arith.mulf %mul3A_420, %tanh3A : vector<512x128xf32>
      %add3A_422 = arith.constant 5.000000e-01 : f32
      %add3A_423 = vector.broadcast %add3A_422 : f32 to vector<512x128xf32>
      %add3A_424 = arith.addf %mul3A_421, %add3A_423 : vector<512x128xf32>
      %slice3A_425 = vector.extract_strided_slice %add3A_418 {offsets = [0, 128], sizes = [512, 128], strides = [1, 1]} : vector<512x512xf32> to vector<512x128xf32>
      %tanh3A_426 = math.tanh %slice3A_425 : vector<512x128xf32>
      %mul3A_427 = arith.constant 5.000000e-01 : f32
      %mul3A_428 = vector.broadcast %mul3A_427 : f32 to vector<512x128xf32>
      %mul3A_429 = arith.mulf %mul3A_428, %tanh3A_426 : vector<512x128xf32>
      %add3A_430 = arith.constant 5.000000e-01 : f32
      %add3A_431 = vector.broadcast %add3A_430 : f32 to vector<512x128xf32>
      %add3A_432 = arith.addf %mul3A_429, %add3A_431 : vector<512x128xf32>
      %slice3A_433 = vector.extract_strided_slice %add3A_418 {offsets = [0, 256], sizes = [512, 128], strides = [1, 1]} : vector<512x512xf32> to vector<512x128xf32>
      %tanh3A_434 = math.tanh %slice3A_433 : vector<512x128xf32>
      %slice3A_435 = vector.extract_strided_slice %add3A_418 {offsets = [0, 384], sizes = [512, 128], strides = [1, 1]} : vector<512x512xf32> to vector<512x128xf32>
      %tanh3A_436 = math.tanh %slice3A_435 : vector<512x128xf32>
      %mul3A_437 = arith.constant 5.000000e-01 : f32
      %mul3A_438 = vector.broadcast %mul3A_437 : f32 to vector<512x128xf32>
      %mul3A_439 = arith.mulf %mul3A_438, %tanh3A_436 : vector<512x128xf32>
      %add3A_440 = arith.constant 5.000000e-01 : f32
      %add3A_441 = vector.broadcast %add3A_440 : f32 to vector<512x128xf32>
      %add3A_442 = arith.addf %mul3A_439, %add3A_441 : vector<512x128xf32>
      %mul3A_443 = arith.mulf %add3A_432, %cond3A_175#1 : vector<512x128xf32>
      %mul3A_444 = arith.mulf %add3A_424, %tanh3A_434 : vector<512x128xf32>
      %add3A_445 = arith.addf %mul3A_443, %mul3A_444 : vector<512x128xf32>
      %tanh3A_446 = math.tanh %add3A_445 : vector<512x128xf32>
      %mul3A_447 = arith.mulf %add3A_442, %tanh3A_446 : vector<512x128xf32>
      %jit3A = arith.constant 0.000000e+00 : f32
      %broadcast_in_dim3A_448 = vector.broadcast %jit3A : f32 to vector<512x128xf32>
      %select_n3A_449 = arith.select %gt3A_412, %mul3A_447, %broadcast_in_dim3A_448 : vector<512x128xi1>, vector<512x128xf32>
      %swap3A_450 = arith.constant 7 : index
      %swap3A_451 = arith.constant 0 : index
      %swap3A_452 = arith.constant 0 : index
      %swap3A_453 = vector.load %arg11[%swap3A_450, %swap3A_451, %swap3A_452] : memref<20x512x128xf32, #tpu.memory_space<vmem>>, vector<1x512x128xf32>
      %swap3A_454 = vector.shape_cast %swap3A_453 : vector<1x512x128xf32> to vector<512x128xf32>
      %swap3A_455 = vector.shape_cast %select_n3A_449 : vector<512x128xf32> to vector<1x512x128xf32>
      tpu.vector_store %arg11[%swap3A_450, %swap3A_451, %swap3A_452], %swap3A_455 {strides = array<i32>} : memref<20x512x128xf32, #tpu.memory_space<vmem>>, vector<1x512x128xf32>,
      scf.yield %mul3A_447, %add3A_445 : vector<512x128xf32>, vector<512x128xf32>
    } else {
      scf.yield %cond3A_175#0, %cond3A_175#1 : vector<512x128xf32>, vector<512x128xf32>
    }
    %gt3A_182 = arith.constant 8 : i32
    %gt3A_183 = arith.cmpi sgt, %get3A_0, %gt3A_182 : i32
    %convert_element_type3A_184 = arith.extui %gt3A_183 : i1 to i32
    %cond3A_185 = arith.constant 0 : i32
    %cond3A_186 = arith.cmpi ne, %convert_element_type3A_184, %cond3A_185 : i32
    %cond3A_187:2 = scf.if %cond3A_186 -> (vector<512x128xf32>, vector<512x128xf32>) {
      %get3A_405 = arith.constant 8 : index
      %get3A_406 = arith.constant 0 : index
      %get3A_407 = arith.constant 0 : index
      %get3A_408 = vector.load %arg10[%get3A_405, %get3A_406, %get3A_407] : memref<20x512x128xbf16, #tpu.memory_space<vmem>>, vector<1x512x128xbf16>
      %get3A_409 = vector.shape_cast %get3A_408 : vector<1x512x128xbf16> to vector<512x128xbf16>
      %gt3A_410 = arith.constant 8 : i32
      %gt3A_411 = vector.broadcast %gt3A_410 : i32 to vector<512x128xi32>
      %gt3A_412 = arith.cmpi sgt, %select_n3A, %gt3A_411 : vector<512x128xi32>
      %convert_element_type3A_413 = arith.truncf %cond3A_181#0 : vector<512x128xf32> to vector<512x128xbf16>
      %concatenate3A = tpu.concatenate %get3A_409, %convert_element_type3A_413 in 1 : vector<512x128xbf16>, vector<512x128xbf16> -> vector<512x256xbf16>
      %get3A_414 = arith.constant 0 : index
      %get3A_415 = arith.constant 0 : index
      %get3A_416 = vector.load %arg4[%get3A_414, %get3A_415] : memref<256x512xbf16, #tpu.memory_space<vmem>>, vector<256x512xbf16>
      %dot_general3A = arith.constant dense<0.000000e+00> : vector<512x512xf32>
      %dot_general3A_417 = tpu.matmul %concatenate3A, %get3A_416, %dot_general3A {dimension_numbers = #tpu.dot_dimension_numbers<[1], [0], [0], [1], [0, 0, 1, 1], [], []>, transpose_lhs_hint = false} : vector<512x256xbf16>, vector<256x512xbf16>, vector<512x512xf32> -> vector<512x512xf32>
      %add3A = vector.broadcast %broadcast_in_dim3A_114 : vector<1x512xf32> to vector<512x512xf32>
      %add3A_418 = arith.addf %dot_general3A_417, %add3A : vector<512x512xf32>
      %slice3A_419 = vector.extract_strided_slice %add3A_418 {offsets = [0, 0], sizes = [512, 128], strides = [1, 1]} : vector<512x512xf32> to vector<512x128xf32>
      %tanh3A = math.tanh %slice3A_419 : vector<512x128xf32>
      %mul3A = arith.constant 5.000000e-01 : f32
      %mul3A_420 = vector.broadcast %mul3A : f32 to vector<512x128xf32>
      %mul3A_421 = arith.mulf %mul3A_420, %tanh3A : vector<512x128xf32>
      %add3A_422 = arith.constant 5.000000e-01 : f32
      %add3A_423 = vector.broadcast %add3A_422 : f32 to vector<512x128xf32>
      %add3A_424 = arith.addf %mul3A_421, %add3A_423 : vector<512x128xf32>
      %slice3A_425 = vector.extract_strided_slice %add3A_418 {offsets = [0, 128], sizes = [512, 128], strides = [1, 1]} : vector<512x512xf32> to vector<512x128xf32>
      %tanh3A_426 = math.tanh %slice3A_425 : vector<512x128xf32>
      %mul3A_427 = arith.constant 5.000000e-01 : f32
      %mul3A_428 = vector.broadcast %mul3A_427 : f32 to vector<512x128xf32>
      %mul3A_429 = arith.mulf %mul3A_428, %tanh3A_426 : vector<512x128xf32>
      %add3A_430 = arith.constant 5.000000e-01 : f32
      %add3A_431 = vector.broadcast %add3A_430 : f32 to vector<512x128xf32>
      %add3A_432 = arith.addf %mul3A_429, %add3A_431 : vector<512x128xf32>
      %slice3A_433 = vector.extract_strided_slice %add3A_418 {offsets = [0, 256], sizes = [512, 128], strides = [1, 1]} : vector<512x512xf32> to vector<512x128xf32>
      %tanh3A_434 = math.tanh %slice3A_433 : vector<512x128xf32>
      %slice3A_435 = vector.extract_strided_slice %add3A_418 {offsets = [0, 384], sizes = [512, 128], strides = [1, 1]} : vector<512x512xf32> to vector<512x128xf32>
      %tanh3A_436 = math.tanh %slice3A_435 : vector<512x128xf32>
      %mul3A_437 = arith.constant 5.000000e-01 : f32
      %mul3A_438 = vector.broadcast %mul3A_437 : f32 to vector<512x128xf32>
      %mul3A_439 = arith.mulf %mul3A_438, %tanh3A_436 : vector<512x128xf32>
      %add3A_440 = arith.constant 5.000000e-01 : f32
      %add3A_441 = vector.broadcast %add3A_440 : f32 to vector<512x128xf32>
      %add3A_442 = arith.addf %mul3A_439, %add3A_441 : vector<512x128xf32>
      %mul3A_443 = arith.mulf %add3A_432, %cond3A_181#1 : vector<512x128xf32>
      %mul3A_444 = arith.mulf %add3A_424, %tanh3A_434 : vector<512x128xf32>
      %add3A_445 = arith.addf %mul3A_443, %mul3A_444 : vector<512x128xf32>
      %tanh3A_446 = math.tanh %add3A_445 : vector<512x128xf32>
      %mul3A_447 = arith.mulf %add3A_442, %tanh3A_446 : vector<512x128xf32>
      %jit3A = arith.constant 0.000000e+00 : f32
      %broadcast_in_dim3A_448 = vector.broadcast %jit3A : f32 to vector<512x128xf32>
      %select_n3A_449 = arith.select %gt3A_412, %mul3A_447, %broadcast_in_dim3A_448 : vector<512x128xi1>, vector<512x128xf32>
      %swap3A_450 = arith.constant 8 : index
      %swap3A_451 = arith.constant 0 : index
      %swap3A_452 = arith.constant 0 : index
      %swap3A_453 = vector.load %arg11[%swap3A_450, %swap3A_451, %swap3A_452] : memref<20x512x128xf32, #tpu.memory_space<vmem>>, vector<1x512x128xf32>
      %swap3A_454 = vector.shape_cast %swap3A_453 : vector<1x512x128xf32> to vector<512x128xf32>
      %swap3A_455 = vector.shape_cast %select_n3A_449 : vector<512x128xf32> to vector<1x512x128xf32>
      tpu.vector_store %arg11[%swap3A_450, %swap3A_451, %swap3A_452], %swap3A_455 {strides = array<i32>} : memref<20x512x128xf32, #tpu.memory_space<vmem>>, vector<1x512x128xf32>,
      scf.yield %mul3A_447, %add3A_445 : vector<512x128xf32>, vector<512x128xf32>
    } else {
      scf.yield %cond3A_181#0, %cond3A_181#1 : vector<512x128xf32>, vector<512x128xf32>
    }
    %gt3A_188 = arith.constant 9 : i32
    %gt3A_189 = arith.cmpi sgt, %get3A_0, %gt3A_188 : i32
    %convert_element_type3A_190 = arith.extui %gt3A_189 : i1 to i32
    %cond3A_191 = arith.constant 0 : i32
    %cond3A_192 = arith.cmpi ne, %convert_element_type3A_190, %cond3A_191 : i32
    %cond3A_193:2 = scf.if %cond3A_192 -> (vector<512x128xf32>, vector<512x128xf32>) {
      %get3A_405 = arith.constant 9 : index
      %get3A_406 = arith.constant 0 : index
      %get3A_407 = arith.constant 0 : index
      %get3A_408 = vector.load %arg10[%get3A_405, %get3A_406, %get3A_407] : memref<20x512x128xbf16, #tpu.memory_space<vmem>>, vector<1x512x128xbf16>
      %get3A_409 = vector.shape_cast %get3A_408 : vector<1x512x128xbf16> to vector<512x128xbf16>
      %gt3A_410 = arith.constant 9 : i32
      %gt3A_411 = vector.broadcast %gt3A_410 : i32 to vector<512x128xi32>
      %gt3A_412 = arith.cmpi sgt, %select_n3A, %gt3A_411 : vector<512x128xi32>
      %convert_element_type3A_413 = arith.truncf %cond3A_187#0 : vector<512x128xf32> to vector<512x128xbf16>
      %concatenate3A = tpu.concatenate %get3A_409, %convert_element_type3A_413 in 1 : vector<512x128xbf16>, vector<512x128xbf16> -> vector<512x256xbf16>
      %get3A_414 = arith.constant 0 : index
      %get3A_415 = arith.constant 0 : index
      %get3A_416 = vector.load %arg4[%get3A_414, %get3A_415] : memref<256x512xbf16, #tpu.memory_space<vmem>>, vector<256x512xbf16>
      %dot_general3A = arith.constant dense<0.000000e+00> : vector<512x512xf32>
      %dot_general3A_417 = tpu.matmul %concatenate3A, %get3A_416, %dot_general3A {dimension_numbers = #tpu.dot_dimension_numbers<[1], [0], [0], [1], [0, 0, 1, 1], [], []>, transpose_lhs_hint = false} : vector<512x256xbf16>, vector<256x512xbf16>, vector<512x512xf32> -> vector<512x512xf32>
      %add3A = vector.broadcast %broadcast_in_dim3A_114 : vector<1x512xf32> to vector<512x512xf32>
      %add3A_418 = arith.addf %dot_general3A_417, %add3A : vector<512x512xf32>
      %slice3A_419 = vector.extract_strided_slice %add3A_418 {offsets = [0, 0], sizes = [512, 128], strides = [1, 1]} : vector<512x512xf32> to vector<512x128xf32>
      %tanh3A = math.tanh %slice3A_419 : vector<512x128xf32>
      %mul3A = arith.constant 5.000000e-01 : f32
      %mul3A_420 = vector.broadcast %mul3A : f32 to vector<512x128xf32>
      %mul3A_421 = arith.mulf %mul3A_420, %tanh3A : vector<512x128xf32>
      %add3A_422 = arith.constant 5.000000e-01 : f32
      %add3A_423 = vector.broadcast %add3A_422 : f32 to vector<512x128xf32>
      %add3A_424 = arith.addf %mul3A_421, %add3A_423 : vector<512x128xf32>
      %slice3A_425 = vector.extract_strided_slice %add3A_418 {offsets = [0, 128], sizes = [512, 128], strides = [1, 1]} : vector<512x512xf32> to vector<512x128xf32>
      %tanh3A_426 = math.tanh %slice3A_425 : vector<512x128xf32>
      %mul3A_427 = arith.constant 5.000000e-01 : f32
      %mul3A_428 = vector.broadcast %mul3A_427 : f32 to vector<512x128xf32>
      %mul3A_429 = arith.mulf %mul3A_428, %tanh3A_426 : vector<512x128xf32>
      %add3A_430 = arith.constant 5.000000e-01 : f32
      %add3A_431 = vector.broadcast %add3A_430 : f32 to vector<512x128xf32>
      %add3A_432 = arith.addf %mul3A_429, %add3A_431 : vector<512x128xf32>
      %slice3A_433 = vector.extract_strided_slice %add3A_418 {offsets = [0, 256], sizes = [512, 128], strides = [1, 1]} : vector<512x512xf32> to vector<512x128xf32>
      %tanh3A_434 = math.tanh %slice3A_433 : vector<512x128xf32>
      %slice3A_435 = vector.extract_strided_slice %add3A_418 {offsets = [0, 384], sizes = [512, 128], strides = [1, 1]} : vector<512x512xf32> to vector<512x128xf32>
      %tanh3A_436 = math.tanh %slice3A_435 : vector<512x128xf32>
      %mul3A_437 = arith.constant 5.000000e-01 : f32
      %mul3A_438 = vector.broadcast %mul3A_437 : f32 to vector<512x128xf32>
      %mul3A_439 = arith.mulf %mul3A_438, %tanh3A_436 : vector<512x128xf32>
      %add3A_440 = arith.constant 5.000000e-01 : f32
      %add3A_441 = vector.broadcast %add3A_440 : f32 to vector<512x128xf32>
      %add3A_442 = arith.addf %mul3A_439, %add3A_441 : vector<512x128xf32>
      %mul3A_443 = arith.mulf %add3A_432, %cond3A_187#1 : vector<512x128xf32>
      %mul3A_444 = arith.mulf %add3A_424, %tanh3A_434 : vector<512x128xf32>
      %add3A_445 = arith.addf %mul3A_443, %mul3A_444 : vector<512x128xf32>
      %tanh3A_446 = math.tanh %add3A_445 : vector<512x128xf32>
      %mul3A_447 = arith.mulf %add3A_442, %tanh3A_446 : vector<512x128xf32>
      %jit3A = arith.constant 0.000000e+00 : f32
      %broadcast_in_dim3A_448 = vector.broadcast %jit3A : f32 to vector<512x128xf32>
      %select_n3A_449 = arith.select %gt3A_412, %mul3A_447, %broadcast_in_dim3A_448 : vector<512x128xi1>, vector<512x128xf32>
      %swap3A_450 = arith.constant 9 : index
      %swap3A_451 = arith.constant 0 : index
      %swap3A_452 = arith.constant 0 : index
      %swap3A_453 = vector.load %arg11[%swap3A_450, %swap3A_451, %swap3A_452] : memref<20x512x128xf32, #tpu.memory_space<vmem>>, vector<1x512x128xf32>
      %swap3A_454 = vector.shape_cast %swap3A_453 : vector<1x512x128xf32> to vector<512x128xf32>
      %swap3A_455 = vector.shape_cast %select_n3A_449 : vector<512x128xf32> to vector<1x512x128xf32>
      tpu.vector_store %arg11[%swap3A_450, %swap3A_451, %swap3A_452], %swap3A_455 {strides = array<i32>} : memref<20x512x128xf32, #tpu.memory_space<vmem>>, vector<1x512x128xf32>,
      scf.yield %mul3A_447, %add3A_445 : vector<512x128xf32>, vector<512x128xf32>
    } else {
      scf.yield %cond3A_187#0, %cond3A_187#1 : vector<512x128xf32>, vector<512x128xf32>
    }
    %gt3A_194 = arith.constant 10 : i32
    %gt3A_195 = arith.cmpi sgt, %get3A_0, %gt3A_194 : i32
    %convert_element_type3A_196 = arith.extui %gt3A_195 : i1 to i32
    %cond3A_197 = arith.constant 0 : i32
    %cond3A_198 = arith.cmpi ne, %convert_element_type3A_196, %cond3A_197 : i32
    %cond3A_199:2 = scf.if %cond3A_198 -> (vector<512x128xf32>, vector<512x128xf32>) {
      %get3A_405 = arith.constant 10 : index
      %get3A_406 = arith.constant 0 : index
      %get3A_407 = arith.constant 0 : index
      %get3A_408 = vector.load %arg10[%get3A_405, %get3A_406, %get3A_407] : memref<20x512x128xbf16, #tpu.memory_space<vmem>>, vector<1x512x128xbf16>
      %get3A_409 = vector.shape_cast %get3A_408 : vector<1x512x128xbf16> to vector<512x128xbf16>
      %gt3A_410 = arith.constant 10 : i32
      %gt3A_411 = vector.broadcast %gt3A_410 : i32 to vector<512x128xi32>
      %gt3A_412 = arith.cmpi sgt, %select_n3A, %gt3A_411 : vector<512x128xi32>
      %convert_element_type3A_413 = arith.truncf %cond3A_193#0 : vector<512x128xf32> to vector<512x128xbf16>
      %concatenate3A = tpu.concatenate %get3A_409, %convert_element_type3A_413 in 1 : vector<512x128xbf16>, vector<512x128xbf16> -> vector<512x256xbf16>
      %get3A_414 = arith.constant 0 : index
      %get3A_415 = arith.constant 0 : index
      %get3A_416 = vector.load %arg4[%get3A_414, %get3A_415] : memref<256x512xbf16, #tpu.memory_space<vmem>>, vector<256x512xbf16>
      %dot_general3A = arith.constant dense<0.000000e+00> : vector<512x512xf32>
      %dot_general3A_417 = tpu.matmul %concatenate3A, %get3A_416, %dot_general3A {dimension_numbers = #tpu.dot_dimension_numbers<[1], [0], [0], [1], [0, 0, 1, 1], [], []>, transpose_lhs_hint = false} : vector<512x256xbf16>, vector<256x512xbf16>, vector<512x512xf32> -> vector<512x512xf32>
      %add3A = vector.broadcast %broadcast_in_dim3A_114 : vector<1x512xf32> to vector<512x512xf32>
      %add3A_418 = arith.addf %dot_general3A_417, %add3A : vector<512x512xf32>
      %slice3A_419 = vector.extract_strided_slice %add3A_418 {offsets = [0, 0], sizes = [512, 128], strides = [1, 1]} : vector<512x512xf32> to vector<512x128xf32>
      %tanh3A = math.tanh %slice3A_419 : vector<512x128xf32>
      %mul3A = arith.constant 5.000000e-01 : f32
      %mul3A_420 = vector.broadcast %mul3A : f32 to vector<512x128xf32>
      %mul3A_421 = arith.mulf %mul3A_420, %tanh3A : vector<512x128xf32>
      %add3A_422 = arith.constant 5.000000e-01 : f32
      %add3A_423 = vector.broadcast %add3A_422 : f32 to vector<512x128xf32>
      %add3A_424 = arith.addf %mul3A_421, %add3A_423 : vector<512x128xf32>
      %slice3A_425 = vector.extract_strided_slice %add3A_418 {offsets = [0, 128], sizes = [512, 128], strides = [1, 1]} : vector<512x512xf32> to vector<512x128xf32>
      %tanh3A_426 = math.tanh %slice3A_425 : vector<512x128xf32>
      %mul3A_427 = arith.constant 5.000000e-01 : f32
      %mul3A_428 = vector.broadcast %mul3A_427 : f32 to vector<512x128xf32>
      %mul3A_429 = arith.mulf %mul3A_428, %tanh3A_426 : vector<512x128xf32>
      %add3A_430 = arith.constant 5.000000e-01 : f32
      %add3A_431 = vector.broadcast %add3A_430 : f32 to vector<512x128xf32>
      %add3A_432 = arith.addf %mul3A_429, %add3A_431 : vector<512x128xf32>
      %slice3A_433 = vector.extract_strided_slice %add3A_418 {offsets = [0, 256], sizes = [512, 128], strides = [1, 1]} : vector<512x512xf32> to vector<512x128xf32>
      %tanh3A_434 = math.tanh %slice3A_433 : vector<512x128xf32>
      %slice3A_435 = vector.extract_strided_slice %add3A_418 {offsets = [0, 384], sizes = [512, 128], strides = [1, 1]} : vector<512x512xf32> to vector<512x128xf32>
      %tanh3A_436 = math.tanh %slice3A_435 : vector<512x128xf32>
      %mul3A_437 = arith.constant 5.000000e-01 : f32
      %mul3A_438 = vector.broadcast %mul3A_437 : f32 to vector<512x128xf32>
      %mul3A_439 = arith.mulf %mul3A_438, %tanh3A_436 : vector<512x128xf32>
      %add3A_440 = arith.constant 5.000000e-01 : f32
      %add3A_441 = vector.broadcast %add3A_440 : f32 to vector<512x128xf32>
      %add3A_442 = arith.addf %mul3A_439, %add3A_441 : vector<512x128xf32>
      %mul3A_443 = arith.mulf %add3A_432, %cond3A_193#1 : vector<512x128xf32>
      %mul3A_444 = arith.mulf %add3A_424, %tanh3A_434 : vector<512x128xf32>
      %add3A_445 = arith.addf %mul3A_443, %mul3A_444 : vector<512x128xf32>
      %tanh3A_446 = math.tanh %add3A_445 : vector<512x128xf32>
      %mul3A_447 = arith.mulf %add3A_442, %tanh3A_446 : vector<512x128xf32>
      %jit3A = arith.constant 0.000000e+00 : f32
      %broadcast_in_dim3A_448 = vector.broadcast %jit3A : f32 to vector<512x128xf32>
      %select_n3A_449 = arith.select %gt3A_412, %mul3A_447, %broadcast_in_dim3A_448 : vector<512x128xi1>, vector<512x128xf32>
      %swap3A_450 = arith.constant 10 : index
      %swap3A_451 = arith.constant 0 : index
      %swap3A_452 = arith.constant 0 : index
      %swap3A_453 = vector.load %arg11[%swap3A_450, %swap3A_451, %swap3A_452] : memref<20x512x128xf32, #tpu.memory_space<vmem>>, vector<1x512x128xf32>
      %swap3A_454 = vector.shape_cast %swap3A_453 : vector<1x512x128xf32> to vector<512x128xf32>
      %swap3A_455 = vector.shape_cast %select_n3A_449 : vector<512x128xf32> to vector<1x512x128xf32>
      tpu.vector_store %arg11[%swap3A_450, %swap3A_451, %swap3A_452], %swap3A_455 {strides = array<i32>} : memref<20x512x128xf32, #tpu.memory_space<vmem>>, vector<1x512x128xf32>,
      scf.yield %mul3A_447, %add3A_445 : vector<512x128xf32>, vector<512x128xf32>
    } else {
      scf.yield %cond3A_193#0, %cond3A_193#1 : vector<512x128xf32>, vector<512x128xf32>
    }
    %gt3A_200 = arith.constant 11 : i32
    %gt3A_201 = arith.cmpi sgt, %get3A_0, %gt3A_200 : i32
    %convert_element_type3A_202 = arith.extui %gt3A_201 : i1 to i32
    %cond3A_203 = arith.constant 0 : i32
    %cond3A_204 = arith.cmpi ne, %convert_element_type3A_202, %cond3A_203 : i32
    %cond3A_205:2 = scf.if %cond3A_204 -> (vector<512x128xf32>, vector<512x128xf32>) {
      %get3A_405 = arith.constant 11 : index
      %get3A_406 = arith.constant 0 : index
      %get3A_407 = arith.constant 0 : index
      %get3A_408 = vector.load %arg10[%get3A_405, %get3A_406, %get3A_407] : memref<20x512x128xbf16, #tpu.memory_space<vmem>>, vector<1x512x128xbf16>
      %get3A_409 = vector.shape_cast %get3A_408 : vector<1x512x128xbf16> to vector<512x128xbf16>
      %gt3A_410 = arith.constant 11 : i32
      %gt3A_411 = vector.broadcast %gt3A_410 : i32 to vector<512x128xi32>
      %gt3A_412 = arith.cmpi sgt, %select_n3A, %gt3A_411 : vector<512x128xi32>
      %convert_element_type3A_413 = arith.truncf %cond3A_199#0 : vector<512x128xf32> to vector<512x128xbf16>
      %concatenate3A = tpu.concatenate %get3A_409, %convert_element_type3A_413 in 1 : vector<512x128xbf16>, vector<512x128xbf16> -> vector<512x256xbf16>
      %get3A_414 = arith.constant 0 : index
      %get3A_415 = arith.constant 0 : index
      %get3A_416 = vector.load %arg4[%get3A_414, %get3A_415] : memref<256x512xbf16, #tpu.memory_space<vmem>>, vector<256x512xbf16>
      %dot_general3A = arith.constant dense<0.000000e+00> : vector<512x512xf32>
      %dot_general3A_417 = tpu.matmul %concatenate3A, %get3A_416, %dot_general3A {dimension_numbers = #tpu.dot_dimension_numbers<[1], [0], [0], [1], [0, 0, 1, 1], [], []>, transpose_lhs_hint = false} : vector<512x256xbf16>, vector<256x512xbf16>, vector<512x512xf32> -> vector<512x512xf32>
      %add3A = vector.broadcast %broadcast_in_dim3A_114 : vector<1x512xf32> to vector<512x512xf32>
      %add3A_418 = arith.addf %dot_general3A_417, %add3A : vector<512x512xf32>
      %slice3A_419 = vector.extract_strided_slice %add3A_418 {offsets = [0, 0], sizes = [512, 128], strides = [1, 1]} : vector<512x512xf32> to vector<512x128xf32>
      %tanh3A = math.tanh %slice3A_419 : vector<512x128xf32>
      %mul3A = arith.constant 5.000000e-01 : f32
      %mul3A_420 = vector.broadcast %mul3A : f32 to vector<512x128xf32>
      %mul3A_421 = arith.mulf %mul3A_420, %tanh3A : vector<512x128xf32>
      %add3A_422 = arith.constant 5.000000e-01 : f32
      %add3A_423 = vector.broadcast %add3A_422 : f32 to vector<512x128xf32>
      %add3A_424 = arith.addf %mul3A_421, %add3A_423 : vector<512x128xf32>
      %slice3A_425 = vector.extract_strided_slice %add3A_418 {offsets = [0, 128], sizes = [512, 128], strides = [1, 1]} : vector<512x512xf32> to vector<512x128xf32>
      %tanh3A_426 = math.tanh %slice3A_425 : vector<512x128xf32>
      %mul3A_427 = arith.constant 5.000000e-01 : f32
      %mul3A_428 = vector.broadcast %mul3A_427 : f32 to vector<512x128xf32>
      %mul3A_429 = arith.mulf %mul3A_428, %tanh3A_426 : vector<512x128xf32>
      %add3A_430 = arith.constant 5.000000e-01 : f32
      %add3A_431 = vector.broadcast %add3A_430 : f32 to vector<512x128xf32>
      %add3A_432 = arith.addf %mul3A_429, %add3A_431 : vector<512x128xf32>
      %slice3A_433 = vector.extract_strided_slice %add3A_418 {offsets = [0, 256], sizes = [512, 128], strides = [1, 1]} : vector<512x512xf32> to vector<512x128xf32>
      %tanh3A_434 = math.tanh %slice3A_433 : vector<512x128xf32>
      %slice3A_435 = vector.extract_strided_slice %add3A_418 {offsets = [0, 384], sizes = [512, 128], strides = [1, 1]} : vector<512x512xf32> to vector<512x128xf32>
      %tanh3A_436 = math.tanh %slice3A_435 : vector<512x128xf32>
      %mul3A_437 = arith.constant 5.000000e-01 : f32
      %mul3A_438 = vector.broadcast %mul3A_437 : f32 to vector<512x128xf32>
      %mul3A_439 = arith.mulf %mul3A_438, %tanh3A_436 : vector<512x128xf32>
      %add3A_440 = arith.constant 5.000000e-01 : f32
      %add3A_441 = vector.broadcast %add3A_440 : f32 to vector<512x128xf32>
      %add3A_442 = arith.addf %mul3A_439, %add3A_441 : vector<512x128xf32>
      %mul3A_443 = arith.mulf %add3A_432, %cond3A_199#1 : vector<512x128xf32>
      %mul3A_444 = arith.mulf %add3A_424, %tanh3A_434 : vector<512x128xf32>
      %add3A_445 = arith.addf %mul3A_443, %mul3A_444 : vector<512x128xf32>
      %tanh3A_446 = math.tanh %add3A_445 : vector<512x128xf32>
      %mul3A_447 = arith.mulf %add3A_442, %tanh3A_446 : vector<512x128xf32>
      %jit3A = arith.constant 0.000000e+00 : f32
      %broadcast_in_dim3A_448 = vector.broadcast %jit3A : f32 to vector<512x128xf32>
      %select_n3A_449 = arith.select %gt3A_412, %mul3A_447, %broadcast_in_dim3A_448 : vector<512x128xi1>, vector<512x128xf32>
      %swap3A_450 = arith.constant 11 : index
      %swap3A_451 = arith.constant 0 : index
      %swap3A_452 = arith.constant 0 : index
      %swap3A_453 = vector.load %arg11[%swap3A_450, %swap3A_451, %swap3A_452] : memref<20x512x128xf32, #tpu.memory_space<vmem>>, vector<1x512x128xf32>
      %swap3A_454 = vector.shape_cast %swap3A_453 : vector<1x512x128xf32> to vector<512x128xf32>
      %swap3A_455 = vector.shape_cast %select_n3A_449 : vector<512x128xf32> to vector<1x512x128xf32>
      tpu.vector_store %arg11[%swap3A_450, %swap3A_451, %swap3A_452], %swap3A_455 {strides = array<i32>} : memref<20x512x128xf32, #tpu.memory_space<vmem>>, vector<1x512x128xf32>,
      scf.yield %mul3A_447, %add3A_445 : vector<512x128xf32>, vector<512x128xf32>
    } else {
      scf.yield %cond3A_199#0, %cond3A_199#1 : vector<512x128xf32>, vector<512x128xf32>
    }
    %gt3A_206 = arith.constant 12 : i32
    %gt3A_207 = arith.cmpi sgt, %get3A_0, %gt3A_206 : i32
    %convert_element_type3A_208 = arith.extui %gt3A_207 : i1 to i32
    %cond3A_209 = arith.constant 0 : i32
    %cond3A_210 = arith.cmpi ne, %convert_element_type3A_208, %cond3A_209 : i32
    %cond3A_211:2 = scf.if %cond3A_210 -> (vector<512x128xf32>, vector<512x128xf32>) {
      %get3A_405 = arith.constant 12 : index
      %get3A_406 = arith.constant 0 : index
      %get3A_407 = arith.constant 0 : index
      %get3A_408 = vector.load %arg10[%get3A_405, %get3A_406, %get3A_407] : memref<20x512x128xbf16, #tpu.memory_space<vmem>>, vector<1x512x128xbf16>
      %get3A_409 = vector.shape_cast %get3A_408 : vector<1x512x128xbf16> to vector<512x128xbf16>
      %gt3A_410 = arith.constant 12 : i32
      %gt3A_411 = vector.broadcast %gt3A_410 : i32 to vector<512x128xi32>
      %gt3A_412 = arith.cmpi sgt, %select_n3A, %gt3A_411 : vector<512x128xi32>
      %convert_element_type3A_413 = arith.truncf %cond3A_205#0 : vector<512x128xf32> to vector<512x128xbf16>
      %concatenate3A = tpu.concatenate %get3A_409, %convert_element_type3A_413 in 1 : vector<512x128xbf16>, vector<512x128xbf16> -> vector<512x256xbf16>
      %get3A_414 = arith.constant 0 : index
      %get3A_415 = arith.constant 0 : index
      %get3A_416 = vector.load %arg4[%get3A_414, %get3A_415] : memref<256x512xbf16, #tpu.memory_space<vmem>>, vector<256x512xbf16>
      %dot_general3A = arith.constant dense<0.000000e+00> : vector<512x512xf32>
      %dot_general3A_417 = tpu.matmul %concatenate3A, %get3A_416, %dot_general3A {dimension_numbers = #tpu.dot_dimension_numbers<[1], [0], [0], [1], [0, 0, 1, 1], [], []>, transpose_lhs_hint = false} : vector<512x256xbf16>, vector<256x512xbf16>, vector<512x512xf32> -> vector<512x512xf32>
      %add3A = vector.broadcast %broadcast_in_dim3A_114 : vector<1x512xf32> to vector<512x512xf32>
      %add3A_418 = arith.addf %dot_general3A_417, %add3A : vector<512x512xf32>
      %slice3A_419 = vector.extract_strided_slice %add3A_418 {offsets = [0, 0], sizes = [512, 128], strides = [1, 1]} : vector<512x512xf32> to vector<512x128xf32>
      %tanh3A = math.tanh %slice3A_419 : vector<512x128xf32>
      %mul3A = arith.constant 5.000000e-01 : f32
      %mul3A_420 = vector.broadcast %mul3A : f32 to vector<512x128xf32>
      %mul3A_421 = arith.mulf %mul3A_420, %tanh3A : vector<512x128xf32>
      %add3A_422 = arith.constant 5.000000e-01 : f32
      %add3A_423 = vector.broadcast %add3A_422 : f32 to vector<512x128xf32>
      %add3A_424 = arith.addf %mul3A_421, %add3A_423 : vector<512x128xf32>
      %slice3A_425 = vector.extract_strided_slice %add3A_418 {offsets = [0, 128], sizes = [512, 128], strides = [1, 1]} : vector<512x512xf32> to vector<512x128xf32>
      %tanh3A_426 = math.tanh %slice3A_425 : vector<512x128xf32>
      %mul3A_427 = arith.constant 5.000000e-01 : f32
      %mul3A_428 = vector.broadcast %mul3A_427 : f32 to vector<512x128xf32>
      %mul3A_429 = arith.mulf %mul3A_428, %tanh3A_426 : vector<512x128xf32>
      %add3A_430 = arith.constant 5.000000e-01 : f32
      %add3A_431 = vector.broadcast %add3A_430 : f32 to vector<512x128xf32>
      %add3A_432 = arith.addf %mul3A_429, %add3A_431 : vector<512x128xf32>
      %slice3A_433 = vector.extract_strided_slice %add3A_418 {offsets = [0, 256], sizes = [512, 128], strides = [1, 1]} : vector<512x512xf32> to vector<512x128xf32>
      %tanh3A_434 = math.tanh %slice3A_433 : vector<512x128xf32>
      %slice3A_435 = vector.extract_strided_slice %add3A_418 {offsets = [0, 384], sizes = [512, 128], strides = [1, 1]} : vector<512x512xf32> to vector<512x128xf32>
      %tanh3A_436 = math.tanh %slice3A_435 : vector<512x128xf32>
      %mul3A_437 = arith.constant 5.000000e-01 : f32
      %mul3A_438 = vector.broadcast %mul3A_437 : f32 to vector<512x128xf32>
      %mul3A_439 = arith.mulf %mul3A_438, %tanh3A_436 : vector<512x128xf32>
      %add3A_440 = arith.constant 5.000000e-01 : f32
      %add3A_441 = vector.broadcast %add3A_440 : f32 to vector<512x128xf32>
      %add3A_442 = arith.addf %mul3A_439, %add3A_441 : vector<512x128xf32>
      %mul3A_443 = arith.mulf %add3A_432, %cond3A_205#1 : vector<512x128xf32>
      %mul3A_444 = arith.mulf %add3A_424, %tanh3A_434 : vector<512x128xf32>
      %add3A_445 = arith.addf %mul3A_443, %mul3A_444 : vector<512x128xf32>
      %tanh3A_446 = math.tanh %add3A_445 : vector<512x128xf32>
      %mul3A_447 = arith.mulf %add3A_442, %tanh3A_446 : vector<512x128xf32>
      %jit3A = arith.constant 0.000000e+00 : f32
      %broadcast_in_dim3A_448 = vector.broadcast %jit3A : f32 to vector<512x128xf32>
      %select_n3A_449 = arith.select %gt3A_412, %mul3A_447, %broadcast_in_dim3A_448 : vector<512x128xi1>, vector<512x128xf32>
      %swap3A_450 = arith.constant 12 : index
      %swap3A_451 = arith.constant 0 : index
      %swap3A_452 = arith.constant 0 : index
      %swap3A_453 = vector.load %arg11[%swap3A_450, %swap3A_451, %swap3A_452] : memref<20x512x128xf32, #tpu.memory_space<vmem>>, vector<1x512x128xf32>
      %swap3A_454 = vector.shape_cast %swap3A_453 : vector<1x512x128xf32> to vector<512x128xf32>
      %swap3A_455 = vector.shape_cast %select_n3A_449 : vector<512x128xf32> to vector<1x512x128xf32>
      tpu.vector_store %arg11[%swap3A_450, %swap3A_451, %swap3A_452], %swap3A_455 {strides = array<i32>} : memref<20x512x128xf32, #tpu.memory_space<vmem>>, vector<1x512x128xf32>,
      scf.yield %mul3A_447, %add3A_445 : vector<512x128xf32>, vector<512x128xf32>
    } else {
      scf.yield %cond3A_205#0, %cond3A_205#1 : vector<512x128xf32>, vector<512x128xf32>
    }
    %gt3A_212 = arith.constant 13 : i32
    %gt3A_213 = arith.cmpi sgt, %get3A_0, %gt3A_212 : i32
    %convert_element_type3A_214 = arith.extui %gt3A_213 : i1 to i32
    %cond3A_215 = arith.constant 0 : i32
    %cond3A_216 = arith.cmpi ne, %convert_element_type3A_214, %cond3A_215 : i32
    %cond3A_217:2 = scf.if %cond3A_216 -> (vector<512x128xf32>, vector<512x128xf32>) {
      %get3A_405 = arith.constant 13 : index
      %get3A_406 = arith.constant 0 : index
      %get3A_407 = arith.constant 0 : index
      %get3A_408 = vector.load %arg10[%get3A_405, %get3A_406, %get3A_407] : memref<20x512x128xbf16, #tpu.memory_space<vmem>>, vector<1x512x128xbf16>
      %get3A_409 = vector.shape_cast %get3A_408 : vector<1x512x128xbf16> to vector<512x128xbf16>
      %gt3A_410 = arith.constant 13 : i32
      %gt3A_411 = vector.broadcast %gt3A_410 : i32 to vector<512x128xi32>
      %gt3A_412 = arith.cmpi sgt, %select_n3A, %gt3A_411 : vector<512x128xi32>
      %convert_element_type3A_413 = arith.truncf %cond3A_211#0 : vector<512x128xf32> to vector<512x128xbf16>
      %concatenate3A = tpu.concatenate %get3A_409, %convert_element_type3A_413 in 1 : vector<512x128xbf16>, vector<512x128xbf16> -> vector<512x256xbf16>
      %get3A_414 = arith.constant 0 : index
      %get3A_415 = arith.constant 0 : index
      %get3A_416 = vector.load %arg4[%get3A_414, %get3A_415] : memref<256x512xbf16, #tpu.memory_space<vmem>>, vector<256x512xbf16>
      %dot_general3A = arith.constant dense<0.000000e+00> : vector<512x512xf32>
      %dot_general3A_417 = tpu.matmul %concatenate3A, %get3A_416, %dot_general3A {dimension_numbers = #tpu.dot_dimension_numbers<[1], [0], [0], [1], [0, 0, 1, 1], [], []>, transpose_lhs_hint = false} : vector<512x256xbf16>, vector<256x512xbf16>, vector<512x512xf32> -> vector<512x512xf32>
      %add3A = vector.broadcast %broadcast_in_dim3A_114 : vector<1x512xf32> to vector<512x512xf32>
      %add3A_418 = arith.addf %dot_general3A_417, %add3A : vector<512x512xf32>
      %slice3A_419 = vector.extract_strided_slice %add3A_418 {offsets = [0, 0], sizes = [512, 128], strides = [1, 1]} : vector<512x512xf32> to vector<512x128xf32>
      %tanh3A = math.tanh %slice3A_419 : vector<512x128xf32>
      %mul3A = arith.constant 5.000000e-01 : f32
      %mul3A_420 = vector.broadcast %mul3A : f32 to vector<512x128xf32>
      %mul3A_421 = arith.mulf %mul3A_420, %tanh3A : vector<512x128xf32>
      %add3A_422 = arith.constant 5.000000e-01 : f32
      %add3A_423 = vector.broadcast %add3A_422 : f32 to vector<512x128xf32>
      %add3A_424 = arith.addf %mul3A_421, %add3A_423 : vector<512x128xf32>
      %slice3A_425 = vector.extract_strided_slice %add3A_418 {offsets = [0, 128], sizes = [512, 128], strides = [1, 1]} : vector<512x512xf32> to vector<512x128xf32>
      %tanh3A_426 = math.tanh %slice3A_425 : vector<512x128xf32>
      %mul3A_427 = arith.constant 5.000000e-01 : f32
      %mul3A_428 = vector.broadcast %mul3A_427 : f32 to vector<512x128xf32>
      %mul3A_429 = arith.mulf %mul3A_428, %tanh3A_426 : vector<512x128xf32>
      %add3A_430 = arith.constant 5.000000e-01 : f32
      %add3A_431 = vector.broadcast %add3A_430 : f32 to vector<512x128xf32>
      %add3A_432 = arith.addf %mul3A_429, %add3A_431 : vector<512x128xf32>
      %slice3A_433 = vector.extract_strided_slice %add3A_418 {offsets = [0, 256], sizes = [512, 128], strides = [1, 1]} : vector<512x512xf32> to vector<512x128xf32>
      %tanh3A_434 = math.tanh %slice3A_433 : vector<512x128xf32>
      %slice3A_435 = vector.extract_strided_slice %add3A_418 {offsets = [0, 384], sizes = [512, 128], strides = [1, 1]} : vector<512x512xf32> to vector<512x128xf32>
      %tanh3A_436 = math.tanh %slice3A_435 : vector<512x128xf32>
      %mul3A_437 = arith.constant 5.000000e-01 : f32
      %mul3A_438 = vector.broadcast %mul3A_437 : f32 to vector<512x128xf32>
      %mul3A_439 = arith.mulf %mul3A_438, %tanh3A_436 : vector<512x128xf32>
      %add3A_440 = arith.constant 5.000000e-01 : f32
      %add3A_441 = vector.broadcast %add3A_440 : f32 to vector<512x128xf32>
      %add3A_442 = arith.addf %mul3A_439, %add3A_441 : vector<512x128xf32>
      %mul3A_443 = arith.mulf %add3A_432, %cond3A_211#1 : vector<512x128xf32>
      %mul3A_444 = arith.mulf %add3A_424, %tanh3A_434 : vector<512x128xf32>
      %add3A_445 = arith.addf %mul3A_443, %mul3A_444 : vector<512x128xf32>
      %tanh3A_446 = math.tanh %add3A_445 : vector<512x128xf32>
      %mul3A_447 = arith.mulf %add3A_442, %tanh3A_446 : vector<512x128xf32>
      %jit3A = arith.constant 0.000000e+00 : f32
      %broadcast_in_dim3A_448 = vector.broadcast %jit3A : f32 to vector<512x128xf32>
      %select_n3A_449 = arith.select %gt3A_412, %mul3A_447, %broadcast_in_dim3A_448 : vector<512x128xi1>, vector<512x128xf32>
      %swap3A_450 = arith.constant 13 : index
      %swap3A_451 = arith.constant 0 : index
      %swap3A_452 = arith.constant 0 : index
      %swap3A_453 = vector.load %arg11[%swap3A_450, %swap3A_451, %swap3A_452] : memref<20x512x128xf32, #tpu.memory_space<vmem>>, vector<1x512x128xf32>
      %swap3A_454 = vector.shape_cast %swap3A_453 : vector<1x512x128xf32> to vector<512x128xf32>
      %swap3A_455 = vector.shape_cast %select_n3A_449 : vector<512x128xf32> to vector<1x512x128xf32>
      tpu.vector_store %arg11[%swap3A_450, %swap3A_451, %swap3A_452], %swap3A_455 {strides = array<i32>} : memref<20x512x128xf32, #tpu.memory_space<vmem>>, vector<1x512x128xf32>,
      scf.yield %mul3A_447, %add3A_445 : vector<512x128xf32>, vector<512x128xf32>
    } else {
      scf.yield %cond3A_211#0, %cond3A_211#1 : vector<512x128xf32>, vector<512x128xf32>
    }
    %gt3A_218 = arith.constant 14 : i32
    %gt3A_219 = arith.cmpi sgt, %get3A_0, %gt3A_218 : i32
    %convert_element_type3A_220 = arith.extui %gt3A_219 : i1 to i32
    %cond3A_221 = arith.constant 0 : i32
    %cond3A_222 = arith.cmpi ne, %convert_element_type3A_220, %cond3A_221 : i32
    %cond3A_223:2 = scf.if %cond3A_222 -> (vector<512x128xf32>, vector<512x128xf32>) {
      %get3A_405 = arith.constant 14 : index
      %get3A_406 = arith.constant 0 : index
      %get3A_407 = arith.constant 0 : index
      %get3A_408 = vector.load %arg10[%get3A_405, %get3A_406, %get3A_407] : memref<20x512x128xbf16, #tpu.memory_space<vmem>>, vector<1x512x128xbf16>
      %get3A_409 = vector.shape_cast %get3A_408 : vector<1x512x128xbf16> to vector<512x128xbf16>
      %gt3A_410 = arith.constant 14 : i32
      %gt3A_411 = vector.broadcast %gt3A_410 : i32 to vector<512x128xi32>
      %gt3A_412 = arith.cmpi sgt, %select_n3A, %gt3A_411 : vector<512x128xi32>
      %convert_element_type3A_413 = arith.truncf %cond3A_217#0 : vector<512x128xf32> to vector<512x128xbf16>
      %concatenate3A = tpu.concatenate %get3A_409, %convert_element_type3A_413 in 1 : vector<512x128xbf16>, vector<512x128xbf16> -> vector<512x256xbf16>
      %get3A_414 = arith.constant 0 : index
      %get3A_415 = arith.constant 0 : index
      %get3A_416 = vector.load %arg4[%get3A_414, %get3A_415] : memref<256x512xbf16, #tpu.memory_space<vmem>>, vector<256x512xbf16>
      %dot_general3A = arith.constant dense<0.000000e+00> : vector<512x512xf32>
      %dot_general3A_417 = tpu.matmul %concatenate3A, %get3A_416, %dot_general3A {dimension_numbers = #tpu.dot_dimension_numbers<[1], [0], [0], [1], [0, 0, 1, 1], [], []>, transpose_lhs_hint = false} : vector<512x256xbf16>, vector<256x512xbf16>, vector<512x512xf32> -> vector<512x512xf32>
      %add3A = vector.broadcast %broadcast_in_dim3A_114 : vector<1x512xf32> to vector<512x512xf32>
      %add3A_418 = arith.addf %dot_general3A_417, %add3A : vector<512x512xf32>
      %slice3A_419 = vector.extract_strided_slice %add3A_418 {offsets = [0, 0], sizes = [512, 128], strides = [1, 1]} : vector<512x512xf32> to vector<512x128xf32>
      %tanh3A = math.tanh %slice3A_419 : vector<512x128xf32>
      %mul3A = arith.constant 5.000000e-01 : f32
      %mul3A_420 = vector.broadcast %mul3A : f32 to vector<512x128xf32>
      %mul3A_421 = arith.mulf %mul3A_420, %tanh3A : vector<512x128xf32>
      %add3A_422 = arith.constant 5.000000e-01 : f32
      %add3A_423 = vector.broadcast %add3A_422 : f32 to vector<512x128xf32>
      %add3A_424 = arith.addf %mul3A_421, %add3A_423 : vector<512x128xf32>
      %slice3A_425 = vector.extract_strided_slice %add3A_418 {offsets = [0, 128], sizes = [512, 128], strides = [1, 1]} : vector<512x512xf32> to vector<512x128xf32>
      %tanh3A_426 = math.tanh %slice3A_425 : vector<512x128xf32>
      %mul3A_427 = arith.constant 5.000000e-01 : f32
      %mul3A_428 = vector.broadcast %mul3A_427 : f32 to vector<512x128xf32>
      %mul3A_429 = arith.mulf %mul3A_428, %tanh3A_426 : vector<512x128xf32>
      %add3A_430 = arith.constant 5.000000e-01 : f32
      %add3A_431 = vector.broadcast %add3A_430 : f32 to vector<512x128xf32>
      %add3A_432 = arith.addf %mul3A_429, %add3A_431 : vector<512x128xf32>
      %slice3A_433 = vector.extract_strided_slice %add3A_418 {offsets = [0, 256], sizes = [512, 128], strides = [1, 1]} : vector<512x512xf32> to vector<512x128xf32>
      %tanh3A_434 = math.tanh %slice3A_433 : vector<512x128xf32>
      %slice3A_435 = vector.extract_strided_slice %add3A_418 {offsets = [0, 384], sizes = [512, 128], strides = [1, 1]} : vector<512x512xf32> to vector<512x128xf32>
      %tanh3A_436 = math.tanh %slice3A_435 : vector<512x128xf32>
      %mul3A_437 = arith.constant 5.000000e-01 : f32
      %mul3A_438 = vector.broadcast %mul3A_437 : f32 to vector<512x128xf32>
      %mul3A_439 = arith.mulf %mul3A_438, %tanh3A_436 : vector<512x128xf32>
      %add3A_440 = arith.constant 5.000000e-01 : f32
      %add3A_441 = vector.broadcast %add3A_440 : f32 to vector<512x128xf32>
      %add3A_442 = arith.addf %mul3A_439, %add3A_441 : vector<512x128xf32>
      %mul3A_443 = arith.mulf %add3A_432, %cond3A_217#1 : vector<512x128xf32>
      %mul3A_444 = arith.mulf %add3A_424, %tanh3A_434 : vector<512x128xf32>
      %add3A_445 = arith.addf %mul3A_443, %mul3A_444 : vector<512x128xf32>
      %tanh3A_446 = math.tanh %add3A_445 : vector<512x128xf32>
      %mul3A_447 = arith.mulf %add3A_442, %tanh3A_446 : vector<512x128xf32>
      %jit3A = arith.constant 0.000000e+00 : f32
      %broadcast_in_dim3A_448 = vector.broadcast %jit3A : f32 to vector<512x128xf32>
      %select_n3A_449 = arith.select %gt3A_412, %mul3A_447, %broadcast_in_dim3A_448 : vector<512x128xi1>, vector<512x128xf32>
      %swap3A_450 = arith.constant 14 : index
      %swap3A_451 = arith.constant 0 : index
      %swap3A_452 = arith.constant 0 : index
      %swap3A_453 = vector.load %arg11[%swap3A_450, %swap3A_451, %swap3A_452] : memref<20x512x128xf32, #tpu.memory_space<vmem>>, vector<1x512x128xf32>
      %swap3A_454 = vector.shape_cast %swap3A_453 : vector<1x512x128xf32> to vector<512x128xf32>
      %swap3A_455 = vector.shape_cast %select_n3A_449 : vector<512x128xf32> to vector<1x512x128xf32>
      tpu.vector_store %arg11[%swap3A_450, %swap3A_451, %swap3A_452], %swap3A_455 {strides = array<i32>} : memref<20x512x128xf32, #tpu.memory_space<vmem>>, vector<1x512x128xf32>,
      scf.yield %mul3A_447, %add3A_445 : vector<512x128xf32>, vector<512x128xf32>
    } else {
      scf.yield %cond3A_217#0, %cond3A_217#1 : vector<512x128xf32>, vector<512x128xf32>
    }
    %gt3A_224 = arith.constant 15 : i32
    %gt3A_225 = arith.cmpi sgt, %get3A_0, %gt3A_224 : i32
    %convert_element_type3A_226 = arith.extui %gt3A_225 : i1 to i32
    %cond3A_227 = arith.constant 0 : i32
    %cond3A_228 = arith.cmpi ne, %convert_element_type3A_226, %cond3A_227 : i32
    %cond3A_229:2 = scf.if %cond3A_228 -> (vector<512x128xf32>, vector<512x128xf32>) {
      %get3A_405 = arith.constant 15 : index
      %get3A_406 = arith.constant 0 : index
      %get3A_407 = arith.constant 0 : index
      %get3A_408 = vector.load %arg10[%get3A_405, %get3A_406, %get3A_407] : memref<20x512x128xbf16, #tpu.memory_space<vmem>>, vector<1x512x128xbf16>
      %get3A_409 = vector.shape_cast %get3A_408 : vector<1x512x128xbf16> to vector<512x128xbf16>
      %gt3A_410 = arith.constant 15 : i32
      %gt3A_411 = vector.broadcast %gt3A_410 : i32 to vector<512x128xi32>
      %gt3A_412 = arith.cmpi sgt, %select_n3A, %gt3A_411 : vector<512x128xi32>
      %convert_element_type3A_413 = arith.truncf %cond3A_223#0 : vector<512x128xf32> to vector<512x128xbf16>
      %concatenate3A = tpu.concatenate %get3A_409, %convert_element_type3A_413 in 1 : vector<512x128xbf16>, vector<512x128xbf16> -> vector<512x256xbf16>
      %get3A_414 = arith.constant 0 : index
      %get3A_415 = arith.constant 0 : index
      %get3A_416 = vector.load %arg4[%get3A_414, %get3A_415] : memref<256x512xbf16, #tpu.memory_space<vmem>>, vector<256x512xbf16>
      %dot_general3A = arith.constant dense<0.000000e+00> : vector<512x512xf32>
      %dot_general3A_417 = tpu.matmul %concatenate3A, %get3A_416, %dot_general3A {dimension_numbers = #tpu.dot_dimension_numbers<[1], [0], [0], [1], [0, 0, 1, 1], [], []>, transpose_lhs_hint = false} : vector<512x256xbf16>, vector<256x512xbf16>, vector<512x512xf32> -> vector<512x512xf32>
      %add3A = vector.broadcast %broadcast_in_dim3A_114 : vector<1x512xf32> to vector<512x512xf32>
      %add3A_418 = arith.addf %dot_general3A_417, %add3A : vector<512x512xf32>
      %slice3A_419 = vector.extract_strided_slice %add3A_418 {offsets = [0, 0], sizes = [512, 128], strides = [1, 1]} : vector<512x512xf32> to vector<512x128xf32>
      %tanh3A = math.tanh %slice3A_419 : vector<512x128xf32>
      %mul3A = arith.constant 5.000000e-01 : f32
      %mul3A_420 = vector.broadcast %mul3A : f32 to vector<512x128xf32>
      %mul3A_421 = arith.mulf %mul3A_420, %tanh3A : vector<512x128xf32>
      %add3A_422 = arith.constant 5.000000e-01 : f32
      %add3A_423 = vector.broadcast %add3A_422 : f32 to vector<512x128xf32>
      %add3A_424 = arith.addf %mul3A_421, %add3A_423 : vector<512x128xf32>
      %slice3A_425 = vector.extract_strided_slice %add3A_418 {offsets = [0, 128], sizes = [512, 128], strides = [1, 1]} : vector<512x512xf32> to vector<512x128xf32>
      %tanh3A_426 = math.tanh %slice3A_425 : vector<512x128xf32>
      %mul3A_427 = arith.constant 5.000000e-01 : f32
      %mul3A_428 = vector.broadcast %mul3A_427 : f32 to vector<512x128xf32>
      %mul3A_429 = arith.mulf %mul3A_428, %tanh3A_426 : vector<512x128xf32>
      %add3A_430 = arith.constant 5.000000e-01 : f32
      %add3A_431 = vector.broadcast %add3A_430 : f32 to vector<512x128xf32>
      %add3A_432 = arith.addf %mul3A_429, %add3A_431 : vector<512x128xf32>
      %slice3A_433 = vector.extract_strided_slice %add3A_418 {offsets = [0, 256], sizes = [512, 128], strides = [1, 1]} : vector<512x512xf32> to vector<512x128xf32>
      %tanh3A_434 = math.tanh %slice3A_433 : vector<512x128xf32>
      %slice3A_435 = vector.extract_strided_slice %add3A_418 {offsets = [0, 384], sizes = [512, 128], strides = [1, 1]} : vector<512x512xf32> to vector<512x128xf32>
      %tanh3A_436 = math.tanh %slice3A_435 : vector<512x128xf32>
      %mul3A_437 = arith.constant 5.000000e-01 : f32
      %mul3A_438 = vector.broadcast %mul3A_437 : f32 to vector<512x128xf32>
      %mul3A_439 = arith.mulf %mul3A_438, %tanh3A_436 : vector<512x128xf32>
      %add3A_440 = arith.constant 5.000000e-01 : f32
      %add3A_441 = vector.broadcast %add3A_440 : f32 to vector<512x128xf32>
      %add3A_442 = arith.addf %mul3A_439, %add3A_441 : vector<512x128xf32>
      %mul3A_443 = arith.mulf %add3A_432, %cond3A_223#1 : vector<512x128xf32>
      %mul3A_444 = arith.mulf %add3A_424, %tanh3A_434 : vector<512x128xf32>
      %add3A_445 = arith.addf %mul3A_443, %mul3A_444 : vector<512x128xf32>
      %tanh3A_446 = math.tanh %add3A_445 : vector<512x128xf32>
      %mul3A_447 = arith.mulf %add3A_442, %tanh3A_446 : vector<512x128xf32>
      %jit3A = arith.constant 0.000000e+00 : f32
      %broadcast_in_dim3A_448 = vector.broadcast %jit3A : f32 to vector<512x128xf32>
      %select_n3A_449 = arith.select %gt3A_412, %mul3A_447, %broadcast_in_dim3A_448 : vector<512x128xi1>, vector<512x128xf32>
      %swap3A_450 = arith.constant 15 : index
      %swap3A_451 = arith.constant 0 : index
      %swap3A_452 = arith.constant 0 : index
      %swap3A_453 = vector.load %arg11[%swap3A_450, %swap3A_451, %swap3A_452] : memref<20x512x128xf32, #tpu.memory_space<vmem>>, vector<1x512x128xf32>
      %swap3A_454 = vector.shape_cast %swap3A_453 : vector<1x512x128xf32> to vector<512x128xf32>
      %swap3A_455 = vector.shape_cast %select_n3A_449 : vector<512x128xf32> to vector<1x512x128xf32>
      tpu.vector_store %arg11[%swap3A_450, %swap3A_451, %swap3A_452], %swap3A_455 {strides = array<i32>} : memref<20x512x128xf32, #tpu.memory_space<vmem>>, vector<1x512x128xf32>,
      scf.yield %mul3A_447, %add3A_445 : vector<512x128xf32>, vector<512x128xf32>
    } else {
      scf.yield %cond3A_223#0, %cond3A_223#1 : vector<512x128xf32>, vector<512x128xf32>
    }
    %gt3A_230 = arith.constant 16 : i32
    %gt3A_231 = arith.cmpi sgt, %get3A_0, %gt3A_230 : i32
    %convert_element_type3A_232 = arith.extui %gt3A_231 : i1 to i32
    %cond3A_233 = arith.constant 0 : i32
    %cond3A_234 = arith.cmpi ne, %convert_element_type3A_232, %cond3A_233 : i32
    %cond3A_235:2 = scf.if %cond3A_234 -> (vector<512x128xf32>, vector<512x128xf32>) {
      %get3A_405 = arith.constant 16 : index
      %get3A_406 = arith.constant 0 : index
      %get3A_407 = arith.constant 0 : index
      %get3A_408 = vector.load %arg10[%get3A_405, %get3A_406, %get3A_407] : memref<20x512x128xbf16, #tpu.memory_space<vmem>>, vector<1x512x128xbf16>
      %get3A_409 = vector.shape_cast %get3A_408 : vector<1x512x128xbf16> to vector<512x128xbf16>
      %gt3A_410 = arith.constant 16 : i32
      %gt3A_411 = vector.broadcast %gt3A_410 : i32 to vector<512x128xi32>
      %gt3A_412 = arith.cmpi sgt, %select_n3A, %gt3A_411 : vector<512x128xi32>
      %convert_element_type3A_413 = arith.truncf %cond3A_229#0 : vector<512x128xf32> to vector<512x128xbf16>
      %concatenate3A = tpu.concatenate %get3A_409, %convert_element_type3A_413 in 1 : vector<512x128xbf16>, vector<512x128xbf16> -> vector<512x256xbf16>
      %get3A_414 = arith.constant 0 : index
      %get3A_415 = arith.constant 0 : index
      %get3A_416 = vector.load %arg4[%get3A_414, %get3A_415] : memref<256x512xbf16, #tpu.memory_space<vmem>>, vector<256x512xbf16>
      %dot_general3A = arith.constant dense<0.000000e+00> : vector<512x512xf32>
      %dot_general3A_417 = tpu.matmul %concatenate3A, %get3A_416, %dot_general3A {dimension_numbers = #tpu.dot_dimension_numbers<[1], [0], [0], [1], [0, 0, 1, 1], [], []>, transpose_lhs_hint = false} : vector<512x256xbf16>, vector<256x512xbf16>, vector<512x512xf32> -> vector<512x512xf32>
      %add3A = vector.broadcast %broadcast_in_dim3A_114 : vector<1x512xf32> to vector<512x512xf32>
      %add3A_418 = arith.addf %dot_general3A_417, %add3A : vector<512x512xf32>
      %slice3A_419 = vector.extract_strided_slice %add3A_418 {offsets = [0, 0], sizes = [512, 128], strides = [1, 1]} : vector<512x512xf32> to vector<512x128xf32>
      %tanh3A = math.tanh %slice3A_419 : vector<512x128xf32>
      %mul3A = arith.constant 5.000000e-01 : f32
      %mul3A_420 = vector.broadcast %mul3A : f32 to vector<512x128xf32>
      %mul3A_421 = arith.mulf %mul3A_420, %tanh3A : vector<512x128xf32>
      %add3A_422 = arith.constant 5.000000e-01 : f32
      %add3A_423 = vector.broadcast %add3A_422 : f32 to vector<512x128xf32>
      %add3A_424 = arith.addf %mul3A_421, %add3A_423 : vector<512x128xf32>
      %slice3A_425 = vector.extract_strided_slice %add3A_418 {offsets = [0, 128], sizes = [512, 128], strides = [1, 1]} : vector<512x512xf32> to vector<512x128xf32>
      %tanh3A_426 = math.tanh %slice3A_425 : vector<512x128xf32>
      %mul3A_427 = arith.constant 5.000000e-01 : f32
      %mul3A_428 = vector.broadcast %mul3A_427 : f32 to vector<512x128xf32>
      %mul3A_429 = arith.mulf %mul3A_428, %tanh3A_426 : vector<512x128xf32>
      %add3A_430 = arith.constant 5.000000e-01 : f32
      %add3A_431 = vector.broadcast %add3A_430 : f32 to vector<512x128xf32>
      %add3A_432 = arith.addf %mul3A_429, %add3A_431 : vector<512x128xf32>
      %slice3A_433 = vector.extract_strided_slice %add3A_418 {offsets = [0, 256], sizes = [512, 128], strides = [1, 1]} : vector<512x512xf32> to vector<512x128xf32>
      %tanh3A_434 = math.tanh %slice3A_433 : vector<512x128xf32>
      %slice3A_435 = vector.extract_strided_slice %add3A_418 {offsets = [0, 384], sizes = [512, 128], strides = [1, 1]} : vector<512x512xf32> to vector<512x128xf32>
      %tanh3A_436 = math.tanh %slice3A_435 : vector<512x128xf32>
      %mul3A_437 = arith.constant 5.000000e-01 : f32
      %mul3A_438 = vector.broadcast %mul3A_437 : f32 to vector<512x128xf32>
      %mul3A_439 = arith.mulf %mul3A_438, %tanh3A_436 : vector<512x128xf32>
      %add3A_440 = arith.constant 5.000000e-01 : f32
      %add3A_441 = vector.broadcast %add3A_440 : f32 to vector<512x128xf32>
      %add3A_442 = arith.addf %mul3A_439, %add3A_441 : vector<512x128xf32>
      %mul3A_443 = arith.mulf %add3A_432, %cond3A_229#1 : vector<512x128xf32>
      %mul3A_444 = arith.mulf %add3A_424, %tanh3A_434 : vector<512x128xf32>
      %add3A_445 = arith.addf %mul3A_443, %mul3A_444 : vector<512x128xf32>
      %tanh3A_446 = math.tanh %add3A_445 : vector<512x128xf32>
      %mul3A_447 = arith.mulf %add3A_442, %tanh3A_446 : vector<512x128xf32>
      %jit3A = arith.constant 0.000000e+00 : f32
      %broadcast_in_dim3A_448 = vector.broadcast %jit3A : f32 to vector<512x128xf32>
      %select_n3A_449 = arith.select %gt3A_412, %mul3A_447, %broadcast_in_dim3A_448 : vector<512x128xi1>, vector<512x128xf32>
      %swap3A_450 = arith.constant 16 : index
      %swap3A_451 = arith.constant 0 : index
      %swap3A_452 = arith.constant 0 : index
      %swap3A_453 = vector.load %arg11[%swap3A_450, %swap3A_451, %swap3A_452] : memref<20x512x128xf32, #tpu.memory_space<vmem>>, vector<1x512x128xf32>
      %swap3A_454 = vector.shape_cast %swap3A_453 : vector<1x512x128xf32> to vector<512x128xf32>
      %swap3A_455 = vector.shape_cast %select_n3A_449 : vector<512x128xf32> to vector<1x512x128xf32>
      tpu.vector_store %arg11[%swap3A_450, %swap3A_451, %swap3A_452], %swap3A_455 {strides = array<i32>} : memref<20x512x128xf32, #tpu.memory_space<vmem>>, vector<1x512x128xf32>,
      scf.yield %mul3A_447, %add3A_445 : vector<512x128xf32>, vector<512x128xf32>
    } else {
      scf.yield %cond3A_229#0, %cond3A_229#1 : vector<512x128xf32>, vector<512x128xf32>
    }
    %gt3A_236 = arith.constant 17 : i32
    %gt3A_237 = arith.cmpi sgt, %get3A_0, %gt3A_236 : i32
    %convert_element_type3A_238 = arith.extui %gt3A_237 : i1 to i32
    %cond3A_239 = arith.constant 0 : i32
    %cond3A_240 = arith.cmpi ne, %convert_element_type3A_238, %cond3A_239 : i32
    %cond3A_241:2 = scf.if %cond3A_240 -> (vector<512x128xf32>, vector<512x128xf32>) {
      %get3A_405 = arith.constant 17 : index
      %get3A_406 = arith.constant 0 : index
      %get3A_407 = arith.constant 0 : index
      %get3A_408 = vector.load %arg10[%get3A_405, %get3A_406, %get3A_407] : memref<20x512x128xbf16, #tpu.memory_space<vmem>>, vector<1x512x128xbf16>
      %get3A_409 = vector.shape_cast %get3A_408 : vector<1x512x128xbf16> to vector<512x128xbf16>
      %gt3A_410 = arith.constant 17 : i32
      %gt3A_411 = vector.broadcast %gt3A_410 : i32 to vector<512x128xi32>
      %gt3A_412 = arith.cmpi sgt, %select_n3A, %gt3A_411 : vector<512x128xi32>
      %convert_element_type3A_413 = arith.truncf %cond3A_235#0 : vector<512x128xf32> to vector<512x128xbf16>
      %concatenate3A = tpu.concatenate %get3A_409, %convert_element_type3A_413 in 1 : vector<512x128xbf16>, vector<512x128xbf16> -> vector<512x256xbf16>
      %get3A_414 = arith.constant 0 : index
      %get3A_415 = arith.constant 0 : index
      %get3A_416 = vector.load %arg4[%get3A_414, %get3A_415] : memref<256x512xbf16, #tpu.memory_space<vmem>>, vector<256x512xbf16>
      %dot_general3A = arith.constant dense<0.000000e+00> : vector<512x512xf32>
      %dot_general3A_417 = tpu.matmul %concatenate3A, %get3A_416, %dot_general3A {dimension_numbers = #tpu.dot_dimension_numbers<[1], [0], [0], [1], [0, 0, 1, 1], [], []>, transpose_lhs_hint = false} : vector<512x256xbf16>, vector<256x512xbf16>, vector<512x512xf32> -> vector<512x512xf32>
      %add3A = vector.broadcast %broadcast_in_dim3A_114 : vector<1x512xf32> to vector<512x512xf32>
      %add3A_418 = arith.addf %dot_general3A_417, %add3A : vector<512x512xf32>
      %slice3A_419 = vector.extract_strided_slice %add3A_418 {offsets = [0, 0], sizes = [512, 128], strides = [1, 1]} : vector<512x512xf32> to vector<512x128xf32>
      %tanh3A = math.tanh %slice3A_419 : vector<512x128xf32>
      %mul3A = arith.constant 5.000000e-01 : f32
      %mul3A_420 = vector.broadcast %mul3A : f32 to vector<512x128xf32>
      %mul3A_421 = arith.mulf %mul3A_420, %tanh3A : vector<512x128xf32>
      %add3A_422 = arith.constant 5.000000e-01 : f32
      %add3A_423 = vector.broadcast %add3A_422 : f32 to vector<512x128xf32>
      %add3A_424 = arith.addf %mul3A_421, %add3A_423 : vector<512x128xf32>
      %slice3A_425 = vector.extract_strided_slice %add3A_418 {offsets = [0, 128], sizes = [512, 128], strides = [1, 1]} : vector<512x512xf32> to vector<512x128xf32>
      %tanh3A_426 = math.tanh %slice3A_425 : vector<512x128xf32>
      %mul3A_427 = arith.constant 5.000000e-01 : f32
      %mul3A_428 = vector.broadcast %mul3A_427 : f32 to vector<512x128xf32>
      %mul3A_429 = arith.mulf %mul3A_428, %tanh3A_426 : vector<512x128xf32>
      %add3A_430 = arith.constant 5.000000e-01 : f32
      %add3A_431 = vector.broadcast %add3A_430 : f32 to vector<512x128xf32>
      %add3A_432 = arith.addf %mul3A_429, %add3A_431 : vector<512x128xf32>
      %slice3A_433 = vector.extract_strided_slice %add3A_418 {offsets = [0, 256], sizes = [512, 128], strides = [1, 1]} : vector<512x512xf32> to vector<512x128xf32>
      %tanh3A_434 = math.tanh %slice3A_433 : vector<512x128xf32>
      %slice3A_435 = vector.extract_strided_slice %add3A_418 {offsets = [0, 384], sizes = [512, 128], strides = [1, 1]} : vector<512x512xf32> to vector<512x128xf32>
      %tanh3A_436 = math.tanh %slice3A_435 : vector<512x128xf32>
      %mul3A_437 = arith.constant 5.000000e-01 : f32
      %mul3A_438 = vector.broadcast %mul3A_437 : f32 to vector<512x128xf32>
      %mul3A_439 = arith.mulf %mul3A_438, %tanh3A_436 : vector<512x128xf32>
      %add3A_440 = arith.constant 5.000000e-01 : f32
      %add3A_441 = vector.broadcast %add3A_440 : f32 to vector<512x128xf32>
      %add3A_442 = arith.addf %mul3A_439, %add3A_441 : vector<512x128xf32>
      %mul3A_443 = arith.mulf %add3A_432, %cond3A_235#1 : vector<512x128xf32>
      %mul3A_444 = arith.mulf %add3A_424, %tanh3A_434 : vector<512x128xf32>
      %add3A_445 = arith.addf %mul3A_443, %mul3A_444 : vector<512x128xf32>
      %tanh3A_446 = math.tanh %add3A_445 : vector<512x128xf32>
      %mul3A_447 = arith.mulf %add3A_442, %tanh3A_446 : vector<512x128xf32>
      %jit3A = arith.constant 0.000000e+00 : f32
      %broadcast_in_dim3A_448 = vector.broadcast %jit3A : f32 to vector<512x128xf32>
      %select_n3A_449 = arith.select %gt3A_412, %mul3A_447, %broadcast_in_dim3A_448 : vector<512x128xi1>, vector<512x128xf32>
      %swap3A_450 = arith.constant 17 : index
      %swap3A_451 = arith.constant 0 : index
      %swap3A_452 = arith.constant 0 : index
      %swap3A_453 = vector.load %arg11[%swap3A_450, %swap3A_451, %swap3A_452] : memref<20x512x128xf32, #tpu.memory_space<vmem>>, vector<1x512x128xf32>
      %swap3A_454 = vector.shape_cast %swap3A_453 : vector<1x512x128xf32> to vector<512x128xf32>
      %swap3A_455 = vector.shape_cast %select_n3A_449 : vector<512x128xf32> to vector<1x512x128xf32>
      tpu.vector_store %arg11[%swap3A_450, %swap3A_451, %swap3A_452], %swap3A_455 {strides = array<i32>} : memref<20x512x128xf32, #tpu.memory_space<vmem>>, vector<1x512x128xf32>,
      scf.yield %mul3A_447, %add3A_445 : vector<512x128xf32>, vector<512x128xf32>
    } else {
      scf.yield %cond3A_235#0, %cond3A_235#1 : vector<512x128xf32>, vector<512x128xf32>
    }
    %gt3A_242 = arith.constant 18 : i32
    %gt3A_243 = arith.cmpi sgt, %get3A_0, %gt3A_242 : i32
    %convert_element_type3A_244 = arith.extui %gt3A_243 : i1 to i32
    %cond3A_245 = arith.constant 0 : i32
    %cond3A_246 = arith.cmpi ne, %convert_element_type3A_244, %cond3A_245 : i32
    %cond3A_247:2 = scf.if %cond3A_246 -> (vector<512x128xf32>, vector<512x128xf32>) {
      %get3A_405 = arith.constant 18 : index
      %get3A_406 = arith.constant 0 : index
      %get3A_407 = arith.constant 0 : index
      %get3A_408 = vector.load %arg10[%get3A_405, %get3A_406, %get3A_407] : memref<20x512x128xbf16, #tpu.memory_space<vmem>>, vector<1x512x128xbf16>
      %get3A_409 = vector.shape_cast %get3A_408 : vector<1x512x128xbf16> to vector<512x128xbf16>
      %gt3A_410 = arith.constant 18 : i32
      %gt3A_411 = vector.broadcast %gt3A_410 : i32 to vector<512x128xi32>
      %gt3A_412 = arith.cmpi sgt, %select_n3A, %gt3A_411 : vector<512x128xi32>
      %convert_element_type3A_413 = arith.truncf %cond3A_241#0 : vector<512x128xf32> to vector<512x128xbf16>
      %concatenate3A = tpu.concatenate %get3A_409, %convert_element_type3A_413 in 1 : vector<512x128xbf16>, vector<512x128xbf16> -> vector<512x256xbf16>
      %get3A_414 = arith.constant 0 : index
      %get3A_415 = arith.constant 0 : index
      %get3A_416 = vector.load %arg4[%get3A_414, %get3A_415] : memref<256x512xbf16, #tpu.memory_space<vmem>>, vector<256x512xbf16>
      %dot_general3A = arith.constant dense<0.000000e+00> : vector<512x512xf32>
      %dot_general3A_417 = tpu.matmul %concatenate3A, %get3A_416, %dot_general3A {dimension_numbers = #tpu.dot_dimension_numbers<[1], [0], [0], [1], [0, 0, 1, 1], [], []>, transpose_lhs_hint = false} : vector<512x256xbf16>, vector<256x512xbf16>, vector<512x512xf32> -> vector<512x512xf32>
      %add3A = vector.broadcast %broadcast_in_dim3A_114 : vector<1x512xf32> to vector<512x512xf32>
      %add3A_418 = arith.addf %dot_general3A_417, %add3A : vector<512x512xf32>
      %slice3A_419 = vector.extract_strided_slice %add3A_418 {offsets = [0, 0], sizes = [512, 128], strides = [1, 1]} : vector<512x512xf32> to vector<512x128xf32>
      %tanh3A = math.tanh %slice3A_419 : vector<512x128xf32>
      %mul3A = arith.constant 5.000000e-01 : f32
      %mul3A_420 = vector.broadcast %mul3A : f32 to vector<512x128xf32>
      %mul3A_421 = arith.mulf %mul3A_420, %tanh3A : vector<512x128xf32>
      %add3A_422 = arith.constant 5.000000e-01 : f32
      %add3A_423 = vector.broadcast %add3A_422 : f32 to vector<512x128xf32>
      %add3A_424 = arith.addf %mul3A_421, %add3A_423 : vector<512x128xf32>
      %slice3A_425 = vector.extract_strided_slice %add3A_418 {offsets = [0, 128], sizes = [512, 128], strides = [1, 1]} : vector<512x512xf32> to vector<512x128xf32>
      %tanh3A_426 = math.tanh %slice3A_425 : vector<512x128xf32>
      %mul3A_427 = arith.constant 5.000000e-01 : f32
      %mul3A_428 = vector.broadcast %mul3A_427 : f32 to vector<512x128xf32>
      %mul3A_429 = arith.mulf %mul3A_428, %tanh3A_426 : vector<512x128xf32>
      %add3A_430 = arith.constant 5.000000e-01 : f32
      %add3A_431 = vector.broadcast %add3A_430 : f32 to vector<512x128xf32>
      %add3A_432 = arith.addf %mul3A_429, %add3A_431 : vector<512x128xf32>
      %slice3A_433 = vector.extract_strided_slice %add3A_418 {offsets = [0, 256], sizes = [512, 128], strides = [1, 1]} : vector<512x512xf32> to vector<512x128xf32>
      %tanh3A_434 = math.tanh %slice3A_433 : vector<512x128xf32>
      %slice3A_435 = vector.extract_strided_slice %add3A_418 {offsets = [0, 384], sizes = [512, 128], strides = [1, 1]} : vector<512x512xf32> to vector<512x128xf32>
      %tanh3A_436 = math.tanh %slice3A_435 : vector<512x128xf32>
      %mul3A_437 = arith.constant 5.000000e-01 : f32
      %mul3A_438 = vector.broadcast %mul3A_437 : f32 to vector<512x128xf32>
      %mul3A_439 = arith.mulf %mul3A_438, %tanh3A_436 : vector<512x128xf32>
      %add3A_440 = arith.constant 5.000000e-01 : f32
      %add3A_441 = vector.broadcast %add3A_440 : f32 to vector<512x128xf32>
      %add3A_442 = arith.addf %mul3A_439, %add3A_441 : vector<512x128xf32>
      %mul3A_443 = arith.mulf %add3A_432, %cond3A_241#1 : vector<512x128xf32>
      %mul3A_444 = arith.mulf %add3A_424, %tanh3A_434 : vector<512x128xf32>
      %add3A_445 = arith.addf %mul3A_443, %mul3A_444 : vector<512x128xf32>
      %tanh3A_446 = math.tanh %add3A_445 : vector<512x128xf32>
      %mul3A_447 = arith.mulf %add3A_442, %tanh3A_446 : vector<512x128xf32>
      %jit3A = arith.constant 0.000000e+00 : f32
      %broadcast_in_dim3A_448 = vector.broadcast %jit3A : f32 to vector<512x128xf32>
      %select_n3A_449 = arith.select %gt3A_412, %mul3A_447, %broadcast_in_dim3A_448 : vector<512x128xi1>, vector<512x128xf32>
      %swap3A_450 = arith.constant 18 : index
      %swap3A_451 = arith.constant 0 : index
      %swap3A_452 = arith.constant 0 : index
      %swap3A_453 = vector.load %arg11[%swap3A_450, %swap3A_451, %swap3A_452] : memref<20x512x128xf32, #tpu.memory_space<vmem>>, vector<1x512x128xf32>
      %swap3A_454 = vector.shape_cast %swap3A_453 : vector<1x512x128xf32> to vector<512x128xf32>
      %swap3A_455 = vector.shape_cast %select_n3A_449 : vector<512x128xf32> to vector<1x512x128xf32>
      tpu.vector_store %arg11[%swap3A_450, %swap3A_451, %swap3A_452], %swap3A_455 {strides = array<i32>} : memref<20x512x128xf32, #tpu.memory_space<vmem>>, vector<1x512x128xf32>,
      scf.yield %mul3A_447, %add3A_445 : vector<512x128xf32>, vector<512x128xf32>
    } else {
      scf.yield %cond3A_241#0, %cond3A_241#1 : vector<512x128xf32>, vector<512x128xf32>
    }
    %gt3A_248 = arith.constant 19 : i32
    %gt3A_249 = arith.cmpi sgt, %get3A_0, %gt3A_248 : i32
    %convert_element_type3A_250 = arith.extui %gt3A_249 : i1 to i32
    %cond3A_251 = arith.constant 0 : i32
    %cond3A_252 = arith.cmpi ne, %convert_element_type3A_250, %cond3A_251 : i32
    scf.if %cond3A_252 {
      %get3A_405 = arith.constant 19 : index
      %get3A_406 = arith.constant 0 : index
      %get3A_407 = arith.constant 0 : index
      %get3A_408 = vector.load %arg10[%get3A_405, %get3A_406, %get3A_407] : memref<20x512x128xbf16, #tpu.memory_space<vmem>>, vector<1x512x128xbf16>
      %get3A_409 = vector.shape_cast %get3A_408 : vector<1x512x128xbf16> to vector<512x128xbf16>
      %gt3A_410 = arith.constant 19 : i32
      %gt3A_411 = vector.broadcast %gt3A_410 : i32 to vector<512x128xi32>
      %gt3A_412 = arith.cmpi sgt, %select_n3A, %gt3A_411 : vector<512x128xi32>
      %convert_element_type3A_413 = arith.truncf %cond3A_247#0 : vector<512x128xf32> to vector<512x128xbf16>
      %concatenate3A = tpu.concatenate %get3A_409, %convert_element_type3A_413 in 1 : vector<512x128xbf16>, vector<512x128xbf16> -> vector<512x256xbf16>
      %get3A_414 = arith.constant 0 : index
      %get3A_415 = arith.constant 0 : index
      %get3A_416 = vector.load %arg4[%get3A_414, %get3A_415] : memref<256x512xbf16, #tpu.memory_space<vmem>>, vector<256x512xbf16>
      %dot_general3A = arith.constant dense<0.000000e+00> : vector<512x512xf32>
      %dot_general3A_417 = tpu.matmul %concatenate3A, %get3A_416, %dot_general3A {dimension_numbers = #tpu.dot_dimension_numbers<[1], [0], [0], [1], [0, 0, 1, 1], [], []>, transpose_lhs_hint = false} : vector<512x256xbf16>, vector<256x512xbf16>, vector<512x512xf32> -> vector<512x512xf32>
      %add3A = vector.broadcast %broadcast_in_dim3A_114 : vector<1x512xf32> to vector<512x512xf32>
      %add3A_418 = arith.addf %dot_general3A_417, %add3A : vector<512x512xf32>
      %slice3A_419 = vector.extract_strided_slice %add3A_418 {offsets = [0, 0], sizes = [512, 128], strides = [1, 1]} : vector<512x512xf32> to vector<512x128xf32>
      %tanh3A = math.tanh %slice3A_419 : vector<512x128xf32>
      %mul3A = arith.constant 5.000000e-01 : f32
      %mul3A_420 = vector.broadcast %mul3A : f32 to vector<512x128xf32>
      %mul3A_421 = arith.mulf %mul3A_420, %tanh3A : vector<512x128xf32>
      %add3A_422 = arith.constant 5.000000e-01 : f32
      %add3A_423 = vector.broadcast %add3A_422 : f32 to vector<512x128xf32>
      %add3A_424 = arith.addf %mul3A_421, %add3A_423 : vector<512x128xf32>
      %slice3A_425 = vector.extract_strided_slice %add3A_418 {offsets = [0, 128], sizes = [512, 128], strides = [1, 1]} : vector<512x512xf32> to vector<512x128xf32>
      %tanh3A_426 = math.tanh %slice3A_425 : vector<512x128xf32>
      %mul3A_427 = arith.constant 5.000000e-01 : f32
      %mul3A_428 = vector.broadcast %mul3A_427 : f32 to vector<512x128xf32>
      %mul3A_429 = arith.mulf %mul3A_428, %tanh3A_426 : vector<512x128xf32>
      %add3A_430 = arith.constant 5.000000e-01 : f32
      %add3A_431 = vector.broadcast %add3A_430 : f32 to vector<512x128xf32>
      %add3A_432 = arith.addf %mul3A_429, %add3A_431 : vector<512x128xf32>
      %slice3A_433 = vector.extract_strided_slice %add3A_418 {offsets = [0, 256], sizes = [512, 128], strides = [1, 1]} : vector<512x512xf32> to vector<512x128xf32>
      %tanh3A_434 = math.tanh %slice3A_433 : vector<512x128xf32>
      %slice3A_435 = vector.extract_strided_slice %add3A_418 {offsets = [0, 384], sizes = [512, 128], strides = [1, 1]} : vector<512x512xf32> to vector<512x128xf32>
      %tanh3A_436 = math.tanh %slice3A_435 : vector<512x128xf32>
      %mul3A_437 = arith.constant 5.000000e-01 : f32
      %mul3A_438 = vector.broadcast %mul3A_437 : f32 to vector<512x128xf32>
      %mul3A_439 = arith.mulf %mul3A_438, %tanh3A_436 : vector<512x128xf32>
      %add3A_440 = arith.constant 5.000000e-01 : f32
      %add3A_441 = vector.broadcast %add3A_440 : f32 to vector<512x128xf32>
      %add3A_442 = arith.addf %mul3A_439, %add3A_441 : vector<512x128xf32>
      %mul3A_443 = arith.mulf %add3A_432, %cond3A_247#1 : vector<512x128xf32>
      %mul3A_444 = arith.mulf %add3A_424, %tanh3A_434 : vector<512x128xf32>
      %add3A_445 = arith.addf %mul3A_443, %mul3A_444 : vector<512x128xf32>
      %tanh3A_446 = math.tanh %add3A_445 : vector<512x128xf32>
      %mul3A_447 = arith.mulf %add3A_442, %tanh3A_446 : vector<512x128xf32>
      %jit3A = arith.constant 0.000000e+00 : f32
      %broadcast_in_dim3A_448 = vector.broadcast %jit3A : f32 to vector<512x128xf32>
      %select_n3A_449 = arith.select %gt3A_412, %mul3A_447, %broadcast_in_dim3A_448 : vector<512x128xi1>, vector<512x128xf32>
      %swap3A_450 = arith.constant 19 : index
      %swap3A_451 = arith.constant 0 : index
      %swap3A_452 = arith.constant 0 : index
      %swap3A_453 = vector.load %arg11[%swap3A_450, %swap3A_451, %swap3A_452] : memref<20x512x128xf32, #tpu.memory_space<vmem>>, vector<1x512x128xf32>
      %swap3A_454 = vector.shape_cast %swap3A_453 : vector<1x512x128xf32> to vector<512x128xf32>
      %swap3A_455 = vector.shape_cast %select_n3A_449 : vector<512x128xf32> to vector<1x512x128xf32>
      tpu.vector_store %arg11[%swap3A_450, %swap3A_451, %swap3A_452], %swap3A_455 {strides = array<i32>} : memref<20x512x128xf32, #tpu.memory_space<vmem>>, vector<1x512x128xf32>,
    } else {
    }
    %get3A_253 = arith.constant 2 : index
    %get3A_254 = arith.constant 0 : index
    %get3A_255 = vector.load %arg8[%get3A_253, %get3A_254] : memref<4x128xf32, #tpu.memory_space<vmem>>, vector<1x128xf32>
    %get3A_256 = vector.shape_cast %get3A_255 : vector<1x128xf32> to vector<128xf32>
    %broadcast_in_dim3A_257 = vector.shape_cast %get3A_256 : vector<128xf32> to vector<1x128xf32>
    %broadcast_in_dim3A_258 = vector.shape_cast %broadcast_in_dim3A_257 : vector<1x128xf32> to vector<1x128xf32>
    %broadcast_in_dim3A_259 = vector.broadcast %broadcast_in_dim3A_258 : vector<1x128xf32> to vector<512x128xf32>
    %get3A_260 = arith.constant 3 : index
    %get3A_261 = arith.constant 0 : index
    %get3A_262 = vector.load %arg8[%get3A_260, %get3A_261] : memref<4x128xf32, #tpu.memory_space<vmem>>, vector<1x128xf32>
    %get3A_263 = vector.shape_cast %get3A_262 : vector<1x128xf32> to vector<128xf32>
    %broadcast_in_dim3A_264 = vector.shape_cast %get3A_263 : vector<128xf32> to vector<1x128xf32>
    %broadcast_in_dim3A_265 = vector.shape_cast %broadcast_in_dim3A_264 : vector<1x128xf32> to vector<1x128xf32>
    %broadcast_in_dim3A_266 = vector.broadcast %broadcast_in_dim3A_265 : vector<1x128xf32> to vector<512x128xf32>
    %broadcast_in_dim3A_267 = arith.constant 0.000000e+00 : f32
    %broadcast_in_dim3A_268 = vector.broadcast %broadcast_in_dim3A_267 : f32 to vector<512x128xf32>
    %broadcast_in_dim3A_269 = arith.constant 0.000000e+00 : f32
    %broadcast_in_dim3A_270 = vector.broadcast %broadcast_in_dim3A_269 : f32 to vector<512x128xf32>
    %gt3A_271 = arith.constant 19 : i32
    %gt3A_272 = arith.cmpi sgt, %get3A_0, %gt3A_271 : i32
    %convert_element_type3A_273 = arith.extui %gt3A_272 : i1 to i32
    %cond3A_274 = arith.constant 0 : i32
    %cond3A_275 = arith.cmpi ne, %convert_element_type3A_273, %cond3A_274 : i32
    %cond3A_276:4 = scf.if %cond3A_275 -> (vector<512x128xf32>, vector<512x128xf32>, vector<512x128xf32>, vector<512x128xf32>) {
      %get3A_405 = arith.constant 19 : index
      %get3A_406 = arith.constant 0 : index
      %get3A_407 = arith.constant 0 : index
      %get3A_408 = vector.load %arg10[%get3A_405, %get3A_406, %get3A_407] : memref<20x512x128xbf16, #tpu.memory_space<vmem>>, vector<1x512x128xbf16>
      %get3A_409 = vector.shape_cast %get3A_408 : vector<1x512x128xbf16> to vector<512x128xbf16>
      %gt3A_410 = arith.constant 19 : i32
      %gt3A_411 = vector.broadcast %gt3A_410 : i32 to vector<512x128xi32>
      %gt3A_412 = arith.cmpi sgt, %select_n3A, %gt3A_411 : vector<512x128xi32>
      %convert_element_type3A_413 = arith.truncf %broadcast_in_dim3A_259 : vector<512x128xf32> to vector<512x128xbf16>
      %concatenate3A = tpu.concatenate %get3A_409, %convert_element_type3A_413 in 1 : vector<512x128xbf16>, vector<512x128xbf16> -> vector<512x256xbf16>
      %get3A_414 = arith.constant 0 : index
      %get3A_415 = arith.constant 0 : index
      %get3A_416 = vector.load %arg5[%get3A_414, %get3A_415] : memref<256x512xbf16, #tpu.memory_space<vmem>>, vector<256x512xbf16>
      %dot_general3A = arith.constant dense<0.000000e+00> : vector<512x512xf32>
      %dot_general3A_417 = tpu.matmul %concatenate3A, %get3A_416, %dot_general3A {dimension_numbers = #tpu.dot_dimension_numbers<[1], [0], [0], [1], [0, 0, 1, 1], [], []>, transpose_lhs_hint = false} : vector<512x256xbf16>, vector<256x512xbf16>, vector<512x512xf32> -> vector<512x512xf32>
      %add3A = vector.broadcast %broadcast_in_dim3A_119 : vector<1x512xf32> to vector<512x512xf32>
      %add3A_418 = arith.addf %dot_general3A_417, %add3A : vector<512x512xf32>
      %slice3A_419 = vector.extract_strided_slice %add3A_418 {offsets = [0, 0], sizes = [512, 128], strides = [1, 1]} : vector<512x512xf32> to vector<512x128xf32>
      %tanh3A = math.tanh %slice3A_419 : vector<512x128xf32>
      %mul3A = arith.constant 5.000000e-01 : f32
      %mul3A_420 = vector.broadcast %mul3A : f32 to vector<512x128xf32>
      %mul3A_421 = arith.mulf %mul3A_420, %tanh3A : vector<512x128xf32>
      %add3A_422 = arith.constant 5.000000e-01 : f32
      %add3A_423 = vector.broadcast %add3A_422 : f32 to vector<512x128xf32>
      %add3A_424 = arith.addf %mul3A_421, %add3A_423 : vector<512x128xf32>
      %slice3A_425 = vector.extract_strided_slice %add3A_418 {offsets = [0, 128], sizes = [512, 128], strides = [1, 1]} : vector<512x512xf32> to vector<512x128xf32>
      %tanh3A_426 = math.tanh %slice3A_425 : vector<512x128xf32>
      %mul3A_427 = arith.constant 5.000000e-01 : f32
      %mul3A_428 = vector.broadcast %mul3A_427 : f32 to vector<512x128xf32>
      %mul3A_429 = arith.mulf %mul3A_428, %tanh3A_426 : vector<512x128xf32>
      %add3A_430 = arith.constant 5.000000e-01 : f32
      %add3A_431 = vector.broadcast %add3A_430 : f32 to vector<512x128xf32>
      %add3A_432 = arith.addf %mul3A_429, %add3A_431 : vector<512x128xf32>
      %slice3A_433 = vector.extract_strided_slice %add3A_418 {offsets = [0, 256], sizes = [512, 128], strides = [1, 1]} : vector<512x512xf32> to vector<512x128xf32>
      %tanh3A_434 = math.tanh %slice3A_433 : vector<512x128xf32>
      %slice3A_435 = vector.extract_strided_slice %add3A_418 {offsets = [0, 384], sizes = [512, 128], strides = [1, 1]} : vector<512x512xf32> to vector<512x128xf32>
      %tanh3A_436 = math.tanh %slice3A_435 : vector<512x128xf32>
      %mul3A_437 = arith.constant 5.000000e-01 : f32
      %mul3A_438 = vector.broadcast %mul3A_437 : f32 to vector<512x128xf32>
      %mul3A_439 = arith.mulf %mul3A_438, %tanh3A_436 : vector<512x128xf32>
      %add3A_440 = arith.constant 5.000000e-01 : f32
      %add3A_441 = vector.broadcast %add3A_440 : f32 to vector<512x128xf32>
      %add3A_442 = arith.addf %mul3A_439, %add3A_441 : vector<512x128xf32>
      %mul3A_443 = arith.mulf %add3A_432, %broadcast_in_dim3A_266 : vector<512x128xf32>
      %mul3A_444 = arith.mulf %add3A_424, %tanh3A_434 : vector<512x128xf32>
      %add3A_445 = arith.addf %mul3A_443, %mul3A_444 : vector<512x128xf32>
      %tanh3A_446 = math.tanh %add3A_445 : vector<512x128xf32>
      %mul3A_447 = arith.mulf %add3A_442, %tanh3A_446 : vector<512x128xf32>
      %select_n3A_448 = arith.select %gt3A_412, %mul3A_447, %broadcast_in_dim3A_259 : vector<512x128xi1>, vector<512x128xf32>
      %select_n3A_449 = arith.select %gt3A_412, %add3A_445, %broadcast_in_dim3A_266 : vector<512x128xi1>, vector<512x128xf32>
      %jit3A = arith.constant 0.000000e+00 : f32
      %broadcast_in_dim3A_450 = vector.broadcast %jit3A : f32 to vector<512x128xf32>
      %select_n3A_451 = arith.select %gt3A_412, %mul3A_447, %broadcast_in_dim3A_450 : vector<512x128xi1>, vector<512x128xf32>
      %get3A_452 = arith.constant 19 : index
      %get3A_453 = arith.constant 0 : index
      %get3A_454 = arith.constant 0 : index
      %get3A_455 = vector.load %arg11[%get3A_452, %get3A_453, %get3A_454] : memref<20x512x128xf32, #tpu.memory_space<vmem>>, vector<1x512x128xf32>
      %get3A_456 = vector.shape_cast %get3A_455 : vector<1x512x128xf32> to vector<512x128xf32>
      %concatenate3A_457 = tpu.concatenate %get3A_456, %select_n3A_451 in 1 : vector<512x128xf32>, vector<512x128xf32> -> vector<512x256xf32>
      %convert_element_type3A_458 = arith.truncf %concatenate3A_457 : vector<512x256xf32> to vector<512x256xbf16>
      %get3A_459 = arith.constant 0 : index
      %get3A_460 = arith.constant 0 : index
      %get3A_461 = vector.load %arg7[%get3A_459, %get3A_460] : memref<256x128xbf16, #tpu.memory_space<vmem>>, vector<256x128xbf16>
      %dot_general3A_462 = arith.constant dense<0.000000e+00> : vector<512x128xf32>
      %dot_general3A_463 = tpu.matmul %convert_element_type3A_458, %get3A_461, %dot_general3A_462 {dimension_numbers = #tpu.dot_dimension_numbers<[1], [0], [0], [1], [0, 0, 1, 1], [], []>, transpose_lhs_hint = false} : vector<512x256xbf16>, vector<256x128xbf16>, vector<512x128xf32> -> vector<512x128xf32>
      %tanh3A_464 = math.tanh %dot_general3A_463 : vector<512x128xf32>
      %mul3A_465 = arith.constant 5.000000e-01 : f32
      %mul3A_466 = vector.broadcast %mul3A_465 : f32 to vector<512x128xf32>
      %mul3A_467 = arith.mulf %mul3A_466, %tanh3A_464 : vector<512x128xf32>
      %add3A_468 = arith.constant 5.000000e-01 : f32
      %add3A_469 = vector.broadcast %add3A_468 : f32 to vector<512x128xf32>
      %add3A_470 = arith.addf %mul3A_467, %add3A_469 : vector<512x128xf32>
      %mul3A_471 = arith.mulf %add3A_470, %get3A_456 : vector<512x128xf32>
      %add3A_472 = arith.addf %broadcast_in_dim3A_268, %mul3A_471 : vector<512x128xf32>
      %mul3A_473 = arith.mulf %add3A_470, %select_n3A_451 : vector<512x128xf32>
      %add3A_474 = arith.addf %broadcast_in_dim3A_270, %mul3A_473 : vector<512x128xf32>
      scf.yield %select_n3A_448, %select_n3A_449, %add3A_472, %add3A_474 : vector<512x128xf32>, vector<512x128xf32>, vector<512x128xf32>, vector<512x128xf32>
    } else {
      scf.yield %broadcast_in_dim3A_259, %broadcast_in_dim3A_266, %broadcast_in_dim3A_268, %broadcast_in_dim3A_270 : vector<512x128xf32>, vector<512x128xf32>, vector<512x128xf32>, vector<512x128xf32>
    }
    %gt3A_277 = arith.constant 18 : i32
    %gt3A_278 = arith.cmpi sgt, %get3A_0, %gt3A_277 : i32
    %convert_element_type3A_279 = arith.extui %gt3A_278 : i1 to i32
    %cond3A_280 = arith.constant 0 : i32
    %cond3A_281 = arith.cmpi ne, %convert_element_type3A_279, %cond3A_280 : i32
    %cond3A_282:4 = scf.if %cond3A_281 -> (vector<512x128xf32>, vector<512x128xf32>, vector<512x128xf32>, vector<512x128xf32>) {
      %get3A_405 = arith.constant 18 : index
      %get3A_406 = arith.constant 0 : index
      %get3A_407 = arith.constant 0 : index
      %get3A_408 = vector.load %arg10[%get3A_405, %get3A_406, %get3A_407] : memref<20x512x128xbf16, #tpu.memory_space<vmem>>, vector<1x512x128xbf16>
      %get3A_409 = vector.shape_cast %get3A_408 : vector<1x512x128xbf16> to vector<512x128xbf16>
      %gt3A_410 = arith.constant 18 : i32
      %gt3A_411 = vector.broadcast %gt3A_410 : i32 to vector<512x128xi32>
      %gt3A_412 = arith.cmpi sgt, %select_n3A, %gt3A_411 : vector<512x128xi32>
      %convert_element_type3A_413 = arith.truncf %cond3A_276#0 : vector<512x128xf32> to vector<512x128xbf16>
      %concatenate3A = tpu.concatenate %get3A_409, %convert_element_type3A_413 in 1 : vector<512x128xbf16>, vector<512x128xbf16> -> vector<512x256xbf16>
      %get3A_414 = arith.constant 0 : index
      %get3A_415 = arith.constant 0 : index
      %get3A_416 = vector.load %arg5[%get3A_414, %get3A_415] : memref<256x512xbf16, #tpu.memory_space<vmem>>, vector<256x512xbf16>
      %dot_general3A = arith.constant dense<0.000000e+00> : vector<512x512xf32>
      %dot_general3A_417 = tpu.matmul %concatenate3A, %get3A_416, %dot_general3A {dimension_numbers = #tpu.dot_dimension_numbers<[1], [0], [0], [1], [0, 0, 1, 1], [], []>, transpose_lhs_hint = false} : vector<512x256xbf16>, vector<256x512xbf16>, vector<512x512xf32> -> vector<512x512xf32>
      %add3A = vector.broadcast %broadcast_in_dim3A_119 : vector<1x512xf32> to vector<512x512xf32>
      %add3A_418 = arith.addf %dot_general3A_417, %add3A : vector<512x512xf32>
      %slice3A_419 = vector.extract_strided_slice %add3A_418 {offsets = [0, 0], sizes = [512, 128], strides = [1, 1]} : vector<512x512xf32> to vector<512x128xf32>
      %tanh3A = math.tanh %slice3A_419 : vector<512x128xf32>
      %mul3A = arith.constant 5.000000e-01 : f32
      %mul3A_420 = vector.broadcast %mul3A : f32 to vector<512x128xf32>
      %mul3A_421 = arith.mulf %mul3A_420, %tanh3A : vector<512x128xf32>
      %add3A_422 = arith.constant 5.000000e-01 : f32
      %add3A_423 = vector.broadcast %add3A_422 : f32 to vector<512x128xf32>
      %add3A_424 = arith.addf %mul3A_421, %add3A_423 : vector<512x128xf32>
      %slice3A_425 = vector.extract_strided_slice %add3A_418 {offsets = [0, 128], sizes = [512, 128], strides = [1, 1]} : vector<512x512xf32> to vector<512x128xf32>
      %tanh3A_426 = math.tanh %slice3A_425 : vector<512x128xf32>
      %mul3A_427 = arith.constant 5.000000e-01 : f32
      %mul3A_428 = vector.broadcast %mul3A_427 : f32 to vector<512x128xf32>
      %mul3A_429 = arith.mulf %mul3A_428, %tanh3A_426 : vector<512x128xf32>
      %add3A_430 = arith.constant 5.000000e-01 : f32
      %add3A_431 = vector.broadcast %add3A_430 : f32 to vector<512x128xf32>
      %add3A_432 = arith.addf %mul3A_429, %add3A_431 : vector<512x128xf32>
      %slice3A_433 = vector.extract_strided_slice %add3A_418 {offsets = [0, 256], sizes = [512, 128], strides = [1, 1]} : vector<512x512xf32> to vector<512x128xf32>
      %tanh3A_434 = math.tanh %slice3A_433 : vector<512x128xf32>
      %slice3A_435 = vector.extract_strided_slice %add3A_418 {offsets = [0, 384], sizes = [512, 128], strides = [1, 1]} : vector<512x512xf32> to vector<512x128xf32>
      %tanh3A_436 = math.tanh %slice3A_435 : vector<512x128xf32>
      %mul3A_437 = arith.constant 5.000000e-01 : f32
      %mul3A_438 = vector.broadcast %mul3A_437 : f32 to vector<512x128xf32>
      %mul3A_439 = arith.mulf %mul3A_438, %tanh3A_436 : vector<512x128xf32>
      %add3A_440 = arith.constant 5.000000e-01 : f32
      %add3A_441 = vector.broadcast %add3A_440 : f32 to vector<512x128xf32>
      %add3A_442 = arith.addf %mul3A_439, %add3A_441 : vector<512x128xf32>
      %mul3A_443 = arith.mulf %add3A_432, %cond3A_276#1 : vector<512x128xf32>
      %mul3A_444 = arith.mulf %add3A_424, %tanh3A_434 : vector<512x128xf32>
      %add3A_445 = arith.addf %mul3A_443, %mul3A_444 : vector<512x128xf32>
      %tanh3A_446 = math.tanh %add3A_445 : vector<512x128xf32>
      %mul3A_447 = arith.mulf %add3A_442, %tanh3A_446 : vector<512x128xf32>
      %select_n3A_448 = arith.select %gt3A_412, %mul3A_447, %cond3A_276#0 : vector<512x128xi1>, vector<512x128xf32>
      %select_n3A_449 = arith.select %gt3A_412, %add3A_445, %cond3A_276#1 : vector<512x128xi1>, vector<512x128xf32>
      %jit3A = arith.constant 0.000000e+00 : f32
      %broadcast_in_dim3A_450 = vector.broadcast %jit3A : f32 to vector<512x128xf32>
      %select_n3A_451 = arith.select %gt3A_412, %mul3A_447, %broadcast_in_dim3A_450 : vector<512x128xi1>, vector<512x128xf32>
      %get3A_452 = arith.constant 18 : index
      %get3A_453 = arith.constant 0 : index
      %get3A_454 = arith.constant 0 : index
      %get3A_455 = vector.load %arg11[%get3A_452, %get3A_453, %get3A_454] : memref<20x512x128xf32, #tpu.memory_space<vmem>>, vector<1x512x128xf32>
      %get3A_456 = vector.shape_cast %get3A_455 : vector<1x512x128xf32> to vector<512x128xf32>
      %concatenate3A_457 = tpu.concatenate %get3A_456, %select_n3A_451 in 1 : vector<512x128xf32>, vector<512x128xf32> -> vector<512x256xf32>
      %convert_element_type3A_458 = arith.truncf %concatenate3A_457 : vector<512x256xf32> to vector<512x256xbf16>
      %get3A_459 = arith.constant 0 : index
      %get3A_460 = arith.constant 0 : index
      %get3A_461 = vector.load %arg7[%get3A_459, %get3A_460] : memref<256x128xbf16, #tpu.memory_space<vmem>>, vector<256x128xbf16>
      %dot_general3A_462 = arith.constant dense<0.000000e+00> : vector<512x128xf32>
      %dot_general3A_463 = tpu.matmul %convert_element_type3A_458, %get3A_461, %dot_general3A_462 {dimension_numbers = #tpu.dot_dimension_numbers<[1], [0], [0], [1], [0, 0, 1, 1], [], []>, transpose_lhs_hint = false} : vector<512x256xbf16>, vector<256x128xbf16>, vector<512x128xf32> -> vector<512x128xf32>
      %tanh3A_464 = math.tanh %dot_general3A_463 : vector<512x128xf32>
      %mul3A_465 = arith.constant 5.000000e-01 : f32
      %mul3A_466 = vector.broadcast %mul3A_465 : f32 to vector<512x128xf32>
      %mul3A_467 = arith.mulf %mul3A_466, %tanh3A_464 : vector<512x128xf32>
      %add3A_468 = arith.constant 5.000000e-01 : f32
      %add3A_469 = vector.broadcast %add3A_468 : f32 to vector<512x128xf32>
      %add3A_470 = arith.addf %mul3A_467, %add3A_469 : vector<512x128xf32>
      %mul3A_471 = arith.mulf %add3A_470, %get3A_456 : vector<512x128xf32>
      %add3A_472 = arith.addf %cond3A_276#2, %mul3A_471 : vector<512x128xf32>
      %mul3A_473 = arith.mulf %add3A_470, %select_n3A_451 : vector<512x128xf32>
      %add3A_474 = arith.addf %cond3A_276#3, %mul3A_473 : vector<512x128xf32>
      scf.yield %select_n3A_448, %select_n3A_449, %add3A_472, %add3A_474 : vector<512x128xf32>, vector<512x128xf32>, vector<512x128xf32>, vector<512x128xf32>
    } else {
      scf.yield %cond3A_276#0, %cond3A_276#1, %cond3A_276#2, %cond3A_276#3 : vector<512x128xf32>, vector<512x128xf32>, vector<512x128xf32>, vector<512x128xf32>
    }
    %gt3A_283 = arith.constant 17 : i32
    %gt3A_284 = arith.cmpi sgt, %get3A_0, %gt3A_283 : i32
    %convert_element_type3A_285 = arith.extui %gt3A_284 : i1 to i32
    %cond3A_286 = arith.constant 0 : i32
    %cond3A_287 = arith.cmpi ne, %convert_element_type3A_285, %cond3A_286 : i32
    %cond3A_288:4 = scf.if %cond3A_287 -> (vector<512x128xf32>, vector<512x128xf32>, vector<512x128xf32>, vector<512x128xf32>) {
      %get3A_405 = arith.constant 17 : index
      %get3A_406 = arith.constant 0 : index
      %get3A_407 = arith.constant 0 : index
      %get3A_408 = vector.load %arg10[%get3A_405, %get3A_406, %get3A_407] : memref<20x512x128xbf16, #tpu.memory_space<vmem>>, vector<1x512x128xbf16>
      %get3A_409 = vector.shape_cast %get3A_408 : vector<1x512x128xbf16> to vector<512x128xbf16>
      %gt3A_410 = arith.constant 17 : i32
      %gt3A_411 = vector.broadcast %gt3A_410 : i32 to vector<512x128xi32>
      %gt3A_412 = arith.cmpi sgt, %select_n3A, %gt3A_411 : vector<512x128xi32>
      %convert_element_type3A_413 = arith.truncf %cond3A_282#0 : vector<512x128xf32> to vector<512x128xbf16>
      %concatenate3A = tpu.concatenate %get3A_409, %convert_element_type3A_413 in 1 : vector<512x128xbf16>, vector<512x128xbf16> -> vector<512x256xbf16>
      %get3A_414 = arith.constant 0 : index
      %get3A_415 = arith.constant 0 : index
      %get3A_416 = vector.load %arg5[%get3A_414, %get3A_415] : memref<256x512xbf16, #tpu.memory_space<vmem>>, vector<256x512xbf16>
      %dot_general3A = arith.constant dense<0.000000e+00> : vector<512x512xf32>
      %dot_general3A_417 = tpu.matmul %concatenate3A, %get3A_416, %dot_general3A {dimension_numbers = #tpu.dot_dimension_numbers<[1], [0], [0], [1], [0, 0, 1, 1], [], []>, transpose_lhs_hint = false} : vector<512x256xbf16>, vector<256x512xbf16>, vector<512x512xf32> -> vector<512x512xf32>
      %add3A = vector.broadcast %broadcast_in_dim3A_119 : vector<1x512xf32> to vector<512x512xf32>
      %add3A_418 = arith.addf %dot_general3A_417, %add3A : vector<512x512xf32>
      %slice3A_419 = vector.extract_strided_slice %add3A_418 {offsets = [0, 0], sizes = [512, 128], strides = [1, 1]} : vector<512x512xf32> to vector<512x128xf32>
      %tanh3A = math.tanh %slice3A_419 : vector<512x128xf32>
      %mul3A = arith.constant 5.000000e-01 : f32
      %mul3A_420 = vector.broadcast %mul3A : f32 to vector<512x128xf32>
      %mul3A_421 = arith.mulf %mul3A_420, %tanh3A : vector<512x128xf32>
      %add3A_422 = arith.constant 5.000000e-01 : f32
      %add3A_423 = vector.broadcast %add3A_422 : f32 to vector<512x128xf32>
      %add3A_424 = arith.addf %mul3A_421, %add3A_423 : vector<512x128xf32>
      %slice3A_425 = vector.extract_strided_slice %add3A_418 {offsets = [0, 128], sizes = [512, 128], strides = [1, 1]} : vector<512x512xf32> to vector<512x128xf32>
      %tanh3A_426 = math.tanh %slice3A_425 : vector<512x128xf32>
      %mul3A_427 = arith.constant 5.000000e-01 : f32
      %mul3A_428 = vector.broadcast %mul3A_427 : f32 to vector<512x128xf32>
      %mul3A_429 = arith.mulf %mul3A_428, %tanh3A_426 : vector<512x128xf32>
      %add3A_430 = arith.constant 5.000000e-01 : f32
      %add3A_431 = vector.broadcast %add3A_430 : f32 to vector<512x128xf32>
      %add3A_432 = arith.addf %mul3A_429, %add3A_431 : vector<512x128xf32>
      %slice3A_433 = vector.extract_strided_slice %add3A_418 {offsets = [0, 256], sizes = [512, 128], strides = [1, 1]} : vector<512x512xf32> to vector<512x128xf32>
      %tanh3A_434 = math.tanh %slice3A_433 : vector<512x128xf32>
      %slice3A_435 = vector.extract_strided_slice %add3A_418 {offsets = [0, 384], sizes = [512, 128], strides = [1, 1]} : vector<512x512xf32> to vector<512x128xf32>
      %tanh3A_436 = math.tanh %slice3A_435 : vector<512x128xf32>
      %mul3A_437 = arith.constant 5.000000e-01 : f32
      %mul3A_438 = vector.broadcast %mul3A_437 : f32 to vector<512x128xf32>
      %mul3A_439 = arith.mulf %mul3A_438, %tanh3A_436 : vector<512x128xf32>
      %add3A_440 = arith.constant 5.000000e-01 : f32
      %add3A_441 = vector.broadcast %add3A_440 : f32 to vector<512x128xf32>
      %add3A_442 = arith.addf %mul3A_439, %add3A_441 : vector<512x128xf32>
      %mul3A_443 = arith.mulf %add3A_432, %cond3A_282#1 : vector<512x128xf32>
      %mul3A_444 = arith.mulf %add3A_424, %tanh3A_434 : vector<512x128xf32>
      %add3A_445 = arith.addf %mul3A_443, %mul3A_444 : vector<512x128xf32>
      %tanh3A_446 = math.tanh %add3A_445 : vector<512x128xf32>
      %mul3A_447 = arith.mulf %add3A_442, %tanh3A_446 : vector<512x128xf32>
      %select_n3A_448 = arith.select %gt3A_412, %mul3A_447, %cond3A_282#0 : vector<512x128xi1>, vector<512x128xf32>
      %select_n3A_449 = arith.select %gt3A_412, %add3A_445, %cond3A_282#1 : vector<512x128xi1>, vector<512x128xf32>
      %jit3A = arith.constant 0.000000e+00 : f32
      %broadcast_in_dim3A_450 = vector.broadcast %jit3A : f32 to vector<512x128xf32>
      %select_n3A_451 = arith.select %gt3A_412, %mul3A_447, %broadcast_in_dim3A_450 : vector<512x128xi1>, vector<512x128xf32>
      %get3A_452 = arith.constant 17 : index
      %get3A_453 = arith.constant 0 : index
      %get3A_454 = arith.constant 0 : index
      %get3A_455 = vector.load %arg11[%get3A_452, %get3A_453, %get3A_454] : memref<20x512x128xf32, #tpu.memory_space<vmem>>, vector<1x512x128xf32>
      %get3A_456 = vector.shape_cast %get3A_455 : vector<1x512x128xf32> to vector<512x128xf32>
      %concatenate3A_457 = tpu.concatenate %get3A_456, %select_n3A_451 in 1 : vector<512x128xf32>, vector<512x128xf32> -> vector<512x256xf32>
      %convert_element_type3A_458 = arith.truncf %concatenate3A_457 : vector<512x256xf32> to vector<512x256xbf16>
      %get3A_459 = arith.constant 0 : index
      %get3A_460 = arith.constant 0 : index
      %get3A_461 = vector.load %arg7[%get3A_459, %get3A_460] : memref<256x128xbf16, #tpu.memory_space<vmem>>, vector<256x128xbf16>
      %dot_general3A_462 = arith.constant dense<0.000000e+00> : vector<512x128xf32>
      %dot_general3A_463 = tpu.matmul %convert_element_type3A_458, %get3A_461, %dot_general3A_462 {dimension_numbers = #tpu.dot_dimension_numbers<[1], [0], [0], [1], [0, 0, 1, 1], [], []>, transpose_lhs_hint = false} : vector<512x256xbf16>, vector<256x128xbf16>, vector<512x128xf32> -> vector<512x128xf32>
      %tanh3A_464 = math.tanh %dot_general3A_463 : vector<512x128xf32>
      %mul3A_465 = arith.constant 5.000000e-01 : f32
      %mul3A_466 = vector.broadcast %mul3A_465 : f32 to vector<512x128xf32>
      %mul3A_467 = arith.mulf %mul3A_466, %tanh3A_464 : vector<512x128xf32>
      %add3A_468 = arith.constant 5.000000e-01 : f32
      %add3A_469 = vector.broadcast %add3A_468 : f32 to vector<512x128xf32>
      %add3A_470 = arith.addf %mul3A_467, %add3A_469 : vector<512x128xf32>
      %mul3A_471 = arith.mulf %add3A_470, %get3A_456 : vector<512x128xf32>
      %add3A_472 = arith.addf %cond3A_282#2, %mul3A_471 : vector<512x128xf32>
      %mul3A_473 = arith.mulf %add3A_470, %select_n3A_451 : vector<512x128xf32>
      %add3A_474 = arith.addf %cond3A_282#3, %mul3A_473 : vector<512x128xf32>
      scf.yield %select_n3A_448, %select_n3A_449, %add3A_472, %add3A_474 : vector<512x128xf32>, vector<512x128xf32>, vector<512x128xf32>, vector<512x128xf32>
    } else {
      scf.yield %cond3A_282#0, %cond3A_282#1, %cond3A_282#2, %cond3A_282#3 : vector<512x128xf32>, vector<512x128xf32>, vector<512x128xf32>, vector<512x128xf32>
    }
    %gt3A_289 = arith.constant 16 : i32
    %gt3A_290 = arith.cmpi sgt, %get3A_0, %gt3A_289 : i32
    %convert_element_type3A_291 = arith.extui %gt3A_290 : i1 to i32
    %cond3A_292 = arith.constant 0 : i32
    %cond3A_293 = arith.cmpi ne, %convert_element_type3A_291, %cond3A_292 : i32
    %cond3A_294:4 = scf.if %cond3A_293 -> (vector<512x128xf32>, vector<512x128xf32>, vector<512x128xf32>, vector<512x128xf32>) {
      %get3A_405 = arith.constant 16 : index
      %get3A_406 = arith.constant 0 : index
      %get3A_407 = arith.constant 0 : index
      %get3A_408 = vector.load %arg10[%get3A_405, %get3A_406, %get3A_407] : memref<20x512x128xbf16, #tpu.memory_space<vmem>>, vector<1x512x128xbf16>
      %get3A_409 = vector.shape_cast %get3A_408 : vector<1x512x128xbf16> to vector<512x128xbf16>
      %gt3A_410 = arith.constant 16 : i32
      %gt3A_411 = vector.broadcast %gt3A_410 : i32 to vector<512x128xi32>
      %gt3A_412 = arith.cmpi sgt, %select_n3A, %gt3A_411 : vector<512x128xi32>
      %convert_element_type3A_413 = arith.truncf %cond3A_288#0 : vector<512x128xf32> to vector<512x128xbf16>
      %concatenate3A = tpu.concatenate %get3A_409, %convert_element_type3A_413 in 1 : vector<512x128xbf16>, vector<512x128xbf16> -> vector<512x256xbf16>
      %get3A_414 = arith.constant 0 : index
      %get3A_415 = arith.constant 0 : index
      %get3A_416 = vector.load %arg5[%get3A_414, %get3A_415] : memref<256x512xbf16, #tpu.memory_space<vmem>>, vector<256x512xbf16>
      %dot_general3A = arith.constant dense<0.000000e+00> : vector<512x512xf32>
      %dot_general3A_417 = tpu.matmul %concatenate3A, %get3A_416, %dot_general3A {dimension_numbers = #tpu.dot_dimension_numbers<[1], [0], [0], [1], [0, 0, 1, 1], [], []>, transpose_lhs_hint = false} : vector<512x256xbf16>, vector<256x512xbf16>, vector<512x512xf32> -> vector<512x512xf32>
      %add3A = vector.broadcast %broadcast_in_dim3A_119 : vector<1x512xf32> to vector<512x512xf32>
      %add3A_418 = arith.addf %dot_general3A_417, %add3A : vector<512x512xf32>
      %slice3A_419 = vector.extract_strided_slice %add3A_418 {offsets = [0, 0], sizes = [512, 128], strides = [1, 1]} : vector<512x512xf32> to vector<512x128xf32>
      %tanh3A = math.tanh %slice3A_419 : vector<512x128xf32>
      %mul3A = arith.constant 5.000000e-01 : f32
      %mul3A_420 = vector.broadcast %mul3A : f32 to vector<512x128xf32>
      %mul3A_421 = arith.mulf %mul3A_420, %tanh3A : vector<512x128xf32>
      %add3A_422 = arith.constant 5.000000e-01 : f32
      %add3A_423 = vector.broadcast %add3A_422 : f32 to vector<512x128xf32>
      %add3A_424 = arith.addf %mul3A_421, %add3A_423 : vector<512x128xf32>
      %slice3A_425 = vector.extract_strided_slice %add3A_418 {offsets = [0, 128], sizes = [512, 128], strides = [1, 1]} : vector<512x512xf32> to vector<512x128xf32>
      %tanh3A_426 = math.tanh %slice3A_425 : vector<512x128xf32>
      %mul3A_427 = arith.constant 5.000000e-01 : f32
      %mul3A_428 = vector.broadcast %mul3A_427 : f32 to vector<512x128xf32>
      %mul3A_429 = arith.mulf %mul3A_428, %tanh3A_426 : vector<512x128xf32>
      %add3A_430 = arith.constant 5.000000e-01 : f32
      %add3A_431 = vector.broadcast %add3A_430 : f32 to vector<512x128xf32>
      %add3A_432 = arith.addf %mul3A_429, %add3A_431 : vector<512x128xf32>
      %slice3A_433 = vector.extract_strided_slice %add3A_418 {offsets = [0, 256], sizes = [512, 128], strides = [1, 1]} : vector<512x512xf32> to vector<512x128xf32>
      %tanh3A_434 = math.tanh %slice3A_433 : vector<512x128xf32>
      %slice3A_435 = vector.extract_strided_slice %add3A_418 {offsets = [0, 384], sizes = [512, 128], strides = [1, 1]} : vector<512x512xf32> to vector<512x128xf32>
      %tanh3A_436 = math.tanh %slice3A_435 : vector<512x128xf32>
      %mul3A_437 = arith.constant 5.000000e-01 : f32
      %mul3A_438 = vector.broadcast %mul3A_437 : f32 to vector<512x128xf32>
      %mul3A_439 = arith.mulf %mul3A_438, %tanh3A_436 : vector<512x128xf32>
      %add3A_440 = arith.constant 5.000000e-01 : f32
      %add3A_441 = vector.broadcast %add3A_440 : f32 to vector<512x128xf32>
      %add3A_442 = arith.addf %mul3A_439, %add3A_441 : vector<512x128xf32>
      %mul3A_443 = arith.mulf %add3A_432, %cond3A_288#1 : vector<512x128xf32>
      %mul3A_444 = arith.mulf %add3A_424, %tanh3A_434 : vector<512x128xf32>
      %add3A_445 = arith.addf %mul3A_443, %mul3A_444 : vector<512x128xf32>
      %tanh3A_446 = math.tanh %add3A_445 : vector<512x128xf32>
      %mul3A_447 = arith.mulf %add3A_442, %tanh3A_446 : vector<512x128xf32>
      %select_n3A_448 = arith.select %gt3A_412, %mul3A_447, %cond3A_288#0 : vector<512x128xi1>, vector<512x128xf32>
      %select_n3A_449 = arith.select %gt3A_412, %add3A_445, %cond3A_288#1 : vector<512x128xi1>, vector<512x128xf32>
      %jit3A = arith.constant 0.000000e+00 : f32
      %broadcast_in_dim3A_450 = vector.broadcast %jit3A : f32 to vector<512x128xf32>
      %select_n3A_451 = arith.select %gt3A_412, %mul3A_447, %broadcast_in_dim3A_450 : vector<512x128xi1>, vector<512x128xf32>
      %get3A_452 = arith.constant 16 : index
      %get3A_453 = arith.constant 0 : index
      %get3A_454 = arith.constant 0 : index
      %get3A_455 = vector.load %arg11[%get3A_452, %get3A_453, %get3A_454] : memref<20x512x128xf32, #tpu.memory_space<vmem>>, vector<1x512x128xf32>
      %get3A_456 = vector.shape_cast %get3A_455 : vector<1x512x128xf32> to vector<512x128xf32>
      %concatenate3A_457 = tpu.concatenate %get3A_456, %select_n3A_451 in 1 : vector<512x128xf32>, vector<512x128xf32> -> vector<512x256xf32>
      %convert_element_type3A_458 = arith.truncf %concatenate3A_457 : vector<512x256xf32> to vector<512x256xbf16>
      %get3A_459 = arith.constant 0 : index
      %get3A_460 = arith.constant 0 : index
      %get3A_461 = vector.load %arg7[%get3A_459, %get3A_460] : memref<256x128xbf16, #tpu.memory_space<vmem>>, vector<256x128xbf16>
      %dot_general3A_462 = arith.constant dense<0.000000e+00> : vector<512x128xf32>
      %dot_general3A_463 = tpu.matmul %convert_element_type3A_458, %get3A_461, %dot_general3A_462 {dimension_numbers = #tpu.dot_dimension_numbers<[1], [0], [0], [1], [0, 0, 1, 1], [], []>, transpose_lhs_hint = false} : vector<512x256xbf16>, vector<256x128xbf16>, vector<512x128xf32> -> vector<512x128xf32>
      %tanh3A_464 = math.tanh %dot_general3A_463 : vector<512x128xf32>
      %mul3A_465 = arith.constant 5.000000e-01 : f32
      %mul3A_466 = vector.broadcast %mul3A_465 : f32 to vector<512x128xf32>
      %mul3A_467 = arith.mulf %mul3A_466, %tanh3A_464 : vector<512x128xf32>
      %add3A_468 = arith.constant 5.000000e-01 : f32
      %add3A_469 = vector.broadcast %add3A_468 : f32 to vector<512x128xf32>
      %add3A_470 = arith.addf %mul3A_467, %add3A_469 : vector<512x128xf32>
      %mul3A_471 = arith.mulf %add3A_470, %get3A_456 : vector<512x128xf32>
      %add3A_472 = arith.addf %cond3A_288#2, %mul3A_471 : vector<512x128xf32>
      %mul3A_473 = arith.mulf %add3A_470, %select_n3A_451 : vector<512x128xf32>
      %add3A_474 = arith.addf %cond3A_288#3, %mul3A_473 : vector<512x128xf32>
      scf.yield %select_n3A_448, %select_n3A_449, %add3A_472, %add3A_474 : vector<512x128xf32>, vector<512x128xf32>, vector<512x128xf32>, vector<512x128xf32>
    } else {
      scf.yield %cond3A_288#0, %cond3A_288#1, %cond3A_288#2, %cond3A_288#3 : vector<512x128xf32>, vector<512x128xf32>, vector<512x128xf32>, vector<512x128xf32>
    }
    %gt3A_295 = arith.constant 15 : i32
    %gt3A_296 = arith.cmpi sgt, %get3A_0, %gt3A_295 : i32
    %convert_element_type3A_297 = arith.extui %gt3A_296 : i1 to i32
    %cond3A_298 = arith.constant 0 : i32
    %cond3A_299 = arith.cmpi ne, %convert_element_type3A_297, %cond3A_298 : i32
    %cond3A_300:4 = scf.if %cond3A_299 -> (vector<512x128xf32>, vector<512x128xf32>, vector<512x128xf32>, vector<512x128xf32>) {
      %get3A_405 = arith.constant 15 : index
      %get3A_406 = arith.constant 0 : index
      %get3A_407 = arith.constant 0 : index
      %get3A_408 = vector.load %arg10[%get3A_405, %get3A_406, %get3A_407] : memref<20x512x128xbf16, #tpu.memory_space<vmem>>, vector<1x512x128xbf16>
      %get3A_409 = vector.shape_cast %get3A_408 : vector<1x512x128xbf16> to vector<512x128xbf16>
      %gt3A_410 = arith.constant 15 : i32
      %gt3A_411 = vector.broadcast %gt3A_410 : i32 to vector<512x128xi32>
      %gt3A_412 = arith.cmpi sgt, %select_n3A, %gt3A_411 : vector<512x128xi32>
      %convert_element_type3A_413 = arith.truncf %cond3A_294#0 : vector<512x128xf32> to vector<512x128xbf16>
      %concatenate3A = tpu.concatenate %get3A_409, %convert_element_type3A_413 in 1 : vector<512x128xbf16>, vector<512x128xbf16> -> vector<512x256xbf16>
      %get3A_414 = arith.constant 0 : index
      %get3A_415 = arith.constant 0 : index
      %get3A_416 = vector.load %arg5[%get3A_414, %get3A_415] : memref<256x512xbf16, #tpu.memory_space<vmem>>, vector<256x512xbf16>
      %dot_general3A = arith.constant dense<0.000000e+00> : vector<512x512xf32>
      %dot_general3A_417 = tpu.matmul %concatenate3A, %get3A_416, %dot_general3A {dimension_numbers = #tpu.dot_dimension_numbers<[1], [0], [0], [1], [0, 0, 1, 1], [], []>, transpose_lhs_hint = false} : vector<512x256xbf16>, vector<256x512xbf16>, vector<512x512xf32> -> vector<512x512xf32>
      %add3A = vector.broadcast %broadcast_in_dim3A_119 : vector<1x512xf32> to vector<512x512xf32>
      %add3A_418 = arith.addf %dot_general3A_417, %add3A : vector<512x512xf32>
      %slice3A_419 = vector.extract_strided_slice %add3A_418 {offsets = [0, 0], sizes = [512, 128], strides = [1, 1]} : vector<512x512xf32> to vector<512x128xf32>
      %tanh3A = math.tanh %slice3A_419 : vector<512x128xf32>
      %mul3A = arith.constant 5.000000e-01 : f32
      %mul3A_420 = vector.broadcast %mul3A : f32 to vector<512x128xf32>
      %mul3A_421 = arith.mulf %mul3A_420, %tanh3A : vector<512x128xf32>
      %add3A_422 = arith.constant 5.000000e-01 : f32
      %add3A_423 = vector.broadcast %add3A_422 : f32 to vector<512x128xf32>
      %add3A_424 = arith.addf %mul3A_421, %add3A_423 : vector<512x128xf32>
      %slice3A_425 = vector.extract_strided_slice %add3A_418 {offsets = [0, 128], sizes = [512, 128], strides = [1, 1]} : vector<512x512xf32> to vector<512x128xf32>
      %tanh3A_426 = math.tanh %slice3A_425 : vector<512x128xf32>
      %mul3A_427 = arith.constant 5.000000e-01 : f32
      %mul3A_428 = vector.broadcast %mul3A_427 : f32 to vector<512x128xf32>
      %mul3A_429 = arith.mulf %mul3A_428, %tanh3A_426 : vector<512x128xf32>
      %add3A_430 = arith.constant 5.000000e-01 : f32
      %add3A_431 = vector.broadcast %add3A_430 : f32 to vector<512x128xf32>
      %add3A_432 = arith.addf %mul3A_429, %add3A_431 : vector<512x128xf32>
      %slice3A_433 = vector.extract_strided_slice %add3A_418 {offsets = [0, 256], sizes = [512, 128], strides = [1, 1]} : vector<512x512xf32> to vector<512x128xf32>
      %tanh3A_434 = math.tanh %slice3A_433 : vector<512x128xf32>
      %slice3A_435 = vector.extract_strided_slice %add3A_418 {offsets = [0, 384], sizes = [512, 128], strides = [1, 1]} : vector<512x512xf32> to vector<512x128xf32>
      %tanh3A_436 = math.tanh %slice3A_435 : vector<512x128xf32>
      %mul3A_437 = arith.constant 5.000000e-01 : f32
      %mul3A_438 = vector.broadcast %mul3A_437 : f32 to vector<512x128xf32>
      %mul3A_439 = arith.mulf %mul3A_438, %tanh3A_436 : vector<512x128xf32>
      %add3A_440 = arith.constant 5.000000e-01 : f32
      %add3A_441 = vector.broadcast %add3A_440 : f32 to vector<512x128xf32>
      %add3A_442 = arith.addf %mul3A_439, %add3A_441 : vector<512x128xf32>
      %mul3A_443 = arith.mulf %add3A_432, %cond3A_294#1 : vector<512x128xf32>
      %mul3A_444 = arith.mulf %add3A_424, %tanh3A_434 : vector<512x128xf32>
      %add3A_445 = arith.addf %mul3A_443, %mul3A_444 : vector<512x128xf32>
      %tanh3A_446 = math.tanh %add3A_445 : vector<512x128xf32>
      %mul3A_447 = arith.mulf %add3A_442, %tanh3A_446 : vector<512x128xf32>
      %select_n3A_448 = arith.select %gt3A_412, %mul3A_447, %cond3A_294#0 : vector<512x128xi1>, vector<512x128xf32>
      %select_n3A_449 = arith.select %gt3A_412, %add3A_445, %cond3A_294#1 : vector<512x128xi1>, vector<512x128xf32>
      %jit3A = arith.constant 0.000000e+00 : f32
      %broadcast_in_dim3A_450 = vector.broadcast %jit3A : f32 to vector<512x128xf32>
      %select_n3A_451 = arith.select %gt3A_412, %mul3A_447, %broadcast_in_dim3A_450 : vector<512x128xi1>, vector<512x128xf32>
      %get3A_452 = arith.constant 15 : index
      %get3A_453 = arith.constant 0 : index
      %get3A_454 = arith.constant 0 : index
      %get3A_455 = vector.load %arg11[%get3A_452, %get3A_453, %get3A_454] : memref<20x512x128xf32, #tpu.memory_space<vmem>>, vector<1x512x128xf32>
      %get3A_456 = vector.shape_cast %get3A_455 : vector<1x512x128xf32> to vector<512x128xf32>
      %concatenate3A_457 = tpu.concatenate %get3A_456, %select_n3A_451 in 1 : vector<512x128xf32>, vector<512x128xf32> -> vector<512x256xf32>
      %convert_element_type3A_458 = arith.truncf %concatenate3A_457 : vector<512x256xf32> to vector<512x256xbf16>
      %get3A_459 = arith.constant 0 : index
      %get3A_460 = arith.constant 0 : index
      %get3A_461 = vector.load %arg7[%get3A_459, %get3A_460] : memref<256x128xbf16, #tpu.memory_space<vmem>>, vector<256x128xbf16>
      %dot_general3A_462 = arith.constant dense<0.000000e+00> : vector<512x128xf32>
      %dot_general3A_463 = tpu.matmul %convert_element_type3A_458, %get3A_461, %dot_general3A_462 {dimension_numbers = #tpu.dot_dimension_numbers<[1], [0], [0], [1], [0, 0, 1, 1], [], []>, transpose_lhs_hint = false} : vector<512x256xbf16>, vector<256x128xbf16>, vector<512x128xf32> -> vector<512x128xf32>
      %tanh3A_464 = math.tanh %dot_general3A_463 : vector<512x128xf32>
      %mul3A_465 = arith.constant 5.000000e-01 : f32
      %mul3A_466 = vector.broadcast %mul3A_465 : f32 to vector<512x128xf32>
      %mul3A_467 = arith.mulf %mul3A_466, %tanh3A_464 : vector<512x128xf32>
      %add3A_468 = arith.constant 5.000000e-01 : f32
      %add3A_469 = vector.broadcast %add3A_468 : f32 to vector<512x128xf32>
      %add3A_470 = arith.addf %mul3A_467, %add3A_469 : vector<512x128xf32>
      %mul3A_471 = arith.mulf %add3A_470, %get3A_456 : vector<512x128xf32>
      %add3A_472 = arith.addf %cond3A_294#2, %mul3A_471 : vector<512x128xf32>
      %mul3A_473 = arith.mulf %add3A_470, %select_n3A_451 : vector<512x128xf32>
      %add3A_474 = arith.addf %cond3A_294#3, %mul3A_473 : vector<512x128xf32>
      scf.yield %select_n3A_448, %select_n3A_449, %add3A_472, %add3A_474 : vector<512x128xf32>, vector<512x128xf32>, vector<512x128xf32>, vector<512x128xf32>
    } else {
      scf.yield %cond3A_294#0, %cond3A_294#1, %cond3A_294#2, %cond3A_294#3 : vector<512x128xf32>, vector<512x128xf32>, vector<512x128xf32>, vector<512x128xf32>
    }
    %gt3A_301 = arith.constant 14 : i32
    %gt3A_302 = arith.cmpi sgt, %get3A_0, %gt3A_301 : i32
    %convert_element_type3A_303 = arith.extui %gt3A_302 : i1 to i32
    %cond3A_304 = arith.constant 0 : i32
    %cond3A_305 = arith.cmpi ne, %convert_element_type3A_303, %cond3A_304 : i32
    %cond3A_306:4 = scf.if %cond3A_305 -> (vector<512x128xf32>, vector<512x128xf32>, vector<512x128xf32>, vector<512x128xf32>) {
      %get3A_405 = arith.constant 14 : index
      %get3A_406 = arith.constant 0 : index
      %get3A_407 = arith.constant 0 : index
      %get3A_408 = vector.load %arg10[%get3A_405, %get3A_406, %get3A_407] : memref<20x512x128xbf16, #tpu.memory_space<vmem>>, vector<1x512x128xbf16>
      %get3A_409 = vector.shape_cast %get3A_408 : vector<1x512x128xbf16> to vector<512x128xbf16>
      %gt3A_410 = arith.constant 14 : i32
      %gt3A_411 = vector.broadcast %gt3A_410 : i32 to vector<512x128xi32>
      %gt3A_412 = arith.cmpi sgt, %select_n3A, %gt3A_411 : vector<512x128xi32>
      %convert_element_type3A_413 = arith.truncf %cond3A_300#0 : vector<512x128xf32> to vector<512x128xbf16>
      %concatenate3A = tpu.concatenate %get3A_409, %convert_element_type3A_413 in 1 : vector<512x128xbf16>, vector<512x128xbf16> -> vector<512x256xbf16>
      %get3A_414 = arith.constant 0 : index
      %get3A_415 = arith.constant 0 : index
      %get3A_416 = vector.load %arg5[%get3A_414, %get3A_415] : memref<256x512xbf16, #tpu.memory_space<vmem>>, vector<256x512xbf16>
      %dot_general3A = arith.constant dense<0.000000e+00> : vector<512x512xf32>
      %dot_general3A_417 = tpu.matmul %concatenate3A, %get3A_416, %dot_general3A {dimension_numbers = #tpu.dot_dimension_numbers<[1], [0], [0], [1], [0, 0, 1, 1], [], []>, transpose_lhs_hint = false} : vector<512x256xbf16>, vector<256x512xbf16>, vector<512x512xf32> -> vector<512x512xf32>
      %add3A = vector.broadcast %broadcast_in_dim3A_119 : vector<1x512xf32> to vector<512x512xf32>
      %add3A_418 = arith.addf %dot_general3A_417, %add3A : vector<512x512xf32>
      %slice3A_419 = vector.extract_strided_slice %add3A_418 {offsets = [0, 0], sizes = [512, 128], strides = [1, 1]} : vector<512x512xf32> to vector<512x128xf32>
      %tanh3A = math.tanh %slice3A_419 : vector<512x128xf32>
      %mul3A = arith.constant 5.000000e-01 : f32
      %mul3A_420 = vector.broadcast %mul3A : f32 to vector<512x128xf32>
      %mul3A_421 = arith.mulf %mul3A_420, %tanh3A : vector<512x128xf32>
      %add3A_422 = arith.constant 5.000000e-01 : f32
      %add3A_423 = vector.broadcast %add3A_422 : f32 to vector<512x128xf32>
      %add3A_424 = arith.addf %mul3A_421, %add3A_423 : vector<512x128xf32>
      %slice3A_425 = vector.extract_strided_slice %add3A_418 {offsets = [0, 128], sizes = [512, 128], strides = [1, 1]} : vector<512x512xf32> to vector<512x128xf32>
      %tanh3A_426 = math.tanh %slice3A_425 : vector<512x128xf32>
      %mul3A_427 = arith.constant 5.000000e-01 : f32
      %mul3A_428 = vector.broadcast %mul3A_427 : f32 to vector<512x128xf32>
      %mul3A_429 = arith.mulf %mul3A_428, %tanh3A_426 : vector<512x128xf32>
      %add3A_430 = arith.constant 5.000000e-01 : f32
      %add3A_431 = vector.broadcast %add3A_430 : f32 to vector<512x128xf32>
      %add3A_432 = arith.addf %mul3A_429, %add3A_431 : vector<512x128xf32>
      %slice3A_433 = vector.extract_strided_slice %add3A_418 {offsets = [0, 256], sizes = [512, 128], strides = [1, 1]} : vector<512x512xf32> to vector<512x128xf32>
      %tanh3A_434 = math.tanh %slice3A_433 : vector<512x128xf32>
      %slice3A_435 = vector.extract_strided_slice %add3A_418 {offsets = [0, 384], sizes = [512, 128], strides = [1, 1]} : vector<512x512xf32> to vector<512x128xf32>
      %tanh3A_436 = math.tanh %slice3A_435 : vector<512x128xf32>
      %mul3A_437 = arith.constant 5.000000e-01 : f32
      %mul3A_438 = vector.broadcast %mul3A_437 : f32 to vector<512x128xf32>
      %mul3A_439 = arith.mulf %mul3A_438, %tanh3A_436 : vector<512x128xf32>
      %add3A_440 = arith.constant 5.000000e-01 : f32
      %add3A_441 = vector.broadcast %add3A_440 : f32 to vector<512x128xf32>
      %add3A_442 = arith.addf %mul3A_439, %add3A_441 : vector<512x128xf32>
      %mul3A_443 = arith.mulf %add3A_432, %cond3A_300#1 : vector<512x128xf32>
      %mul3A_444 = arith.mulf %add3A_424, %tanh3A_434 : vector<512x128xf32>
      %add3A_445 = arith.addf %mul3A_443, %mul3A_444 : vector<512x128xf32>
      %tanh3A_446 = math.tanh %add3A_445 : vector<512x128xf32>
      %mul3A_447 = arith.mulf %add3A_442, %tanh3A_446 : vector<512x128xf32>
      %select_n3A_448 = arith.select %gt3A_412, %mul3A_447, %cond3A_300#0 : vector<512x128xi1>, vector<512x128xf32>
      %select_n3A_449 = arith.select %gt3A_412, %add3A_445, %cond3A_300#1 : vector<512x128xi1>, vector<512x128xf32>
      %jit3A = arith.constant 0.000000e+00 : f32
      %broadcast_in_dim3A_450 = vector.broadcast %jit3A : f32 to vector<512x128xf32>
      %select_n3A_451 = arith.select %gt3A_412, %mul3A_447, %broadcast_in_dim3A_450 : vector<512x128xi1>, vector<512x128xf32>
      %get3A_452 = arith.constant 14 : index
      %get3A_453 = arith.constant 0 : index
      %get3A_454 = arith.constant 0 : index
      %get3A_455 = vector.load %arg11[%get3A_452, %get3A_453, %get3A_454] : memref<20x512x128xf32, #tpu.memory_space<vmem>>, vector<1x512x128xf32>
      %get3A_456 = vector.shape_cast %get3A_455 : vector<1x512x128xf32> to vector<512x128xf32>
      %concatenate3A_457 = tpu.concatenate %get3A_456, %select_n3A_451 in 1 : vector<512x128xf32>, vector<512x128xf32> -> vector<512x256xf32>
      %convert_element_type3A_458 = arith.truncf %concatenate3A_457 : vector<512x256xf32> to vector<512x256xbf16>
      %get3A_459 = arith.constant 0 : index
      %get3A_460 = arith.constant 0 : index
      %get3A_461 = vector.load %arg7[%get3A_459, %get3A_460] : memref<256x128xbf16, #tpu.memory_space<vmem>>, vector<256x128xbf16>
      %dot_general3A_462 = arith.constant dense<0.000000e+00> : vector<512x128xf32>
      %dot_general3A_463 = tpu.matmul %convert_element_type3A_458, %get3A_461, %dot_general3A_462 {dimension_numbers = #tpu.dot_dimension_numbers<[1], [0], [0], [1], [0, 0, 1, 1], [], []>, transpose_lhs_hint = false} : vector<512x256xbf16>, vector<256x128xbf16>, vector<512x128xf32> -> vector<512x128xf32>
      %tanh3A_464 = math.tanh %dot_general3A_463 : vector<512x128xf32>
      %mul3A_465 = arith.constant 5.000000e-01 : f32
      %mul3A_466 = vector.broadcast %mul3A_465 : f32 to vector<512x128xf32>
      %mul3A_467 = arith.mulf %mul3A_466, %tanh3A_464 : vector<512x128xf32>
      %add3A_468 = arith.constant 5.000000e-01 : f32
      %add3A_469 = vector.broadcast %add3A_468 : f32 to vector<512x128xf32>
      %add3A_470 = arith.addf %mul3A_467, %add3A_469 : vector<512x128xf32>
      %mul3A_471 = arith.mulf %add3A_470, %get3A_456 : vector<512x128xf32>
      %add3A_472 = arith.addf %cond3A_300#2, %mul3A_471 : vector<512x128xf32>
      %mul3A_473 = arith.mulf %add3A_470, %select_n3A_451 : vector<512x128xf32>
      %add3A_474 = arith.addf %cond3A_300#3, %mul3A_473 : vector<512x128xf32>
      scf.yield %select_n3A_448, %select_n3A_449, %add3A_472, %add3A_474 : vector<512x128xf32>, vector<512x128xf32>, vector<512x128xf32>, vector<512x128xf32>
    } else {
      scf.yield %cond3A_300#0, %cond3A_300#1, %cond3A_300#2, %cond3A_300#3 : vector<512x128xf32>, vector<512x128xf32>, vector<512x128xf32>, vector<512x128xf32>
    }
    %gt3A_307 = arith.constant 13 : i32
    %gt3A_308 = arith.cmpi sgt, %get3A_0, %gt3A_307 : i32
    %convert_element_type3A_309 = arith.extui %gt3A_308 : i1 to i32
    %cond3A_310 = arith.constant 0 : i32
    %cond3A_311 = arith.cmpi ne, %convert_element_type3A_309, %cond3A_310 : i32
    %cond3A_312:4 = scf.if %cond3A_311 -> (vector<512x128xf32>, vector<512x128xf32>, vector<512x128xf32>, vector<512x128xf32>) {
      %get3A_405 = arith.constant 13 : index
      %get3A_406 = arith.constant 0 : index
      %get3A_407 = arith.constant 0 : index
      %get3A_408 = vector.load %arg10[%get3A_405, %get3A_406, %get3A_407] : memref<20x512x128xbf16, #tpu.memory_space<vmem>>, vector<1x512x128xbf16>
      %get3A_409 = vector.shape_cast %get3A_408 : vector<1x512x128xbf16> to vector<512x128xbf16>
      %gt3A_410 = arith.constant 13 : i32
      %gt3A_411 = vector.broadcast %gt3A_410 : i32 to vector<512x128xi32>
      %gt3A_412 = arith.cmpi sgt, %select_n3A, %gt3A_411 : vector<512x128xi32>
      %convert_element_type3A_413 = arith.truncf %cond3A_306#0 : vector<512x128xf32> to vector<512x128xbf16>
      %concatenate3A = tpu.concatenate %get3A_409, %convert_element_type3A_413 in 1 : vector<512x128xbf16>, vector<512x128xbf16> -> vector<512x256xbf16>
      %get3A_414 = arith.constant 0 : index
      %get3A_415 = arith.constant 0 : index
      %get3A_416 = vector.load %arg5[%get3A_414, %get3A_415] : memref<256x512xbf16, #tpu.memory_space<vmem>>, vector<256x512xbf16>
      %dot_general3A = arith.constant dense<0.000000e+00> : vector<512x512xf32>
      %dot_general3A_417 = tpu.matmul %concatenate3A, %get3A_416, %dot_general3A {dimension_numbers = #tpu.dot_dimension_numbers<[1], [0], [0], [1], [0, 0, 1, 1], [], []>, transpose_lhs_hint = false} : vector<512x256xbf16>, vector<256x512xbf16>, vector<512x512xf32> -> vector<512x512xf32>
      %add3A = vector.broadcast %broadcast_in_dim3A_119 : vector<1x512xf32> to vector<512x512xf32>
      %add3A_418 = arith.addf %dot_general3A_417, %add3A : vector<512x512xf32>
      %slice3A_419 = vector.extract_strided_slice %add3A_418 {offsets = [0, 0], sizes = [512, 128], strides = [1, 1]} : vector<512x512xf32> to vector<512x128xf32>
      %tanh3A = math.tanh %slice3A_419 : vector<512x128xf32>
      %mul3A = arith.constant 5.000000e-01 : f32
      %mul3A_420 = vector.broadcast %mul3A : f32 to vector<512x128xf32>
      %mul3A_421 = arith.mulf %mul3A_420, %tanh3A : vector<512x128xf32>
      %add3A_422 = arith.constant 5.000000e-01 : f32
      %add3A_423 = vector.broadcast %add3A_422 : f32 to vector<512x128xf32>
      %add3A_424 = arith.addf %mul3A_421, %add3A_423 : vector<512x128xf32>
      %slice3A_425 = vector.extract_strided_slice %add3A_418 {offsets = [0, 128], sizes = [512, 128], strides = [1, 1]} : vector<512x512xf32> to vector<512x128xf32>
      %tanh3A_426 = math.tanh %slice3A_425 : vector<512x128xf32>
      %mul3A_427 = arith.constant 5.000000e-01 : f32
      %mul3A_428 = vector.broadcast %mul3A_427 : f32 to vector<512x128xf32>
      %mul3A_429 = arith.mulf %mul3A_428, %tanh3A_426 : vector<512x128xf32>
      %add3A_430 = arith.constant 5.000000e-01 : f32
      %add3A_431 = vector.broadcast %add3A_430 : f32 to vector<512x128xf32>
      %add3A_432 = arith.addf %mul3A_429, %add3A_431 : vector<512x128xf32>
      %slice3A_433 = vector.extract_strided_slice %add3A_418 {offsets = [0, 256], sizes = [512, 128], strides = [1, 1]} : vector<512x512xf32> to vector<512x128xf32>
      %tanh3A_434 = math.tanh %slice3A_433 : vector<512x128xf32>
      %slice3A_435 = vector.extract_strided_slice %add3A_418 {offsets = [0, 384], sizes = [512, 128], strides = [1, 1]} : vector<512x512xf32> to vector<512x128xf32>
      %tanh3A_436 = math.tanh %slice3A_435 : vector<512x128xf32>
      %mul3A_437 = arith.constant 5.000000e-01 : f32
      %mul3A_438 = vector.broadcast %mul3A_437 : f32 to vector<512x128xf32>
      %mul3A_439 = arith.mulf %mul3A_438, %tanh3A_436 : vector<512x128xf32>
      %add3A_440 = arith.constant 5.000000e-01 : f32
      %add3A_441 = vector.broadcast %add3A_440 : f32 to vector<512x128xf32>
      %add3A_442 = arith.addf %mul3A_439, %add3A_441 : vector<512x128xf32>
      %mul3A_443 = arith.mulf %add3A_432, %cond3A_306#1 : vector<512x128xf32>
      %mul3A_444 = arith.mulf %add3A_424, %tanh3A_434 : vector<512x128xf32>
      %add3A_445 = arith.addf %mul3A_443, %mul3A_444 : vector<512x128xf32>
      %tanh3A_446 = math.tanh %add3A_445 : vector<512x128xf32>
      %mul3A_447 = arith.mulf %add3A_442, %tanh3A_446 : vector<512x128xf32>
      %select_n3A_448 = arith.select %gt3A_412, %mul3A_447, %cond3A_306#0 : vector<512x128xi1>, vector<512x128xf32>
      %select_n3A_449 = arith.select %gt3A_412, %add3A_445, %cond3A_306#1 : vector<512x128xi1>, vector<512x128xf32>
      %jit3A = arith.constant 0.000000e+00 : f32
      %broadcast_in_dim3A_450 = vector.broadcast %jit3A : f32 to vector<512x128xf32>
      %select_n3A_451 = arith.select %gt3A_412, %mul3A_447, %broadcast_in_dim3A_450 : vector<512x128xi1>, vector<512x128xf32>
      %get3A_452 = arith.constant 13 : index
      %get3A_453 = arith.constant 0 : index
      %get3A_454 = arith.constant 0 : index
      %get3A_455 = vector.load %arg11[%get3A_452, %get3A_453, %get3A_454] : memref<20x512x128xf32, #tpu.memory_space<vmem>>, vector<1x512x128xf32>
      %get3A_456 = vector.shape_cast %get3A_455 : vector<1x512x128xf32> to vector<512x128xf32>
      %concatenate3A_457 = tpu.concatenate %get3A_456, %select_n3A_451 in 1 : vector<512x128xf32>, vector<512x128xf32> -> vector<512x256xf32>
      %convert_element_type3A_458 = arith.truncf %concatenate3A_457 : vector<512x256xf32> to vector<512x256xbf16>
      %get3A_459 = arith.constant 0 : index
      %get3A_460 = arith.constant 0 : index
      %get3A_461 = vector.load %arg7[%get3A_459, %get3A_460] : memref<256x128xbf16, #tpu.memory_space<vmem>>, vector<256x128xbf16>
      %dot_general3A_462 = arith.constant dense<0.000000e+00> : vector<512x128xf32>
      %dot_general3A_463 = tpu.matmul %convert_element_type3A_458, %get3A_461, %dot_general3A_462 {dimension_numbers = #tpu.dot_dimension_numbers<[1], [0], [0], [1], [0, 0, 1, 1], [], []>, transpose_lhs_hint = false} : vector<512x256xbf16>, vector<256x128xbf16>, vector<512x128xf32> -> vector<512x128xf32>
      %tanh3A_464 = math.tanh %dot_general3A_463 : vector<512x128xf32>
      %mul3A_465 = arith.constant 5.000000e-01 : f32
      %mul3A_466 = vector.broadcast %mul3A_465 : f32 to vector<512x128xf32>
      %mul3A_467 = arith.mulf %mul3A_466, %tanh3A_464 : vector<512x128xf32>
      %add3A_468 = arith.constant 5.000000e-01 : f32
      %add3A_469 = vector.broadcast %add3A_468 : f32 to vector<512x128xf32>
      %add3A_470 = arith.addf %mul3A_467, %add3A_469 : vector<512x128xf32>
      %mul3A_471 = arith.mulf %add3A_470, %get3A_456 : vector<512x128xf32>
      %add3A_472 = arith.addf %cond3A_306#2, %mul3A_471 : vector<512x128xf32>
      %mul3A_473 = arith.mulf %add3A_470, %select_n3A_451 : vector<512x128xf32>
      %add3A_474 = arith.addf %cond3A_306#3, %mul3A_473 : vector<512x128xf32>
      scf.yield %select_n3A_448, %select_n3A_449, %add3A_472, %add3A_474 : vector<512x128xf32>, vector<512x128xf32>, vector<512x128xf32>, vector<512x128xf32>
    } else {
      scf.yield %cond3A_306#0, %cond3A_306#1, %cond3A_306#2, %cond3A_306#3 : vector<512x128xf32>, vector<512x128xf32>, vector<512x128xf32>, vector<512x128xf32>
    }
    %gt3A_313 = arith.constant 12 : i32
    %gt3A_314 = arith.cmpi sgt, %get3A_0, %gt3A_313 : i32
    %convert_element_type3A_315 = arith.extui %gt3A_314 : i1 to i32
    %cond3A_316 = arith.constant 0 : i32
    %cond3A_317 = arith.cmpi ne, %convert_element_type3A_315, %cond3A_316 : i32
    %cond3A_318:4 = scf.if %cond3A_317 -> (vector<512x128xf32>, vector<512x128xf32>, vector<512x128xf32>, vector<512x128xf32>) {
      %get3A_405 = arith.constant 12 : index
      %get3A_406 = arith.constant 0 : index
      %get3A_407 = arith.constant 0 : index
      %get3A_408 = vector.load %arg10[%get3A_405, %get3A_406, %get3A_407] : memref<20x512x128xbf16, #tpu.memory_space<vmem>>, vector<1x512x128xbf16>
      %get3A_409 = vector.shape_cast %get3A_408 : vector<1x512x128xbf16> to vector<512x128xbf16>
      %gt3A_410 = arith.constant 12 : i32
      %gt3A_411 = vector.broadcast %gt3A_410 : i32 to vector<512x128xi32>
      %gt3A_412 = arith.cmpi sgt, %select_n3A, %gt3A_411 : vector<512x128xi32>
      %convert_element_type3A_413 = arith.truncf %cond3A_312#0 : vector<512x128xf32> to vector<512x128xbf16>
      %concatenate3A = tpu.concatenate %get3A_409, %convert_element_type3A_413 in 1 : vector<512x128xbf16>, vector<512x128xbf16> -> vector<512x256xbf16>
      %get3A_414 = arith.constant 0 : index
      %get3A_415 = arith.constant 0 : index
      %get3A_416 = vector.load %arg5[%get3A_414, %get3A_415] : memref<256x512xbf16, #tpu.memory_space<vmem>>, vector<256x512xbf16>
      %dot_general3A = arith.constant dense<0.000000e+00> : vector<512x512xf32>
      %dot_general3A_417 = tpu.matmul %concatenate3A, %get3A_416, %dot_general3A {dimension_numbers = #tpu.dot_dimension_numbers<[1], [0], [0], [1], [0, 0, 1, 1], [], []>, transpose_lhs_hint = false} : vector<512x256xbf16>, vector<256x512xbf16>, vector<512x512xf32> -> vector<512x512xf32>
      %add3A = vector.broadcast %broadcast_in_dim3A_119 : vector<1x512xf32> to vector<512x512xf32>
      %add3A_418 = arith.addf %dot_general3A_417, %add3A : vector<512x512xf32>
      %slice3A_419 = vector.extract_strided_slice %add3A_418 {offsets = [0, 0], sizes = [512, 128], strides = [1, 1]} : vector<512x512xf32> to vector<512x128xf32>
      %tanh3A = math.tanh %slice3A_419 : vector<512x128xf32>
      %mul3A = arith.constant 5.000000e-01 : f32
      %mul3A_420 = vector.broadcast %mul3A : f32 to vector<512x128xf32>
      %mul3A_421 = arith.mulf %mul3A_420, %tanh3A : vector<512x128xf32>
      %add3A_422 = arith.constant 5.000000e-01 : f32
      %add3A_423 = vector.broadcast %add3A_422 : f32 to vector<512x128xf32>
      %add3A_424 = arith.addf %mul3A_421, %add3A_423 : vector<512x128xf32>
      %slice3A_425 = vector.extract_strided_slice %add3A_418 {offsets = [0, 128], sizes = [512, 128], strides = [1, 1]} : vector<512x512xf32> to vector<512x128xf32>
      %tanh3A_426 = math.tanh %slice3A_425 : vector<512x128xf32>
      %mul3A_427 = arith.constant 5.000000e-01 : f32
      %mul3A_428 = vector.broadcast %mul3A_427 : f32 to vector<512x128xf32>
      %mul3A_429 = arith.mulf %mul3A_428, %tanh3A_426 : vector<512x128xf32>
      %add3A_430 = arith.constant 5.000000e-01 : f32
      %add3A_431 = vector.broadcast %add3A_430 : f32 to vector<512x128xf32>
      %add3A_432 = arith.addf %mul3A_429, %add3A_431 : vector<512x128xf32>
      %slice3A_433 = vector.extract_strided_slice %add3A_418 {offsets = [0, 256], sizes = [512, 128], strides = [1, 1]} : vector<512x512xf32> to vector<512x128xf32>
      %tanh3A_434 = math.tanh %slice3A_433 : vector<512x128xf32>
      %slice3A_435 = vector.extract_strided_slice %add3A_418 {offsets = [0, 384], sizes = [512, 128], strides = [1, 1]} : vector<512x512xf32> to vector<512x128xf32>
      %tanh3A_436 = math.tanh %slice3A_435 : vector<512x128xf32>
      %mul3A_437 = arith.constant 5.000000e-01 : f32
      %mul3A_438 = vector.broadcast %mul3A_437 : f32 to vector<512x128xf32>
      %mul3A_439 = arith.mulf %mul3A_438, %tanh3A_436 : vector<512x128xf32>
      %add3A_440 = arith.constant 5.000000e-01 : f32
      %add3A_441 = vector.broadcast %add3A_440 : f32 to vector<512x128xf32>
      %add3A_442 = arith.addf %mul3A_439, %add3A_441 : vector<512x128xf32>
      %mul3A_443 = arith.mulf %add3A_432, %cond3A_312#1 : vector<512x128xf32>
      %mul3A_444 = arith.mulf %add3A_424, %tanh3A_434 : vector<512x128xf32>
      %add3A_445 = arith.addf %mul3A_443, %mul3A_444 : vector<512x128xf32>
      %tanh3A_446 = math.tanh %add3A_445 : vector<512x128xf32>
      %mul3A_447 = arith.mulf %add3A_442, %tanh3A_446 : vector<512x128xf32>
      %select_n3A_448 = arith.select %gt3A_412, %mul3A_447, %cond3A_312#0 : vector<512x128xi1>, vector<512x128xf32>
      %select_n3A_449 = arith.select %gt3A_412, %add3A_445, %cond3A_312#1 : vector<512x128xi1>, vector<512x128xf32>
      %jit3A = arith.constant 0.000000e+00 : f32
      %broadcast_in_dim3A_450 = vector.broadcast %jit3A : f32 to vector<512x128xf32>
      %select_n3A_451 = arith.select %gt3A_412, %mul3A_447, %broadcast_in_dim3A_450 : vector<512x128xi1>, vector<512x128xf32>
      %get3A_452 = arith.constant 12 : index
      %get3A_453 = arith.constant 0 : index
      %get3A_454 = arith.constant 0 : index
      %get3A_455 = vector.load %arg11[%get3A_452, %get3A_453, %get3A_454] : memref<20x512x128xf32, #tpu.memory_space<vmem>>, vector<1x512x128xf32>
      %get3A_456 = vector.shape_cast %get3A_455 : vector<1x512x128xf32> to vector<512x128xf32>
      %concatenate3A_457 = tpu.concatenate %get3A_456, %select_n3A_451 in 1 : vector<512x128xf32>, vector<512x128xf32> -> vector<512x256xf32>
      %convert_element_type3A_458 = arith.truncf %concatenate3A_457 : vector<512x256xf32> to vector<512x256xbf16>
      %get3A_459 = arith.constant 0 : index
      %get3A_460 = arith.constant 0 : index
      %get3A_461 = vector.load %arg7[%get3A_459, %get3A_460] : memref<256x128xbf16, #tpu.memory_space<vmem>>, vector<256x128xbf16>
      %dot_general3A_462 = arith.constant dense<0.000000e+00> : vector<512x128xf32>
      %dot_general3A_463 = tpu.matmul %convert_element_type3A_458, %get3A_461, %dot_general3A_462 {dimension_numbers = #tpu.dot_dimension_numbers<[1], [0], [0], [1], [0, 0, 1, 1], [], []>, transpose_lhs_hint = false} : vector<512x256xbf16>, vector<256x128xbf16>, vector<512x128xf32> -> vector<512x128xf32>
      %tanh3A_464 = math.tanh %dot_general3A_463 : vector<512x128xf32>
      %mul3A_465 = arith.constant 5.000000e-01 : f32
      %mul3A_466 = vector.broadcast %mul3A_465 : f32 to vector<512x128xf32>
      %mul3A_467 = arith.mulf %mul3A_466, %tanh3A_464 : vector<512x128xf32>
      %add3A_468 = arith.constant 5.000000e-01 : f32
      %add3A_469 = vector.broadcast %add3A_468 : f32 to vector<512x128xf32>
      %add3A_470 = arith.addf %mul3A_467, %add3A_469 : vector<512x128xf32>
      %mul3A_471 = arith.mulf %add3A_470, %get3A_456 : vector<512x128xf32>
      %add3A_472 = arith.addf %cond3A_312#2, %mul3A_471 : vector<512x128xf32>
      %mul3A_473 = arith.mulf %add3A_470, %select_n3A_451 : vector<512x128xf32>
      %add3A_474 = arith.addf %cond3A_312#3, %mul3A_473 : vector<512x128xf32>
      scf.yield %select_n3A_448, %select_n3A_449, %add3A_472, %add3A_474 : vector<512x128xf32>, vector<512x128xf32>, vector<512x128xf32>, vector<512x128xf32>
    } else {
      scf.yield %cond3A_312#0, %cond3A_312#1, %cond3A_312#2, %cond3A_312#3 : vector<512x128xf32>, vector<512x128xf32>, vector<512x128xf32>, vector<512x128xf32>
    }
    %gt3A_319 = arith.constant 11 : i32
    %gt3A_320 = arith.cmpi sgt, %get3A_0, %gt3A_319 : i32
    %convert_element_type3A_321 = arith.extui %gt3A_320 : i1 to i32
    %cond3A_322 = arith.constant 0 : i32
    %cond3A_323 = arith.cmpi ne, %convert_element_type3A_321, %cond3A_322 : i32
    %cond3A_324:4 = scf.if %cond3A_323 -> (vector<512x128xf32>, vector<512x128xf32>, vector<512x128xf32>, vector<512x128xf32>) {
      %get3A_405 = arith.constant 11 : index
      %get3A_406 = arith.constant 0 : index
      %get3A_407 = arith.constant 0 : index
      %get3A_408 = vector.load %arg10[%get3A_405, %get3A_406, %get3A_407] : memref<20x512x128xbf16, #tpu.memory_space<vmem>>, vector<1x512x128xbf16>
      %get3A_409 = vector.shape_cast %get3A_408 : vector<1x512x128xbf16> to vector<512x128xbf16>
      %gt3A_410 = arith.constant 11 : i32
      %gt3A_411 = vector.broadcast %gt3A_410 : i32 to vector<512x128xi32>
      %gt3A_412 = arith.cmpi sgt, %select_n3A, %gt3A_411 : vector<512x128xi32>
      %convert_element_type3A_413 = arith.truncf %cond3A_318#0 : vector<512x128xf32> to vector<512x128xbf16>
      %concatenate3A = tpu.concatenate %get3A_409, %convert_element_type3A_413 in 1 : vector<512x128xbf16>, vector<512x128xbf16> -> vector<512x256xbf16>
      %get3A_414 = arith.constant 0 : index
      %get3A_415 = arith.constant 0 : index
      %get3A_416 = vector.load %arg5[%get3A_414, %get3A_415] : memref<256x512xbf16, #tpu.memory_space<vmem>>, vector<256x512xbf16>
      %dot_general3A = arith.constant dense<0.000000e+00> : vector<512x512xf32>
      %dot_general3A_417 = tpu.matmul %concatenate3A, %get3A_416, %dot_general3A {dimension_numbers = #tpu.dot_dimension_numbers<[1], [0], [0], [1], [0, 0, 1, 1], [], []>, transpose_lhs_hint = false} : vector<512x256xbf16>, vector<256x512xbf16>, vector<512x512xf32> -> vector<512x512xf32>
      %add3A = vector.broadcast %broadcast_in_dim3A_119 : vector<1x512xf32> to vector<512x512xf32>
      %add3A_418 = arith.addf %dot_general3A_417, %add3A : vector<512x512xf32>
      %slice3A_419 = vector.extract_strided_slice %add3A_418 {offsets = [0, 0], sizes = [512, 128], strides = [1, 1]} : vector<512x512xf32> to vector<512x128xf32>
      %tanh3A = math.tanh %slice3A_419 : vector<512x128xf32>
      %mul3A = arith.constant 5.000000e-01 : f32
      %mul3A_420 = vector.broadcast %mul3A : f32 to vector<512x128xf32>
      %mul3A_421 = arith.mulf %mul3A_420, %tanh3A : vector<512x128xf32>
      %add3A_422 = arith.constant 5.000000e-01 : f32
      %add3A_423 = vector.broadcast %add3A_422 : f32 to vector<512x128xf32>
      %add3A_424 = arith.addf %mul3A_421, %add3A_423 : vector<512x128xf32>
      %slice3A_425 = vector.extract_strided_slice %add3A_418 {offsets = [0, 128], sizes = [512, 128], strides = [1, 1]} : vector<512x512xf32> to vector<512x128xf32>
      %tanh3A_426 = math.tanh %slice3A_425 : vector<512x128xf32>
      %mul3A_427 = arith.constant 5.000000e-01 : f32
      %mul3A_428 = vector.broadcast %mul3A_427 : f32 to vector<512x128xf32>
      %mul3A_429 = arith.mulf %mul3A_428, %tanh3A_426 : vector<512x128xf32>
      %add3A_430 = arith.constant 5.000000e-01 : f32
      %add3A_431 = vector.broadcast %add3A_430 : f32 to vector<512x128xf32>
      %add3A_432 = arith.addf %mul3A_429, %add3A_431 : vector<512x128xf32>
      %slice3A_433 = vector.extract_strided_slice %add3A_418 {offsets = [0, 256], sizes = [512, 128], strides = [1, 1]} : vector<512x512xf32> to vector<512x128xf32>
      %tanh3A_434 = math.tanh %slice3A_433 : vector<512x128xf32>
      %slice3A_435 = vector.extract_strided_slice %add3A_418 {offsets = [0, 384], sizes = [512, 128], strides = [1, 1]} : vector<512x512xf32> to vector<512x128xf32>
      %tanh3A_436 = math.tanh %slice3A_435 : vector<512x128xf32>
      %mul3A_437 = arith.constant 5.000000e-01 : f32
      %mul3A_438 = vector.broadcast %mul3A_437 : f32 to vector<512x128xf32>
      %mul3A_439 = arith.mulf %mul3A_438, %tanh3A_436 : vector<512x128xf32>
      %add3A_440 = arith.constant 5.000000e-01 : f32
      %add3A_441 = vector.broadcast %add3A_440 : f32 to vector<512x128xf32>
      %add3A_442 = arith.addf %mul3A_439, %add3A_441 : vector<512x128xf32>
      %mul3A_443 = arith.mulf %add3A_432, %cond3A_318#1 : vector<512x128xf32>
      %mul3A_444 = arith.mulf %add3A_424, %tanh3A_434 : vector<512x128xf32>
      %add3A_445 = arith.addf %mul3A_443, %mul3A_444 : vector<512x128xf32>
      %tanh3A_446 = math.tanh %add3A_445 : vector<512x128xf32>
      %mul3A_447 = arith.mulf %add3A_442, %tanh3A_446 : vector<512x128xf32>
      %select_n3A_448 = arith.select %gt3A_412, %mul3A_447, %cond3A_318#0 : vector<512x128xi1>, vector<512x128xf32>
      %select_n3A_449 = arith.select %gt3A_412, %add3A_445, %cond3A_318#1 : vector<512x128xi1>, vector<512x128xf32>
      %jit3A = arith.constant 0.000000e+00 : f32
      %broadcast_in_dim3A_450 = vector.broadcast %jit3A : f32 to vector<512x128xf32>
      %select_n3A_451 = arith.select %gt3A_412, %mul3A_447, %broadcast_in_dim3A_450 : vector<512x128xi1>, vector<512x128xf32>
      %get3A_452 = arith.constant 11 : index
      %get3A_453 = arith.constant 0 : index
      %get3A_454 = arith.constant 0 : index
      %get3A_455 = vector.load %arg11[%get3A_452, %get3A_453, %get3A_454] : memref<20x512x128xf32, #tpu.memory_space<vmem>>, vector<1x512x128xf32>
      %get3A_456 = vector.shape_cast %get3A_455 : vector<1x512x128xf32> to vector<512x128xf32>
      %concatenate3A_457 = tpu.concatenate %get3A_456, %select_n3A_451 in 1 : vector<512x128xf32>, vector<512x128xf32> -> vector<512x256xf32>
      %convert_element_type3A_458 = arith.truncf %concatenate3A_457 : vector<512x256xf32> to vector<512x256xbf16>
      %get3A_459 = arith.constant 0 : index
      %get3A_460 = arith.constant 0 : index
      %get3A_461 = vector.load %arg7[%get3A_459, %get3A_460] : memref<256x128xbf16, #tpu.memory_space<vmem>>, vector<256x128xbf16>
      %dot_general3A_462 = arith.constant dense<0.000000e+00> : vector<512x128xf32>
      %dot_general3A_463 = tpu.matmul %convert_element_type3A_458, %get3A_461, %dot_general3A_462 {dimension_numbers = #tpu.dot_dimension_numbers<[1], [0], [0], [1], [0, 0, 1, 1], [], []>, transpose_lhs_hint = false} : vector<512x256xbf16>, vector<256x128xbf16>, vector<512x128xf32> -> vector<512x128xf32>
      %tanh3A_464 = math.tanh %dot_general3A_463 : vector<512x128xf32>
      %mul3A_465 = arith.constant 5.000000e-01 : f32
      %mul3A_466 = vector.broadcast %mul3A_465 : f32 to vector<512x128xf32>
      %mul3A_467 = arith.mulf %mul3A_466, %tanh3A_464 : vector<512x128xf32>
      %add3A_468 = arith.constant 5.000000e-01 : f32
      %add3A_469 = vector.broadcast %add3A_468 : f32 to vector<512x128xf32>
      %add3A_470 = arith.addf %mul3A_467, %add3A_469 : vector<512x128xf32>
      %mul3A_471 = arith.mulf %add3A_470, %get3A_456 : vector<512x128xf32>
      %add3A_472 = arith.addf %cond3A_318#2, %mul3A_471 : vector<512x128xf32>
      %mul3A_473 = arith.mulf %add3A_470, %select_n3A_451 : vector<512x128xf32>
      %add3A_474 = arith.addf %cond3A_318#3, %mul3A_473 : vector<512x128xf32>
      scf.yield %select_n3A_448, %select_n3A_449, %add3A_472, %add3A_474 : vector<512x128xf32>, vector<512x128xf32>, vector<512x128xf32>, vector<512x128xf32>
    } else {
      scf.yield %cond3A_318#0, %cond3A_318#1, %cond3A_318#2, %cond3A_318#3 : vector<512x128xf32>, vector<512x128xf32>, vector<512x128xf32>, vector<512x128xf32>
    }
    %gt3A_325 = arith.constant 10 : i32
    %gt3A_326 = arith.cmpi sgt, %get3A_0, %gt3A_325 : i32
    %convert_element_type3A_327 = arith.extui %gt3A_326 : i1 to i32
    %cond3A_328 = arith.constant 0 : i32
    %cond3A_329 = arith.cmpi ne, %convert_element_type3A_327, %cond3A_328 : i32
    %cond3A_330:4 = scf.if %cond3A_329 -> (vector<512x128xf32>, vector<512x128xf32>, vector<512x128xf32>, vector<512x128xf32>) {
      %get3A_405 = arith.constant 10 : index
      %get3A_406 = arith.constant 0 : index
      %get3A_407 = arith.constant 0 : index
      %get3A_408 = vector.load %arg10[%get3A_405, %get3A_406, %get3A_407] : memref<20x512x128xbf16, #tpu.memory_space<vmem>>, vector<1x512x128xbf16>
      %get3A_409 = vector.shape_cast %get3A_408 : vector<1x512x128xbf16> to vector<512x128xbf16>
      %gt3A_410 = arith.constant 10 : i32
      %gt3A_411 = vector.broadcast %gt3A_410 : i32 to vector<512x128xi32>
      %gt3A_412 = arith.cmpi sgt, %select_n3A, %gt3A_411 : vector<512x128xi32>
      %convert_element_type3A_413 = arith.truncf %cond3A_324#0 : vector<512x128xf32> to vector<512x128xbf16>
      %concatenate3A = tpu.concatenate %get3A_409, %convert_element_type3A_413 in 1 : vector<512x128xbf16>, vector<512x128xbf16> -> vector<512x256xbf16>
      %get3A_414 = arith.constant 0 : index
      %get3A_415 = arith.constant 0 : index
      %get3A_416 = vector.load %arg5[%get3A_414, %get3A_415] : memref<256x512xbf16, #tpu.memory_space<vmem>>, vector<256x512xbf16>
      %dot_general3A = arith.constant dense<0.000000e+00> : vector<512x512xf32>
      %dot_general3A_417 = tpu.matmul %concatenate3A, %get3A_416, %dot_general3A {dimension_numbers = #tpu.dot_dimension_numbers<[1], [0], [0], [1], [0, 0, 1, 1], [], []>, transpose_lhs_hint = false} : vector<512x256xbf16>, vector<256x512xbf16>, vector<512x512xf32> -> vector<512x512xf32>
      %add3A = vector.broadcast %broadcast_in_dim3A_119 : vector<1x512xf32> to vector<512x512xf32>
      %add3A_418 = arith.addf %dot_general3A_417, %add3A : vector<512x512xf32>
      %slice3A_419 = vector.extract_strided_slice %add3A_418 {offsets = [0, 0], sizes = [512, 128], strides = [1, 1]} : vector<512x512xf32> to vector<512x128xf32>
      %tanh3A = math.tanh %slice3A_419 : vector<512x128xf32>
      %mul3A = arith.constant 5.000000e-01 : f32
      %mul3A_420 = vector.broadcast %mul3A : f32 to vector<512x128xf32>
      %mul3A_421 = arith.mulf %mul3A_420, %tanh3A : vector<512x128xf32>
      %add3A_422 = arith.constant 5.000000e-01 : f32
      %add3A_423 = vector.broadcast %add3A_422 : f32 to vector<512x128xf32>
      %add3A_424 = arith.addf %mul3A_421, %add3A_423 : vector<512x128xf32>
      %slice3A_425 = vector.extract_strided_slice %add3A_418 {offsets = [0, 128], sizes = [512, 128], strides = [1, 1]} : vector<512x512xf32> to vector<512x128xf32>
      %tanh3A_426 = math.tanh %slice3A_425 : vector<512x128xf32>
      %mul3A_427 = arith.constant 5.000000e-01 : f32
      %mul3A_428 = vector.broadcast %mul3A_427 : f32 to vector<512x128xf32>
      %mul3A_429 = arith.mulf %mul3A_428, %tanh3A_426 : vector<512x128xf32>
      %add3A_430 = arith.constant 5.000000e-01 : f32
      %add3A_431 = vector.broadcast %add3A_430 : f32 to vector<512x128xf32>
      %add3A_432 = arith.addf %mul3A_429, %add3A_431 : vector<512x128xf32>
      %slice3A_433 = vector.extract_strided_slice %add3A_418 {offsets = [0, 256], sizes = [512, 128], strides = [1, 1]} : vector<512x512xf32> to vector<512x128xf32>
      %tanh3A_434 = math.tanh %slice3A_433 : vector<512x128xf32>
      %slice3A_435 = vector.extract_strided_slice %add3A_418 {offsets = [0, 384], sizes = [512, 128], strides = [1, 1]} : vector<512x512xf32> to vector<512x128xf32>
      %tanh3A_436 = math.tanh %slice3A_435 : vector<512x128xf32>
      %mul3A_437 = arith.constant 5.000000e-01 : f32
      %mul3A_438 = vector.broadcast %mul3A_437 : f32 to vector<512x128xf32>
      %mul3A_439 = arith.mulf %mul3A_438, %tanh3A_436 : vector<512x128xf32>
      %add3A_440 = arith.constant 5.000000e-01 : f32
      %add3A_441 = vector.broadcast %add3A_440 : f32 to vector<512x128xf32>
      %add3A_442 = arith.addf %mul3A_439, %add3A_441 : vector<512x128xf32>
      %mul3A_443 = arith.mulf %add3A_432, %cond3A_324#1 : vector<512x128xf32>
      %mul3A_444 = arith.mulf %add3A_424, %tanh3A_434 : vector<512x128xf32>
      %add3A_445 = arith.addf %mul3A_443, %mul3A_444 : vector<512x128xf32>
      %tanh3A_446 = math.tanh %add3A_445 : vector<512x128xf32>
      %mul3A_447 = arith.mulf %add3A_442, %tanh3A_446 : vector<512x128xf32>
      %select_n3A_448 = arith.select %gt3A_412, %mul3A_447, %cond3A_324#0 : vector<512x128xi1>, vector<512x128xf32>
      %select_n3A_449 = arith.select %gt3A_412, %add3A_445, %cond3A_324#1 : vector<512x128xi1>, vector<512x128xf32>
      %jit3A = arith.constant 0.000000e+00 : f32
      %broadcast_in_dim3A_450 = vector.broadcast %jit3A : f32 to vector<512x128xf32>
      %select_n3A_451 = arith.select %gt3A_412, %mul3A_447, %broadcast_in_dim3A_450 : vector<512x128xi1>, vector<512x128xf32>
      %get3A_452 = arith.constant 10 : index
      %get3A_453 = arith.constant 0 : index
      %get3A_454 = arith.constant 0 : index
      %get3A_455 = vector.load %arg11[%get3A_452, %get3A_453, %get3A_454] : memref<20x512x128xf32, #tpu.memory_space<vmem>>, vector<1x512x128xf32>
      %get3A_456 = vector.shape_cast %get3A_455 : vector<1x512x128xf32> to vector<512x128xf32>
      %concatenate3A_457 = tpu.concatenate %get3A_456, %select_n3A_451 in 1 : vector<512x128xf32>, vector<512x128xf32> -> vector<512x256xf32>
      %convert_element_type3A_458 = arith.truncf %concatenate3A_457 : vector<512x256xf32> to vector<512x256xbf16>
      %get3A_459 = arith.constant 0 : index
      %get3A_460 = arith.constant 0 : index
      %get3A_461 = vector.load %arg7[%get3A_459, %get3A_460] : memref<256x128xbf16, #tpu.memory_space<vmem>>, vector<256x128xbf16>
      %dot_general3A_462 = arith.constant dense<0.000000e+00> : vector<512x128xf32>
      %dot_general3A_463 = tpu.matmul %convert_element_type3A_458, %get3A_461, %dot_general3A_462 {dimension_numbers = #tpu.dot_dimension_numbers<[1], [0], [0], [1], [0, 0, 1, 1], [], []>, transpose_lhs_hint = false} : vector<512x256xbf16>, vector<256x128xbf16>, vector<512x128xf32> -> vector<512x128xf32>
      %tanh3A_464 = math.tanh %dot_general3A_463 : vector<512x128xf32>
      %mul3A_465 = arith.constant 5.000000e-01 : f32
      %mul3A_466 = vector.broadcast %mul3A_465 : f32 to vector<512x128xf32>
      %mul3A_467 = arith.mulf %mul3A_466, %tanh3A_464 : vector<512x128xf32>
      %add3A_468 = arith.constant 5.000000e-01 : f32
      %add3A_469 = vector.broadcast %add3A_468 : f32 to vector<512x128xf32>
      %add3A_470 = arith.addf %mul3A_467, %add3A_469 : vector<512x128xf32>
      %mul3A_471 = arith.mulf %add3A_470, %get3A_456 : vector<512x128xf32>
      %add3A_472 = arith.addf %cond3A_324#2, %mul3A_471 : vector<512x128xf32>
      %mul3A_473 = arith.mulf %add3A_470, %select_n3A_451 : vector<512x128xf32>
      %add3A_474 = arith.addf %cond3A_324#3, %mul3A_473 : vector<512x128xf32>
      scf.yield %select_n3A_448, %select_n3A_449, %add3A_472, %add3A_474 : vector<512x128xf32>, vector<512x128xf32>, vector<512x128xf32>, vector<512x128xf32>
    } else {
      scf.yield %cond3A_324#0, %cond3A_324#1, %cond3A_324#2, %cond3A_324#3 : vector<512x128xf32>, vector<512x128xf32>, vector<512x128xf32>, vector<512x128xf32>
    }
    %gt3A_331 = arith.constant 9 : i32
    %gt3A_332 = arith.cmpi sgt, %get3A_0, %gt3A_331 : i32
    %convert_element_type3A_333 = arith.extui %gt3A_332 : i1 to i32
    %cond3A_334 = arith.constant 0 : i32
    %cond3A_335 = arith.cmpi ne, %convert_element_type3A_333, %cond3A_334 : i32
    %cond3A_336:4 = scf.if %cond3A_335 -> (vector<512x128xf32>, vector<512x128xf32>, vector<512x128xf32>, vector<512x128xf32>) {
      %get3A_405 = arith.constant 9 : index
      %get3A_406 = arith.constant 0 : index
      %get3A_407 = arith.constant 0 : index
      %get3A_408 = vector.load %arg10[%get3A_405, %get3A_406, %get3A_407] : memref<20x512x128xbf16, #tpu.memory_space<vmem>>, vector<1x512x128xbf16>
      %get3A_409 = vector.shape_cast %get3A_408 : vector<1x512x128xbf16> to vector<512x128xbf16>
      %gt3A_410 = arith.constant 9 : i32
      %gt3A_411 = vector.broadcast %gt3A_410 : i32 to vector<512x128xi32>
      %gt3A_412 = arith.cmpi sgt, %select_n3A, %gt3A_411 : vector<512x128xi32>
      %convert_element_type3A_413 = arith.truncf %cond3A_330#0 : vector<512x128xf32> to vector<512x128xbf16>
      %concatenate3A = tpu.concatenate %get3A_409, %convert_element_type3A_413 in 1 : vector<512x128xbf16>, vector<512x128xbf16> -> vector<512x256xbf16>
      %get3A_414 = arith.constant 0 : index
      %get3A_415 = arith.constant 0 : index
      %get3A_416 = vector.load %arg5[%get3A_414, %get3A_415] : memref<256x512xbf16, #tpu.memory_space<vmem>>, vector<256x512xbf16>
      %dot_general3A = arith.constant dense<0.000000e+00> : vector<512x512xf32>
      %dot_general3A_417 = tpu.matmul %concatenate3A, %get3A_416, %dot_general3A {dimension_numbers = #tpu.dot_dimension_numbers<[1], [0], [0], [1], [0, 0, 1, 1], [], []>, transpose_lhs_hint = false} : vector<512x256xbf16>, vector<256x512xbf16>, vector<512x512xf32> -> vector<512x512xf32>
      %add3A = vector.broadcast %broadcast_in_dim3A_119 : vector<1x512xf32> to vector<512x512xf32>
      %add3A_418 = arith.addf %dot_general3A_417, %add3A : vector<512x512xf32>
      %slice3A_419 = vector.extract_strided_slice %add3A_418 {offsets = [0, 0], sizes = [512, 128], strides = [1, 1]} : vector<512x512xf32> to vector<512x128xf32>
      %tanh3A = math.tanh %slice3A_419 : vector<512x128xf32>
      %mul3A = arith.constant 5.000000e-01 : f32
      %mul3A_420 = vector.broadcast %mul3A : f32 to vector<512x128xf32>
      %mul3A_421 = arith.mulf %mul3A_420, %tanh3A : vector<512x128xf32>
      %add3A_422 = arith.constant 5.000000e-01 : f32
      %add3A_423 = vector.broadcast %add3A_422 : f32 to vector<512x128xf32>
      %add3A_424 = arith.addf %mul3A_421, %add3A_423 : vector<512x128xf32>
      %slice3A_425 = vector.extract_strided_slice %add3A_418 {offsets = [0, 128], sizes = [512, 128], strides = [1, 1]} : vector<512x512xf32> to vector<512x128xf32>
      %tanh3A_426 = math.tanh %slice3A_425 : vector<512x128xf32>
      %mul3A_427 = arith.constant 5.000000e-01 : f32
      %mul3A_428 = vector.broadcast %mul3A_427 : f32 to vector<512x128xf32>
      %mul3A_429 = arith.mulf %mul3A_428, %tanh3A_426 : vector<512x128xf32>
      %add3A_430 = arith.constant 5.000000e-01 : f32
      %add3A_431 = vector.broadcast %add3A_430 : f32 to vector<512x128xf32>
      %add3A_432 = arith.addf %mul3A_429, %add3A_431 : vector<512x128xf32>
      %slice3A_433 = vector.extract_strided_slice %add3A_418 {offsets = [0, 256], sizes = [512, 128], strides = [1, 1]} : vector<512x512xf32> to vector<512x128xf32>
      %tanh3A_434 = math.tanh %slice3A_433 : vector<512x128xf32>
      %slice3A_435 = vector.extract_strided_slice %add3A_418 {offsets = [0, 384], sizes = [512, 128], strides = [1, 1]} : vector<512x512xf32> to vector<512x128xf32>
      %tanh3A_436 = math.tanh %slice3A_435 : vector<512x128xf32>
      %mul3A_437 = arith.constant 5.000000e-01 : f32
      %mul3A_438 = vector.broadcast %mul3A_437 : f32 to vector<512x128xf32>
      %mul3A_439 = arith.mulf %mul3A_438, %tanh3A_436 : vector<512x128xf32>
      %add3A_440 = arith.constant 5.000000e-01 : f32
      %add3A_441 = vector.broadcast %add3A_440 : f32 to vector<512x128xf32>
      %add3A_442 = arith.addf %mul3A_439, %add3A_441 : vector<512x128xf32>
      %mul3A_443 = arith.mulf %add3A_432, %cond3A_330#1 : vector<512x128xf32>
      %mul3A_444 = arith.mulf %add3A_424, %tanh3A_434 : vector<512x128xf32>
      %add3A_445 = arith.addf %mul3A_443, %mul3A_444 : vector<512x128xf32>
      %tanh3A_446 = math.tanh %add3A_445 : vector<512x128xf32>
      %mul3A_447 = arith.mulf %add3A_442, %tanh3A_446 : vector<512x128xf32>
      %select_n3A_448 = arith.select %gt3A_412, %mul3A_447, %cond3A_330#0 : vector<512x128xi1>, vector<512x128xf32>
      %select_n3A_449 = arith.select %gt3A_412, %add3A_445, %cond3A_330#1 : vector<512x128xi1>, vector<512x128xf32>
      %jit3A = arith.constant 0.000000e+00 : f32
      %broadcast_in_dim3A_450 = vector.broadcast %jit3A : f32 to vector<512x128xf32>
      %select_n3A_451 = arith.select %gt3A_412, %mul3A_447, %broadcast_in_dim3A_450 : vector<512x128xi1>, vector<512x128xf32>
      %get3A_452 = arith.constant 9 : index
      %get3A_453 = arith.constant 0 : index
      %get3A_454 = arith.constant 0 : index
      %get3A_455 = vector.load %arg11[%get3A_452, %get3A_453, %get3A_454] : memref<20x512x128xf32, #tpu.memory_space<vmem>>, vector<1x512x128xf32>
      %get3A_456 = vector.shape_cast %get3A_455 : vector<1x512x128xf32> to vector<512x128xf32>
      %concatenate3A_457 = tpu.concatenate %get3A_456, %select_n3A_451 in 1 : vector<512x128xf32>, vector<512x128xf32> -> vector<512x256xf32>
      %convert_element_type3A_458 = arith.truncf %concatenate3A_457 : vector<512x256xf32> to vector<512x256xbf16>
      %get3A_459 = arith.constant 0 : index
      %get3A_460 = arith.constant 0 : index
      %get3A_461 = vector.load %arg7[%get3A_459, %get3A_460] : memref<256x128xbf16, #tpu.memory_space<vmem>>, vector<256x128xbf16>
      %dot_general3A_462 = arith.constant dense<0.000000e+00> : vector<512x128xf32>
      %dot_general3A_463 = tpu.matmul %convert_element_type3A_458, %get3A_461, %dot_general3A_462 {dimension_numbers = #tpu.dot_dimension_numbers<[1], [0], [0], [1], [0, 0, 1, 1], [], []>, transpose_lhs_hint = false} : vector<512x256xbf16>, vector<256x128xbf16>, vector<512x128xf32> -> vector<512x128xf32>
      %tanh3A_464 = math.tanh %dot_general3A_463 : vector<512x128xf32>
      %mul3A_465 = arith.constant 5.000000e-01 : f32
      %mul3A_466 = vector.broadcast %mul3A_465 : f32 to vector<512x128xf32>
      %mul3A_467 = arith.mulf %mul3A_466, %tanh3A_464 : vector<512x128xf32>
      %add3A_468 = arith.constant 5.000000e-01 : f32
      %add3A_469 = vector.broadcast %add3A_468 : f32 to vector<512x128xf32>
      %add3A_470 = arith.addf %mul3A_467, %add3A_469 : vector<512x128xf32>
      %mul3A_471 = arith.mulf %add3A_470, %get3A_456 : vector<512x128xf32>
      %add3A_472 = arith.addf %cond3A_330#2, %mul3A_471 : vector<512x128xf32>
      %mul3A_473 = arith.mulf %add3A_470, %select_n3A_451 : vector<512x128xf32>
      %add3A_474 = arith.addf %cond3A_330#3, %mul3A_473 : vector<512x128xf32>
      scf.yield %select_n3A_448, %select_n3A_449, %add3A_472, %add3A_474 : vector<512x128xf32>, vector<512x128xf32>, vector<512x128xf32>, vector<512x128xf32>
    } else {
      scf.yield %cond3A_330#0, %cond3A_330#1, %cond3A_330#2, %cond3A_330#3 : vector<512x128xf32>, vector<512x128xf32>, vector<512x128xf32>, vector<512x128xf32>
    }
    %gt3A_337 = arith.constant 8 : i32
    %gt3A_338 = arith.cmpi sgt, %get3A_0, %gt3A_337 : i32
    %convert_element_type3A_339 = arith.extui %gt3A_338 : i1 to i32
    %cond3A_340 = arith.constant 0 : i32
    %cond3A_341 = arith.cmpi ne, %convert_element_type3A_339, %cond3A_340 : i32
    %cond3A_342:4 = scf.if %cond3A_341 -> (vector<512x128xf32>, vector<512x128xf32>, vector<512x128xf32>, vector<512x128xf32>) {
      %get3A_405 = arith.constant 8 : index
      %get3A_406 = arith.constant 0 : index
      %get3A_407 = arith.constant 0 : index
      %get3A_408 = vector.load %arg10[%get3A_405, %get3A_406, %get3A_407] : memref<20x512x128xbf16, #tpu.memory_space<vmem>>, vector<1x512x128xbf16>
      %get3A_409 = vector.shape_cast %get3A_408 : vector<1x512x128xbf16> to vector<512x128xbf16>
      %gt3A_410 = arith.constant 8 : i32
      %gt3A_411 = vector.broadcast %gt3A_410 : i32 to vector<512x128xi32>
      %gt3A_412 = arith.cmpi sgt, %select_n3A, %gt3A_411 : vector<512x128xi32>
      %convert_element_type3A_413 = arith.truncf %cond3A_336#0 : vector<512x128xf32> to vector<512x128xbf16>
      %concatenate3A = tpu.concatenate %get3A_409, %convert_element_type3A_413 in 1 : vector<512x128xbf16>, vector<512x128xbf16> -> vector<512x256xbf16>
      %get3A_414 = arith.constant 0 : index
      %get3A_415 = arith.constant 0 : index
      %get3A_416 = vector.load %arg5[%get3A_414, %get3A_415] : memref<256x512xbf16, #tpu.memory_space<vmem>>, vector<256x512xbf16>
      %dot_general3A = arith.constant dense<0.000000e+00> : vector<512x512xf32>
      %dot_general3A_417 = tpu.matmul %concatenate3A, %get3A_416, %dot_general3A {dimension_numbers = #tpu.dot_dimension_numbers<[1], [0], [0], [1], [0, 0, 1, 1], [], []>, transpose_lhs_hint = false} : vector<512x256xbf16>, vector<256x512xbf16>, vector<512x512xf32> -> vector<512x512xf32>
      %add3A = vector.broadcast %broadcast_in_dim3A_119 : vector<1x512xf32> to vector<512x512xf32>
      %add3A_418 = arith.addf %dot_general3A_417, %add3A : vector<512x512xf32>
      %slice3A_419 = vector.extract_strided_slice %add3A_418 {offsets = [0, 0], sizes = [512, 128], strides = [1, 1]} : vector<512x512xf32> to vector<512x128xf32>
      %tanh3A = math.tanh %slice3A_419 : vector<512x128xf32>
      %mul3A = arith.constant 5.000000e-01 : f32
      %mul3A_420 = vector.broadcast %mul3A : f32 to vector<512x128xf32>
      %mul3A_421 = arith.mulf %mul3A_420, %tanh3A : vector<512x128xf32>
      %add3A_422 = arith.constant 5.000000e-01 : f32
      %add3A_423 = vector.broadcast %add3A_422 : f32 to vector<512x128xf32>
      %add3A_424 = arith.addf %mul3A_421, %add3A_423 : vector<512x128xf32>
      %slice3A_425 = vector.extract_strided_slice %add3A_418 {offsets = [0, 128], sizes = [512, 128], strides = [1, 1]} : vector<512x512xf32> to vector<512x128xf32>
      %tanh3A_426 = math.tanh %slice3A_425 : vector<512x128xf32>
      %mul3A_427 = arith.constant 5.000000e-01 : f32
      %mul3A_428 = vector.broadcast %mul3A_427 : f32 to vector<512x128xf32>
      %mul3A_429 = arith.mulf %mul3A_428, %tanh3A_426 : vector<512x128xf32>
      %add3A_430 = arith.constant 5.000000e-01 : f32
      %add3A_431 = vector.broadcast %add3A_430 : f32 to vector<512x128xf32>
      %add3A_432 = arith.addf %mul3A_429, %add3A_431 : vector<512x128xf32>
      %slice3A_433 = vector.extract_strided_slice %add3A_418 {offsets = [0, 256], sizes = [512, 128], strides = [1, 1]} : vector<512x512xf32> to vector<512x128xf32>
      %tanh3A_434 = math.tanh %slice3A_433 : vector<512x128xf32>
      %slice3A_435 = vector.extract_strided_slice %add3A_418 {offsets = [0, 384], sizes = [512, 128], strides = [1, 1]} : vector<512x512xf32> to vector<512x128xf32>
      %tanh3A_436 = math.tanh %slice3A_435 : vector<512x128xf32>
      %mul3A_437 = arith.constant 5.000000e-01 : f32
      %mul3A_438 = vector.broadcast %mul3A_437 : f32 to vector<512x128xf32>
      %mul3A_439 = arith.mulf %mul3A_438, %tanh3A_436 : vector<512x128xf32>
      %add3A_440 = arith.constant 5.000000e-01 : f32
      %add3A_441 = vector.broadcast %add3A_440 : f32 to vector<512x128xf32>
      %add3A_442 = arith.addf %mul3A_439, %add3A_441 : vector<512x128xf32>
      %mul3A_443 = arith.mulf %add3A_432, %cond3A_336#1 : vector<512x128xf32>
      %mul3A_444 = arith.mulf %add3A_424, %tanh3A_434 : vector<512x128xf32>
      %add3A_445 = arith.addf %mul3A_443, %mul3A_444 : vector<512x128xf32>
      %tanh3A_446 = math.tanh %add3A_445 : vector<512x128xf32>
      %mul3A_447 = arith.mulf %add3A_442, %tanh3A_446 : vector<512x128xf32>
      %select_n3A_448 = arith.select %gt3A_412, %mul3A_447, %cond3A_336#0 : vector<512x128xi1>, vector<512x128xf32>
      %select_n3A_449 = arith.select %gt3A_412, %add3A_445, %cond3A_336#1 : vector<512x128xi1>, vector<512x128xf32>
      %jit3A = arith.constant 0.000000e+00 : f32
      %broadcast_in_dim3A_450 = vector.broadcast %jit3A : f32 to vector<512x128xf32>
      %select_n3A_451 = arith.select %gt3A_412, %mul3A_447, %broadcast_in_dim3A_450 : vector<512x128xi1>, vector<512x128xf32>
      %get3A_452 = arith.constant 8 : index
      %get3A_453 = arith.constant 0 : index
      %get3A_454 = arith.constant 0 : index
      %get3A_455 = vector.load %arg11[%get3A_452, %get3A_453, %get3A_454] : memref<20x512x128xf32, #tpu.memory_space<vmem>>, vector<1x512x128xf32>
      %get3A_456 = vector.shape_cast %get3A_455 : vector<1x512x128xf32> to vector<512x128xf32>
      %concatenate3A_457 = tpu.concatenate %get3A_456, %select_n3A_451 in 1 : vector<512x128xf32>, vector<512x128xf32> -> vector<512x256xf32>
      %convert_element_type3A_458 = arith.truncf %concatenate3A_457 : vector<512x256xf32> to vector<512x256xbf16>
      %get3A_459 = arith.constant 0 : index
      %get3A_460 = arith.constant 0 : index
      %get3A_461 = vector.load %arg7[%get3A_459, %get3A_460] : memref<256x128xbf16, #tpu.memory_space<vmem>>, vector<256x128xbf16>
      %dot_general3A_462 = arith.constant dense<0.000000e+00> : vector<512x128xf32>
      %dot_general3A_463 = tpu.matmul %convert_element_type3A_458, %get3A_461, %dot_general3A_462 {dimension_numbers = #tpu.dot_dimension_numbers<[1], [0], [0], [1], [0, 0, 1, 1], [], []>, transpose_lhs_hint = false} : vector<512x256xbf16>, vector<256x128xbf16>, vector<512x128xf32> -> vector<512x128xf32>
      %tanh3A_464 = math.tanh %dot_general3A_463 : vector<512x128xf32>
      %mul3A_465 = arith.constant 5.000000e-01 : f32
      %mul3A_466 = vector.broadcast %mul3A_465 : f32 to vector<512x128xf32>
      %mul3A_467 = arith.mulf %mul3A_466, %tanh3A_464 : vector<512x128xf32>
      %add3A_468 = arith.constant 5.000000e-01 : f32
      %add3A_469 = vector.broadcast %add3A_468 : f32 to vector<512x128xf32>
      %add3A_470 = arith.addf %mul3A_467, %add3A_469 : vector<512x128xf32>
      %mul3A_471 = arith.mulf %add3A_470, %get3A_456 : vector<512x128xf32>
      %add3A_472 = arith.addf %cond3A_336#2, %mul3A_471 : vector<512x128xf32>
      %mul3A_473 = arith.mulf %add3A_470, %select_n3A_451 : vector<512x128xf32>
      %add3A_474 = arith.addf %cond3A_336#3, %mul3A_473 : vector<512x128xf32>
      scf.yield %select_n3A_448, %select_n3A_449, %add3A_472, %add3A_474 : vector<512x128xf32>, vector<512x128xf32>, vector<512x128xf32>, vector<512x128xf32>
    } else {
      scf.yield %cond3A_336#0, %cond3A_336#1, %cond3A_336#2, %cond3A_336#3 : vector<512x128xf32>, vector<512x128xf32>, vector<512x128xf32>, vector<512x128xf32>
    }
    %gt3A_343 = arith.constant 7 : i32
    %gt3A_344 = arith.cmpi sgt, %get3A_0, %gt3A_343 : i32
    %convert_element_type3A_345 = arith.extui %gt3A_344 : i1 to i32
    %cond3A_346 = arith.constant 0 : i32
    %cond3A_347 = arith.cmpi ne, %convert_element_type3A_345, %cond3A_346 : i32
    %cond3A_348:4 = scf.if %cond3A_347 -> (vector<512x128xf32>, vector<512x128xf32>, vector<512x128xf32>, vector<512x128xf32>) {
      %get3A_405 = arith.constant 7 : index
      %get3A_406 = arith.constant 0 : index
      %get3A_407 = arith.constant 0 : index
      %get3A_408 = vector.load %arg10[%get3A_405, %get3A_406, %get3A_407] : memref<20x512x128xbf16, #tpu.memory_space<vmem>>, vector<1x512x128xbf16>
      %get3A_409 = vector.shape_cast %get3A_408 : vector<1x512x128xbf16> to vector<512x128xbf16>
      %gt3A_410 = arith.constant 7 : i32
      %gt3A_411 = vector.broadcast %gt3A_410 : i32 to vector<512x128xi32>
      %gt3A_412 = arith.cmpi sgt, %select_n3A, %gt3A_411 : vector<512x128xi32>
      %convert_element_type3A_413 = arith.truncf %cond3A_342#0 : vector<512x128xf32> to vector<512x128xbf16>
      %concatenate3A = tpu.concatenate %get3A_409, %convert_element_type3A_413 in 1 : vector<512x128xbf16>, vector<512x128xbf16> -> vector<512x256xbf16>
      %get3A_414 = arith.constant 0 : index
      %get3A_415 = arith.constant 0 : index
      %get3A_416 = vector.load %arg5[%get3A_414, %get3A_415] : memref<256x512xbf16, #tpu.memory_space<vmem>>, vector<256x512xbf16>
      %dot_general3A = arith.constant dense<0.000000e+00> : vector<512x512xf32>
      %dot_general3A_417 = tpu.matmul %concatenate3A, %get3A_416, %dot_general3A {dimension_numbers = #tpu.dot_dimension_numbers<[1], [0], [0], [1], [0, 0, 1, 1], [], []>, transpose_lhs_hint = false} : vector<512x256xbf16>, vector<256x512xbf16>, vector<512x512xf32> -> vector<512x512xf32>
      %add3A = vector.broadcast %broadcast_in_dim3A_119 : vector<1x512xf32> to vector<512x512xf32>
      %add3A_418 = arith.addf %dot_general3A_417, %add3A : vector<512x512xf32>
      %slice3A_419 = vector.extract_strided_slice %add3A_418 {offsets = [0, 0], sizes = [512, 128], strides = [1, 1]} : vector<512x512xf32> to vector<512x128xf32>
      %tanh3A = math.tanh %slice3A_419 : vector<512x128xf32>
      %mul3A = arith.constant 5.000000e-01 : f32
      %mul3A_420 = vector.broadcast %mul3A : f32 to vector<512x128xf32>
      %mul3A_421 = arith.mulf %mul3A_420, %tanh3A : vector<512x128xf32>
      %add3A_422 = arith.constant 5.000000e-01 : f32
      %add3A_423 = vector.broadcast %add3A_422 : f32 to vector<512x128xf32>
      %add3A_424 = arith.addf %mul3A_421, %add3A_423 : vector<512x128xf32>
      %slice3A_425 = vector.extract_strided_slice %add3A_418 {offsets = [0, 128], sizes = [512, 128], strides = [1, 1]} : vector<512x512xf32> to vector<512x128xf32>
      %tanh3A_426 = math.tanh %slice3A_425 : vector<512x128xf32>
      %mul3A_427 = arith.constant 5.000000e-01 : f32
      %mul3A_428 = vector.broadcast %mul3A_427 : f32 to vector<512x128xf32>
      %mul3A_429 = arith.mulf %mul3A_428, %tanh3A_426 : vector<512x128xf32>
      %add3A_430 = arith.constant 5.000000e-01 : f32
      %add3A_431 = vector.broadcast %add3A_430 : f32 to vector<512x128xf32>
      %add3A_432 = arith.addf %mul3A_429, %add3A_431 : vector<512x128xf32>
      %slice3A_433 = vector.extract_strided_slice %add3A_418 {offsets = [0, 256], sizes = [512, 128], strides = [1, 1]} : vector<512x512xf32> to vector<512x128xf32>
      %tanh3A_434 = math.tanh %slice3A_433 : vector<512x128xf32>
      %slice3A_435 = vector.extract_strided_slice %add3A_418 {offsets = [0, 384], sizes = [512, 128], strides = [1, 1]} : vector<512x512xf32> to vector<512x128xf32>
      %tanh3A_436 = math.tanh %slice3A_435 : vector<512x128xf32>
      %mul3A_437 = arith.constant 5.000000e-01 : f32
      %mul3A_438 = vector.broadcast %mul3A_437 : f32 to vector<512x128xf32>
      %mul3A_439 = arith.mulf %mul3A_438, %tanh3A_436 : vector<512x128xf32>
      %add3A_440 = arith.constant 5.000000e-01 : f32
      %add3A_441 = vector.broadcast %add3A_440 : f32 to vector<512x128xf32>
      %add3A_442 = arith.addf %mul3A_439, %add3A_441 : vector<512x128xf32>
      %mul3A_443 = arith.mulf %add3A_432, %cond3A_342#1 : vector<512x128xf32>
      %mul3A_444 = arith.mulf %add3A_424, %tanh3A_434 : vector<512x128xf32>
      %add3A_445 = arith.addf %mul3A_443, %mul3A_444 : vector<512x128xf32>
      %tanh3A_446 = math.tanh %add3A_445 : vector<512x128xf32>
      %mul3A_447 = arith.mulf %add3A_442, %tanh3A_446 : vector<512x128xf32>
      %select_n3A_448 = arith.select %gt3A_412, %mul3A_447, %cond3A_342#0 : vector<512x128xi1>, vector<512x128xf32>
      %select_n3A_449 = arith.select %gt3A_412, %add3A_445, %cond3A_342#1 : vector<512x128xi1>, vector<512x128xf32>
      %jit3A = arith.constant 0.000000e+00 : f32
      %broadcast_in_dim3A_450 = vector.broadcast %jit3A : f32 to vector<512x128xf32>
      %select_n3A_451 = arith.select %gt3A_412, %mul3A_447, %broadcast_in_dim3A_450 : vector<512x128xi1>, vector<512x128xf32>
      %get3A_452 = arith.constant 7 : index
      %get3A_453 = arith.constant 0 : index
      %get3A_454 = arith.constant 0 : index
      %get3A_455 = vector.load %arg11[%get3A_452, %get3A_453, %get3A_454] : memref<20x512x128xf32, #tpu.memory_space<vmem>>, vector<1x512x128xf32>
      %get3A_456 = vector.shape_cast %get3A_455 : vector<1x512x128xf32> to vector<512x128xf32>
      %concatenate3A_457 = tpu.concatenate %get3A_456, %select_n3A_451 in 1 : vector<512x128xf32>, vector<512x128xf32> -> vector<512x256xf32>
      %convert_element_type3A_458 = arith.truncf %concatenate3A_457 : vector<512x256xf32> to vector<512x256xbf16>
      %get3A_459 = arith.constant 0 : index
      %get3A_460 = arith.constant 0 : index
      %get3A_461 = vector.load %arg7[%get3A_459, %get3A_460] : memref<256x128xbf16, #tpu.memory_space<vmem>>, vector<256x128xbf16>
      %dot_general3A_462 = arith.constant dense<0.000000e+00> : vector<512x128xf32>
      %dot_general3A_463 = tpu.matmul %convert_element_type3A_458, %get3A_461, %dot_general3A_462 {dimension_numbers = #tpu.dot_dimension_numbers<[1], [0], [0], [1], [0, 0, 1, 1], [], []>, transpose_lhs_hint = false} : vector<512x256xbf16>, vector<256x128xbf16>, vector<512x128xf32> -> vector<512x128xf32>
      %tanh3A_464 = math.tanh %dot_general3A_463 : vector<512x128xf32>
      %mul3A_465 = arith.constant 5.000000e-01 : f32
      %mul3A_466 = vector.broadcast %mul3A_465 : f32 to vector<512x128xf32>
      %mul3A_467 = arith.mulf %mul3A_466, %tanh3A_464 : vector<512x128xf32>
      %add3A_468 = arith.constant 5.000000e-01 : f32
      %add3A_469 = vector.broadcast %add3A_468 : f32 to vector<512x128xf32>
      %add3A_470 = arith.addf %mul3A_467, %add3A_469 : vector<512x128xf32>
      %mul3A_471 = arith.mulf %add3A_470, %get3A_456 : vector<512x128xf32>
      %add3A_472 = arith.addf %cond3A_342#2, %mul3A_471 : vector<512x128xf32>
      %mul3A_473 = arith.mulf %add3A_470, %select_n3A_451 : vector<512x128xf32>
      %add3A_474 = arith.addf %cond3A_342#3, %mul3A_473 : vector<512x128xf32>
      scf.yield %select_n3A_448, %select_n3A_449, %add3A_472, %add3A_474 : vector<512x128xf32>, vector<512x128xf32>, vector<512x128xf32>, vector<512x128xf32>
    } else {
      scf.yield %cond3A_342#0, %cond3A_342#1, %cond3A_342#2, %cond3A_342#3 : vector<512x128xf32>, vector<512x128xf32>, vector<512x128xf32>, vector<512x128xf32>
    }
    %gt3A_349 = arith.constant 6 : i32
    %gt3A_350 = arith.cmpi sgt, %get3A_0, %gt3A_349 : i32
    %convert_element_type3A_351 = arith.extui %gt3A_350 : i1 to i32
    %cond3A_352 = arith.constant 0 : i32
    %cond3A_353 = arith.cmpi ne, %convert_element_type3A_351, %cond3A_352 : i32
    %cond3A_354:4 = scf.if %cond3A_353 -> (vector<512x128xf32>, vector<512x128xf32>, vector<512x128xf32>, vector<512x128xf32>) {
      %get3A_405 = arith.constant 6 : index
      %get3A_406 = arith.constant 0 : index
      %get3A_407 = arith.constant 0 : index
      %get3A_408 = vector.load %arg10[%get3A_405, %get3A_406, %get3A_407] : memref<20x512x128xbf16, #tpu.memory_space<vmem>>, vector<1x512x128xbf16>
      %get3A_409 = vector.shape_cast %get3A_408 : vector<1x512x128xbf16> to vector<512x128xbf16>
      %gt3A_410 = arith.constant 6 : i32
      %gt3A_411 = vector.broadcast %gt3A_410 : i32 to vector<512x128xi32>
      %gt3A_412 = arith.cmpi sgt, %select_n3A, %gt3A_411 : vector<512x128xi32>
      %convert_element_type3A_413 = arith.truncf %cond3A_348#0 : vector<512x128xf32> to vector<512x128xbf16>
      %concatenate3A = tpu.concatenate %get3A_409, %convert_element_type3A_413 in 1 : vector<512x128xbf16>, vector<512x128xbf16> -> vector<512x256xbf16>
      %get3A_414 = arith.constant 0 : index
      %get3A_415 = arith.constant 0 : index
      %get3A_416 = vector.load %arg5[%get3A_414, %get3A_415] : memref<256x512xbf16, #tpu.memory_space<vmem>>, vector<256x512xbf16>
      %dot_general3A = arith.constant dense<0.000000e+00> : vector<512x512xf32>
      %dot_general3A_417 = tpu.matmul %concatenate3A, %get3A_416, %dot_general3A {dimension_numbers = #tpu.dot_dimension_numbers<[1], [0], [0], [1], [0, 0, 1, 1], [], []>, transpose_lhs_hint = false} : vector<512x256xbf16>, vector<256x512xbf16>, vector<512x512xf32> -> vector<512x512xf32>
      %add3A = vector.broadcast %broadcast_in_dim3A_119 : vector<1x512xf32> to vector<512x512xf32>
      %add3A_418 = arith.addf %dot_general3A_417, %add3A : vector<512x512xf32>
      %slice3A_419 = vector.extract_strided_slice %add3A_418 {offsets = [0, 0], sizes = [512, 128], strides = [1, 1]} : vector<512x512xf32> to vector<512x128xf32>
      %tanh3A = math.tanh %slice3A_419 : vector<512x128xf32>
      %mul3A = arith.constant 5.000000e-01 : f32
      %mul3A_420 = vector.broadcast %mul3A : f32 to vector<512x128xf32>
      %mul3A_421 = arith.mulf %mul3A_420, %tanh3A : vector<512x128xf32>
      %add3A_422 = arith.constant 5.000000e-01 : f32
      %add3A_423 = vector.broadcast %add3A_422 : f32 to vector<512x128xf32>
      %add3A_424 = arith.addf %mul3A_421, %add3A_423 : vector<512x128xf32>
      %slice3A_425 = vector.extract_strided_slice %add3A_418 {offsets = [0, 128], sizes = [512, 128], strides = [1, 1]} : vector<512x512xf32> to vector<512x128xf32>
      %tanh3A_426 = math.tanh %slice3A_425 : vector<512x128xf32>
      %mul3A_427 = arith.constant 5.000000e-01 : f32
      %mul3A_428 = vector.broadcast %mul3A_427 : f32 to vector<512x128xf32>
      %mul3A_429 = arith.mulf %mul3A_428, %tanh3A_426 : vector<512x128xf32>
      %add3A_430 = arith.constant 5.000000e-01 : f32
      %add3A_431 = vector.broadcast %add3A_430 : f32 to vector<512x128xf32>
      %add3A_432 = arith.addf %mul3A_429, %add3A_431 : vector<512x128xf32>
      %slice3A_433 = vector.extract_strided_slice %add3A_418 {offsets = [0, 256], sizes = [512, 128], strides = [1, 1]} : vector<512x512xf32> to vector<512x128xf32>
      %tanh3A_434 = math.tanh %slice3A_433 : vector<512x128xf32>
      %slice3A_435 = vector.extract_strided_slice %add3A_418 {offsets = [0, 384], sizes = [512, 128], strides = [1, 1]} : vector<512x512xf32> to vector<512x128xf32>
      %tanh3A_436 = math.tanh %slice3A_435 : vector<512x128xf32>
      %mul3A_437 = arith.constant 5.000000e-01 : f32
      %mul3A_438 = vector.broadcast %mul3A_437 : f32 to vector<512x128xf32>
      %mul3A_439 = arith.mulf %mul3A_438, %tanh3A_436 : vector<512x128xf32>
      %add3A_440 = arith.constant 5.000000e-01 : f32
      %add3A_441 = vector.broadcast %add3A_440 : f32 to vector<512x128xf32>
      %add3A_442 = arith.addf %mul3A_439, %add3A_441 : vector<512x128xf32>
      %mul3A_443 = arith.mulf %add3A_432, %cond3A_348#1 : vector<512x128xf32>
      %mul3A_444 = arith.mulf %add3A_424, %tanh3A_434 : vector<512x128xf32>
      %add3A_445 = arith.addf %mul3A_443, %mul3A_444 : vector<512x128xf32>
      %tanh3A_446 = math.tanh %add3A_445 : vector<512x128xf32>
      %mul3A_447 = arith.mulf %add3A_442, %tanh3A_446 : vector<512x128xf32>
      %select_n3A_448 = arith.select %gt3A_412, %mul3A_447, %cond3A_348#0 : vector<512x128xi1>, vector<512x128xf32>
      %select_n3A_449 = arith.select %gt3A_412, %add3A_445, %cond3A_348#1 : vector<512x128xi1>, vector<512x128xf32>
      %jit3A = arith.constant 0.000000e+00 : f32
      %broadcast_in_dim3A_450 = vector.broadcast %jit3A : f32 to vector<512x128xf32>
      %select_n3A_451 = arith.select %gt3A_412, %mul3A_447, %broadcast_in_dim3A_450 : vector<512x128xi1>, vector<512x128xf32>
      %get3A_452 = arith.constant 6 : index
      %get3A_453 = arith.constant 0 : index
      %get3A_454 = arith.constant 0 : index
      %get3A_455 = vector.load %arg11[%get3A_452, %get3A_453, %get3A_454] : memref<20x512x128xf32, #tpu.memory_space<vmem>>, vector<1x512x128xf32>
      %get3A_456 = vector.shape_cast %get3A_455 : vector<1x512x128xf32> to vector<512x128xf32>
      %concatenate3A_457 = tpu.concatenate %get3A_456, %select_n3A_451 in 1 : vector<512x128xf32>, vector<512x128xf32> -> vector<512x256xf32>
      %convert_element_type3A_458 = arith.truncf %concatenate3A_457 : vector<512x256xf32> to vector<512x256xbf16>
      %get3A_459 = arith.constant 0 : index
      %get3A_460 = arith.constant 0 : index
      %get3A_461 = vector.load %arg7[%get3A_459, %get3A_460] : memref<256x128xbf16, #tpu.memory_space<vmem>>, vector<256x128xbf16>
      %dot_general3A_462 = arith.constant dense<0.000000e+00> : vector<512x128xf32>
      %dot_general3A_463 = tpu.matmul %convert_element_type3A_458, %get3A_461, %dot_general3A_462 {dimension_numbers = #tpu.dot_dimension_numbers<[1], [0], [0], [1], [0, 0, 1, 1], [], []>, transpose_lhs_hint = false} : vector<512x256xbf16>, vector<256x128xbf16>, vector<512x128xf32> -> vector<512x128xf32>
      %tanh3A_464 = math.tanh %dot_general3A_463 : vector<512x128xf32>
      %mul3A_465 = arith.constant 5.000000e-01 : f32
      %mul3A_466 = vector.broadcast %mul3A_465 : f32 to vector<512x128xf32>
      %mul3A_467 = arith.mulf %mul3A_466, %tanh3A_464 : vector<512x128xf32>
      %add3A_468 = arith.constant 5.000000e-01 : f32
      %add3A_469 = vector.broadcast %add3A_468 : f32 to vector<512x128xf32>
      %add3A_470 = arith.addf %mul3A_467, %add3A_469 : vector<512x128xf32>
      %mul3A_471 = arith.mulf %add3A_470, %get3A_456 : vector<512x128xf32>
      %add3A_472 = arith.addf %cond3A_348#2, %mul3A_471 : vector<512x128xf32>
      %mul3A_473 = arith.mulf %add3A_470, %select_n3A_451 : vector<512x128xf32>
      %add3A_474 = arith.addf %cond3A_348#3, %mul3A_473 : vector<512x128xf32>
      scf.yield %select_n3A_448, %select_n3A_449, %add3A_472, %add3A_474 : vector<512x128xf32>, vector<512x128xf32>, vector<512x128xf32>, vector<512x128xf32>
    } else {
      scf.yield %cond3A_348#0, %cond3A_348#1, %cond3A_348#2, %cond3A_348#3 : vector<512x128xf32>, vector<512x128xf32>, vector<512x128xf32>, vector<512x128xf32>
    }
    %gt3A_355 = arith.constant 5 : i32
    %gt3A_356 = arith.cmpi sgt, %get3A_0, %gt3A_355 : i32
    %convert_element_type3A_357 = arith.extui %gt3A_356 : i1 to i32
    %cond3A_358 = arith.constant 0 : i32
    %cond3A_359 = arith.cmpi ne, %convert_element_type3A_357, %cond3A_358 : i32
    %cond3A_360:4 = scf.if %cond3A_359 -> (vector<512x128xf32>, vector<512x128xf32>, vector<512x128xf32>, vector<512x128xf32>) {
      %get3A_405 = arith.constant 5 : index
      %get3A_406 = arith.constant 0 : index
      %get3A_407 = arith.constant 0 : index
      %get3A_408 = vector.load %arg10[%get3A_405, %get3A_406, %get3A_407] : memref<20x512x128xbf16, #tpu.memory_space<vmem>>, vector<1x512x128xbf16>
      %get3A_409 = vector.shape_cast %get3A_408 : vector<1x512x128xbf16> to vector<512x128xbf16>
      %gt3A_410 = arith.constant 5 : i32
      %gt3A_411 = vector.broadcast %gt3A_410 : i32 to vector<512x128xi32>
      %gt3A_412 = arith.cmpi sgt, %select_n3A, %gt3A_411 : vector<512x128xi32>
      %convert_element_type3A_413 = arith.truncf %cond3A_354#0 : vector<512x128xf32> to vector<512x128xbf16>
      %concatenate3A = tpu.concatenate %get3A_409, %convert_element_type3A_413 in 1 : vector<512x128xbf16>, vector<512x128xbf16> -> vector<512x256xbf16>
      %get3A_414 = arith.constant 0 : index
      %get3A_415 = arith.constant 0 : index
      %get3A_416 = vector.load %arg5[%get3A_414, %get3A_415] : memref<256x512xbf16, #tpu.memory_space<vmem>>, vector<256x512xbf16>
      %dot_general3A = arith.constant dense<0.000000e+00> : vector<512x512xf32>
      %dot_general3A_417 = tpu.matmul %concatenate3A, %get3A_416, %dot_general3A {dimension_numbers = #tpu.dot_dimension_numbers<[1], [0], [0], [1], [0, 0, 1, 1], [], []>, transpose_lhs_hint = false} : vector<512x256xbf16>, vector<256x512xbf16>, vector<512x512xf32> -> vector<512x512xf32>
      %add3A = vector.broadcast %broadcast_in_dim3A_119 : vector<1x512xf32> to vector<512x512xf32>
      %add3A_418 = arith.addf %dot_general3A_417, %add3A : vector<512x512xf32>
      %slice3A_419 = vector.extract_strided_slice %add3A_418 {offsets = [0, 0], sizes = [512, 128], strides = [1, 1]} : vector<512x512xf32> to vector<512x128xf32>
      %tanh3A = math.tanh %slice3A_419 : vector<512x128xf32>
      %mul3A = arith.constant 5.000000e-01 : f32
      %mul3A_420 = vector.broadcast %mul3A : f32 to vector<512x128xf32>
      %mul3A_421 = arith.mulf %mul3A_420, %tanh3A : vector<512x128xf32>
      %add3A_422 = arith.constant 5.000000e-01 : f32
      %add3A_423 = vector.broadcast %add3A_422 : f32 to vector<512x128xf32>
      %add3A_424 = arith.addf %mul3A_421, %add3A_423 : vector<512x128xf32>
      %slice3A_425 = vector.extract_strided_slice %add3A_418 {offsets = [0, 128], sizes = [512, 128], strides = [1, 1]} : vector<512x512xf32> to vector<512x128xf32>
      %tanh3A_426 = math.tanh %slice3A_425 : vector<512x128xf32>
      %mul3A_427 = arith.constant 5.000000e-01 : f32
      %mul3A_428 = vector.broadcast %mul3A_427 : f32 to vector<512x128xf32>
      %mul3A_429 = arith.mulf %mul3A_428, %tanh3A_426 : vector<512x128xf32>
      %add3A_430 = arith.constant 5.000000e-01 : f32
      %add3A_431 = vector.broadcast %add3A_430 : f32 to vector<512x128xf32>
      %add3A_432 = arith.addf %mul3A_429, %add3A_431 : vector<512x128xf32>
      %slice3A_433 = vector.extract_strided_slice %add3A_418 {offsets = [0, 256], sizes = [512, 128], strides = [1, 1]} : vector<512x512xf32> to vector<512x128xf32>
      %tanh3A_434 = math.tanh %slice3A_433 : vector<512x128xf32>
      %slice3A_435 = vector.extract_strided_slice %add3A_418 {offsets = [0, 384], sizes = [512, 128], strides = [1, 1]} : vector<512x512xf32> to vector<512x128xf32>
      %tanh3A_436 = math.tanh %slice3A_435 : vector<512x128xf32>
      %mul3A_437 = arith.constant 5.000000e-01 : f32
      %mul3A_438 = vector.broadcast %mul3A_437 : f32 to vector<512x128xf32>
      %mul3A_439 = arith.mulf %mul3A_438, %tanh3A_436 : vector<512x128xf32>
      %add3A_440 = arith.constant 5.000000e-01 : f32
      %add3A_441 = vector.broadcast %add3A_440 : f32 to vector<512x128xf32>
      %add3A_442 = arith.addf %mul3A_439, %add3A_441 : vector<512x128xf32>
      %mul3A_443 = arith.mulf %add3A_432, %cond3A_354#1 : vector<512x128xf32>
      %mul3A_444 = arith.mulf %add3A_424, %tanh3A_434 : vector<512x128xf32>
      %add3A_445 = arith.addf %mul3A_443, %mul3A_444 : vector<512x128xf32>
      %tanh3A_446 = math.tanh %add3A_445 : vector<512x128xf32>
      %mul3A_447 = arith.mulf %add3A_442, %tanh3A_446 : vector<512x128xf32>
      %select_n3A_448 = arith.select %gt3A_412, %mul3A_447, %cond3A_354#0 : vector<512x128xi1>, vector<512x128xf32>
      %select_n3A_449 = arith.select %gt3A_412, %add3A_445, %cond3A_354#1 : vector<512x128xi1>, vector<512x128xf32>
      %jit3A = arith.constant 0.000000e+00 : f32
      %broadcast_in_dim3A_450 = vector.broadcast %jit3A : f32 to vector<512x128xf32>
      %select_n3A_451 = arith.select %gt3A_412, %mul3A_447, %broadcast_in_dim3A_450 : vector<512x128xi1>, vector<512x128xf32>
      %get3A_452 = arith.constant 5 : index
      %get3A_453 = arith.constant 0 : index
      %get3A_454 = arith.constant 0 : index
      %get3A_455 = vector.load %arg11[%get3A_452, %get3A_453, %get3A_454] : memref<20x512x128xf32, #tpu.memory_space<vmem>>, vector<1x512x128xf32>
      %get3A_456 = vector.shape_cast %get3A_455 : vector<1x512x128xf32> to vector<512x128xf32>
      %concatenate3A_457 = tpu.concatenate %get3A_456, %select_n3A_451 in 1 : vector<512x128xf32>, vector<512x128xf32> -> vector<512x256xf32>
      %convert_element_type3A_458 = arith.truncf %concatenate3A_457 : vector<512x256xf32> to vector<512x256xbf16>
      %get3A_459 = arith.constant 0 : index
      %get3A_460 = arith.constant 0 : index
      %get3A_461 = vector.load %arg7[%get3A_459, %get3A_460] : memref<256x128xbf16, #tpu.memory_space<vmem>>, vector<256x128xbf16>
      %dot_general3A_462 = arith.constant dense<0.000000e+00> : vector<512x128xf32>
      %dot_general3A_463 = tpu.matmul %convert_element_type3A_458, %get3A_461, %dot_general3A_462 {dimension_numbers = #tpu.dot_dimension_numbers<[1], [0], [0], [1], [0, 0, 1, 1], [], []>, transpose_lhs_hint = false} : vector<512x256xbf16>, vector<256x128xbf16>, vector<512x128xf32> -> vector<512x128xf32>
      %tanh3A_464 = math.tanh %dot_general3A_463 : vector<512x128xf32>
      %mul3A_465 = arith.constant 5.000000e-01 : f32
      %mul3A_466 = vector.broadcast %mul3A_465 : f32 to vector<512x128xf32>
      %mul3A_467 = arith.mulf %mul3A_466, %tanh3A_464 : vector<512x128xf32>
      %add3A_468 = arith.constant 5.000000e-01 : f32
      %add3A_469 = vector.broadcast %add3A_468 : f32 to vector<512x128xf32>
      %add3A_470 = arith.addf %mul3A_467, %add3A_469 : vector<512x128xf32>
      %mul3A_471 = arith.mulf %add3A_470, %get3A_456 : vector<512x128xf32>
      %add3A_472 = arith.addf %cond3A_354#2, %mul3A_471 : vector<512x128xf32>
      %mul3A_473 = arith.mulf %add3A_470, %select_n3A_451 : vector<512x128xf32>
      %add3A_474 = arith.addf %cond3A_354#3, %mul3A_473 : vector<512x128xf32>
      scf.yield %select_n3A_448, %select_n3A_449, %add3A_472, %add3A_474 : vector<512x128xf32>, vector<512x128xf32>, vector<512x128xf32>, vector<512x128xf32>
    } else {
      scf.yield %cond3A_354#0, %cond3A_354#1, %cond3A_354#2, %cond3A_354#3 : vector<512x128xf32>, vector<512x128xf32>, vector<512x128xf32>, vector<512x128xf32>
    }
    %gt3A_361 = arith.constant 4 : i32
    %gt3A_362 = arith.cmpi sgt, %get3A_0, %gt3A_361 : i32
    %convert_element_type3A_363 = arith.extui %gt3A_362 : i1 to i32
    %cond3A_364 = arith.constant 0 : i32
    %cond3A_365 = arith.cmpi ne, %convert_element_type3A_363, %cond3A_364 : i32
    %cond3A_366:4 = scf.if %cond3A_365 -> (vector<512x128xf32>, vector<512x128xf32>, vector<512x128xf32>, vector<512x128xf32>) {
      %get3A_405 = arith.constant 4 : index
      %get3A_406 = arith.constant 0 : index
      %get3A_407 = arith.constant 0 : index
      %get3A_408 = vector.load %arg10[%get3A_405, %get3A_406, %get3A_407] : memref<20x512x128xbf16, #tpu.memory_space<vmem>>, vector<1x512x128xbf16>
      %get3A_409 = vector.shape_cast %get3A_408 : vector<1x512x128xbf16> to vector<512x128xbf16>
      %gt3A_410 = arith.constant 4 : i32
      %gt3A_411 = vector.broadcast %gt3A_410 : i32 to vector<512x128xi32>
      %gt3A_412 = arith.cmpi sgt, %select_n3A, %gt3A_411 : vector<512x128xi32>
      %convert_element_type3A_413 = arith.truncf %cond3A_360#0 : vector<512x128xf32> to vector<512x128xbf16>
      %concatenate3A = tpu.concatenate %get3A_409, %convert_element_type3A_413 in 1 : vector<512x128xbf16>, vector<512x128xbf16> -> vector<512x256xbf16>
      %get3A_414 = arith.constant 0 : index
      %get3A_415 = arith.constant 0 : index
      %get3A_416 = vector.load %arg5[%get3A_414, %get3A_415] : memref<256x512xbf16, #tpu.memory_space<vmem>>, vector<256x512xbf16>
      %dot_general3A = arith.constant dense<0.000000e+00> : vector<512x512xf32>
      %dot_general3A_417 = tpu.matmul %concatenate3A, %get3A_416, %dot_general3A {dimension_numbers = #tpu.dot_dimension_numbers<[1], [0], [0], [1], [0, 0, 1, 1], [], []>, transpose_lhs_hint = false} : vector<512x256xbf16>, vector<256x512xbf16>, vector<512x512xf32> -> vector<512x512xf32>
      %add3A = vector.broadcast %broadcast_in_dim3A_119 : vector<1x512xf32> to vector<512x512xf32>
      %add3A_418 = arith.addf %dot_general3A_417, %add3A : vector<512x512xf32>
      %slice3A_419 = vector.extract_strided_slice %add3A_418 {offsets = [0, 0], sizes = [512, 128], strides = [1, 1]} : vector<512x512xf32> to vector<512x128xf32>
      %tanh3A = math.tanh %slice3A_419 : vector<512x128xf32>
      %mul3A = arith.constant 5.000000e-01 : f32
      %mul3A_420 = vector.broadcast %mul3A : f32 to vector<512x128xf32>
      %mul3A_421 = arith.mulf %mul3A_420, %tanh3A : vector<512x128xf32>
      %add3A_422 = arith.constant 5.000000e-01 : f32
      %add3A_423 = vector.broadcast %add3A_422 : f32 to vector<512x128xf32>
      %add3A_424 = arith.addf %mul3A_421, %add3A_423 : vector<512x128xf32>
      %slice3A_425 = vector.extract_strided_slice %add3A_418 {offsets = [0, 128], sizes = [512, 128], strides = [1, 1]} : vector<512x512xf32> to vector<512x128xf32>
      %tanh3A_426 = math.tanh %slice3A_425 : vector<512x128xf32>
      %mul3A_427 = arith.constant 5.000000e-01 : f32
      %mul3A_428 = vector.broadcast %mul3A_427 : f32 to vector<512x128xf32>
      %mul3A_429 = arith.mulf %mul3A_428, %tanh3A_426 : vector<512x128xf32>
      %add3A_430 = arith.constant 5.000000e-01 : f32
      %add3A_431 = vector.broadcast %add3A_430 : f32 to vector<512x128xf32>
      %add3A_432 = arith.addf %mul3A_429, %add3A_431 : vector<512x128xf32>
      %slice3A_433 = vector.extract_strided_slice %add3A_418 {offsets = [0, 256], sizes = [512, 128], strides = [1, 1]} : vector<512x512xf32> to vector<512x128xf32>
      %tanh3A_434 = math.tanh %slice3A_433 : vector<512x128xf32>
      %slice3A_435 = vector.extract_strided_slice %add3A_418 {offsets = [0, 384], sizes = [512, 128], strides = [1, 1]} : vector<512x512xf32> to vector<512x128xf32>
      %tanh3A_436 = math.tanh %slice3A_435 : vector<512x128xf32>
      %mul3A_437 = arith.constant 5.000000e-01 : f32
      %mul3A_438 = vector.broadcast %mul3A_437 : f32 to vector<512x128xf32>
      %mul3A_439 = arith.mulf %mul3A_438, %tanh3A_436 : vector<512x128xf32>
      %add3A_440 = arith.constant 5.000000e-01 : f32
      %add3A_441 = vector.broadcast %add3A_440 : f32 to vector<512x128xf32>
      %add3A_442 = arith.addf %mul3A_439, %add3A_441 : vector<512x128xf32>
      %mul3A_443 = arith.mulf %add3A_432, %cond3A_360#1 : vector<512x128xf32>
      %mul3A_444 = arith.mulf %add3A_424, %tanh3A_434 : vector<512x128xf32>
      %add3A_445 = arith.addf %mul3A_443, %mul3A_444 : vector<512x128xf32>
      %tanh3A_446 = math.tanh %add3A_445 : vector<512x128xf32>
      %mul3A_447 = arith.mulf %add3A_442, %tanh3A_446 : vector<512x128xf32>
      %select_n3A_448 = arith.select %gt3A_412, %mul3A_447, %cond3A_360#0 : vector<512x128xi1>, vector<512x128xf32>
      %select_n3A_449 = arith.select %gt3A_412, %add3A_445, %cond3A_360#1 : vector<512x128xi1>, vector<512x128xf32>
      %jit3A = arith.constant 0.000000e+00 : f32
      %broadcast_in_dim3A_450 = vector.broadcast %jit3A : f32 to vector<512x128xf32>
      %select_n3A_451 = arith.select %gt3A_412, %mul3A_447, %broadcast_in_dim3A_450 : vector<512x128xi1>, vector<512x128xf32>
      %get3A_452 = arith.constant 4 : index
      %get3A_453 = arith.constant 0 : index
      %get3A_454 = arith.constant 0 : index
      %get3A_455 = vector.load %arg11[%get3A_452, %get3A_453, %get3A_454] : memref<20x512x128xf32, #tpu.memory_space<vmem>>, vector<1x512x128xf32>
      %get3A_456 = vector.shape_cast %get3A_455 : vector<1x512x128xf32> to vector<512x128xf32>
      %concatenate3A_457 = tpu.concatenate %get3A_456, %select_n3A_451 in 1 : vector<512x128xf32>, vector<512x128xf32> -> vector<512x256xf32>
      %convert_element_type3A_458 = arith.truncf %concatenate3A_457 : vector<512x256xf32> to vector<512x256xbf16>
      %get3A_459 = arith.constant 0 : index
      %get3A_460 = arith.constant 0 : index
      %get3A_461 = vector.load %arg7[%get3A_459, %get3A_460] : memref<256x128xbf16, #tpu.memory_space<vmem>>, vector<256x128xbf16>
      %dot_general3A_462 = arith.constant dense<0.000000e+00> : vector<512x128xf32>
      %dot_general3A_463 = tpu.matmul %convert_element_type3A_458, %get3A_461, %dot_general3A_462 {dimension_numbers = #tpu.dot_dimension_numbers<[1], [0], [0], [1], [0, 0, 1, 1], [], []>, transpose_lhs_hint = false} : vector<512x256xbf16>, vector<256x128xbf16>, vector<512x128xf32> -> vector<512x128xf32>
      %tanh3A_464 = math.tanh %dot_general3A_463 : vector<512x128xf32>
      %mul3A_465 = arith.constant 5.000000e-01 : f32
      %mul3A_466 = vector.broadcast %mul3A_465 : f32 to vector<512x128xf32>
      %mul3A_467 = arith.mulf %mul3A_466, %tanh3A_464 : vector<512x128xf32>
      %add3A_468 = arith.constant 5.000000e-01 : f32
      %add3A_469 = vector.broadcast %add3A_468 : f32 to vector<512x128xf32>
      %add3A_470 = arith.addf %mul3A_467, %add3A_469 : vector<512x128xf32>
      %mul3A_471 = arith.mulf %add3A_470, %get3A_456 : vector<512x128xf32>
      %add3A_472 = arith.addf %cond3A_360#2, %mul3A_471 : vector<512x128xf32>
      %mul3A_473 = arith.mulf %add3A_470, %select_n3A_451 : vector<512x128xf32>
      %add3A_474 = arith.addf %cond3A_360#3, %mul3A_473 : vector<512x128xf32>
      scf.yield %select_n3A_448, %select_n3A_449, %add3A_472, %add3A_474 : vector<512x128xf32>, vector<512x128xf32>, vector<512x128xf32>, vector<512x128xf32>
    } else {
      scf.yield %cond3A_360#0, %cond3A_360#1, %cond3A_360#2, %cond3A_360#3 : vector<512x128xf32>, vector<512x128xf32>, vector<512x128xf32>, vector<512x128xf32>
    }
    %gt3A_367 = arith.constant 3 : i32
    %gt3A_368 = arith.cmpi sgt, %get3A_0, %gt3A_367 : i32
    %convert_element_type3A_369 = arith.extui %gt3A_368 : i1 to i32
    %cond3A_370 = arith.constant 0 : i32
    %cond3A_371 = arith.cmpi ne, %convert_element_type3A_369, %cond3A_370 : i32
    %cond3A_372:4 = scf.if %cond3A_371 -> (vector<512x128xf32>, vector<512x128xf32>, vector<512x128xf32>, vector<512x128xf32>) {
      %get3A_405 = arith.constant 3 : index
      %get3A_406 = arith.constant 0 : index
      %get3A_407 = arith.constant 0 : index
      %get3A_408 = vector.load %arg10[%get3A_405, %get3A_406, %get3A_407] : memref<20x512x128xbf16, #tpu.memory_space<vmem>>, vector<1x512x128xbf16>
      %get3A_409 = vector.shape_cast %get3A_408 : vector<1x512x128xbf16> to vector<512x128xbf16>
      %gt3A_410 = arith.constant 3 : i32
      %gt3A_411 = vector.broadcast %gt3A_410 : i32 to vector<512x128xi32>
      %gt3A_412 = arith.cmpi sgt, %select_n3A, %gt3A_411 : vector<512x128xi32>
      %convert_element_type3A_413 = arith.truncf %cond3A_366#0 : vector<512x128xf32> to vector<512x128xbf16>
      %concatenate3A = tpu.concatenate %get3A_409, %convert_element_type3A_413 in 1 : vector<512x128xbf16>, vector<512x128xbf16> -> vector<512x256xbf16>
      %get3A_414 = arith.constant 0 : index
      %get3A_415 = arith.constant 0 : index
      %get3A_416 = vector.load %arg5[%get3A_414, %get3A_415] : memref<256x512xbf16, #tpu.memory_space<vmem>>, vector<256x512xbf16>
      %dot_general3A = arith.constant dense<0.000000e+00> : vector<512x512xf32>
      %dot_general3A_417 = tpu.matmul %concatenate3A, %get3A_416, %dot_general3A {dimension_numbers = #tpu.dot_dimension_numbers<[1], [0], [0], [1], [0, 0, 1, 1], [], []>, transpose_lhs_hint = false} : vector<512x256xbf16>, vector<256x512xbf16>, vector<512x512xf32> -> vector<512x512xf32>
      %add3A = vector.broadcast %broadcast_in_dim3A_119 : vector<1x512xf32> to vector<512x512xf32>
      %add3A_418 = arith.addf %dot_general3A_417, %add3A : vector<512x512xf32>
      %slice3A_419 = vector.extract_strided_slice %add3A_418 {offsets = [0, 0], sizes = [512, 128], strides = [1, 1]} : vector<512x512xf32> to vector<512x128xf32>
      %tanh3A = math.tanh %slice3A_419 : vector<512x128xf32>
      %mul3A = arith.constant 5.000000e-01 : f32
      %mul3A_420 = vector.broadcast %mul3A : f32 to vector<512x128xf32>
      %mul3A_421 = arith.mulf %mul3A_420, %tanh3A : vector<512x128xf32>
      %add3A_422 = arith.constant 5.000000e-01 : f32
      %add3A_423 = vector.broadcast %add3A_422 : f32 to vector<512x128xf32>
      %add3A_424 = arith.addf %mul3A_421, %add3A_423 : vector<512x128xf32>
      %slice3A_425 = vector.extract_strided_slice %add3A_418 {offsets = [0, 128], sizes = [512, 128], strides = [1, 1]} : vector<512x512xf32> to vector<512x128xf32>
      %tanh3A_426 = math.tanh %slice3A_425 : vector<512x128xf32>
      %mul3A_427 = arith.constant 5.000000e-01 : f32
      %mul3A_428 = vector.broadcast %mul3A_427 : f32 to vector<512x128xf32>
      %mul3A_429 = arith.mulf %mul3A_428, %tanh3A_426 : vector<512x128xf32>
      %add3A_430 = arith.constant 5.000000e-01 : f32
      %add3A_431 = vector.broadcast %add3A_430 : f32 to vector<512x128xf32>
      %add3A_432 = arith.addf %mul3A_429, %add3A_431 : vector<512x128xf32>
      %slice3A_433 = vector.extract_strided_slice %add3A_418 {offsets = [0, 256], sizes = [512, 128], strides = [1, 1]} : vector<512x512xf32> to vector<512x128xf32>
      %tanh3A_434 = math.tanh %slice3A_433 : vector<512x128xf32>
      %slice3A_435 = vector.extract_strided_slice %add3A_418 {offsets = [0, 384], sizes = [512, 128], strides = [1, 1]} : vector<512x512xf32> to vector<512x128xf32>
      %tanh3A_436 = math.tanh %slice3A_435 : vector<512x128xf32>
      %mul3A_437 = arith.constant 5.000000e-01 : f32
      %mul3A_438 = vector.broadcast %mul3A_437 : f32 to vector<512x128xf32>
      %mul3A_439 = arith.mulf %mul3A_438, %tanh3A_436 : vector<512x128xf32>
      %add3A_440 = arith.constant 5.000000e-01 : f32
      %add3A_441 = vector.broadcast %add3A_440 : f32 to vector<512x128xf32>
      %add3A_442 = arith.addf %mul3A_439, %add3A_441 : vector<512x128xf32>
      %mul3A_443 = arith.mulf %add3A_432, %cond3A_366#1 : vector<512x128xf32>
      %mul3A_444 = arith.mulf %add3A_424, %tanh3A_434 : vector<512x128xf32>
      %add3A_445 = arith.addf %mul3A_443, %mul3A_444 : vector<512x128xf32>
      %tanh3A_446 = math.tanh %add3A_445 : vector<512x128xf32>
      %mul3A_447 = arith.mulf %add3A_442, %tanh3A_446 : vector<512x128xf32>
      %select_n3A_448 = arith.select %gt3A_412, %mul3A_447, %cond3A_366#0 : vector<512x128xi1>, vector<512x128xf32>
      %select_n3A_449 = arith.select %gt3A_412, %add3A_445, %cond3A_366#1 : vector<512x128xi1>, vector<512x128xf32>
      %jit3A = arith.constant 0.000000e+00 : f32
      %broadcast_in_dim3A_450 = vector.broadcast %jit3A : f32 to vector<512x128xf32>
      %select_n3A_451 = arith.select %gt3A_412, %mul3A_447, %broadcast_in_dim3A_450 : vector<512x128xi1>, vector<512x128xf32>
      %get3A_452 = arith.constant 3 : index
      %get3A_453 = arith.constant 0 : index
      %get3A_454 = arith.constant 0 : index
      %get3A_455 = vector.load %arg11[%get3A_452, %get3A_453, %get3A_454] : memref<20x512x128xf32, #tpu.memory_space<vmem>>, vector<1x512x128xf32>
      %get3A_456 = vector.shape_cast %get3A_455 : vector<1x512x128xf32> to vector<512x128xf32>
      %concatenate3A_457 = tpu.concatenate %get3A_456, %select_n3A_451 in 1 : vector<512x128xf32>, vector<512x128xf32> -> vector<512x256xf32>
      %convert_element_type3A_458 = arith.truncf %concatenate3A_457 : vector<512x256xf32> to vector<512x256xbf16>
      %get3A_459 = arith.constant 0 : index
      %get3A_460 = arith.constant 0 : index
      %get3A_461 = vector.load %arg7[%get3A_459, %get3A_460] : memref<256x128xbf16, #tpu.memory_space<vmem>>, vector<256x128xbf16>
      %dot_general3A_462 = arith.constant dense<0.000000e+00> : vector<512x128xf32>
      %dot_general3A_463 = tpu.matmul %convert_element_type3A_458, %get3A_461, %dot_general3A_462 {dimension_numbers = #tpu.dot_dimension_numbers<[1], [0], [0], [1], [0, 0, 1, 1], [], []>, transpose_lhs_hint = false} : vector<512x256xbf16>, vector<256x128xbf16>, vector<512x128xf32> -> vector<512x128xf32>
      %tanh3A_464 = math.tanh %dot_general3A_463 : vector<512x128xf32>
      %mul3A_465 = arith.constant 5.000000e-01 : f32
      %mul3A_466 = vector.broadcast %mul3A_465 : f32 to vector<512x128xf32>
      %mul3A_467 = arith.mulf %mul3A_466, %tanh3A_464 : vector<512x128xf32>
      %add3A_468 = arith.constant 5.000000e-01 : f32
      %add3A_469 = vector.broadcast %add3A_468 : f32 to vector<512x128xf32>
      %add3A_470 = arith.addf %mul3A_467, %add3A_469 : vector<512x128xf32>
      %mul3A_471 = arith.mulf %add3A_470, %get3A_456 : vector<512x128xf32>
      %add3A_472 = arith.addf %cond3A_366#2, %mul3A_471 : vector<512x128xf32>
      %mul3A_473 = arith.mulf %add3A_470, %select_n3A_451 : vector<512x128xf32>
      %add3A_474 = arith.addf %cond3A_366#3, %mul3A_473 : vector<512x128xf32>
      scf.yield %select_n3A_448, %select_n3A_449, %add3A_472, %add3A_474 : vector<512x128xf32>, vector<512x128xf32>, vector<512x128xf32>, vector<512x128xf32>
    } else {
      scf.yield %cond3A_366#0, %cond3A_366#1, %cond3A_366#2, %cond3A_366#3 : vector<512x128xf32>, vector<512x128xf32>, vector<512x128xf32>, vector<512x128xf32>
    }
    %gt3A_373 = arith.constant 2 : i32
    %gt3A_374 = arith.cmpi sgt, %get3A_0, %gt3A_373 : i32
    %convert_element_type3A_375 = arith.extui %gt3A_374 : i1 to i32
    %cond3A_376 = arith.constant 0 : i32
    %cond3A_377 = arith.cmpi ne, %convert_element_type3A_375, %cond3A_376 : i32
    %cond3A_378:4 = scf.if %cond3A_377 -> (vector<512x128xf32>, vector<512x128xf32>, vector<512x128xf32>, vector<512x128xf32>) {
      %get3A_405 = arith.constant 2 : index
      %get3A_406 = arith.constant 0 : index
      %get3A_407 = arith.constant 0 : index
      %get3A_408 = vector.load %arg10[%get3A_405, %get3A_406, %get3A_407] : memref<20x512x128xbf16, #tpu.memory_space<vmem>>, vector<1x512x128xbf16>
      %get3A_409 = vector.shape_cast %get3A_408 : vector<1x512x128xbf16> to vector<512x128xbf16>
      %gt3A_410 = arith.constant 2 : i32
      %gt3A_411 = vector.broadcast %gt3A_410 : i32 to vector<512x128xi32>
      %gt3A_412 = arith.cmpi sgt, %select_n3A, %gt3A_411 : vector<512x128xi32>
      %convert_element_type3A_413 = arith.truncf %cond3A_372#0 : vector<512x128xf32> to vector<512x128xbf16>
      %concatenate3A = tpu.concatenate %get3A_409, %convert_element_type3A_413 in 1 : vector<512x128xbf16>, vector<512x128xbf16> -> vector<512x256xbf16>
      %get3A_414 = arith.constant 0 : index
      %get3A_415 = arith.constant 0 : index
      %get3A_416 = vector.load %arg5[%get3A_414, %get3A_415] : memref<256x512xbf16, #tpu.memory_space<vmem>>, vector<256x512xbf16>
      %dot_general3A = arith.constant dense<0.000000e+00> : vector<512x512xf32>
      %dot_general3A_417 = tpu.matmul %concatenate3A, %get3A_416, %dot_general3A {dimension_numbers = #tpu.dot_dimension_numbers<[1], [0], [0], [1], [0, 0, 1, 1], [], []>, transpose_lhs_hint = false} : vector<512x256xbf16>, vector<256x512xbf16>, vector<512x512xf32> -> vector<512x512xf32>
      %add3A = vector.broadcast %broadcast_in_dim3A_119 : vector<1x512xf32> to vector<512x512xf32>
      %add3A_418 = arith.addf %dot_general3A_417, %add3A : vector<512x512xf32>
      %slice3A_419 = vector.extract_strided_slice %add3A_418 {offsets = [0, 0], sizes = [512, 128], strides = [1, 1]} : vector<512x512xf32> to vector<512x128xf32>
      %tanh3A = math.tanh %slice3A_419 : vector<512x128xf32>
      %mul3A = arith.constant 5.000000e-01 : f32
      %mul3A_420 = vector.broadcast %mul3A : f32 to vector<512x128xf32>
      %mul3A_421 = arith.mulf %mul3A_420, %tanh3A : vector<512x128xf32>
      %add3A_422 = arith.constant 5.000000e-01 : f32
      %add3A_423 = vector.broadcast %add3A_422 : f32 to vector<512x128xf32>
      %add3A_424 = arith.addf %mul3A_421, %add3A_423 : vector<512x128xf32>
      %slice3A_425 = vector.extract_strided_slice %add3A_418 {offsets = [0, 128], sizes = [512, 128], strides = [1, 1]} : vector<512x512xf32> to vector<512x128xf32>
      %tanh3A_426 = math.tanh %slice3A_425 : vector<512x128xf32>
      %mul3A_427 = arith.constant 5.000000e-01 : f32
      %mul3A_428 = vector.broadcast %mul3A_427 : f32 to vector<512x128xf32>
      %mul3A_429 = arith.mulf %mul3A_428, %tanh3A_426 : vector<512x128xf32>
      %add3A_430 = arith.constant 5.000000e-01 : f32
      %add3A_431 = vector.broadcast %add3A_430 : f32 to vector<512x128xf32>
      %add3A_432 = arith.addf %mul3A_429, %add3A_431 : vector<512x128xf32>
      %slice3A_433 = vector.extract_strided_slice %add3A_418 {offsets = [0, 256], sizes = [512, 128], strides = [1, 1]} : vector<512x512xf32> to vector<512x128xf32>
      %tanh3A_434 = math.tanh %slice3A_433 : vector<512x128xf32>
      %slice3A_435 = vector.extract_strided_slice %add3A_418 {offsets = [0, 384], sizes = [512, 128], strides = [1, 1]} : vector<512x512xf32> to vector<512x128xf32>
      %tanh3A_436 = math.tanh %slice3A_435 : vector<512x128xf32>
      %mul3A_437 = arith.constant 5.000000e-01 : f32
      %mul3A_438 = vector.broadcast %mul3A_437 : f32 to vector<512x128xf32>
      %mul3A_439 = arith.mulf %mul3A_438, %tanh3A_436 : vector<512x128xf32>
      %add3A_440 = arith.constant 5.000000e-01 : f32
      %add3A_441 = vector.broadcast %add3A_440 : f32 to vector<512x128xf32>
      %add3A_442 = arith.addf %mul3A_439, %add3A_441 : vector<512x128xf32>
      %mul3A_443 = arith.mulf %add3A_432, %cond3A_372#1 : vector<512x128xf32>
      %mul3A_444 = arith.mulf %add3A_424, %tanh3A_434 : vector<512x128xf32>
      %add3A_445 = arith.addf %mul3A_443, %mul3A_444 : vector<512x128xf32>
      %tanh3A_446 = math.tanh %add3A_445 : vector<512x128xf32>
      %mul3A_447 = arith.mulf %add3A_442, %tanh3A_446 : vector<512x128xf32>
      %select_n3A_448 = arith.select %gt3A_412, %mul3A_447, %cond3A_372#0 : vector<512x128xi1>, vector<512x128xf32>
      %select_n3A_449 = arith.select %gt3A_412, %add3A_445, %cond3A_372#1 : vector<512x128xi1>, vector<512x128xf32>
      %jit3A = arith.constant 0.000000e+00 : f32
      %broadcast_in_dim3A_450 = vector.broadcast %jit3A : f32 to vector<512x128xf32>
      %select_n3A_451 = arith.select %gt3A_412, %mul3A_447, %broadcast_in_dim3A_450 : vector<512x128xi1>, vector<512x128xf32>
      %get3A_452 = arith.constant 2 : index
      %get3A_453 = arith.constant 0 : index
      %get3A_454 = arith.constant 0 : index
      %get3A_455 = vector.load %arg11[%get3A_452, %get3A_453, %get3A_454] : memref<20x512x128xf32, #tpu.memory_space<vmem>>, vector<1x512x128xf32>
      %get3A_456 = vector.shape_cast %get3A_455 : vector<1x512x128xf32> to vector<512x128xf32>
      %concatenate3A_457 = tpu.concatenate %get3A_456, %select_n3A_451 in 1 : vector<512x128xf32>, vector<512x128xf32> -> vector<512x256xf32>
      %convert_element_type3A_458 = arith.truncf %concatenate3A_457 : vector<512x256xf32> to vector<512x256xbf16>
      %get3A_459 = arith.constant 0 : index
      %get3A_460 = arith.constant 0 : index
      %get3A_461 = vector.load %arg7[%get3A_459, %get3A_460] : memref<256x128xbf16, #tpu.memory_space<vmem>>, vector<256x128xbf16>
      %dot_general3A_462 = arith.constant dense<0.000000e+00> : vector<512x128xf32>
      %dot_general3A_463 = tpu.matmul %convert_element_type3A_458, %get3A_461, %dot_general3A_462 {dimension_numbers = #tpu.dot_dimension_numbers<[1], [0], [0], [1], [0, 0, 1, 1], [], []>, transpose_lhs_hint = false} : vector<512x256xbf16>, vector<256x128xbf16>, vector<512x128xf32> -> vector<512x128xf32>
      %tanh3A_464 = math.tanh %dot_general3A_463 : vector<512x128xf32>
      %mul3A_465 = arith.constant 5.000000e-01 : f32
      %mul3A_466 = vector.broadcast %mul3A_465 : f32 to vector<512x128xf32>
      %mul3A_467 = arith.mulf %mul3A_466, %tanh3A_464 : vector<512x128xf32>
      %add3A_468 = arith.constant 5.000000e-01 : f32
      %add3A_469 = vector.broadcast %add3A_468 : f32 to vector<512x128xf32>
      %add3A_470 = arith.addf %mul3A_467, %add3A_469 : vector<512x128xf32>
      %mul3A_471 = arith.mulf %add3A_470, %get3A_456 : vector<512x128xf32>
      %add3A_472 = arith.addf %cond3A_372#2, %mul3A_471 : vector<512x128xf32>
      %mul3A_473 = arith.mulf %add3A_470, %select_n3A_451 : vector<512x128xf32>
      %add3A_474 = arith.addf %cond3A_372#3, %mul3A_473 : vector<512x128xf32>
      scf.yield %select_n3A_448, %select_n3A_449, %add3A_472, %add3A_474 : vector<512x128xf32>, vector<512x128xf32>, vector<512x128xf32>, vector<512x128xf32>
    } else {
      scf.yield %cond3A_372#0, %cond3A_372#1, %cond3A_372#2, %cond3A_372#3 : vector<512x128xf32>, vector<512x128xf32>, vector<512x128xf32>, vector<512x128xf32>
    }
    %gt3A_379 = arith.constant 1 : i32
    %gt3A_380 = arith.cmpi sgt, %get3A_0, %gt3A_379 : i32
    %convert_element_type3A_381 = arith.extui %gt3A_380 : i1 to i32
    %cond3A_382 = arith.constant 0 : i32
    %cond3A_383 = arith.cmpi ne, %convert_element_type3A_381, %cond3A_382 : i32
    %cond3A_384:4 = scf.if %cond3A_383 -> (vector<512x128xf32>, vector<512x128xf32>, vector<512x128xf32>, vector<512x128xf32>) {
      %get3A_405 = arith.constant 1 : index
      %get3A_406 = arith.constant 0 : index
      %get3A_407 = arith.constant 0 : index
      %get3A_408 = vector.load %arg10[%get3A_405, %get3A_406, %get3A_407] : memref<20x512x128xbf16, #tpu.memory_space<vmem>>, vector<1x512x128xbf16>
      %get3A_409 = vector.shape_cast %get3A_408 : vector<1x512x128xbf16> to vector<512x128xbf16>
      %gt3A_410 = arith.constant 1 : i32
      %gt3A_411 = vector.broadcast %gt3A_410 : i32 to vector<512x128xi32>
      %gt3A_412 = arith.cmpi sgt, %select_n3A, %gt3A_411 : vector<512x128xi32>
      %convert_element_type3A_413 = arith.truncf %cond3A_378#0 : vector<512x128xf32> to vector<512x128xbf16>
      %concatenate3A = tpu.concatenate %get3A_409, %convert_element_type3A_413 in 1 : vector<512x128xbf16>, vector<512x128xbf16> -> vector<512x256xbf16>
      %get3A_414 = arith.constant 0 : index
      %get3A_415 = arith.constant 0 : index
      %get3A_416 = vector.load %arg5[%get3A_414, %get3A_415] : memref<256x512xbf16, #tpu.memory_space<vmem>>, vector<256x512xbf16>
      %dot_general3A = arith.constant dense<0.000000e+00> : vector<512x512xf32>
      %dot_general3A_417 = tpu.matmul %concatenate3A, %get3A_416, %dot_general3A {dimension_numbers = #tpu.dot_dimension_numbers<[1], [0], [0], [1], [0, 0, 1, 1], [], []>, transpose_lhs_hint = false} : vector<512x256xbf16>, vector<256x512xbf16>, vector<512x512xf32> -> vector<512x512xf32>
      %add3A = vector.broadcast %broadcast_in_dim3A_119 : vector<1x512xf32> to vector<512x512xf32>
      %add3A_418 = arith.addf %dot_general3A_417, %add3A : vector<512x512xf32>
      %slice3A_419 = vector.extract_strided_slice %add3A_418 {offsets = [0, 0], sizes = [512, 128], strides = [1, 1]} : vector<512x512xf32> to vector<512x128xf32>
      %tanh3A = math.tanh %slice3A_419 : vector<512x128xf32>
      %mul3A = arith.constant 5.000000e-01 : f32
      %mul3A_420 = vector.broadcast %mul3A : f32 to vector<512x128xf32>
      %mul3A_421 = arith.mulf %mul3A_420, %tanh3A : vector<512x128xf32>
      %add3A_422 = arith.constant 5.000000e-01 : f32
      %add3A_423 = vector.broadcast %add3A_422 : f32 to vector<512x128xf32>
      %add3A_424 = arith.addf %mul3A_421, %add3A_423 : vector<512x128xf32>
      %slice3A_425 = vector.extract_strided_slice %add3A_418 {offsets = [0, 128], sizes = [512, 128], strides = [1, 1]} : vector<512x512xf32> to vector<512x128xf32>
      %tanh3A_426 = math.tanh %slice3A_425 : vector<512x128xf32>
      %mul3A_427 = arith.constant 5.000000e-01 : f32
      %mul3A_428 = vector.broadcast %mul3A_427 : f32 to vector<512x128xf32>
      %mul3A_429 = arith.mulf %mul3A_428, %tanh3A_426 : vector<512x128xf32>
      %add3A_430 = arith.constant 5.000000e-01 : f32
      %add3A_431 = vector.broadcast %add3A_430 : f32 to vector<512x128xf32>
      %add3A_432 = arith.addf %mul3A_429, %add3A_431 : vector<512x128xf32>
      %slice3A_433 = vector.extract_strided_slice %add3A_418 {offsets = [0, 256], sizes = [512, 128], strides = [1, 1]} : vector<512x512xf32> to vector<512x128xf32>
      %tanh3A_434 = math.tanh %slice3A_433 : vector<512x128xf32>
      %slice3A_435 = vector.extract_strided_slice %add3A_418 {offsets = [0, 384], sizes = [512, 128], strides = [1, 1]} : vector<512x512xf32> to vector<512x128xf32>
      %tanh3A_436 = math.tanh %slice3A_435 : vector<512x128xf32>
      %mul3A_437 = arith.constant 5.000000e-01 : f32
      %mul3A_438 = vector.broadcast %mul3A_437 : f32 to vector<512x128xf32>
      %mul3A_439 = arith.mulf %mul3A_438, %tanh3A_436 : vector<512x128xf32>
      %add3A_440 = arith.constant 5.000000e-01 : f32
      %add3A_441 = vector.broadcast %add3A_440 : f32 to vector<512x128xf32>
      %add3A_442 = arith.addf %mul3A_439, %add3A_441 : vector<512x128xf32>
      %mul3A_443 = arith.mulf %add3A_432, %cond3A_378#1 : vector<512x128xf32>
      %mul3A_444 = arith.mulf %add3A_424, %tanh3A_434 : vector<512x128xf32>
      %add3A_445 = arith.addf %mul3A_443, %mul3A_444 : vector<512x128xf32>
      %tanh3A_446 = math.tanh %add3A_445 : vector<512x128xf32>
      %mul3A_447 = arith.mulf %add3A_442, %tanh3A_446 : vector<512x128xf32>
      %select_n3A_448 = arith.select %gt3A_412, %mul3A_447, %cond3A_378#0 : vector<512x128xi1>, vector<512x128xf32>
      %select_n3A_449 = arith.select %gt3A_412, %add3A_445, %cond3A_378#1 : vector<512x128xi1>, vector<512x128xf32>
      %jit3A = arith.constant 0.000000e+00 : f32
      %broadcast_in_dim3A_450 = vector.broadcast %jit3A : f32 to vector<512x128xf32>
      %select_n3A_451 = arith.select %gt3A_412, %mul3A_447, %broadcast_in_dim3A_450 : vector<512x128xi1>, vector<512x128xf32>
      %get3A_452 = arith.constant 1 : index
      %get3A_453 = arith.constant 0 : index
      %get3A_454 = arith.constant 0 : index
      %get3A_455 = vector.load %arg11[%get3A_452, %get3A_453, %get3A_454] : memref<20x512x128xf32, #tpu.memory_space<vmem>>, vector<1x512x128xf32>
      %get3A_456 = vector.shape_cast %get3A_455 : vector<1x512x128xf32> to vector<512x128xf32>
      %concatenate3A_457 = tpu.concatenate %get3A_456, %select_n3A_451 in 1 : vector<512x128xf32>, vector<512x128xf32> -> vector<512x256xf32>
      %convert_element_type3A_458 = arith.truncf %concatenate3A_457 : vector<512x256xf32> to vector<512x256xbf16>
      %get3A_459 = arith.constant 0 : index
      %get3A_460 = arith.constant 0 : index
      %get3A_461 = vector.load %arg7[%get3A_459, %get3A_460] : memref<256x128xbf16, #tpu.memory_space<vmem>>, vector<256x128xbf16>
      %dot_general3A_462 = arith.constant dense<0.000000e+00> : vector<512x128xf32>
      %dot_general3A_463 = tpu.matmul %convert_element_type3A_458, %get3A_461, %dot_general3A_462 {dimension_numbers = #tpu.dot_dimension_numbers<[1], [0], [0], [1], [0, 0, 1, 1], [], []>, transpose_lhs_hint = false} : vector<512x256xbf16>, vector<256x128xbf16>, vector<512x128xf32> -> vector<512x128xf32>
      %tanh3A_464 = math.tanh %dot_general3A_463 : vector<512x128xf32>
      %mul3A_465 = arith.constant 5.000000e-01 : f32
      %mul3A_466 = vector.broadcast %mul3A_465 : f32 to vector<512x128xf32>
      %mul3A_467 = arith.mulf %mul3A_466, %tanh3A_464 : vector<512x128xf32>
      %add3A_468 = arith.constant 5.000000e-01 : f32
      %add3A_469 = vector.broadcast %add3A_468 : f32 to vector<512x128xf32>
      %add3A_470 = arith.addf %mul3A_467, %add3A_469 : vector<512x128xf32>
      %mul3A_471 = arith.mulf %add3A_470, %get3A_456 : vector<512x128xf32>
      %add3A_472 = arith.addf %cond3A_378#2, %mul3A_471 : vector<512x128xf32>
      %mul3A_473 = arith.mulf %add3A_470, %select_n3A_451 : vector<512x128xf32>
      %add3A_474 = arith.addf %cond3A_378#3, %mul3A_473 : vector<512x128xf32>
      scf.yield %select_n3A_448, %select_n3A_449, %add3A_472, %add3A_474 : vector<512x128xf32>, vector<512x128xf32>, vector<512x128xf32>, vector<512x128xf32>
    } else {
      scf.yield %cond3A_378#0, %cond3A_378#1, %cond3A_378#2, %cond3A_378#3 : vector<512x128xf32>, vector<512x128xf32>, vector<512x128xf32>, vector<512x128xf32>
    }
    %gt3A_385 = arith.constant 0 : i32
    %gt3A_386 = arith.cmpi sgt, %get3A_0, %gt3A_385 : i32
    %convert_element_type3A_387 = arith.extui %gt3A_386 : i1 to i32
    %cond3A_388 = arith.constant 0 : i32
    %cond3A_389 = arith.cmpi ne, %convert_element_type3A_387, %cond3A_388 : i32
    %cond3A_390:2 = scf.if %cond3A_389 -> (vector<512x128xf32>, vector<512x128xf32>) {
      %get3A_405 = arith.constant 0 : index
      %get3A_406 = arith.constant 0 : index
      %get3A_407 = arith.constant 0 : index
      %get3A_408 = vector.load %arg10[%get3A_405, %get3A_406, %get3A_407] : memref<20x512x128xbf16, #tpu.memory_space<vmem>>, vector<1x512x128xbf16>
      %get3A_409 = vector.shape_cast %get3A_408 : vector<1x512x128xbf16> to vector<512x128xbf16>
      %gt3A_410 = arith.constant 0 : i32
      %gt3A_411 = vector.broadcast %gt3A_410 : i32 to vector<512x128xi32>
      %gt3A_412 = arith.cmpi sgt, %select_n3A, %gt3A_411 : vector<512x128xi32>
      %convert_element_type3A_413 = arith.truncf %cond3A_384#0 : vector<512x128xf32> to vector<512x128xbf16>
      %concatenate3A = tpu.concatenate %get3A_409, %convert_element_type3A_413 in 1 : vector<512x128xbf16>, vector<512x128xbf16> -> vector<512x256xbf16>
      %get3A_414 = arith.constant 0 : index
      %get3A_415 = arith.constant 0 : index
      %get3A_416 = vector.load %arg5[%get3A_414, %get3A_415] : memref<256x512xbf16, #tpu.memory_space<vmem>>, vector<256x512xbf16>
      %dot_general3A = arith.constant dense<0.000000e+00> : vector<512x512xf32>
      %dot_general3A_417 = tpu.matmul %concatenate3A, %get3A_416, %dot_general3A {dimension_numbers = #tpu.dot_dimension_numbers<[1], [0], [0], [1], [0, 0, 1, 1], [], []>, transpose_lhs_hint = false} : vector<512x256xbf16>, vector<256x512xbf16>, vector<512x512xf32> -> vector<512x512xf32>
      %add3A = vector.broadcast %broadcast_in_dim3A_119 : vector<1x512xf32> to vector<512x512xf32>
      %add3A_418 = arith.addf %dot_general3A_417, %add3A : vector<512x512xf32>
      %slice3A_419 = vector.extract_strided_slice %add3A_418 {offsets = [0, 0], sizes = [512, 128], strides = [1, 1]} : vector<512x512xf32> to vector<512x128xf32>
      %tanh3A = math.tanh %slice3A_419 : vector<512x128xf32>
      %mul3A = arith.constant 5.000000e-01 : f32
      %mul3A_420 = vector.broadcast %mul3A : f32 to vector<512x128xf32>
      %mul3A_421 = arith.mulf %mul3A_420, %tanh3A : vector<512x128xf32>
      %add3A_422 = arith.constant 5.000000e-01 : f32
      %add3A_423 = vector.broadcast %add3A_422 : f32 to vector<512x128xf32>
      %add3A_424 = arith.addf %mul3A_421, %add3A_423 : vector<512x128xf32>
      %slice3A_425 = vector.extract_strided_slice %add3A_418 {offsets = [0, 128], sizes = [512, 128], strides = [1, 1]} : vector<512x512xf32> to vector<512x128xf32>
      %tanh3A_426 = math.tanh %slice3A_425 : vector<512x128xf32>
      %mul3A_427 = arith.constant 5.000000e-01 : f32
      %mul3A_428 = vector.broadcast %mul3A_427 : f32 to vector<512x128xf32>
      %mul3A_429 = arith.mulf %mul3A_428, %tanh3A_426 : vector<512x128xf32>
      %add3A_430 = arith.constant 5.000000e-01 : f32
      %add3A_431 = vector.broadcast %add3A_430 : f32 to vector<512x128xf32>
      %add3A_432 = arith.addf %mul3A_429, %add3A_431 : vector<512x128xf32>
      %slice3A_433 = vector.extract_strided_slice %add3A_418 {offsets = [0, 256], sizes = [512, 128], strides = [1, 1]} : vector<512x512xf32> to vector<512x128xf32>
      %tanh3A_434 = math.tanh %slice3A_433 : vector<512x128xf32>
      %slice3A_435 = vector.extract_strided_slice %add3A_418 {offsets = [0, 384], sizes = [512, 128], strides = [1, 1]} : vector<512x512xf32> to vector<512x128xf32>
      %tanh3A_436 = math.tanh %slice3A_435 : vector<512x128xf32>
      %mul3A_437 = arith.constant 5.000000e-01 : f32
      %mul3A_438 = vector.broadcast %mul3A_437 : f32 to vector<512x128xf32>
      %mul3A_439 = arith.mulf %mul3A_438, %tanh3A_436 : vector<512x128xf32>
      %add3A_440 = arith.constant 5.000000e-01 : f32
      %add3A_441 = vector.broadcast %add3A_440 : f32 to vector<512x128xf32>
      %add3A_442 = arith.addf %mul3A_439, %add3A_441 : vector<512x128xf32>
      %mul3A_443 = arith.mulf %add3A_432, %cond3A_384#1 : vector<512x128xf32>
      %mul3A_444 = arith.mulf %add3A_424, %tanh3A_434 : vector<512x128xf32>
      %add3A_445 = arith.addf %mul3A_443, %mul3A_444 : vector<512x128xf32>
      %tanh3A_446 = math.tanh %add3A_445 : vector<512x128xf32>
      %mul3A_447 = arith.mulf %add3A_442, %tanh3A_446 : vector<512x128xf32>
      %jit3A = arith.constant 0.000000e+00 : f32
      %broadcast_in_dim3A_448 = vector.broadcast %jit3A : f32 to vector<512x128xf32>
      %select_n3A_449 = arith.select %gt3A_412, %mul3A_447, %broadcast_in_dim3A_448 : vector<512x128xi1>, vector<512x128xf32>
      %get3A_450 = arith.constant 0 : index
      %get3A_451 = arith.constant 0 : index
      %get3A_452 = arith.constant 0 : index
      %get3A_453 = vector.load %arg11[%get3A_450, %get3A_451, %get3A_452] : memref<20x512x128xf32, #tpu.memory_space<vmem>>, vector<1x512x128xf32>
      %get3A_454 = vector.shape_cast %get3A_453 : vector<1x512x128xf32> to vector<512x128xf32>
      %concatenate3A_455 = tpu.concatenate %get3A_454, %select_n3A_449 in 1 : vector<512x128xf32>, vector<512x128xf32> -> vector<512x256xf32>
      %convert_element_type3A_456 = arith.truncf %concatenate3A_455 : vector<512x256xf32> to vector<512x256xbf16>
      %get3A_457 = arith.constant 0 : index
      %get3A_458 = arith.constant 0 : index
      %get3A_459 = vector.load %arg7[%get3A_457, %get3A_458] : memref<256x128xbf16, #tpu.memory_space<vmem>>, vector<256x128xbf16>
      %dot_general3A_460 = arith.constant dense<0.000000e+00> : vector<512x128xf32>
      %dot_general3A_461 = tpu.matmul %convert_element_type3A_456, %get3A_459, %dot_general3A_460 {dimension_numbers = #tpu.dot_dimension_numbers<[1], [0], [0], [1], [0, 0, 1, 1], [], []>, transpose_lhs_hint = false} : vector<512x256xbf16>, vector<256x128xbf16>, vector<512x128xf32> -> vector<512x128xf32>
      %tanh3A_462 = math.tanh %dot_general3A_461 : vector<512x128xf32>
      %mul3A_463 = arith.constant 5.000000e-01 : f32
      %mul3A_464 = vector.broadcast %mul3A_463 : f32 to vector<512x128xf32>
      %mul3A_465 = arith.mulf %mul3A_464, %tanh3A_462 : vector<512x128xf32>
      %add3A_466 = arith.constant 5.000000e-01 : f32
      %add3A_467 = vector.broadcast %add3A_466 : f32 to vector<512x128xf32>
      %add3A_468 = arith.addf %mul3A_465, %add3A_467 : vector<512x128xf32>
      %mul3A_469 = arith.mulf %add3A_468, %get3A_454 : vector<512x128xf32>
      %add3A_470 = arith.addf %cond3A_384#2, %mul3A_469 : vector<512x128xf32>
      %mul3A_471 = arith.mulf %add3A_468, %select_n3A_449 : vector<512x128xf32>
      %add3A_472 = arith.addf %cond3A_384#3, %mul3A_471 : vector<512x128xf32>
      scf.yield %add3A_470, %add3A_472 : vector<512x128xf32>, vector<512x128xf32>
    } else {
      scf.yield %cond3A_384#2, %cond3A_384#3 : vector<512x128xf32>, vector<512x128xf32>
    }
    %slice3A = vector.extract_strided_slice %cond3A_390#0 {offsets = [0, 0], sizes = [512, 64], strides = [1, 1]} : vector<512x128xf32> to vector<512x64xf32>
    %swap3A = arith.constant 0 : index
    %swap3A_391 = arith.constant 0 : index
    %swap3A_392 = vector.load %arg9[%swap3A, %swap3A_391] : memref<1024x128xf32, #tpu.memory_space<vmem>>, vector<512x64xf32>
    tpu.vector_store %arg9[%swap3A, %swap3A_391], %slice3A {strides = array<i32>} : memref<1024x128xf32, #tpu.memory_space<vmem>>, vector<512x64xf32>,
    %slice3A_393 = vector.extract_strided_slice %cond3A_390#1 {offsets = [0, 0], sizes = [512, 64], strides = [1, 1]} : vector<512x128xf32> to vector<512x64xf32>
    %swap3A_394 = arith.constant 0 : index
    %swap3A_395 = arith.constant 64 : index
    %swap3A_396 = vector.load %arg9[%swap3A_394, %swap3A_395] : memref<1024x128xf32, #tpu.memory_space<vmem>>, vector<512x64xf32>
    tpu.vector_store %arg9[%swap3A_394, %swap3A_395], %slice3A_393 {strides = array<i32>} : memref<1024x128xf32, #tpu.memory_space<vmem>>, vector<512x64xf32>,
    %slice3A_397 = vector.extract_strided_slice %cond3A_390#0 {offsets = [0, 64], sizes = [512, 64], strides = [1, 1]} : vector<512x128xf32> to vector<512x64xf32>
    %swap3A_398 = arith.constant 512 : index
    %swap3A_399 = arith.constant 0 : index
    %swap3A_400 = vector.load %arg9[%swap3A_398, %swap3A_399] : memref<1024x128xf32, #tpu.memory_space<vmem>>, vector<512x64xf32>
    tpu.vector_store %arg9[%swap3A_398, %swap3A_399], %slice3A_397 {strides = array<i32>} : memref<1024x128xf32, #tpu.memory_space<vmem>>, vector<512x64xf32>,
    %slice3A_401 = vector.extract_strided_slice %cond3A_390#1 {offsets = [0, 64], sizes = [512, 64], strides = [1, 1]} : vector<512x128xf32> to vector<512x64xf32>
    %swap3A_402 = arith.constant 512 : index
    %swap3A_403 = arith.constant 64 : index
    %swap3A_404 = vector.load %arg9[%swap3A_402, %swap3A_403] : memref<1024x128xf32, #tpu.memory_space<vmem>>, vector<512x64xf32>
    tpu.vector_store %arg9[%swap3A_402, %swap3A_403], %slice3A_401 {strides = array<i32>} : memref<1024x128xf32, #tpu.memory_space<vmem>>, vector<512x64xf32>,
    return
  }
  func.func @transform_0(%arg0: i32, %arg1: memref<8xi32, #tpu.memory_space<smem>>) -> (i32, i32) {
    %c0_i32 = arith.constant 0 : i32
    %c0_i32_0 = arith.constant 0 : i32
    return %arg0, %c0_i32 : i32, i32
  }
  func.func @transform_1(%arg0: i32, %arg1: memref<8xi32, #tpu.memory_space<smem>>) -> (i32, i32) {
    %c0_i32 = arith.constant 0 : i32
    %c0_i32_0 = arith.constant 0 : i32
    %c0_i32_1 = arith.constant 0 : i32
    return %c0_i32, %c0_i32_0 : i32, i32
  }
  func.func @transform_2(%arg0: i32, %arg1: memref<8xi32, #tpu.memory_space<smem>>) -> (i32, i32) {
    %c0_i32 = arith.constant 0 : i32
    %c0_i32_0 = arith.constant 0 : i32
    %c0_i32_1 = arith.constant 0 : i32
    return %c0_i32, %c0_i32_0 : i32, i32
  }
  func.func @transform_3(%arg0: i32, %arg1: memref<8xi32, #tpu.memory_space<smem>>) -> (i32, i32) {
    %c0_i32 = arith.constant 0 : i32
    %c0_i32_0 = arith.constant 0 : i32
    %c0_i32_1 = arith.constant 0 : i32
    return %c0_i32, %c0_i32_0 : i32, i32
  }
  func.func @transform_4(%arg0: i32, %arg1: memref<8xi32, #tpu.memory_space<smem>>) -> (i32, i32) {
    %c0_i32 = arith.constant 0 : i32
    %c0_i32_0 = arith.constant 0 : i32
    %c0_i32_1 = arith.constant 0 : i32
    return %c0_i32, %c0_i32_0 : i32, i32
  }
  func.func @transform_5(%arg0: i32, %arg1: memref<8xi32, #tpu.memory_space<smem>>) -> (i32, i32) {
    %c0_i32 = arith.constant 0 : i32
    %c0_i32_0 = arith.constant 0 : i32
    %c0_i32_1 = arith.constant 0 : i32
    return %c0_i32, %c0_i32_0 : i32, i32
  }
  func.func @transform_6(%arg0: i32, %arg1: memref<8xi32, #tpu.memory_space<smem>>) -> (i32, i32) {
    %c0_i32 = arith.constant 0 : i32
    %c0_i32_0 = arith.constant 0 : i32
    %c0_i32_1 = arith.constant 0 : i32
    return %c0_i32, %c0_i32_0 : i32, i32
  }
  func.func @transform_7(%arg0: i32, %arg1: memref<8xi32, #tpu.memory_space<smem>>) -> (i32, i32) {
    %c0_i32 = arith.constant 0 : i32
    %c0_i32_0 = arith.constant 0 : i32
    return %arg0, %c0_i32 : i32, i32
  }
}

</mosaic_0001>

<sc_bundles>
// kernel: _run.4.cloned.1.call-start
scs
__scs_entry_jumppad:
0x0: {  	(pc) =	sbr.rel $0x88, $3  }
0x1: {  	(tag) =	ssettag $0x0;
	lr =	simm.s32 $0x1  }
0x2: {  	[smem:$0x3F98] =	sst lr;
	_ =	strace $0xD0000000  }
0x3: {  	_ = 	snop  }
0x4: {  	_ = 	snop  }
0x5: {  	_ = 	snop  }
0x6: {  	_ = 	snop  }
0x7: {  	_ = 	snop  }
__scs_overlays_trampoline_lowered:
0x8: {  	[smem:$0x3FA7] =	sst s0  }
0x9: {  	[smem:$0x3FA8] =	sst s1  }
0xa: {  	[smem:$0x3FA9] =	sst s2  }
0xb: {  	[smem:$0x3FAA] =	sst s3  }
0xc: {  	[smem:$0x3FAB] =	sst s4  }
0xd: {  	[smem:$0x3FAC] =	sst s5  }
0xe: {  	[smem:$0x3FAD] =	sst s6  }
0xf: {  	[smem:$0x3FAE] =	sst s7  }
0x10: {  	[smem:$0x3FAF] =	sst s8  }
0x11: {  	[smem:$0x3FB0] =	sst s9;
	s0 =	simm.s32 @!p0 $0x0  }
0x12: {  	s1 =	sld [smem:$0x3F96];
	s0 =	simm.s32 @p0 $0x1  }
0x13: {  	[smem:$0x3FB1] =	sst s0;
	s0 =	simm.s32 @!p1 $0x0  }
0x14: {  	s2 =	sld [smem:$0x3F95];
	s0 =	simm.s32 @p1 $0x1  }
0x15: {  	[smem:$0x3FB2] =	sst s0;
	s0 =	simm.s32 @!p2 $0x0  }
0x16: {  	s3 =	sld [smem:$0x3FDB];
	s0 =	simm.s32 @p2 $0x1  }
0x17: {  	s4 =	simm.s32 $0x1BF5;
	[smem:$0x3FB4] =	sst s0  }
0x18: {  	s0 =	sld [smem:$0x3F97];
	_ =	swait.ge [sflag:s4], $0x0  }
0x19: {  	s7 =	sld [smem:$0x3F98]  }
0x1a: {  	s8 =	sadd.s32 $0xFFFFE003, lr  }
0x1b: {  	s9 =	sadd.s32 $0xFFFFFEF7, lr;
	s5 =	simm.s32 $0xFFFFFFFF;
	p2 =	slt.u32 s8, $0xFFFFF086  }
0x1c: {  	p1 =	slt.u32 s9, $0xF7A;
	s5 =	simm.s32 @!p2 $0x0  }
0x1d: {  	s5 =	simm.s32 @p1 $0x1;
	p0 =	seq.s32 s7, s2  }
0x1e: {  	s7 =	smul.u32 @!p0 $0xF7A, s2;
	p2 =	seq.s32 @!p0 s5, $0x0  }
0x1f: {  	s9 =	smul.u32 $0xF7A, s1;
	s8 =	simm.s32 @!p0 $0x1BF5;
	p2 =	por !p2, p0  }
0x20: {  	[sflag:s8] =	ssyncset.s32 @!p0 $0xFFFFF086;
	s6 =	sadd.s32 @!p0 s3, s7;
	s7 =	simm.s32 @!p0 $0x108  }
0x21: {  	s3 =	sadd.s32 s3, s9;
	s6 =	sadd.s32 @!p0 $0x88, s6;
	s7 =	simm.s32 @p2 $0x1082  }
0x22: {  	[simem:s7], [sflag:s8] =	dma.local @!p0 [hbm:s6], $0xF7A  }
0x23: {  	s9 =	sor.u32 $0xD0000000, s2;
	s6 =	simm.s32 $0x108;
	_ =	swait.ge @!p0 [sflag:s8], $0x0  }
0x24: {  	s3 =	sadd.s32 $0x88, s3;
	s6 =	simm.s32 @!p1 $0x1082;
	[sflag:s4] =	ssyncset.s32 $0xFFFFF086  }
0x25: {  	[simem:s6], [sflag:s4] =	dma.local [hbm:s3], $0xF7A  }
0x26: {  	[smem:$0x3F98] =	sst s1;
	(tag) =	ssettag s2;
	_ =	strace s9  }
0x27: {  	s1 =	sld [smem:$0x3FA8]  }
0x28: {  	s2 =	sld [smem:$0x3FA9]  }
0x29: {  	s4 =	sld [smem:$0x3FAB]  }
0x2a: {  	p0 =	seq.s32 s5, $0x0;
	s5 =	sld [smem:$0x3FAC]  }
0x2b: {  	s6 =	sld [smem:$0x3FAD]  }
0x2c: {  	s7 =	sld [smem:$0x3FAE]  }
0x2d: {  	s3 =	simm.s32 $0x108;
	s8 =	sld [smem:$0x3FAF]  }
0x2e: {  	s3 =	simm.s32 @!p0 $0x1082;
	s9 =	sld [smem:$0x3FB0]  }
0x2f: {  	lr =	sadd.s32 s0, s3;
	s0 =	sld [smem:$0x3FA7]  }
0x30: {  	s3 =	sld [smem:$0x3FAA]  }
0x31: {  	[smem:$0x3FB3] =	sst s10  }
0x32: {  	s10 =	sld [smem:$0x3FB1];
	_ =	sdelay $0x3  }
0x33: {  	p0 =	seq.s32 s10, $0x1;
	s10 =	sld [smem:$0x3FB3];
	_ =	sdelay $0x3  }
0x34: {  	[smem:$0x3FB3] =	sst s10  }
0x35: {  	s10 =	sld [smem:$0x3FB2];
	_ =	sdelay $0x3  }
0x36: {  	p1 =	seq.s32 s10, $0x1;
	s10 =	sld [smem:$0x3FB3];
	_ =	sdelay $0x3  }
0x37: {  	[smem:$0x3FB3] =	sst s10  }
0x38: {  	s10 =	sld [smem:$0x3FB4]  }
0x39: {  	_ = 	snop;
	(pc) =	sbr.ind lr, $3  }
0x3a: {  	_ = 	snop  }
0x3b: {  	_ = 	snop  }
0x3c: {  	p2 =	seq.s32 s10, $0x1;
	s10 =	sld [smem:$0x3FB3]  }
0x3d: {  	_ =	shalt  }
0x3e: {  	_ =	shalt  }
0x3f: {  	_ =	shalt  }
0x40: {  	_ =	shalt  }
0x41: {  	_ =	shalt  }
0x42: {  	_ =	shalt  }
0x43: {  	_ =	shalt  }
0x44: {  	_ =	shalt  }
0x45: {  	_ =	shalt  }
0x46: {  	_ =	shalt  }
0x47: {  	_ =	shalt  }
0x48: {  	_ =	shalt  }
0x49: {  	_ =	shalt  }
0x4a: {  	_ =	shalt  }
0x4b: {  	_ =	shalt  }
0x4c: {  	_ =	shalt  }
0x4d: {  	_ =	shalt  }
0x4e: {  	_ =	shalt  }
0x4f: {  	_ =	shalt  }
0x50: {  	_ =	shalt  }
0x51: {  	_ =	shalt  }
0x52: {  	_ =	shalt  }
0x53: {  	_ =	shalt  }
0x54: {  	_ =	shalt  }
0x55: {  	_ =	shalt  }
0x56: {  	_ =	shalt  }
0x57: {  	_ =	shalt  }
0x58: {  	_ =	shalt  }
0x59: {  	_ =	shalt  }
0x5a: {  	_ =	shalt  }
0x5b: {  	_ =	shalt  }
0x5c: {  	_ =	shalt  }
0x5d: {  	_ =	shalt  }
0x5e: {  	_ =	shalt  }
0x5f: {  	_ =	shalt  }
0x60: {  	_ =	shalt  }
0x61: {  	_ =	shalt  }
0x62: {  	_ =	shalt  }
0x63: {  	_ =	shalt  }
0x64: {  	_ =	shalt  }
0x65: {  	_ =	shalt  }
0x66: {  	_ =	shalt  }
0x67: {  	_ =	shalt  }
0x68: {  	_ =	shalt  }
0x69: {  	_ =	shalt  }
0x6a: {  	_ =	shalt  }
0x6b: {  	_ =	shalt  }
0x6c: {  	_ =	shalt  }
0x6d: {  	_ =	shalt  }
0x6e: {  	_ =	shalt  }
0x6f: {  	_ =	shalt  }
0x70: {  	_ =	shalt  }
0x71: {  	_ =	shalt  }
0x72: {  	_ =	shalt  }
0x73: {  	_ =	shalt  }
0x74: {  	_ =	shalt  }
0x75: {  	_ =	shalt  }
0x76: {  	_ =	shalt  }
0x77: {  	_ =	shalt  }
0x78: {  	_ =	shalt  }
0x79: {  	_ =	shalt  }
0x7a: {  	_ =	shalt  }
0x7b: {  	_ =	shalt  }
0x7c: {  	_ =	shalt  }
0x7d: {  	_ =	shalt  }
0x7e: {  	_ =	shalt  }
0x7f: {  	_ =	shalt  }
0x80: {  	_ =	shalt  }
0x81: {  	_ =	shalt  }
0x82: {  	_ =	shalt  }
0x83: {  	_ =	shalt  }
0x84: {  	_ =	shalt  }
0x85: {  	_ =	shalt  }
0x86: {  	_ =	shalt  }
0x87: {  	_ =	shalt  }
.Lfunc_end0:
.L_simem_size_0:
called_computation_lowered:
.L_overlay_start_0:
0x88: {  	s2 =	sld [smem:$0x3FD9]  }
0x89: {  	s3 =	sld [smem:$0x3FFE];
	_ =	sdelay $0x1  }
0x8a: {  	s1 =	srdreg.scid  }
0x8b: {  	s0 =	sand.u32 $0x1, s1  }
0x8c: {  	s17 =	sshll.u32 s0, $0xA;
	s2 =	sadd.s32 s3, s2  }
0x8d: {  	s2 =	sadd.s32 s2, s17  }
0x8e: {  	[smem:$0x3FBF] =	sst s2  }
0x8f: {  	_ = 	snop  }
0x90: {  	s2 =	sld [smem:$0x3FC7]  }
0x91: {  	s18 =	sld [smem:$0x3FD0];
	(tm) =	ssettm $0x1  }
0x92: {  	s4 =	sld [smem:$0x3FFB];
	_ =	sdelay $0x3  }
0x93: {  	_ =	strace s4  }
0x94: {  	s4 =	sld [smem:$0x3FFC];
	_ =	sdelay $0x3  }
0x95: {  	_ =	strace s4  }
0x96: {  	s4 =	sld [smem:$0x3FFD];
	_ =	sdelay $0x3  }
0x97: {  	_ =	strace s4  }
0x98: {  	_ =	strace $0x8FFFFFFF  }
0x99: {  	s19 =	sld [smem:$0x3FDB];
	_ =	sdelay $0x1  }
0x9a: {  	s5 =	simm.s32 $_scs_section_size  }
0x9b: {  	s6 =	simm.s32 $_size__tile_overlayer_lowered;
	s7 =	simm.s32 $_tile_overlayer_lowered  }
0x9c: {  	s22 =	simm.s32 $0x1BFF;
	s21 =	sshll.u32 s7, $0x1;
	s4 =	sadd.s32 s5, s19  }
0x9d: {  	s8 =	simm.s32 $0x0;
	s20 =	sshll.u32 s6, $0x1;
	s6 =	sadd.s32 s21, s4  }
0x9e: {  	[timem:s8], [sflag:s22] =	dma.local [hbm:s6], s20  }
0x9f: {  	_ =	swait.ge [sflag:s22], s20  }
0xa0: {  	s5 =	ssub.s32 $0x0, s20;
	[sflag:s22] =	ssyncset.done $0x0  }
0xa1: {  	[sflag:s22] =	ssyncadd.s32 s5;
	_ =	sdelay $0x1  }
0xa2: {  	s23 =	simm.s32 $0x1B8B  }
0xa3: {  	_ =	swait.ge [sflag:s23], $0x1  }
0xa4: {  	[sflag:s23] =	ssyncset.done $0x0  }
0xa5: {  	s25 =	simm.s32 $0x1B8E;
	s24 =	sld [smem:$0x3FFE];
	[sflag:s23] =	ssyncadd.s32 $0xFFFFFFFF  }
0xa6: {  	s26 =	simm.s32 $execute0_lowered;
	[smem:$0x3FD2] =	sst s25  }
0xa7: {  	s6 =	sshll.u32 s26, $0x1;
	_ =	strace $0x80000046;
	[dreg:$0x1] =	wrdreg $0xFFFFFFFF  }
0xa8: {  	s28 =	simm.s32 $_size_execute0_lowered;
	s4 =	sadd.s32 s4, s6;
	[dreg:$0x0] =	wrdreg $0x0  }
0xa9: {  	s6 =	sshll.u32 s28, $0x1;
	[dreg:$0x2] =	wrdreg s4  }
0xaa: {  	[dreg:$0x3] =	wrdreg s6  }
0xab: {  	[dreg:$0x4] =	wrdreg $0xC0  }
0xac: {  	_ =	task [dreg:s8], $0x5FFFF  }
0xad: {  	[dreg:$0x1] =	wrdreg $0xFFFFFFFF  }
0xae: {  	[dreg:$0x0] =	wrdreg $0x60  }
0xaf: {  	[dreg:$0x2] =	wrdreg s24  }
0xb0: {  	[dreg:$0x3] =	wrdreg s2  }
0xb1: {  	[dreg:$0x4] =	wrdreg s18  }
0xb2: {  	[dreg:$0x5] =	wrdreg $0x9  }
0xb3: {  	_ =	task.clear_ibuf [dreg:s8], $0x6FFFF;
	_ =	strace $0x90000046  }
0xb4: {  	s29 =	simm.s32 $0x9;
	_ =	strace $0x80000048  }
0xb5: {  	_ =	swait.ge [sflag:s29], $0x1  }
0xb6: {  	[sflag:s29] =	ssyncadd.s32 $0xFFFFFFFF  }
0xb7: {  	_ =	strace $0x90000048  }
0xb8: {  	_ =	sfence  }
0xb9: {  	s30 =	sld [smem:$0x0];
	_ =	sdelay $0x2  }
0xba: {  	s31 =	sshll.u32 s1, $0xD;
	s1 =	sshrl.u32 s1, $0x2  }
0xbb: {  	s3 =	sand.u32 $0x4000, s31;
	s1 =	sadd.s32 s1, s30  }
0xbc: {  	s0 =	sor.u32 s3, s0;
	s1 =	sshll.u32 s1, $0x11  }
0xbd: {  	s0 =	sor.u32 s1, s0  }
0xbe: {  	s0 =	sadd.s32 $0x8F2B, s0  }
0xbf: {  	[sflag:s0] =	ssyncadd.remote.s32 $0x1  }
0xc0: {  	_ =	sfence.sel $0xFFFF  }
0xc1: {  	[dreg:$0x0] =	wrdreg $0xFFFFFFFF;
	(pc) =	sbr.abs _section_cstart, $3  }
0xc2: {  	[dreg:$0x1] =	wrdreg $0xFFFFFFFF  }
0xc3: {  	_ =	task.clear_ibuf [dreg:s8], $0x2FFFF;
	_ =	strace $0x9FFFFFFF  }
0xc4: {  	(tm) =	ssettm $0x7FFFFFFF  }
0xc5: {  	_ =	shalt  }
tec
execute0_lowered:
.L_overlay_start_1:
0x0: {  	(tag) =	ssettag $0x1  }
0x1: {  	s4 =	rddreg [dreg:$0x0]  }
0x2: {  	s1 =	srdreg.scid;
	s0 =	stileid.u32  }
0x3: {  	s7 =	rddreg [dreg:$0x1];
	s9 =	sand.u32 $0x1, s1;
	s5 =	sshll.u32 s0, $0x1  }
0x4: {  	s2 =	rddreg [dreg:$0x2];
	s8 =	sor.u32 s9, s5  }
0x5: {  	s3 =	simm.s32 $0x0;
	s1 =	rddreg [dreg:$0x3];
	s5 =	sshll.u32 s8, $0xC  }
0x6: {  	s6 =	simm.s32 $0x2;
	[smem:$0x7FF] =	sst s3;
	s4 =	sadd.s32 s5, s4  }
0x7: {  	_ =	strace $0x80000047;
	s5 =	simm.s32 $0x100;
	s4 =	sadd.s32 $0x1400, s4  }
0x8: {  	[tilespmem:s5], [sflag:$0x2] =	stream.linear.gather [hbm4b:s4+s3], $0x8000, $0x38;
	[tilespmem:$0x8100] =	vst v63  }
0x9: {  	_ =	swait.ge [sflag:s6], $0x8000  }
0xa: {  	s8 =	sshll.u32 s8, $0x5;
	[sflag:s6] =	ssyncset.done $0x0  }
0xb: {  	s11 =	ssub.s32 $0x2, s9;
	s7 =	sadd.s32 s7, s8;
	[sflag:s6] =	ssyncadd.s32 $0xFFFF8000  }
0xc: {  	[tilespmem:s3], [sflag:$0x2] =	stream.linear.gather [hbm4b:s7+s3], $0x100, $0x38;
	[tilespmem:$0x8100] =	vst v63  }
0xd: {  	s12 =	sshrl.u32 s11, $0x1;
	_ =	swait.ge [sflag:s6], $0x100  }
0xe: {  	s11 =	ssub.s32 s11, s12;
	[sflag:s6] =	ssyncset.done $0x0  }
0xf: {  	s8 =	simm.s32 $0x80;
	s11 =	smax.u32 s11, $0x1;
	[sflag:s6] =	ssyncadd.s32 $0xFFFFFF00  }
0x10: {  	[hbm4b:s2+s8] =	stream.indirect.scatter [tilespmem:s5], [sflag:$0x1], $0x80, s3, s8, $0xb8;
	[tilespmem:$0x8100] =	vst v63  }
0x11: {  	s10 =	simm.s32 $0x4100;
	s9 =	simm.s32 $0x1;
	p0 =	sne.s32 s11, $0x1  }
0x12: {  	[hbm4b:s2+s8] =	stream.indirect.scatter [tilespmem:s10], [sflag:$0x1], $0x80, s8, s8, $0xb8;
	[tilespmem:$0x8100] =	vst v63  }
.Ltmp0:
0x13: {  	_ =	swait.ge [sflag:s9], $0x4000;
	(pc) =	sbr.rel @!p0 .LBB2_2-.Ltmp0, $4  }
0x14: {  	[sflag:s9] =	ssyncset.done $0x0  }
0x15: {  	[sflag:s9] =	ssyncadd.s32 $0xFFFFC000  }
0x16: {  	_ =	swait.ge [sflag:s9], $0x4000  }
0x17: {  	s11 =	sadd.s32 $0xFFFFFFFF, s11;
	[sflag:s9] =	ssyncset.done $0x0  }
.LBB2_1:
0x18: {  	p0 =	sne.s32 s11, $0x1;
	s11 =	sadd.s32 $0xFFFFFFFF, s11;
	[sflag:s9] =	ssyncadd.s32 $0xFFFFC000  }
0x19: {  	[tilespmem:s5], [sflag:$0x2] =	stream.linear.gather [hbm4b:s4+s3], $0x8000, $0x38;
	[tilespmem:$0x8100] =	vst v63  }
0x1a: {  	_ =	swait.ge [sflag:s6], $0x8000  }
0x1b: {  	[sflag:s6] =	ssyncset.done $0x0  }
0x1c: {  	[sflag:s6] =	ssyncadd.s32 $0xFFFF8000  }
0x1d: {  	[tilespmem:s3], [sflag:$0x2] =	stream.linear.gather [hbm4b:s7+s3], $0x100, $0x38;
	[tilespmem:$0x8100] =	vst v63  }
0x1e: {  	_ =	swait.ge [sflag:s6], $0x100  }
0x1f: {  	[sflag:s6] =	ssyncset.done $0x0  }
0x20: {  	[sflag:s6] =	ssyncadd.s32 $0xFFFFFF00  }
0x21: {  	[hbm4b:s2+s8] =	stream.indirect.scatter [tilespmem:s5], [sflag:$0x1], $0x80, s3, s8, $0xb8;
	[tilespmem:$0x8100] =	vst v63  }
0x22: {  	_ = 	snop  }
0x23: {  	[hbm4b:s2+s8] =	stream.indirect.scatter [tilespmem:s10], [sflag:$0x1], $0x80, s8, s8, $0xb8;
	[tilespmem:$0x8100] =	vst v63  }
.Ltmp1:
0x24: {  	_ =	swait.ge [sflag:s9], $0x4000;
	(pc) =	sbr.rel @p0 .LBB2_1-.Ltmp1, $4  }
0x25: {  	[sflag:s9] =	ssyncset.done $0x0  }
0x26: {  	[sflag:s9] =	ssyncadd.s32 $0xFFFFC000  }
0x27: {  	_ =	swait.ge [sflag:s9], $0x4000  }
0x28: {  	[sflag:s9] =	ssyncset.done $0x0  }
.LBB2_2:
0x29: {  	[sflag:s9] =	ssyncadd.s32 $0xFFFFC000  }
0x2a: {  	_ =	sfence.sel $0x180000  }
0x2b: {  	[bflag:$0x0] =	sbarrier.arrive $0xFFFF  }
0x2c: {  	p0 =	sne.s32 s0, $0x0;
	_ =	strace $0x90000047  }
0x2d: {  	s0 =	sadd.s32 @!p0 $0x100000, s1;
	[bflag:$0x2] =	sbarrier.arrive $0xFFFF  }
0x2e: {  	[sflag:s0] =	ssyncadd.tile.s32 @!p0 $0x1;
	_ =	shalt  }
.Lfunc_end2:
_tile_overlayer_lowered:
.L_overlay_start_2:
0x2f: {  	(tag) =	ssettag $0x2  }
0x30: {  	s0 =	rddreg [dreg:$0x0];
	s2 =	stileid.u32  }
0x31: {  	s1 =	rddreg [dreg:$0x1];
	p0 =	sne.s32 s2, $0x0  }
0x32: {  	s3 =	rddreg [dreg:$0x2];
	[bflag:$0x3] =	sbarrier.arrive $0xFFFF;
	s2 =	simm.s32 @!p0 $0x1C02  }
0x33: {  	[timem:s3], [sflag:s2] =	dma.local @!p0 [hbm:s0], s1  }
0x34: {  	s0 =	simm.s32 @!p0 $0x2  }
0x35: {  	_ =	swait.ge @!p0 [sflag:s0], s1  }
0x36: {  	s1 =	ssub.s32 @!p0 $0x0, s1;
	[sflag:s0] =	ssyncset.done @!p0 $0x0  }
0x37: {  	[sflag:s0] =	ssyncadd.s32 @!p0 s1  }
0x38: {  	[bflag:$0x3] =	sbarrier.arrive $0xFFFF  }
0x39: {  	_ =	shalt  }

</sc_bundles>
